<compile_context>
chip_gen: v7x
topology: tpu7x:2x2x1
jax: 0.10.2.dev20260603
libtpu: 0.0.44.dev20260713+nightly
codegen_flags: <defaults>
</compile_context>

<pallas_src>
import functools
import math

import jax
import jax.numpy as jnp
from jax import lax
from jax.experimental import pallas as pl
from jax.experimental.pallas import tpu as pltpu
from jax.experimental.pallas import tpu_sc as plsc

N = 10000
NE = 10000
NNZ = 320000
D = 128
ALPHA = 0.1
LAMDA = 0.5

NC = 2
NS = 16
NW = NC * NS
NP = 10240
RPT = NP // NS
K = 88
NNZ_PAD = 326656
NCHUNK = NNZ_PAD // K
CPW = NCHUNK // NW
NBUF = 4

_mesh = plsc.VectorSubcoreMesh(core_axis_name="c", subcore_axis_name="s")
_f32 = jnp.float32


def _sc_phase_body(with_count, *refs):
    if with_count:
        src, gidx, sidx, z128, z1, ones1h, out, cnt_out = refs[:8]
        acc, acc1 = refs[8], refs[9]
        rest, ptr = refs, 10
    else:
        src, gidx, sidx, z128, out = refs[:5]
        acc = refs[5]
        rest, ptr = refs, 6
    ig = rest[ptr:ptr + NBUF]; ptr += NBUF
    isc = rest[ptr:ptr + NBUF]; ptr += NBUF
    rows = rest[ptr:ptr + NBUF]; ptr += NBUF
    if with_count:
        ones1 = rest[ptr]; ptr += 1
    sgi = rest[ptr:ptr + NBUF]; ptr += NBUF
    ssi = rest[ptr:ptr + NBUF]; ptr += NBUF
    sr = rest[ptr:ptr + NBUF]; ptr += NBUF
    sw = rest[ptr:ptr + NBUF]; ptr += NBUF
    if with_count:
        sc_ = rest[ptr:ptr + NBUF]
    c = lax.axis_index("c")
    s = lax.axis_index("s")
    wid = s * NC + c
    row0 = s * RPT
    pltpu.async_copy(z128.at[pl.ds(row0, RPT)], acc.at[pl.ds(row0, RPT)], sr[0])
    if with_count:
        pltpu.async_copy(z1.at[pl.ds(row0, RPT)], acc1.at[pl.ds(row0, RPT)],
                         sr[1])
        pltpu.async_copy(ones1h, ones1, sr[2])

    base0 = pl.multiple_of(wid * CPW * K, 8)

    def idx_slice(h, j):
        return h.at[pl.ds(base0 + j * K, K)]

    for b in range(NBUF):
        pltpu.async_copy(idx_slice(gidx, b), ig[b], sgi[b])
        pltpu.async_copy(idx_slice(sidx, b), isc[b], ssi[b])
    pltpu.make_async_copy(z128.at[pl.ds(row0, RPT)], acc.at[pl.ds(row0, RPT)],
                          sr[0]).wait()
    if with_count:
        pltpu.make_async_copy(z1.at[pl.ds(row0, RPT)],
                              acc1.at[pl.ds(row0, RPT)], sr[1]).wait()
        pltpu.make_async_copy(ones1h, ones1, sr[2]).wait()
    plsc.subcore_barrier()
    for b in range(NBUF):
        pltpu.make_async_copy(idx_slice(gidx, b), ig[b], sgi[b]).wait()
        pltpu.async_copy(src.at[ig[b]], rows[b], sr[b])

    def body(t, carry):
        for b in range(NBUF):
            j = t * NBUF + b
            pltpu.make_async_copy(src.at[ig[b]], rows[b], sr[b]).wait()
            pltpu.async_copy(idx_slice(gidx, j + NBUF), ig[b], sgi[b])
            pltpu.make_async_copy(idx_slice(sidx, j), isc[b], ssi[b]).wait()
            pltpu.async_copy(rows[b], acc.at[isc[b]], sw[b], add=True)
            if with_count:
                pltpu.async_copy(ones1, acc1.at[isc[b]], sc_[b], add=True)
            pltpu.make_async_copy(rows[b], acc.at[isc[b]], sw[b]).wait()
            if with_count:
                pltpu.make_async_copy(ones1, acc1.at[isc[b]], sc_[b]).wait()
            pltpu.async_copy(idx_slice(sidx, j + NBUF), isc[b], ssi[b])
            pltpu.make_async_copy(idx_slice(gidx, j + NBUF), ig[b], sgi[b]).wait()
            pltpu.async_copy(src.at[ig[b]], rows[b], sr[b])
        return carry

    lax.fori_loop(0, CPW // NBUF - 1, body, 0)
    for b in range(NBUF):
        j = CPW - NBUF + b
        pltpu.make_async_copy(src.at[ig[b]], rows[b], sr[b]).wait()
        pltpu.make_async_copy(idx_slice(sidx, j), isc[b], ssi[b]).wait()
        pltpu.async_copy(rows[b], acc.at[isc[b]], sw[b], add=True)
        if with_count:
            pltpu.async_copy(ones1, acc1.at[isc[b]], sc_[b], add=True)
    for b in range(NBUF):
        pltpu.make_async_copy(rows[b], acc.at[isc[b]], sw[b]).wait()
        if with_count:
            pltpu.make_async_copy(ones1, acc1.at[isc[b]], sc_[b]).wait()
    plsc.subcore_barrier()
    obase = pl.multiple_of(c * NP + row0, 8)
    pltpu.sync_copy(acc.at[pl.ds(row0, RPT)], out.at[pl.ds(obase, RPT)])
    if with_count:
        pltpu.sync_copy(acc1.at[pl.ds(row0, RPT)], cnt_out.at[pl.ds(obase, RPT)])


def _make_phase(with_count):
    idx_bufs = [pltpu.VMEM((K,), jnp.int32)] * (2 * NBUF)
    row_bufs = [pltpu.VMEM((K, D), _f32)] * NBUF
    if with_count:
        out_type = (jax.ShapeDtypeStruct((2 * NP, D), _f32),
                    jax.ShapeDtypeStruct((2 * NP,), _f32))
        scratch = ([pltpu.VMEM_SHARED((NP, D), _f32),
                    pltpu.VMEM_SHARED((NP,), _f32)]
                   + idx_bufs + row_bufs + [pltpu.VMEM((K,), _f32)]
                   + [pltpu.SemaphoreType.DMA] * (5 * NBUF))
    else:
        out_type = jax.ShapeDtypeStruct((2 * NP, D), _f32)
        scratch = ([pltpu.VMEM_SHARED((NP, D), _f32)]
                   + idx_bufs + row_bufs
                   + [pltpu.SemaphoreType.DMA] * (4 * NBUF))
    return pl.kernel(
        functools.partial(_sc_phase_body, with_count),
        out_type=out_type,
        mesh=_mesh,
        scratch_types=scratch,
    )


_sc_phase_cnt = _make_phase(True)
_sc_phase = _make_phase(False)



BR = 1024
GRID = NP // BR


def _linear_relu_body(x, w, b, o):
    o[...] = jax.nn.relu(
        jnp.dot(x[...], w[...], preferred_element_type=_f32) + b[...])


def _tc_linear_relu(x, wT, b):
    return pl.pallas_call(
        _linear_relu_body,
        grid=(GRID,),
        in_specs=[
            pl.BlockSpec((BR, D), lambda i: (i, 0)),
            pl.BlockSpec((D, D), lambda i: (0, 0)),
            pl.BlockSpec((1, D), lambda i: (0, 0)),
        ],
        out_specs=pl.BlockSpec((BR, D), lambda i: (i, 0)),
        out_shape=jax.ShapeDtypeStruct((NP, D), _f32),
    )(x, wT, b)


def _mean_body(p, cnt, o):
    s = p[0] + p[1]
    c = cnt[0] + cnt[1]
    o[...] = s / jnp.maximum(c, 1.0)


def _tc_mean(parts, cnt_parts):
    return pl.pallas_call(
        _mean_body,
        grid=(GRID,),
        in_specs=[
            pl.BlockSpec((2, BR, D), lambda i: (0, i, 0)),
            pl.BlockSpec((2, BR, 1), lambda i: (0, i, 0)),
        ],
        out_specs=pl.BlockSpec((BR, D), lambda i: (i, 0)),
        out_shape=jax.ShapeDtypeStruct((NP, D), _f32),
    )(parts, cnt_parts)


def _layer_body(beta, p, h0, wT, o):
    xv = p[0] + p[1]
    xi = (1.0 - ALPHA) * xv + ALPHA * h0[...]
    o[...] = jax.nn.relu(
        (1.0 - beta) * xi
        + beta * jnp.dot(xi, wT[...], preferred_element_type=_f32))


def _tc_layer(parts, h0, wT, beta):
    return pl.pallas_call(
        functools.partial(_layer_body, beta),
        grid=(GRID,),
        in_specs=[
            pl.BlockSpec((2, BR, D), lambda i: (0, i, 0)),
            pl.BlockSpec((BR, D), lambda i: (i, 0)),
            pl.BlockSpec((D, D), lambda i: (0, 0)),
        ],
        out_specs=pl.BlockSpec((BR, D), lambda i: (i, 0)),
        out_shape=jax.ShapeDtypeStruct((NP, D), _f32),
    )(parts, h0, wT)


def _layer_final_body(beta, ncls, p, h0, wT, wo, b, o):
    xv = p[0] + p[1]
    xi = (1.0 - ALPHA) * xv + ALPHA * h0[...]
    h = jax.nn.relu(
        (1.0 - beta) * xi
        + beta * jnp.dot(xi, wT[...], preferred_element_type=_f32))
    z = jnp.dot(h, wo[...], preferred_element_type=_f32) + b[...]
    col = lax.broadcasted_iota(jnp.int32, (BR, D), 1)
    valid = col < ncls
    zm = jnp.where(valid, z, -1e30)
    m = jnp.max(zm, axis=1, keepdims=True)
    e = jnp.where(valid, jnp.exp(z - m), 0.0)
    ssum = jnp.sum(e, axis=1, keepdims=True)
    o[...] = z - m - jnp.log(ssum)


def _tc_layer_final(parts, h0, wT, beta, wo, b, ncls):
    return pl.pallas_call(
        functools.partial(_layer_final_body, beta, ncls),
        grid=(GRID,),
        in_specs=[
            pl.BlockSpec((2, BR, D), lambda i: (0, i, 0)),
            pl.BlockSpec((BR, D), lambda i: (i, 0)),
            pl.BlockSpec((D, D), lambda i: (0, 0)),
            pl.BlockSpec((D, D), lambda i: (0, 0)),
            pl.BlockSpec((1, D), lambda i: (0, 0)),
        ],
        out_specs=pl.BlockSpec((BR, D), lambda i: (i, 0)),
        out_shape=jax.ShapeDtypeStruct((NP, D), _f32),
    )(parts, h0, wT, wo, b)


def kernel(x, V, E, W0, b0, Wc0, Wc1, Wout, bout):
    V = V.astype(jnp.int32)
    E = E.astype(jnp.int32)
    ncls = Wout.shape[0]

    xp = jnp.zeros((NP, D), _f32).at[:N].set(x)
    z128 = jnp.zeros((NP, D), _f32)
    z1 = jnp.zeros((NP,), _f32)
    ones1 = jnp.ones((K,), _f32)

    pad = (N + (jnp.arange(NNZ_PAD - NNZ, dtype=jnp.int32) % (NP - N)))
    gp = jnp.concatenate([V, pad])
    sp = jnp.concatenate([E, pad])

    h = _tc_linear_relu(xp, W0.T, b0[None, :])
    h0 = h

    woutT = jnp.zeros((D, D), _f32).at[:, :ncls].set(Wout.T)
    bout_p = jnp.zeros((1, D), _f32).at[0, :ncls].set(bout)

    beta0 = math.log(LAMDA + 1.0)
    beta1 = math.log(LAMDA / 2.0 + 1.0)

    pe, cnt_flat = _sc_phase_cnt(h, gp, sp, z128, z1, ones1)
    cnt_parts = cnt_flat.reshape(2, NP, 1)
    xe = _tc_mean(pe.reshape(2, NP, D), cnt_parts)
    pv = _sc_phase(xe, sp, gp, z128)
    h = _tc_layer(pv.reshape(2, NP, D), h0, Wc0.T, beta0)

    pe = _sc_phase(h, gp, sp, z128)
    xe = _tc_mean(pe.reshape(2, NP, D), cnt_parts)
    pv = _sc_phase(xe, sp, gp, z128)
    out = _tc_layer_final(pv.reshape(2, NP, D), h0, Wc1.T, beta1,
                          woutT, bout_p, ncls)
    return out[:N, :ncls]

# --- scband reference (transcript-rebuilt; emitter-appended) ---
"""Pipeline reference for scband-uni-gcnii-50749333569741 (READ-ONLY COPY).

The authoritative reference and input builder live on the scoring server;
editing this copy changes nothing except your own understanding.
"""

import math
import jax, jax.numpy as jnp
import numpy as np

N = 10000
NE = 10000
NNZ = 320000
NFEAT = 128
NHID = 128  # nhid(64) * nhead(2)
NCLASS = 40
NLAYER = 2
DEGE = 1.0
DEGV = 1.0
ALPHA = 0.1
LAMDA = 0.5


def setup_inputs(seed: int = 0) -> dict:
    key = jax.random.key(seed)
    ks = jax.random.split(key, 10)
    x = jax.random.normal(ks[0], (N, NFEAT), dtype=jnp.float32)
    V = jax.random.randint(ks[1], (NNZ,), 0, N, dtype=jnp.int32).astype(jnp.int64)
    E = jax.random.randint(ks[2], (NNZ,), 0, NE, dtype=jnp.int32).astype(jnp.int64)
    s0 = 1.0 / math.sqrt(NFEAT)
    s1 = 1.0 / math.sqrt(NHID)
    W0 = jax.random.uniform(ks[3], (NHID, NFEAT), minval=-s0, maxval=s0, dtype=jnp.float32)
    b0 = jax.random.uniform(ks[4], (NHID,), minval=-s0, maxval=s0, dtype=jnp.float32)
    Wc0 = jax.random.uniform(ks[5], (NHID, NHID), minval=-s1, maxval=s1, dtype=jnp.float32)
    Wc1 = jax.random.uniform(ks[6], (NHID, NHID), minval=-s1, maxval=s1, dtype=jnp.float32)
    Wout = jax.random.uniform(ks[7], (NCLASS, NHID), minval=-s1, maxval=s1, dtype=jnp.float32)
    bout = jax.random.uniform(ks[8], (NCLASS,), minval=-s1, maxval=s1, dtype=jnp.float32)
    return {"x": x, "V": V, "E": E, "W0": W0, "b0": b0, "Wc0": Wc0, "Wc1": Wc1, "Wout": Wout, "bout": bout}


def _conv(h, h0, V, E, Wc, beta):
    Xve = h[V]  # gather node feats per incidence
    sums = jax.ops.segment_sum(Xve, E, num_segments=NE)
    cnt = jax.ops.segment_sum(jnp.ones((E.shape[0], 1), dtype=h.dtype), E, num_segments=NE)
    Xe = sums / jnp.clip(cnt, 1.0)  # first_aggregate='mean'
    Xe = Xe * DEGE
    Xev = Xe[E]  # gather hyperedge feats back to incidences
    Xv = jax.ops.segment_sum(Xev, V, num_segments=N)
    Xv = Xv * DEGV
    Xi = (1.0 - ALPHA) * Xv + ALPHA * h0
    return (1.0 - beta) * Xi + beta * (Xi @ Wc.T)


def reference(x, V, E, W0, b0, Wc0, Wc1, Wout, bout):
    # dropout p=0 -> identity; use_norm=False
    h = jax.nn.relu(x @ W0.T + b0)
    h0 = h
    for i, Wc in enumerate([Wc0, Wc1]):
        beta = math.log(LAMDA / (i + 1) + 1.0)
        h = jax.nn.relu(_conv(h, h0, V, E, Wc, beta))
    out = h @ Wout.T + bout
    return jax.nn.log_softmax(out, axis=1)

if __name__ == "__main__":
    import jax
    _d = setup_inputs()
    print(jax.jit(kernel)(*tuple(_d.values())))

</pallas_src>

<mosaic_0001>
#map = affine_map<(d0, d1) -> (0, 0)>
#map1 = affine_map<(d0, d1) -> (0)>
module attributes {stable_mosaic.version = 14 : i64} {
  func.func @_sc_phase_body(%arg0: i32, %arg1: i32, %arg2: memref<10240x128xf32, #tpu.memory_space<hbm>>, %arg3: memref<326656xi32, #tpu.memory_space<hbm>>, %arg4: memref<326656xi32, #tpu.memory_space<hbm>>, %arg5: memref<10240x128xf32, #tpu.memory_space<hbm>>, %arg6: memref<20480x128xf32, #tpu.memory_space<hbm>>, %arg7: memref<10240x128xf32, #tpu.memory_space<vmem_shared>>, %arg8: memref<88xi32, #tpu.memory_space<vmem>>, %arg9: memref<88xi32, #tpu.memory_space<vmem>>, %arg10: memref<88xi32, #tpu.memory_space<vmem>>, %arg11: memref<88xi32, #tpu.memory_space<vmem>>, %arg12: memref<88xi32, #tpu.memory_space<vmem>>, %arg13: memref<88xi32, #tpu.memory_space<vmem>>, %arg14: memref<88xi32, #tpu.memory_space<vmem>>, %arg15: memref<88xi32, #tpu.memory_space<vmem>>, %arg16: memref<88x128xf32, #tpu.memory_space<vmem>>, %arg17: memref<88x128xf32, #tpu.memory_space<vmem>>, %arg18: memref<88x128xf32, #tpu.memory_space<vmem>>, %arg19: memref<88x128xf32, #tpu.memory_space<vmem>>, %arg20: memref<!tpu.dma_semaphore, #tpu.memory_space<semaphore_mem>>, %arg21: memref<!tpu.dma_semaphore, #tpu.memory_space<semaphore_mem>>, %arg22: memref<!tpu.dma_semaphore, #tpu.memory_space<semaphore_mem>>, %arg23: memref<!tpu.dma_semaphore, #tpu.memory_space<semaphore_mem>>, %arg24: memref<!tpu.dma_semaphore, #tpu.memory_space<semaphore_mem>>, %arg25: memref<!tpu.dma_semaphore, #tpu.memory_space<semaphore_mem>>, %arg26: memref<!tpu.dma_semaphore, #tpu.memory_space<semaphore_mem>>, %arg27: memref<!tpu.dma_semaphore, #tpu.memory_space<semaphore_mem>>, %arg28: memref<!tpu.dma_semaphore, #tpu.memory_space<semaphore_mem>>, %arg29: memref<!tpu.dma_semaphore, #tpu.memory_space<semaphore_mem>>, %arg30: memref<!tpu.dma_semaphore, #tpu.memory_space<semaphore_mem>>, %arg31: memref<!tpu.dma_semaphore, #tpu.memory_space<semaphore_mem>>, %arg32: memref<!tpu.dma_semaphore, #tpu.memory_space<semaphore_mem>>, %arg33: memref<!tpu.dma_semaphore, #tpu.memory_space<semaphore_mem>>, %arg34: memref<!tpu.dma_semaphore, #tpu.memory_space<semaphore_mem>>, %arg35: memref<!tpu.dma_semaphore, #tpu.memory_space<semaphore_mem>>) attributes {dimension_semantics = [#tpu.dimension_semantics<core_parallel>, #tpu.dimension_semantics<subcore_parallel>], iteration_bounds = array<i64: 2, 16>, scalar_prefetch = 0 : i64, scratch_operands = 29 : i64, tpu.core_type = #tpu.core_type<sc_vector_subcore>, window_params = [{transform_indices = #map}, {transform_indices = #map1}, {transform_indices = #map1}, {transform_indices = #map}, {transform_indices = #map}]} {
    %mul3A = arith.constant 2 : i32
    %mul3A_0 = arith.muli %arg1, %mul3A : i32
    %add3A = arith.addi %mul3A_0, %arg0 : i32
    %mul3A_1 = arith.constant 640 : i32
    %mul3A_2 = arith.muli %arg1, %mul3A_1 : i32
    %dma_start3A = arith.constant 0 : i32
    %dma_start3A_3 = tpu.memref_slice %arg7[%mul3A_2, %dma_start3A] : memref<10240x128xf32, #tpu.memory_space<vmem_shared>> -> memref<640x128xf32, #tpu.memory_space<vmem_shared>>
    %dma_start3A_4 = arith.constant 0 : i32
    %dma_start3A_5 = tpu.memref_slice %arg5[%mul3A_2, %dma_start3A_4] : memref<10240x128xf32, #tpu.memory_space<hbm>> -> memref<640x128xf32, #tpu.memory_space<hbm>>
    tpu.enqueue_dma source(%dma_start3A_5 : memref<640x128xf32, #tpu.memory_space<hbm>>) target(%dma_start3A_3 : memref<640x128xf32, #tpu.memory_space<vmem_shared>>) target_semaphore(%arg28 : memref<!tpu.dma_semaphore, #tpu.memory_space<semaphore_mem>>)
    %mul3A_6 = arith.constant 116 : i32
    %mul3A_7 = arith.muli %add3A, %mul3A_6 : i32
    %mul3A_8 = arith.constant 88 : i32
    %mul3A_9 = arith.muli %mul3A_7, %mul3A_8 : i32
    %multiple_of3A = tpu.assume_multiple %mul3A_9, 8 : i32
    %add3A_10 = arith.constant 0 : i32
    %add3A_11 = arith.addi %multiple_of3A, %add3A_10 : i32
    %dma_start3A_12 = tpu.memref_slice %arg3[%add3A_11] : memref<326656xi32, #tpu.memory_space<hbm>> -> memref<88xi32, #tpu.memory_space<hbm>>
    %dma_start3A_13 = tpu.memref_slice %arg3[%add3A_11] : memref<326656xi32, #tpu.memory_space<hbm>> -> memref<88xi32, #tpu.memory_space<hbm>>
    tpu.enqueue_dma source(%dma_start3A_13 : memref<88xi32, #tpu.memory_space<hbm>>) target(%arg8 : memref<88xi32, #tpu.memory_space<vmem>>) target_semaphore(%arg20 : memref<!tpu.dma_semaphore, #tpu.memory_space<semaphore_mem>>)
    %add3A_14 = arith.constant 0 : i32
    %add3A_15 = arith.addi %multiple_of3A, %add3A_14 : i32
    %dma_start3A_16 = tpu.memref_slice %arg4[%add3A_15] : memref<326656xi32, #tpu.memory_space<hbm>> -> memref<88xi32, #tpu.memory_space<hbm>>
    %dma_start3A_17 = tpu.memref_slice %arg4[%add3A_15] : memref<326656xi32, #tpu.memory_space<hbm>> -> memref<88xi32, #tpu.memory_space<hbm>>
    tpu.enqueue_dma source(%dma_start3A_17 : memref<88xi32, #tpu.memory_space<hbm>>) target(%arg12 : memref<88xi32, #tpu.memory_space<vmem>>) target_semaphore(%arg24 : memref<!tpu.dma_semaphore, #tpu.memory_space<semaphore_mem>>)
    %add3A_18 = arith.constant 88 : i32
    %add3A_19 = arith.addi %multiple_of3A, %add3A_18 : i32
    %dma_start3A_20 = tpu.memref_slice %arg3[%add3A_19] : memref<326656xi32, #tpu.memory_space<hbm>> -> memref<88xi32, #tpu.memory_space<hbm>>
    %dma_start3A_21 = tpu.memref_slice %arg3[%add3A_19] : memref<326656xi32, #tpu.memory_space<hbm>> -> memref<88xi32, #tpu.memory_space<hbm>>
    tpu.enqueue_dma source(%dma_start3A_21 : memref<88xi32, #tpu.memory_space<hbm>>) target(%arg9 : memref<88xi32, #tpu.memory_space<vmem>>) target_semaphore(%arg21 : memref<!tpu.dma_semaphore, #tpu.memory_space<semaphore_mem>>)
    %add3A_22 = arith.constant 88 : i32
    %add3A_23 = arith.addi %multiple_of3A, %add3A_22 : i32
    %dma_start3A_24 = tpu.memref_slice %arg4[%add3A_23] : memref<326656xi32, #tpu.memory_space<hbm>> -> memref<88xi32, #tpu.memory_space<hbm>>
    %dma_start3A_25 = tpu.memref_slice %arg4[%add3A_23] : memref<326656xi32, #tpu.memory_space<hbm>> -> memref<88xi32, #tpu.memory_space<hbm>>
    tpu.enqueue_dma source(%dma_start3A_25 : memref<88xi32, #tpu.memory_space<hbm>>) target(%arg13 : memref<88xi32, #tpu.memory_space<vmem>>) target_semaphore(%arg25 : memref<!tpu.dma_semaphore, #tpu.memory_space<semaphore_mem>>)
    %add3A_26 = arith.constant 176 : i32
    %add3A_27 = arith.addi %multiple_of3A, %add3A_26 : i32
    %dma_start3A_28 = tpu.memref_slice %arg3[%add3A_27] : memref<326656xi32, #tpu.memory_space<hbm>> -> memref<88xi32, #tpu.memory_space<hbm>>
    %dma_start3A_29 = tpu.memref_slice %arg3[%add3A_27] : memref<326656xi32, #tpu.memory_space<hbm>> -> memref<88xi32, #tpu.memory_space<hbm>>
    tpu.enqueue_dma source(%dma_start3A_29 : memref<88xi32, #tpu.memory_space<hbm>>) target(%arg10 : memref<88xi32, #tpu.memory_space<vmem>>) target_semaphore(%arg22 : memref<!tpu.dma_semaphore, #tpu.memory_space<semaphore_mem>>)
    %add3A_30 = arith.constant 176 : i32
    %add3A_31 = arith.addi %multiple_of3A, %add3A_30 : i32
    %dma_start3A_32 = tpu.memref_slice %arg4[%add3A_31] : memref<326656xi32, #tpu.memory_space<hbm>> -> memref<88xi32, #tpu.memory_space<hbm>>
    %dma_start3A_33 = tpu.memref_slice %arg4[%add3A_31] : memref<326656xi32, #tpu.memory_space<hbm>> -> memref<88xi32, #tpu.memory_space<hbm>>
    tpu.enqueue_dma source(%dma_start3A_33 : memref<88xi32, #tpu.memory_space<hbm>>) target(%arg14 : memref<88xi32, #tpu.memory_space<vmem>>) target_semaphore(%arg26 : memref<!tpu.dma_semaphore, #tpu.memory_space<semaphore_mem>>)
    %add3A_34 = arith.constant 264 : i32
    %add3A_35 = arith.addi %multiple_of3A, %add3A_34 : i32
    %dma_start3A_36 = tpu.memref_slice %arg3[%add3A_35] : memref<326656xi32, #tpu.memory_space<hbm>> -> memref<88xi32, #tpu.memory_space<hbm>>
    %dma_start3A_37 = tpu.memref_slice %arg3[%add3A_35] : memref<326656xi32, #tpu.memory_space<hbm>> -> memref<88xi32, #tpu.memory_space<hbm>>
    tpu.enqueue_dma source(%dma_start3A_37 : memref<88xi32, #tpu.memory_space<hbm>>) target(%arg11 : memref<88xi32, #tpu.memory_space<vmem>>) target_semaphore(%arg23 : memref<!tpu.dma_semaphore, #tpu.memory_space<semaphore_mem>>)
    %add3A_38 = arith.constant 264 : i32
    %add3A_39 = arith.addi %multiple_of3A, %add3A_38 : i32
    %dma_start3A_40 = tpu.memref_slice %arg4[%add3A_39] : memref<326656xi32, #tpu.memory_space<hbm>> -> memref<88xi32, #tpu.memory_space<hbm>>
    %dma_start3A_41 = tpu.memref_slice %arg4[%add3A_39] : memref<326656xi32, #tpu.memory_space<hbm>> -> memref<88xi32, #tpu.memory_space<hbm>>
    tpu.enqueue_dma source(%dma_start3A_41 : memref<88xi32, #tpu.memory_space<hbm>>) target(%arg15 : memref<88xi32, #tpu.memory_space<vmem>>) target_semaphore(%arg27 : memref<!tpu.dma_semaphore, #tpu.memory_space<semaphore_mem>>)
    %dma_wait3A = arith.constant 0 : i32
    %dma_wait3A_42 = tpu.memref_slice %arg7[%mul3A_2, %dma_wait3A] : memref<10240x128xf32, #tpu.memory_space<vmem_shared>> -> memref<640x128xf32, #tpu.memory_space<vmem_shared>>
    %dma_wait3A_43 = arith.constant 0 : i32
    %dma_wait3A_44 = tpu.memref_slice %arg5[%mul3A_2, %dma_wait3A_43] : memref<10240x128xf32, #tpu.memory_space<hbm>> -> memref<640x128xf32, #tpu.memory_space<hbm>>
    tpu.wait_dma2 semaphore(%arg28 : memref<!tpu.dma_semaphore, #tpu.memory_space<semaphore_mem>>) src(%dma_wait3A_44 : memref<640x128xf32, #tpu.memory_space<hbm>>) dst(%dma_wait3A_42 : memref<640x128xf32, #tpu.memory_space<vmem_shared>>)
    %barrier3A = arith.constant 0 : index
    tpu.barrier barrier_id(%barrier3A)
    %add3A_45 = arith.constant 0 : i32
    %add3A_46 = arith.addi %multiple_of3A, %add3A_45 : i32
    %dma_wait3A_47 = tpu.memref_slice %arg3[%add3A_46] : memref<326656xi32, #tpu.memory_space<hbm>> -> memref<88xi32, #tpu.memory_space<hbm>>
    %dma_wait3A_48 = tpu.memref_slice %arg3[%add3A_46] : memref<326656xi32, #tpu.memory_space<hbm>> -> memref<88xi32, #tpu.memory_space<hbm>>
    tpu.wait_dma2 semaphore(%arg20 : memref<!tpu.dma_semaphore, #tpu.memory_space<semaphore_mem>>) src(%dma_wait3A_48 : memref<88xi32, #tpu.memory_space<hbm>>) dst(%arg8 : memref<88xi32, #tpu.memory_space<vmem>>)
    %dma_start3A_49 = arith.constant 0 : i32
    %dma_start3A_50 = arith.constant 0 : i32
    %dma_start3A_51 = tpu.memref_slice %arg2[%dma_start3A_49, %dma_start3A_50] : memref<10240x128xf32, #tpu.memory_space<hbm>> -> memref<10240x128xf32, #tpu.memory_space<hbm>>
    tpu.enqueue_indirect_dma source(%dma_start3A_51 : memref<10240x128xf32, #tpu.memory_space<hbm>>) target(%arg16 : memref<88x128xf32, #tpu.memory_space<vmem>>) offsets(%arg8 : memref<88xi32, #tpu.memory_space<vmem>>) semaphore(%arg28 : memref<!tpu.dma_semaphore, #tpu.memory_space<semaphore_mem>>)
    %add3A_52 = arith.constant 88 : i32
    %add3A_53 = arith.addi %multiple_of3A, %add3A_52 : i32
    %dma_wait3A_54 = tpu.memref_slice %arg3[%add3A_53] : memref<326656xi32, #tpu.memory_space<hbm>> -> memref<88xi32, #tpu.memory_space<hbm>>
    %dma_wait3A_55 = tpu.memref_slice %arg3[%add3A_53] : memref<326656xi32, #tpu.memory_space<hbm>> -> memref<88xi32, #tpu.memory_space<hbm>>
    tpu.wait_dma2 semaphore(%arg21 : memref<!tpu.dma_semaphore, #tpu.memory_space<semaphore_mem>>) src(%dma_wait3A_55 : memref<88xi32, #tpu.memory_space<hbm>>) dst(%arg9 : memref<88xi32, #tpu.memory_space<vmem>>)
    %dma_start3A_56 = arith.constant 0 : i32
    %dma_start3A_57 = arith.constant 0 : i32
    %dma_start3A_58 = tpu.memref_slice %arg2[%dma_start3A_56, %dma_start3A_57] : memref<10240x128xf32, #tpu.memory_space<hbm>> -> memref<10240x128xf32, #tpu.memory_space<hbm>>
    tpu.enqueue_indirect_dma source(%dma_start3A_58 : memref<10240x128xf32, #tpu.memory_space<hbm>>) target(%arg17 : memref<88x128xf32, #tpu.memory_space<vmem>>) offsets(%arg9 : memref<88xi32, #tpu.memory_space<vmem>>) semaphore(%arg29 : memref<!tpu.dma_semaphore, #tpu.memory_space<semaphore_mem>>)
    %add3A_59 = arith.constant 176 : i32
    %add3A_60 = arith.addi %multiple_of3A, %add3A_59 : i32
    %dma_wait3A_61 = tpu.memref_slice %arg3[%add3A_60] : memref<326656xi32, #tpu.memory_space<hbm>> -> memref<88xi32, #tpu.memory_space<hbm>>
    %dma_wait3A_62 = tpu.memref_slice %arg3[%add3A_60] : memref<326656xi32, #tpu.memory_space<hbm>> -> memref<88xi32, #tpu.memory_space<hbm>>
    tpu.wait_dma2 semaphore(%arg22 : memref<!tpu.dma_semaphore, #tpu.memory_space<semaphore_mem>>) src(%dma_wait3A_62 : memref<88xi32, #tpu.memory_space<hbm>>) dst(%arg10 : memref<88xi32, #tpu.memory_space<vmem>>)
    %dma_start3A_63 = arith.constant 0 : i32
    %dma_start3A_64 = arith.constant 0 : i32
    %dma_start3A_65 = tpu.memref_slice %arg2[%dma_start3A_63, %dma_start3A_64] : memref<10240x128xf32, #tpu.memory_space<hbm>> -> memref<10240x128xf32, #tpu.memory_space<hbm>>
    tpu.enqueue_indirect_dma source(%dma_start3A_65 : memref<10240x128xf32, #tpu.memory_space<hbm>>) target(%arg18 : memref<88x128xf32, #tpu.memory_space<vmem>>) offsets(%arg10 : memref<88xi32, #tpu.memory_space<vmem>>) semaphore(%arg30 : memref<!tpu.dma_semaphore, #tpu.memory_space<semaphore_mem>>)
    %add3A_66 = arith.constant 264 : i32
    %add3A_67 = arith.addi %multiple_of3A, %add3A_66 : i32
    %dma_wait3A_68 = tpu.memref_slice %arg3[%add3A_67] : memref<326656xi32, #tpu.memory_space<hbm>> -> memref<88xi32, #tpu.memory_space<hbm>>
    %dma_wait3A_69 = tpu.memref_slice %arg3[%add3A_67] : memref<326656xi32, #tpu.memory_space<hbm>> -> memref<88xi32, #tpu.memory_space<hbm>>
    tpu.wait_dma2 semaphore(%arg23 : memref<!tpu.dma_semaphore, #tpu.memory_space<semaphore_mem>>) src(%dma_wait3A_69 : memref<88xi32, #tpu.memory_space<hbm>>) dst(%arg11 : memref<88xi32, #tpu.memory_space<vmem>>)
    %dma_start3A_70 = arith.constant 0 : i32
    %dma_start3A_71 = arith.constant 0 : i32
    %dma_start3A_72 = tpu.memref_slice %arg2[%dma_start3A_70, %dma_start3A_71] : memref<10240x128xf32, #tpu.memory_space<hbm>> -> memref<10240x128xf32, #tpu.memory_space<hbm>>
    tpu.enqueue_indirect_dma source(%dma_start3A_72 : memref<10240x128xf32, #tpu.memory_space<hbm>>) target(%arg19 : memref<88x128xf32, #tpu.memory_space<vmem>>) offsets(%arg11 : memref<88xi32, #tpu.memory_space<vmem>>) semaphore(%arg31 : memref<!tpu.dma_semaphore, #tpu.memory_space<semaphore_mem>>)
    %scan3A = arith.constant 0 : i32
    %scan3A_73 = arith.constant 0 : i32
    %scan3A_74 = arith.constant 28 : i32
    %scan3A_75 = arith.addi %scan3A_73, %scan3A_74 : i32
    %scan3A_76 = arith.constant 1 : i32
    scf.for %scan3A_135 = %scan3A_73 to %scan3A_75 step %scan3A_76  : i32 {
      %mul3A_136 = arith.constant 4 : i32
      %mul3A_137 = arith.muli %scan3A_135, %mul3A_136 : i32
      %add3A_138 = arith.constant 0 : i32
      %add3A_139 = arith.addi %mul3A_137, %add3A_138 : i32
      %dma_wait3A_140 = arith.constant 0 : i32
      %dma_wait3A_141 = arith.constant 0 : i32
      %dma_wait3A_142 = tpu.memref_slice %arg2[%dma_wait3A_140, %dma_wait3A_141] : memref<10240x128xf32, #tpu.memory_space<hbm>> -> memref<10240x128xf32, #tpu.memory_space<hbm>>
      tpu.wait_indirect_dma semaphore(%arg28 : memref<!tpu.dma_semaphore, #tpu.memory_space<semaphore_mem>>) src(%dma_wait3A_142 : memref<10240x128xf32, #tpu.memory_space<hbm>>) dst(%arg16 : memref<88x128xf32, #tpu.memory_space<vmem>>)
      %add3A_143 = arith.constant 4 : i32
      %add3A_144 = arith.addi %add3A_139, %add3A_143 : i32
      %mul3A_145 = arith.constant 88 : i32
      %mul3A_146 = arith.muli %add3A_144, %mul3A_145 : i32
      %add3A_147 = arith.addi %multiple_of3A, %mul3A_146 : i32
      %dma_start3A_148 = tpu.memref_slice %arg3[%add3A_147] : memref<326656xi32, #tpu.memory_space<hbm>> -> memref<88xi32, #tpu.memory_space<hbm>>
      %dma_start3A_149 = tpu.memref_slice %arg3[%add3A_147] : memref<326656xi32, #tpu.memory_space<hbm>> -> memref<88xi32, #tpu.memory_space<hbm>>
      tpu.enqueue_dma source(%dma_start3A_149 : memref<88xi32, #tpu.memory_space<hbm>>) target(%arg8 : memref<88xi32, #tpu.memory_space<vmem>>) target_semaphore(%arg20 : memref<!tpu.dma_semaphore, #tpu.memory_space<semaphore_mem>>)
      %mul3A_150 = arith.constant 88 : i32
      %mul3A_151 = arith.muli %add3A_139, %mul3A_150 : i32
      %add3A_152 = arith.addi %multiple_of3A, %mul3A_151 : i32
      %dma_wait3A_153 = tpu.memref_slice %arg4[%add3A_152] : memref<326656xi32, #tpu.memory_space<hbm>> -> memref<88xi32, #tpu.memory_space<hbm>>
      %dma_wait3A_154 = tpu.memref_slice %arg4[%add3A_152] : memref<326656xi32, #tpu.memory_space<hbm>> -> memref<88xi32, #tpu.memory_space<hbm>>
      tpu.wait_dma2 semaphore(%arg24 : memref<!tpu.dma_semaphore, #tpu.memory_space<semaphore_mem>>) src(%dma_wait3A_154 : memref<88xi32, #tpu.memory_space<hbm>>) dst(%arg12 : memref<88xi32, #tpu.memory_space<vmem>>)
      %dma_start3A_155 = arith.constant 0 : i32
      %dma_start3A_156 = arith.constant 0 : i32
      %dma_start3A_157 = tpu.memref_slice %arg7[%dma_start3A_155, %dma_start3A_156] : memref<10240x128xf32, #tpu.memory_space<vmem_shared>> -> memref<10240x128xf32, #tpu.memory_space<vmem_shared>>
      tpu.enqueue_indirect_dma source(%arg16 : memref<88x128xf32, #tpu.memory_space<vmem>>) target(%dma_start3A_157 : memref<10240x128xf32, #tpu.memory_space<vmem_shared>>) offsets(%arg12 : memref<88xi32, #tpu.memory_space<vmem>>) semaphore(%arg32 : memref<!tpu.dma_semaphore, #tpu.memory_space<semaphore_mem>>) {add = true}
      %dma_wait3A_158 = arith.constant 0 : i32
      %dma_wait3A_159 = arith.constant 0 : i32
      %dma_wait3A_160 = tpu.memref_slice %arg7[%dma_wait3A_158, %dma_wait3A_159] : memref<10240x128xf32, #tpu.memory_space<vmem_shared>> -> memref<10240x128xf32, #tpu.memory_space<vmem_shared>>
      tpu.wait_indirect_dma semaphore(%arg32 : memref<!tpu.dma_semaphore, #tpu.memory_space<semaphore_mem>>) src(%arg16 : memref<88x128xf32, #tpu.memory_space<vmem>>) dst(%dma_wait3A_160 : memref<10240x128xf32, #tpu.memory_space<vmem_shared>>)
      %add3A_161 = arith.constant 4 : i32
      %add3A_162 = arith.addi %add3A_139, %add3A_161 : i32
      %mul3A_163 = arith.constant 88 : i32
      %mul3A_164 = arith.muli %add3A_162, %mul3A_163 : i32
      %add3A_165 = arith.addi %multiple_of3A, %mul3A_164 : i32
      %dma_start3A_166 = tpu.memref_slice %arg4[%add3A_165] : memref<326656xi32, #tpu.memory_space<hbm>> -> memref<88xi32, #tpu.memory_space<hbm>>
      %dma_start3A_167 = tpu.memref_slice %arg4[%add3A_165] : memref<326656xi32, #tpu.memory_space<hbm>> -> memref<88xi32, #tpu.memory_space<hbm>>
      tpu.enqueue_dma source(%dma_start3A_167 : memref<88xi32, #tpu.memory_space<hbm>>) target(%arg12 : memref<88xi32, #tpu.memory_space<vmem>>) target_semaphore(%arg24 : memref<!tpu.dma_semaphore, #tpu.memory_space<semaphore_mem>>)
      %add3A_168 = arith.constant 4 : i32
      %add3A_169 = arith.addi %add3A_139, %add3A_168 : i32
      %mul3A_170 = arith.constant 88 : i32
      %mul3A_171 = arith.muli %add3A_169, %mul3A_170 : i32
      %add3A_172 = arith.addi %multiple_of3A, %mul3A_171 : i32
      %dma_wait3A_173 = tpu.memref_slice %arg3[%add3A_172] : memref<326656xi32, #tpu.memory_space<hbm>> -> memref<88xi32, #tpu.memory_space<hbm>>
      %dma_wait3A_174 = tpu.memref_slice %arg3[%add3A_172] : memref<326656xi32, #tpu.memory_space<hbm>> -> memref<88xi32, #tpu.memory_space<hbm>>
      tpu.wait_dma2 semaphore(%arg20 : memref<!tpu.dma_semaphore, #tpu.memory_space<semaphore_mem>>) src(%dma_wait3A_174 : memref<88xi32, #tpu.memory_space<hbm>>) dst(%arg8 : memref<88xi32, #tpu.memory_space<vmem>>)
      %dma_start3A_175 = arith.constant 0 : i32
      %dma_start3A_176 = arith.constant 0 : i32
      %dma_start3A_177 = tpu.memref_slice %arg2[%dma_start3A_175, %dma_start3A_176] : memref<10240x128xf32, #tpu.memory_space<hbm>> -> memref<10240x128xf32, #tpu.memory_space<hbm>>
      tpu.enqueue_indirect_dma source(%dma_start3A_177 : memref<10240x128xf32, #tpu.memory_space<hbm>>) target(%arg16 : memref<88x128xf32, #tpu.memory_space<vmem>>) offsets(%arg8 : memref<88xi32, #tpu.memory_space<vmem>>) semaphore(%arg28 : memref<!tpu.dma_semaphore, #tpu.memory_space<semaphore_mem>>)
      %mul3A_178 = arith.constant 4 : i32
      %mul3A_179 = arith.muli %scan3A_135, %mul3A_178 : i32
      %add3A_180 = arith.constant 1 : i32
      %add3A_181 = arith.addi %mul3A_179, %add3A_180 : i32
      %dma_wait3A_182 = arith.constant 0 : i32
      %dma_wait3A_183 = arith.constant 0 : i32
      %dma_wait3A_184 = tpu.memref_slice %arg2[%dma_wait3A_182, %dma_wait3A_183] : memref<10240x128xf32, #tpu.memory_space<hbm>> -> memref<10240x128xf32, #tpu.memory_space<hbm>>
      tpu.wait_indirect_dma semaphore(%arg29 : memref<!tpu.dma_semaphore, #tpu.memory_space<semaphore_mem>>) src(%dma_wait3A_184 : memref<10240x128xf32, #tpu.memory_space<hbm>>) dst(%arg17 : memref<88x128xf32, #tpu.memory_space<vmem>>)
      %add3A_185 = arith.constant 4 : i32
      %add3A_186 = arith.addi %add3A_181, %add3A_185 : i32
      %mul3A_187 = arith.constant 88 : i32
      %mul3A_188 = arith.muli %add3A_186, %mul3A_187 : i32
      %add3A_189 = arith.addi %multiple_of3A, %mul3A_188 : i32
      %dma_start3A_190 = tpu.memref_slice %arg3[%add3A_189] : memref<326656xi32, #tpu.memory_space<hbm>> -> memref<88xi32, #tpu.memory_space<hbm>>
      %dma_start3A_191 = tpu.memref_slice %arg3[%add3A_189] : memref<326656xi32, #tpu.memory_space<hbm>> -> memref<88xi32, #tpu.memory_space<hbm>>
      tpu.enqueue_dma source(%dma_start3A_191 : memref<88xi32, #tpu.memory_space<hbm>>) target(%arg9 : memref<88xi32, #tpu.memory_space<vmem>>) target_semaphore(%arg21 : memref<!tpu.dma_semaphore, #tpu.memory_space<semaphore_mem>>)
      %mul3A_192 = arith.constant 88 : i32
      %mul3A_193 = arith.muli %add3A_181, %mul3A_192 : i32
      %add3A_194 = arith.addi %multiple_of3A, %mul3A_193 : i32
      %dma_wait3A_195 = tpu.memref_slice %arg4[%add3A_194] : memref<326656xi32, #tpu.memory_space<hbm>> -> memref<88xi32, #tpu.memory_space<hbm>>
      %dma_wait3A_196 = tpu.memref_slice %arg4[%add3A_194] : memref<326656xi32, #tpu.memory_space<hbm>> -> memref<88xi32, #tpu.memory_space<hbm>>
      tpu.wait_dma2 semaphore(%arg25 : memref<!tpu.dma_semaphore, #tpu.memory_space<semaphore_mem>>) src(%dma_wait3A_196 : memref<88xi32, #tpu.memory_space<hbm>>) dst(%arg13 : memref<88xi32, #tpu.memory_space<vmem>>)
      %dma_start3A_197 = arith.constant 0 : i32
      %dma_start3A_198 = arith.constant 0 : i32
      %dma_start3A_199 = tpu.memref_slice %arg7[%dma_start3A_197, %dma_start3A_198] : memref<10240x128xf32, #tpu.memory_space<vmem_shared>> -> memref<10240x128xf32, #tpu.memory_space<vmem_shared>>
      tpu.enqueue_indirect_dma source(%arg17 : memref<88x128xf32, #tpu.memory_space<vmem>>) target(%dma_start3A_199 : memref<10240x128xf32, #tpu.memory_space<vmem_shared>>) offsets(%arg13 : memref<88xi32, #tpu.memory_space<vmem>>) semaphore(%arg33 : memref<!tpu.dma_semaphore, #tpu.memory_space<semaphore_mem>>) {add = true}
      %dma_wait3A_200 = arith.constant 0 : i32
      %dma_wait3A_201 = arith.constant 0 : i32
      %dma_wait3A_202 = tpu.memref_slice %arg7[%dma_wait3A_200, %dma_wait3A_201] : memref<10240x128xf32, #tpu.memory_space<vmem_shared>> -> memref<10240x128xf32, #tpu.memory_space<vmem_shared>>
      tpu.wait_indirect_dma semaphore(%arg33 : memref<!tpu.dma_semaphore, #tpu.memory_space<semaphore_mem>>) src(%arg17 : memref<88x128xf32, #tpu.memory_space<vmem>>) dst(%dma_wait3A_202 : memref<10240x128xf32, #tpu.memory_space<vmem_shared>>)
      %add3A_203 = arith.constant 4 : i32
      %add3A_204 = arith.addi %add3A_181, %add3A_203 : i32
      %mul3A_205 = arith.constant 88 : i32
      %mul3A_206 = arith.muli %add3A_204, %mul3A_205 : i32
      %add3A_207 = arith.addi %multiple_of3A, %mul3A_206 : i32
      %dma_start3A_208 = tpu.memref_slice %arg4[%add3A_207] : memref<326656xi32, #tpu.memory_space<hbm>> -> memref<88xi32, #tpu.memory_space<hbm>>
      %dma_start3A_209 = tpu.memref_slice %arg4[%add3A_207] : memref<326656xi32, #tpu.memory_space<hbm>> -> memref<88xi32, #tpu.memory_space<hbm>>
      tpu.enqueue_dma source(%dma_start3A_209 : memref<88xi32, #tpu.memory_space<hbm>>) target(%arg13 : memref<88xi32, #tpu.memory_space<vmem>>) target_semaphore(%arg25 : memref<!tpu.dma_semaphore, #tpu.memory_space<semaphore_mem>>)
      %add3A_210 = arith.constant 4 : i32
      %add3A_211 = arith.addi %add3A_181, %add3A_210 : i32
      %mul3A_212 = arith.constant 88 : i32
      %mul3A_213 = arith.muli %add3A_211, %mul3A_212 : i32
      %add3A_214 = arith.addi %multiple_of3A, %mul3A_213 : i32
      %dma_wait3A_215 = tpu.memref_slice %arg3[%add3A_214] : memref<326656xi32, #tpu.memory_space<hbm>> -> memref<88xi32, #tpu.memory_space<hbm>>
      %dma_wait3A_216 = tpu.memref_slice %arg3[%add3A_214] : memref<326656xi32, #tpu.memory_space<hbm>> -> memref<88xi32, #tpu.memory_space<hbm>>
      tpu.wait_dma2 semaphore(%arg21 : memref<!tpu.dma_semaphore, #tpu.memory_space<semaphore_mem>>) src(%dma_wait3A_216 : memref<88xi32, #tpu.memory_space<hbm>>) dst(%arg9 : memref<88xi32, #tpu.memory_space<vmem>>)
      %dma_start3A_217 = arith.constant 0 : i32
      %dma_start3A_218 = arith.constant 0 : i32
      %dma_start3A_219 = tpu.memref_slice %arg2[%dma_start3A_217, %dma_start3A_218] : memref<10240x128xf32, #tpu.memory_space<hbm>> -> memref<10240x128xf32, #tpu.memory_space<hbm>>
      tpu.enqueue_indirect_dma source(%dma_start3A_219 : memref<10240x128xf32, #tpu.memory_space<hbm>>) target(%arg17 : memref<88x128xf32, #tpu.memory_space<vmem>>) offsets(%arg9 : memref<88xi32, #tpu.memory_space<vmem>>) semaphore(%arg29 : memref<!tpu.dma_semaphore, #tpu.memory_space<semaphore_mem>>)
      %mul3A_220 = arith.constant 4 : i32
      %mul3A_221 = arith.muli %scan3A_135, %mul3A_220 : i32
      %add3A_222 = arith.constant 2 : i32
      %add3A_223 = arith.addi %mul3A_221, %add3A_222 : i32
      %dma_wait3A_224 = arith.constant 0 : i32
      %dma_wait3A_225 = arith.constant 0 : i32
      %dma_wait3A_226 = tpu.memref_slice %arg2[%dma_wait3A_224, %dma_wait3A_225] : memref<10240x128xf32, #tpu.memory_space<hbm>> -> memref<10240x128xf32, #tpu.memory_space<hbm>>
      tpu.wait_indirect_dma semaphore(%arg30 : memref<!tpu.dma_semaphore, #tpu.memory_space<semaphore_mem>>) src(%dma_wait3A_226 : memref<10240x128xf32, #tpu.memory_space<hbm>>) dst(%arg18 : memref<88x128xf32, #tpu.memory_space<vmem>>)
      %add3A_227 = arith.constant 4 : i32
      %add3A_228 = arith.addi %add3A_223, %add3A_227 : i32
      %mul3A_229 = arith.constant 88 : i32
      %mul3A_230 = arith.muli %add3A_228, %mul3A_229 : i32
      %add3A_231 = arith.addi %multiple_of3A, %mul3A_230 : i32
      %dma_start3A_232 = tpu.memref_slice %arg3[%add3A_231] : memref<326656xi32, #tpu.memory_space<hbm>> -> memref<88xi32, #tpu.memory_space<hbm>>
      %dma_start3A_233 = tpu.memref_slice %arg3[%add3A_231] : memref<326656xi32, #tpu.memory_space<hbm>> -> memref<88xi32, #tpu.memory_space<hbm>>
      tpu.enqueue_dma source(%dma_start3A_233 : memref<88xi32, #tpu.memory_space<hbm>>) target(%arg10 : memref<88xi32, #tpu.memory_space<vmem>>) target_semaphore(%arg22 : memref<!tpu.dma_semaphore, #tpu.memory_space<semaphore_mem>>)
      %mul3A_234 = arith.constant 88 : i32
      %mul3A_235 = arith.muli %add3A_223, %mul3A_234 : i32
      %add3A_236 = arith.addi %multiple_of3A, %mul3A_235 : i32
      %dma_wait3A_237 = tpu.memref_slice %arg4[%add3A_236] : memref<326656xi32, #tpu.memory_space<hbm>> -> memref<88xi32, #tpu.memory_space<hbm>>
      %dma_wait3A_238 = tpu.memref_slice %arg4[%add3A_236] : memref<326656xi32, #tpu.memory_space<hbm>> -> memref<88xi32, #tpu.memory_space<hbm>>
      tpu.wait_dma2 semaphore(%arg26 : memref<!tpu.dma_semaphore, #tpu.memory_space<semaphore_mem>>) src(%dma_wait3A_238 : memref<88xi32, #tpu.memory_space<hbm>>) dst(%arg14 : memref<88xi32, #tpu.memory_space<vmem>>)
      %dma_start3A_239 = arith.constant 0 : i32
      %dma_start3A_240 = arith.constant 0 : i32
      %dma_start3A_241 = tpu.memref_slice %arg7[%dma_start3A_239, %dma_start3A_240] : memref<10240x128xf32, #tpu.memory_space<vmem_shared>> -> memref<10240x128xf32, #tpu.memory_space<vmem_shared>>
      tpu.enqueue_indirect_dma source(%arg18 : memref<88x128xf32, #tpu.memory_space<vmem>>) target(%dma_start3A_241 : memref<10240x128xf32, #tpu.memory_space<vmem_shared>>) offsets(%arg14 : memref<88xi32, #tpu.memory_space<vmem>>) semaphore(%arg34 : memref<!tpu.dma_semaphore, #tpu.memory_space<semaphore_mem>>) {add = true}
      %dma_wait3A_242 = arith.constant 0 : i32
      %dma_wait3A_243 = arith.constant 0 : i32
      %dma_wait3A_244 = tpu.memref_slice %arg7[%dma_wait3A_242, %dma_wait3A_243] : memref<10240x128xf32, #tpu.memory_space<vmem_shared>> -> memref<10240x128xf32, #tpu.memory_space<vmem_shared>>
      tpu.wait_indirect_dma semaphore(%arg34 : memref<!tpu.dma_semaphore, #tpu.memory_space<semaphore_mem>>) src(%arg18 : memref<88x128xf32, #tpu.memory_space<vmem>>) dst(%dma_wait3A_244 : memref<10240x128xf32, #tpu.memory_space<vmem_shared>>)
      %add3A_245 = arith.constant 4 : i32
      %add3A_246 = arith.addi %add3A_223, %add3A_245 : i32
      %mul3A_247 = arith.constant 88 : i32
      %mul3A_248 = arith.muli %add3A_246, %mul3A_247 : i32
      %add3A_249 = arith.addi %multiple_of3A, %mul3A_248 : i32
      %dma_start3A_250 = tpu.memref_slice %arg4[%add3A_249] : memref<326656xi32, #tpu.memory_space<hbm>> -> memref<88xi32, #tpu.memory_space<hbm>>
      %dma_start3A_251 = tpu.memref_slice %arg4[%add3A_249] : memref<326656xi32, #tpu.memory_space<hbm>> -> memref<88xi32, #tpu.memory_space<hbm>>
      tpu.enqueue_dma source(%dma_start3A_251 : memref<88xi32, #tpu.memory_space<hbm>>) target(%arg14 : memref<88xi32, #tpu.memory_space<vmem>>) target_semaphore(%arg26 : memref<!tpu.dma_semaphore, #tpu.memory_space<semaphore_mem>>)
      %add3A_252 = arith.constant 4 : i32
      %add3A_253 = arith.addi %add3A_223, %add3A_252 : i32
      %mul3A_254 = arith.constant 88 : i32
      %mul3A_255 = arith.muli %add3A_253, %mul3A_254 : i32
      %add3A_256 = arith.addi %multiple_of3A, %mul3A_255 : i32
      %dma_wait3A_257 = tpu.memref_slice %arg3[%add3A_256] : memref<326656xi32, #tpu.memory_space<hbm>> -> memref<88xi32, #tpu.memory_space<hbm>>
      %dma_wait3A_258 = tpu.memref_slice %arg3[%add3A_256] : memref<326656xi32, #tpu.memory_space<hbm>> -> memref<88xi32, #tpu.memory_space<hbm>>
      tpu.wait_dma2 semaphore(%arg22 : memref<!tpu.dma_semaphore, #tpu.memory_space<semaphore_mem>>) src(%dma_wait3A_258 : memref<88xi32, #tpu.memory_space<hbm>>) dst(%arg10 : memref<88xi32, #tpu.memory_space<vmem>>)
      %dma_start3A_259 = arith.constant 0 : i32
      %dma_start3A_260 = arith.constant 0 : i32
      %dma_start3A_261 = tpu.memref_slice %arg2[%dma_start3A_259, %dma_start3A_260] : memref<10240x128xf32, #tpu.memory_space<hbm>> -> memref<10240x128xf32, #tpu.memory_space<hbm>>
      tpu.enqueue_indirect_dma source(%dma_start3A_261 : memref<10240x128xf32, #tpu.memory_space<hbm>>) target(%arg18 : memref<88x128xf32, #tpu.memory_space<vmem>>) offsets(%arg10 : memref<88xi32, #tpu.memory_space<vmem>>) semaphore(%arg30 : memref<!tpu.dma_semaphore, #tpu.memory_space<semaphore_mem>>)
      %mul3A_262 = arith.constant 4 : i32
      %mul3A_263 = arith.muli %scan3A_135, %mul3A_262 : i32
      %add3A_264 = arith.constant 3 : i32
      %add3A_265 = arith.addi %mul3A_263, %add3A_264 : i32
      %dma_wait3A_266 = arith.constant 0 : i32
      %dma_wait3A_267 = arith.constant 0 : i32
      %dma_wait3A_268 = tpu.memref_slice %arg2[%dma_wait3A_266, %dma_wait3A_267] : memref<10240x128xf32, #tpu.memory_space<hbm>> -> memref<10240x128xf32, #tpu.memory_space<hbm>>
      tpu.wait_indirect_dma semaphore(%arg31 : memref<!tpu.dma_semaphore, #tpu.memory_space<semaphore_mem>>) src(%dma_wait3A_268 : memref<10240x128xf32, #tpu.memory_space<hbm>>) dst(%arg19 : memref<88x128xf32, #tpu.memory_space<vmem>>)
      %add3A_269 = arith.constant 4 : i32
      %add3A_270 = arith.addi %add3A_265, %add3A_269 : i32
      %mul3A_271 = arith.constant 88 : i32
      %mul3A_272 = arith.muli %add3A_270, %mul3A_271 : i32
      %add3A_273 = arith.addi %multiple_of3A, %mul3A_272 : i32
      %dma_start3A_274 = tpu.memref_slice %arg3[%add3A_273] : memref<326656xi32, #tpu.memory_space<hbm>> -> memref<88xi32, #tpu.memory_space<hbm>>
      %dma_start3A_275 = tpu.memref_slice %arg3[%add3A_273] : memref<326656xi32, #tpu.memory_space<hbm>> -> memref<88xi32, #tpu.memory_space<hbm>>
      tpu.enqueue_dma source(%dma_start3A_275 : memref<88xi32, #tpu.memory_space<hbm>>) target(%arg11 : memref<88xi32, #tpu.memory_space<vmem>>) target_semaphore(%arg23 : memref<!tpu.dma_semaphore, #tpu.memory_space<semaphore_mem>>)
      %mul3A_276 = arith.constant 88 : i32
      %mul3A_277 = arith.muli %add3A_265, %mul3A_276 : i32
      %add3A_278 = arith.addi %multiple_of3A, %mul3A_277 : i32
      %dma_wait3A_279 = tpu.memref_slice %arg4[%add3A_278] : memref<326656xi32, #tpu.memory_space<hbm>> -> memref<88xi32, #tpu.memory_space<hbm>>
      %dma_wait3A_280 = tpu.memref_slice %arg4[%add3A_278] : memref<326656xi32, #tpu.memory_space<hbm>> -> memref<88xi32, #tpu.memory_space<hbm>>
      tpu.wait_dma2 semaphore(%arg27 : memref<!tpu.dma_semaphore, #tpu.memory_space<semaphore_mem>>) src(%dma_wait3A_280 : memref<88xi32, #tpu.memory_space<hbm>>) dst(%arg15 : memref<88xi32, #tpu.memory_space<vmem>>)
      %dma_start3A_281 = arith.constant 0 : i32
      %dma_start3A_282 = arith.constant 0 : i32
      %dma_start3A_283 = tpu.memref_slice %arg7[%dma_start3A_281, %dma_start3A_282] : memref<10240x128xf32, #tpu.memory_space<vmem_shared>> -> memref<10240x128xf32, #tpu.memory_space<vmem_shared>>
      tpu.enqueue_indirect_dma source(%arg19 : memref<88x128xf32, #tpu.memory_space<vmem>>) target(%dma_start3A_283 : memref<10240x128xf32, #tpu.memory_space<vmem_shared>>) offsets(%arg15 : memref<88xi32, #tpu.memory_space<vmem>>) semaphore(%arg35 : memref<!tpu.dma_semaphore, #tpu.memory_space<semaphore_mem>>) {add = true}
      %dma_wait3A_284 = arith.constant 0 : i32
      %dma_wait3A_285 = arith.constant 0 : i32
      %dma_wait3A_286 = tpu.memref_slice %arg7[%dma_wait3A_284, %dma_wait3A_285] : memref<10240x128xf32, #tpu.memory_space<vmem_shared>> -> memref<10240x128xf32, #tpu.memory_space<vmem_shared>>
      tpu.wait_indirect_dma semaphore(%arg35 : memref<!tpu.dma_semaphore, #tpu.memory_space<semaphore_mem>>) src(%arg19 : memref<88x128xf32, #tpu.memory_space<vmem>>) dst(%dma_wait3A_286 : memref<10240x128xf32, #tpu.memory_space<vmem_shared>>)
      %add3A_287 = arith.constant 4 : i32
      %add3A_288 = arith.addi %add3A_265, %add3A_287 : i32
      %mul3A_289 = arith.constant 88 : i32
      %mul3A_290 = arith.muli %add3A_288, %mul3A_289 : i32
      %add3A_291 = arith.addi %multiple_of3A, %mul3A_290 : i32
      %dma_start3A_292 = tpu.memref_slice %arg4[%add3A_291] : memref<326656xi32, #tpu.memory_space<hbm>> -> memref<88xi32, #tpu.memory_space<hbm>>
      %dma_start3A_293 = tpu.memref_slice %arg4[%add3A_291] : memref<326656xi32, #tpu.memory_space<hbm>> -> memref<88xi32, #tpu.memory_space<hbm>>
      tpu.enqueue_dma source(%dma_start3A_293 : memref<88xi32, #tpu.memory_space<hbm>>) target(%arg15 : memref<88xi32, #tpu.memory_space<vmem>>) target_semaphore(%arg27 : memref<!tpu.dma_semaphore, #tpu.memory_space<semaphore_mem>>)
      %add3A_294 = arith.constant 4 : i32
      %add3A_295 = arith.addi %add3A_265, %add3A_294 : i32
      %mul3A_296 = arith.constant 88 : i32
      %mul3A_297 = arith.muli %add3A_295, %mul3A_296 : i32
      %add3A_298 = arith.addi %multiple_of3A, %mul3A_297 : i32
      %dma_wait3A_299 = tpu.memref_slice %arg3[%add3A_298] : memref<326656xi32, #tpu.memory_space<hbm>> -> memref<88xi32, #tpu.memory_space<hbm>>
      %dma_wait3A_300 = tpu.memref_slice %arg3[%add3A_298] : memref<326656xi32, #tpu.memory_space<hbm>> -> memref<88xi32, #tpu.memory_space<hbm>>
      tpu.wait_dma2 semaphore(%arg23 : memref<!tpu.dma_semaphore, #tpu.memory_space<semaphore_mem>>) src(%dma_wait3A_300 : memref<88xi32, #tpu.memory_space<hbm>>) dst(%arg11 : memref<88xi32, #tpu.memory_space<vmem>>)
      %dma_start3A_301 = arith.constant 0 : i32
      %dma_start3A_302 = arith.constant 0 : i32
      %dma_start3A_303 = tpu.memref_slice %arg2[%dma_start3A_301, %dma_start3A_302] : memref<10240x128xf32, #tpu.memory_space<hbm>> -> memref<10240x128xf32, #tpu.memory_space<hbm>>
      tpu.enqueue_indirect_dma source(%dma_start3A_303 : memref<10240x128xf32, #tpu.memory_space<hbm>>) target(%arg19 : memref<88x128xf32, #tpu.memory_space<vmem>>) offsets(%arg11 : memref<88xi32, #tpu.memory_space<vmem>>) semaphore(%arg31 : memref<!tpu.dma_semaphore, #tpu.memory_space<semaphore_mem>>)
    }
    %scan3A_77 = arith.constant 28 : i32
    %dma_wait3A_78 = arith.constant 0 : i32
    %dma_wait3A_79 = arith.constant 0 : i32
    %dma_wait3A_80 = tpu.memref_slice %arg2[%dma_wait3A_78, %dma_wait3A_79] : memref<10240x128xf32, #tpu.memory_space<hbm>> -> memref<10240x128xf32, #tpu.memory_space<hbm>>
    tpu.wait_indirect_dma semaphore(%arg28 : memref<!tpu.dma_semaphore, #tpu.memory_space<semaphore_mem>>) src(%dma_wait3A_80 : memref<10240x128xf32, #tpu.memory_space<hbm>>) dst(%arg16 : memref<88x128xf32, #tpu.memory_space<vmem>>)
    %add3A_81 = arith.constant 9856 : i32
    %add3A_82 = arith.addi %multiple_of3A, %add3A_81 : i32
    %dma_wait3A_83 = tpu.memref_slice %arg4[%add3A_82] : memref<326656xi32, #tpu.memory_space<hbm>> -> memref<88xi32, #tpu.memory_space<hbm>>
    %dma_wait3A_84 = tpu.memref_slice %arg4[%add3A_82] : memref<326656xi32, #tpu.memory_space<hbm>> -> memref<88xi32, #tpu.memory_space<hbm>>
    tpu.wait_dma2 semaphore(%arg24 : memref<!tpu.dma_semaphore, #tpu.memory_space<semaphore_mem>>) src(%dma_wait3A_84 : memref<88xi32, #tpu.memory_space<hbm>>) dst(%arg12 : memref<88xi32, #tpu.memory_space<vmem>>)
    %dma_start3A_85 = arith.constant 0 : i32
    %dma_start3A_86 = arith.constant 0 : i32
    %dma_start3A_87 = tpu.memref_slice %arg7[%dma_start3A_85, %dma_start3A_86] : memref<10240x128xf32, #tpu.memory_space<vmem_shared>> -> memref<10240x128xf32, #tpu.memory_space<vmem_shared>>
    tpu.enqueue_indirect_dma source(%arg16 : memref<88x128xf32, #tpu.memory_space<vmem>>) target(%dma_start3A_87 : memref<10240x128xf32, #tpu.memory_space<vmem_shared>>) offsets(%arg12 : memref<88xi32, #tpu.memory_space<vmem>>) semaphore(%arg32 : memref<!tpu.dma_semaphore, #tpu.memory_space<semaphore_mem>>) {add = true}
    %dma_wait3A_88 = arith.constant 0 : i32
    %dma_wait3A_89 = arith.constant 0 : i32
    %dma_wait3A_90 = tpu.memref_slice %arg2[%dma_wait3A_88, %dma_wait3A_89] : memref<10240x128xf32, #tpu.memory_space<hbm>> -> memref<10240x128xf32, #tpu.memory_space<hbm>>
    tpu.wait_indirect_dma semaphore(%arg29 : memref<!tpu.dma_semaphore, #tpu.memory_space<semaphore_mem>>) src(%dma_wait3A_90 : memref<10240x128xf32, #tpu.memory_space<hbm>>) dst(%arg17 : memref<88x128xf32, #tpu.memory_space<vmem>>)
    %add3A_91 = arith.constant 9944 : i32
    %add3A_92 = arith.addi %multiple_of3A, %add3A_91 : i32
    %dma_wait3A_93 = tpu.memref_slice %arg4[%add3A_92] : memref<326656xi32, #tpu.memory_space<hbm>> -> memref<88xi32, #tpu.memory_space<hbm>>
    %dma_wait3A_94 = tpu.memref_slice %arg4[%add3A_92] : memref<326656xi32, #tpu.memory_space<hbm>> -> memref<88xi32, #tpu.memory_space<hbm>>
    tpu.wait_dma2 semaphore(%arg25 : memref<!tpu.dma_semaphore, #tpu.memory_space<semaphore_mem>>) src(%dma_wait3A_94 : memref<88xi32, #tpu.memory_space<hbm>>) dst(%arg13 : memref<88xi32, #tpu.memory_space<vmem>>)
    %dma_start3A_95 = arith.constant 0 : i32
    %dma_start3A_96 = arith.constant 0 : i32
    %dma_start3A_97 = tpu.memref_slice %arg7[%dma_start3A_95, %dma_start3A_96] : memref<10240x128xf32, #tpu.memory_space<vmem_shared>> -> memref<10240x128xf32, #tpu.memory_space<vmem_shared>>
    tpu.enqueue_indirect_dma source(%arg17 : memref<88x128xf32, #tpu.memory_space<vmem>>) target(%dma_start3A_97 : memref<10240x128xf32, #tpu.memory_space<vmem_shared>>) offsets(%arg13 : memref<88xi32, #tpu.memory_space<vmem>>) semaphore(%arg33 : memref<!tpu.dma_semaphore, #tpu.memory_space<semaphore_mem>>) {add = true}
    %dma_wait3A_98 = arith.constant 0 : i32
    %dma_wait3A_99 = arith.constant 0 : i32
    %dma_wait3A_100 = tpu.memref_slice %arg2[%dma_wait3A_98, %dma_wait3A_99] : memref<10240x128xf32, #tpu.memory_space<hbm>> -> memref<10240x128xf32, #tpu.memory_space<hbm>>
    tpu.wait_indirect_dma semaphore(%arg30 : memref<!tpu.dma_semaphore, #tpu.memory_space<semaphore_mem>>) src(%dma_wait3A_100 : memref<10240x128xf32, #tpu.memory_space<hbm>>) dst(%arg18 : memref<88x128xf32, #tpu.memory_space<vmem>>)
    %add3A_101 = arith.constant 10032 : i32
    %add3A_102 = arith.addi %multiple_of3A, %add3A_101 : i32
    %dma_wait3A_103 = tpu.memref_slice %arg4[%add3A_102] : memref<326656xi32, #tpu.memory_space<hbm>> -> memref<88xi32, #tpu.memory_space<hbm>>
    %dma_wait3A_104 = tpu.memref_slice %arg4[%add3A_102] : memref<326656xi32, #tpu.memory_space<hbm>> -> memref<88xi32, #tpu.memory_space<hbm>>
    tpu.wait_dma2 semaphore(%arg26 : memref<!tpu.dma_semaphore, #tpu.memory_space<semaphore_mem>>) src(%dma_wait3A_104 : memref<88xi32, #tpu.memory_space<hbm>>) dst(%arg14 : memref<88xi32, #tpu.memory_space<vmem>>)
    %dma_start3A_105 = arith.constant 0 : i32
    %dma_start3A_106 = arith.constant 0 : i32
    %dma_start3A_107 = tpu.memref_slice %arg7[%dma_start3A_105, %dma_start3A_106] : memref<10240x128xf32, #tpu.memory_space<vmem_shared>> -> memref<10240x128xf32, #tpu.memory_space<vmem_shared>>
    tpu.enqueue_indirect_dma source(%arg18 : memref<88x128xf32, #tpu.memory_space<vmem>>) target(%dma_start3A_107 : memref<10240x128xf32, #tpu.memory_space<vmem_shared>>) offsets(%arg14 : memref<88xi32, #tpu.memory_space<vmem>>) semaphore(%arg34 : memref<!tpu.dma_semaphore, #tpu.memory_space<semaphore_mem>>) {add = true}
    %dma_wait3A_108 = arith.constant 0 : i32
    %dma_wait3A_109 = arith.constant 0 : i32
    %dma_wait3A_110 = tpu.memref_slice %arg2[%dma_wait3A_108, %dma_wait3A_109] : memref<10240x128xf32, #tpu.memory_space<hbm>> -> memref<10240x128xf32, #tpu.memory_space<hbm>>
    tpu.wait_indirect_dma semaphore(%arg31 : memref<!tpu.dma_semaphore, #tpu.memory_space<semaphore_mem>>) src(%dma_wait3A_110 : memref<10240x128xf32, #tpu.memory_space<hbm>>) dst(%arg19 : memref<88x128xf32, #tpu.memory_space<vmem>>)
    %add3A_111 = arith.constant 10120 : i32
    %add3A_112 = arith.addi %multiple_of3A, %add3A_111 : i32
    %dma_wait3A_113 = tpu.memref_slice %arg4[%add3A_112] : memref<326656xi32, #tpu.memory_space<hbm>> -> memref<88xi32, #tpu.memory_space<hbm>>
    %dma_wait3A_114 = tpu.memref_slice %arg4[%add3A_112] : memref<326656xi32, #tpu.memory_space<hbm>> -> memref<88xi32, #tpu.memory_space<hbm>>
    tpu.wait_dma2 semaphore(%arg27 : memref<!tpu.dma_semaphore, #tpu.memory_space<semaphore_mem>>) src(%dma_wait3A_114 : memref<88xi32, #tpu.memory_space<hbm>>) dst(%arg15 : memref<88xi32, #tpu.memory_space<vmem>>)
    %dma_start3A_115 = arith.constant 0 : i32
    %dma_start3A_116 = arith.constant 0 : i32
    %dma_start3A_117 = tpu.memref_slice %arg7[%dma_start3A_115, %dma_start3A_116] : memref<10240x128xf32, #tpu.memory_space<vmem_shared>> -> memref<10240x128xf32, #tpu.memory_space<vmem_shared>>
    tpu.enqueue_indirect_dma source(%arg19 : memref<88x128xf32, #tpu.memory_space<vmem>>) target(%dma_start3A_117 : memref<10240x128xf32, #tpu.memory_space<vmem_shared>>) offsets(%arg15 : memref<88xi32, #tpu.memory_space<vmem>>) semaphore(%arg35 : memref<!tpu.dma_semaphore, #tpu.memory_space<semaphore_mem>>) {add = true}
    %dma_wait3A_118 = arith.constant 0 : i32
    %dma_wait3A_119 = arith.constant 0 : i32
    %dma_wait3A_120 = tpu.memref_slice %arg7[%dma_wait3A_118, %dma_wait3A_119] : memref<10240x128xf32, #tpu.memory_space<vmem_shared>> -> memref<10240x128xf32, #tpu.memory_space<vmem_shared>>
    tpu.wait_indirect_dma semaphore(%arg32 : memref<!tpu.dma_semaphore, #tpu.memory_space<semaphore_mem>>) src(%arg16 : memref<88x128xf32, #tpu.memory_space<vmem>>) dst(%dma_wait3A_120 : memref<10240x128xf32, #tpu.memory_space<vmem_shared>>)
    %dma_wait3A_121 = arith.constant 0 : i32
    %dma_wait3A_122 = arith.constant 0 : i32
    %dma_wait3A_123 = tpu.memref_slice %arg7[%dma_wait3A_121, %dma_wait3A_122] : memref<10240x128xf32, #tpu.memory_space<vmem_shared>> -> memref<10240x128xf32, #tpu.memory_space<vmem_shared>>
    tpu.wait_indirect_dma semaphore(%arg33 : memref<!tpu.dma_semaphore, #tpu.memory_space<semaphore_mem>>) src(%arg17 : memref<88x128xf32, #tpu.memory_space<vmem>>) dst(%dma_wait3A_123 : memref<10240x128xf32, #tpu.memory_space<vmem_shared>>)
    %dma_wait3A_124 = arith.constant 0 : i32
    %dma_wait3A_125 = arith.constant 0 : i32
    %dma_wait3A_126 = tpu.memref_slice %arg7[%dma_wait3A_124, %dma_wait3A_125] : memref<10240x128xf32, #tpu.memory_space<vmem_shared>> -> memref<10240x128xf32, #tpu.memory_space<vmem_shared>>
    tpu.wait_indirect_dma semaphore(%arg34 : memref<!tpu.dma_semaphore, #tpu.memory_space<semaphore_mem>>) src(%arg18 : memref<88x128xf32, #tpu.memory_space<vmem>>) dst(%dma_wait3A_126 : memref<10240x128xf32, #tpu.memory_space<vmem_shared>>)
    %dma_wait3A_127 = arith.constant 0 : i32
    %dma_wait3A_128 = arith.constant 0 : i32
    %dma_wait3A_129 = tpu.memref_slice %arg7[%dma_wait3A_127, %dma_wait3A_128] : memref<10240x128xf32, #tpu.memory_space<vmem_shared>> -> memref<10240x128xf32, #tpu.memory_space<vmem_shared>>
    tpu.wait_indirect_dma semaphore(%arg35 : memref<!tpu.dma_semaphore, #tpu.memory_space<semaphore_mem>>) src(%arg19 : memref<88x128xf32, #tpu.memory_space<vmem>>) dst(%dma_wait3A_129 : memref<10240x128xf32, #tpu.memory_space<vmem_shared>>)
    %barrier3A_130 = arith.constant 0 : index
    tpu.barrier barrier_id(%barrier3A_130)
    %mul3A_131 = arith.constant 10240 : i32
    %mul3A_132 = arith.muli %arg0, %mul3A_131 : i32
    %add3A_133 = arith.addi %mul3A_132, %mul3A_2 : i32
    %multiple_of3A_134 = tpu.assume_multiple %add3A_133, 8 : i32
    "tpu.region"() ({
      %run_scoped3A = tpu.sem_alloc : memref<!tpu.dma_semaphore, #tpu.memory_space<semaphore_mem>>
      %dma_start3A_135 = arith.constant 0 : i32
      %dma_start3A_136 = tpu.memref_slice %arg6[%multiple_of3A_134, %dma_start3A_135] : memref<20480x128xf32, #tpu.memory_space<hbm>> -> memref<640x128xf32, #tpu.memory_space<hbm>>
      %dma_start3A_137 = arith.constant 0 : i32
      %dma_start3A_138 = tpu.memref_slice %arg7[%mul3A_2, %dma_start3A_137] : memref<10240x128xf32, #tpu.memory_space<vmem_shared>> -> memref<640x128xf32, #tpu.memory_space<vmem_shared>>
      tpu.enqueue_dma source(%dma_start3A_138 : memref<640x128xf32, #tpu.memory_space<vmem_shared>>) target(%dma_start3A_136 : memref<640x128xf32, #tpu.memory_space<hbm>>) target_semaphore(%run_scoped3A : memref<!tpu.dma_semaphore, #tpu.memory_space<semaphore_mem>>)
      %dma_wait3A_139 = arith.constant 0 : i32
      %dma_wait3A_140 = tpu.memref_slice %arg6[%multiple_of3A_134, %dma_wait3A_139] : memref<20480x128xf32, #tpu.memory_space<hbm>> -> memref<640x128xf32, #tpu.memory_space<hbm>>
      %dma_wait3A_141 = arith.constant 0 : i32
      %dma_wait3A_142 = tpu.memref_slice %arg7[%mul3A_2, %dma_wait3A_141] : memref<10240x128xf32, #tpu.memory_space<vmem_shared>> -> memref<640x128xf32, #tpu.memory_space<vmem_shared>>
      tpu.wait_dma2 semaphore(%run_scoped3A : memref<!tpu.dma_semaphore, #tpu.memory_space<semaphore_mem>>) src(%dma_wait3A_142 : memref<640x128xf32, #tpu.memory_space<vmem_shared>>) dst(%dma_wait3A_140 : memref<640x128xf32, #tpu.memory_space<hbm>>)
      tpu.yield
    }) : () -> ()
    return
  }
}

#map = affine_map<(d0, d1) -> (0, 0)>
#map1 = affine_map<(d0, d1) -> (0)>
module attributes {stable_mosaic.version = 14 : i64} {
  func.func @_sc_phase_body(%arg0: i32, %arg1: i32, %arg2: memref<10240x128xf32, #tpu.memory_space<hbm>>, %arg3: memref<326656xi32, #tpu.memory_space<hbm>>, %arg4: memref<326656xi32, #tpu.memory_space<hbm>>, %arg5: memref<10240x128xf32, #tpu.memory_space<hbm>>, %arg6: memref<20480x128xf32, #tpu.memory_space<hbm>>, %arg7: memref<10240x128xf32, #tpu.memory_space<vmem_shared>>, %arg8: memref<88xi32, #tpu.memory_space<vmem>>, %arg9: memref<88xi32, #tpu.memory_space<vmem>>, %arg10: memref<88xi32, #tpu.memory_space<vmem>>, %arg11: memref<88xi32, #tpu.memory_space<vmem>>, %arg12: memref<88xi32, #tpu.memory_space<vmem>>, %arg13: memref<88xi32, #tpu.memory_space<vmem>>, %arg14: memref<88xi32, #tpu.memory_space<vmem>>, %arg15: memref<88xi32, #tpu.memory_space<vmem>>, %arg16: memref<88x128xf32, #tpu.memory_space<vmem>>, %arg17: memref<88x128xf32, #tpu.memory_space<vmem>>, %arg18: memref<88x128xf32, #tpu.memory_space<vmem>>, %arg19: memref<88x128xf32, #tpu.memory_space<vmem>>, %arg20: memref<!tpu.dma_semaphore, #tpu.memory_space<semaphore_mem>>, %arg21: memref<!tpu.dma_semaphore, #tpu.memory_space<semaphore_mem>>, %arg22: memref<!tpu.dma_semaphore, #tpu.memory_space<semaphore_mem>>, %arg23: memref<!tpu.dma_semaphore, #tpu.memory_space<semaphore_mem>>, %arg24: memref<!tpu.dma_semaphore, #tpu.memory_space<semaphore_mem>>, %arg25: memref<!tpu.dma_semaphore, #tpu.memory_space<semaphore_mem>>, %arg26: memref<!tpu.dma_semaphore, #tpu.memory_space<semaphore_mem>>, %arg27: memref<!tpu.dma_semaphore, #tpu.memory_space<semaphore_mem>>, %arg28: memref<!tpu.dma_semaphore, #tpu.memory_space<semaphore_mem>>, %arg29: memref<!tpu.dma_semaphore, #tpu.memory_space<semaphore_mem>>, %arg30: memref<!tpu.dma_semaphore, #tpu.memory_space<semaphore_mem>>, %arg31: memref<!tpu.dma_semaphore, #tpu.memory_space<semaphore_mem>>, %arg32: memref<!tpu.dma_semaphore, #tpu.memory_space<semaphore_mem>>, %arg33: memref<!tpu.dma_semaphore, #tpu.memory_space<semaphore_mem>>, %arg34: memref<!tpu.dma_semaphore, #tpu.memory_space<semaphore_mem>>, %arg35: memref<!tpu.dma_semaphore, #tpu.memory_space<semaphore_mem>>) attributes {dimension_semantics = [#tpu.dimension_semantics<core_parallel>, #tpu.dimension_semantics<subcore_parallel>], iteration_bounds = array<i64: 2, 16>, scalar_prefetch = 0 : i64, scratch_operands = 29 : i64, tpu.core_type = #tpu.core_type<sc_vector_subcore>, window_params = [{transform_indices = #map}, {transform_indices = #map1}, {transform_indices = #map1}, {transform_indices = #map}, {transform_indices = #map}]} {
    %mul3A = arith.constant 2 : i32
    %mul3A_0 = arith.muli %arg1, %mul3A : i32
    %add3A = arith.addi %mul3A_0, %arg0 : i32
    %mul3A_1 = arith.constant 640 : i32
    %mul3A_2 = arith.muli %arg1, %mul3A_1 : i32
    %dma_start3A = arith.constant 0 : i32
    %dma_start3A_3 = tpu.memref_slice %arg7[%mul3A_2, %dma_start3A] : memref<10240x128xf32, #tpu.memory_space<vmem_shared>> -> memref<640x128xf32, #tpu.memory_space<vmem_shared>>
    %dma_start3A_4 = arith.constant 0 : i32
    %dma_start3A_5 = tpu.memref_slice %arg5[%mul3A_2, %dma_start3A_4] : memref<10240x128xf32, #tpu.memory_space<hbm>> -> memref<640x128xf32, #tpu.memory_space<hbm>>
    tpu.enqueue_dma source(%dma_start3A_5 : memref<640x128xf32, #tpu.memory_space<hbm>>) target(%dma_start3A_3 : memref<640x128xf32, #tpu.memory_space<vmem_shared>>) target_semaphore(%arg28 : memref<!tpu.dma_semaphore, #tpu.memory_space<semaphore_mem>>)
    %mul3A_6 = arith.constant 116 : i32
    %mul3A_7 = arith.muli %add3A, %mul3A_6 : i32
    %mul3A_8 = arith.constant 88 : i32
    %mul3A_9 = arith.muli %mul3A_7, %mul3A_8 : i32
    %multiple_of3A = tpu.assume_multiple %mul3A_9, 8 : i32
    %add3A_10 = arith.constant 0 : i32
    %add3A_11 = arith.addi %multiple_of3A, %add3A_10 : i32
    %dma_start3A_12 = tpu.memref_slice %arg3[%add3A_11] : memref<326656xi32, #tpu.memory_space<hbm>> -> memref<88xi32, #tpu.memory_space<hbm>>
    %dma_start3A_13 = tpu.memref_slice %arg3[%add3A_11] : memref<326656xi32, #tpu.memory_space<hbm>> -> memref<88xi32, #tpu.memory_space<hbm>>
    tpu.enqueue_dma source(%dma_start3A_13 : memref<88xi32, #tpu.memory_space<hbm>>) target(%arg8 : memref<88xi32, #tpu.memory_space<vmem>>) target_semaphore(%arg20 : memref<!tpu.dma_semaphore, #tpu.memory_space<semaphore_mem>>)
    %add3A_14 = arith.constant 0 : i32
    %add3A_15 = arith.addi %multiple_of3A, %add3A_14 : i32
    %dma_start3A_16 = tpu.memref_slice %arg4[%add3A_15] : memref<326656xi32, #tpu.memory_space<hbm>> -> memref<88xi32, #tpu.memory_space<hbm>>
    %dma_start3A_17 = tpu.memref_slice %arg4[%add3A_15] : memref<326656xi32, #tpu.memory_space<hbm>> -> memref<88xi32, #tpu.memory_space<hbm>>
    tpu.enqueue_dma source(%dma_start3A_17 : memref<88xi32, #tpu.memory_space<hbm>>) target(%arg12 : memref<88xi32, #tpu.memory_space<vmem>>) target_semaphore(%arg24 : memref<!tpu.dma_semaphore, #tpu.memory_space<semaphore_mem>>)
    %add3A_18 = arith.constant 88 : i32
    %add3A_19 = arith.addi %multiple_of3A, %add3A_18 : i32
    %dma_start3A_20 = tpu.memref_slice %arg3[%add3A_19] : memref<326656xi32, #tpu.memory_space<hbm>> -> memref<88xi32, #tpu.memory_space<hbm>>
    %dma_start3A_21 = tpu.memref_slice %arg3[%add3A_19] : memref<326656xi32, #tpu.memory_space<hbm>> -> memref<88xi32, #tpu.memory_space<hbm>>
    tpu.enqueue_dma source(%dma_start3A_21 : memref<88xi32, #tpu.memory_space<hbm>>) target(%arg9 : memref<88xi32, #tpu.memory_space<vmem>>) target_semaphore(%arg21 : memref<!tpu.dma_semaphore, #tpu.memory_space<semaphore_mem>>)
    %add3A_22 = arith.constant 88 : i32
    %add3A_23 = arith.addi %multiple_of3A, %add3A_22 : i32
    %dma_start3A_24 = tpu.memref_slice %arg4[%add3A_23] : memref<326656xi32, #tpu.memory_space<hbm>> -> memref<88xi32, #tpu.memory_space<hbm>>
    %dma_start3A_25 = tpu.memref_slice %arg4[%add3A_23] : memref<326656xi32, #tpu.memory_space<hbm>> -> memref<88xi32, #tpu.memory_space<hbm>>
    tpu.enqueue_dma source(%dma_start3A_25 : memref<88xi32, #tpu.memory_space<hbm>>) target(%arg13 : memref<88xi32, #tpu.memory_space<vmem>>) target_semaphore(%arg25 : memref<!tpu.dma_semaphore, #tpu.memory_space<semaphore_mem>>)
    %add3A_26 = arith.constant 176 : i32
    %add3A_27 = arith.addi %multiple_of3A, %add3A_26 : i32
    %dma_start3A_28 = tpu.memref_slice %arg3[%add3A_27] : memref<326656xi32, #tpu.memory_space<hbm>> -> memref<88xi32, #tpu.memory_space<hbm>>
    %dma_start3A_29 = tpu.memref_slice %arg3[%add3A_27] : memref<326656xi32, #tpu.memory_space<hbm>> -> memref<88xi32, #tpu.memory_space<hbm>>
    tpu.enqueue_dma source(%dma_start3A_29 : memref<88xi32, #tpu.memory_space<hbm>>) target(%arg10 : memref<88xi32, #tpu.memory_space<vmem>>) target_semaphore(%arg22 : memref<!tpu.dma_semaphore, #tpu.memory_space<semaphore_mem>>)
    %add3A_30 = arith.constant 176 : i32
    %add3A_31 = arith.addi %multiple_of3A, %add3A_30 : i32
    %dma_start3A_32 = tpu.memref_slice %arg4[%add3A_31] : memref<326656xi32, #tpu.memory_space<hbm>> -> memref<88xi32, #tpu.memory_space<hbm>>
    %dma_start3A_33 = tpu.memref_slice %arg4[%add3A_31] : memref<326656xi32, #tpu.memory_space<hbm>> -> memref<88xi32, #tpu.memory_space<hbm>>
    tpu.enqueue_dma source(%dma_start3A_33 : memref<88xi32, #tpu.memory_space<hbm>>) target(%arg14 : memref<88xi32, #tpu.memory_space<vmem>>) target_semaphore(%arg26 : memref<!tpu.dma_semaphore, #tpu.memory_space<semaphore_mem>>)
    %add3A_34 = arith.constant 264 : i32
    %add3A_35 = arith.addi %multiple_of3A, %add3A_34 : i32
    %dma_start3A_36 = tpu.memref_slice %arg3[%add3A_35] : memref<326656xi32, #tpu.memory_space<hbm>> -> memref<88xi32, #tpu.memory_space<hbm>>
    %dma_start3A_37 = tpu.memref_slice %arg3[%add3A_35] : memref<326656xi32, #tpu.memory_space<hbm>> -> memref<88xi32, #tpu.memory_space<hbm>>
    tpu.enqueue_dma source(%dma_start3A_37 : memref<88xi32, #tpu.memory_space<hbm>>) target(%arg11 : memref<88xi32, #tpu.memory_space<vmem>>) target_semaphore(%arg23 : memref<!tpu.dma_semaphore, #tpu.memory_space<semaphore_mem>>)
    %add3A_38 = arith.constant 264 : i32
    %add3A_39 = arith.addi %multiple_of3A, %add3A_38 : i32
    %dma_start3A_40 = tpu.memref_slice %arg4[%add3A_39] : memref<326656xi32, #tpu.memory_space<hbm>> -> memref<88xi32, #tpu.memory_space<hbm>>
    %dma_start3A_41 = tpu.memref_slice %arg4[%add3A_39] : memref<326656xi32, #tpu.memory_space<hbm>> -> memref<88xi32, #tpu.memory_space<hbm>>
    tpu.enqueue_dma source(%dma_start3A_41 : memref<88xi32, #tpu.memory_space<hbm>>) target(%arg15 : memref<88xi32, #tpu.memory_space<vmem>>) target_semaphore(%arg27 : memref<!tpu.dma_semaphore, #tpu.memory_space<semaphore_mem>>)
    %dma_wait3A = arith.constant 0 : i32
    %dma_wait3A_42 = tpu.memref_slice %arg7[%mul3A_2, %dma_wait3A] : memref<10240x128xf32, #tpu.memory_space<vmem_shared>> -> memref<640x128xf32, #tpu.memory_space<vmem_shared>>
    %dma_wait3A_43 = arith.constant 0 : i32
    %dma_wait3A_44 = tpu.memref_slice %arg5[%mul3A_2, %dma_wait3A_43] : memref<10240x128xf32, #tpu.memory_space<hbm>> -> memref<640x128xf32, #tpu.memory_space<hbm>>
    tpu.wait_dma2 semaphore(%arg28 : memref<!tpu.dma_semaphore, #tpu.memory_space<semaphore_mem>>) src(%dma_wait3A_44 : memref<640x128xf32, #tpu.memory_space<hbm>>) dst(%dma_wait3A_42 : memref<640x128xf32, #tpu.memory_space<vmem_shared>>)
    %barrier3A = arith.constant 0 : index
    tpu.barrier barrier_id(%barrier3A)
    %add3A_45 = arith.constant 0 : i32
    %add3A_46 = arith.addi %multiple_of3A, %add3A_45 : i32
    %dma_wait3A_47 = tpu.memref_slice %arg3[%add3A_46] : memref<326656xi32, #tpu.memory_space<hbm>> -> memref<88xi32, #tpu.memory_space<hbm>>
    %dma_wait3A_48 = tpu.memref_slice %arg3[%add3A_46] : memref<326656xi32, #tpu.memory_space<hbm>> -> memref<88xi32, #tpu.memory_space<hbm>>
    tpu.wait_dma2 semaphore(%arg20 : memref<!tpu.dma_semaphore, #tpu.memory_space<semaphore_mem>>) src(%dma_wait3A_48 : memref<88xi32, #tpu.memory_space<hbm>>) dst(%arg8 : memref<88xi32, #tpu.memory_space<vmem>>)
    %dma_start3A_49 = arith.constant 0 : i32
    %dma_start3A_50 = arith.constant 0 : i32
    %dma_start3A_51 = tpu.memref_slice %arg2[%dma_start3A_49, %dma_start3A_50] : memref<10240x128xf32, #tpu.memory_space<hbm>> -> memref<10240x128xf32, #tpu.memory_space<hbm>>
    tpu.enqueue_indirect_dma source(%dma_start3A_51 : memref<10240x128xf32, #tpu.memory_space<hbm>>) target(%arg16 : memref<88x128xf32, #tpu.memory_space<vmem>>) offsets(%arg8 : memref<88xi32, #tpu.memory_space<vmem>>) semaphore(%arg28 : memref<!tpu.dma_semaphore, #tpu.memory_space<semaphore_mem>>)
    %add3A_52 = arith.constant 88 : i32
    %add3A_53 = arith.addi %multiple_of3A, %add3A_52 : i32
    %dma_wait3A_54 = tpu.memref_slice %arg3[%add3A_53] : memref<326656xi32, #tpu.memory_space<hbm>> -> memref<88xi32, #tpu.memory_space<hbm>>
    %dma_wait3A_55 = tpu.memref_slice %arg3[%add3A_53] : memref<326656xi32, #tpu.memory_space<hbm>> -> memref<88xi32, #tpu.memory_space<hbm>>
    tpu.wait_dma2 semaphore(%arg21 : memref<!tpu.dma_semaphore, #tpu.memory_space<semaphore_mem>>) src(%dma_wait3A_55 : memref<88xi32, #tpu.memory_space<hbm>>) dst(%arg9 : memref<88xi32, #tpu.memory_space<vmem>>)
    %dma_start3A_56 = arith.constant 0 : i32
    %dma_start3A_57 = arith.constant 0 : i32
    %dma_start3A_58 = tpu.memref_slice %arg2[%dma_start3A_56, %dma_start3A_57] : memref<10240x128xf32, #tpu.memory_space<hbm>> -> memref<10240x128xf32, #tpu.memory_space<hbm>>
    tpu.enqueue_indirect_dma source(%dma_start3A_58 : memref<10240x128xf32, #tpu.memory_space<hbm>>) target(%arg17 : memref<88x128xf32, #tpu.memory_space<vmem>>) offsets(%arg9 : memref<88xi32, #tpu.memory_space<vmem>>) semaphore(%arg29 : memref<!tpu.dma_semaphore, #tpu.memory_space<semaphore_mem>>)
    %add3A_59 = arith.constant 176 : i32
    %add3A_60 = arith.addi %multiple_of3A, %add3A_59 : i32
    %dma_wait3A_61 = tpu.memref_slice %arg3[%add3A_60] : memref<326656xi32, #tpu.memory_space<hbm>> -> memref<88xi32, #tpu.memory_space<hbm>>
    %dma_wait3A_62 = tpu.memref_slice %arg3[%add3A_60] : memref<326656xi32, #tpu.memory_space<hbm>> -> memref<88xi32, #tpu.memory_space<hbm>>
    tpu.wait_dma2 semaphore(%arg22 : memref<!tpu.dma_semaphore, #tpu.memory_space<semaphore_mem>>) src(%dma_wait3A_62 : memref<88xi32, #tpu.memory_space<hbm>>) dst(%arg10 : memref<88xi32, #tpu.memory_space<vmem>>)
    %dma_start3A_63 = arith.constant 0 : i32
    %dma_start3A_64 = arith.constant 0 : i32
    %dma_start3A_65 = tpu.memref_slice %arg2[%dma_start3A_63, %dma_start3A_64] : memref<10240x128xf32, #tpu.memory_space<hbm>> -> memref<10240x128xf32, #tpu.memory_space<hbm>>
    tpu.enqueue_indirect_dma source(%dma_start3A_65 : memref<10240x128xf32, #tpu.memory_space<hbm>>) target(%arg18 : memref<88x128xf32, #tpu.memory_space<vmem>>) offsets(%arg10 : memref<88xi32, #tpu.memory_space<vmem>>) semaphore(%arg30 : memref<!tpu.dma_semaphore, #tpu.memory_space<semaphore_mem>>)
    %add3A_66 = arith.constant 264 : i32
    %add3A_67 = arith.addi %multiple_of3A, %add3A_66 : i32
    %dma_wait3A_68 = tpu.memref_slice %arg3[%add3A_67] : memref<326656xi32, #tpu.memory_space<hbm>> -> memref<88xi32, #tpu.memory_space<hbm>>
    %dma_wait3A_69 = tpu.memref_slice %arg3[%add3A_67] : memref<326656xi32, #tpu.memory_space<hbm>> -> memref<88xi32, #tpu.memory_space<hbm>>
    tpu.wait_dma2 semaphore(%arg23 : memref<!tpu.dma_semaphore, #tpu.memory_space<semaphore_mem>>) src(%dma_wait3A_69 : memref<88xi32, #tpu.memory_space<hbm>>) dst(%arg11 : memref<88xi32, #tpu.memory_space<vmem>>)
    %dma_start3A_70 = arith.constant 0 : i32
    %dma_start3A_71 = arith.constant 0 : i32
    %dma_start3A_72 = tpu.memref_slice %arg2[%dma_start3A_70, %dma_start3A_71] : memref<10240x128xf32, #tpu.memory_space<hbm>> -> memref<10240x128xf32, #tpu.memory_space<hbm>>
    tpu.enqueue_indirect_dma source(%dma_start3A_72 : memref<10240x128xf32, #tpu.memory_space<hbm>>) target(%arg19 : memref<88x128xf32, #tpu.memory_space<vmem>>) offsets(%arg11 : memref<88xi32, #tpu.memory_space<vmem>>) semaphore(%arg31 : memref<!tpu.dma_semaphore, #tpu.memory_space<semaphore_mem>>)
    %scan3A = arith.constant 0 : i32
    %scan3A_73 = arith.constant 0 : i32
    %scan3A_74 = arith.constant 28 : i32
    %scan3A_75 = arith.addi %scan3A_73, %scan3A_74 : i32
    %scan3A_76 = arith.constant 1 : i32
    scf.for %scan3A_135 = %scan3A_73 to %scan3A_75 step %scan3A_76  : i32 {
      %mul3A_136 = arith.constant 4 : i32
      %mul3A_137 = arith.muli %scan3A_135, %mul3A_136 : i32
      %add3A_138 = arith.constant 0 : i32
      %add3A_139 = arith.addi %mul3A_137, %add3A_138 : i32
      %dma_wait3A_140 = arith.constant 0 : i32
      %dma_wait3A_141 = arith.constant 0 : i32
      %dma_wait3A_142 = tpu.memref_slice %arg2[%dma_wait3A_140, %dma_wait3A_141] : memref<10240x128xf32, #tpu.memory_space<hbm>> -> memref<10240x128xf32, #tpu.memory_space<hbm>>
      tpu.wait_indirect_dma semaphore(%arg28 : memref<!tpu.dma_semaphore, #tpu.memory_space<semaphore_mem>>) src(%dma_wait3A_142 : memref<10240x128xf32, #tpu.memory_space<hbm>>) dst(%arg16 : memref<88x128xf32, #tpu.memory_space<vmem>>)
      %add3A_143 = arith.constant 4 : i32
      %add3A_144 = arith.addi %add3A_139, %add3A_143 : i32
      %mul3A_145 = arith.constant 88 : i32
      %mul3A_146 = arith.muli %add3A_144, %mul3A_145 : i32
      %add3A_147 = arith.addi %multiple_of3A, %mul3A_146 : i32
      %dma_start3A_148 = tpu.memref_slice %arg3[%add3A_147] : memref<326656xi32, #tpu.memory_space<hbm>> -> memref<88xi32, #tpu.memory_space<hbm>>
      %dma_start3A_149 = tpu.memref_slice %arg3[%add3A_147] : memref<326656xi32, #tpu.memory_space<hbm>> -> memref<88xi32, #tpu.memory_space<hbm>>
      tpu.enqueue_dma source(%dma_start3A_149 : memref<88xi32, #tpu.memory_space<hbm>>) target(%arg8 : memref<88xi32, #tpu.memory_space<vmem>>) target_semaphore(%arg20 : memref<!tpu.dma_semaphore, #tpu.memory_space<semaphore_mem>>)
      %mul3A_150 = arith.constant 88 : i32
      %mul3A_151 = arith.muli %add3A_139, %mul3A_150 : i32
      %add3A_152 = arith.addi %multiple_of3A, %mul3A_151 : i32
      %dma_wait3A_153 = tpu.memref_slice %arg4[%add3A_152] : memref<326656xi32, #tpu.memory_space<hbm>> -> memref<88xi32, #tpu.memory_space<hbm>>
      %dma_wait3A_154 = tpu.memref_slice %arg4[%add3A_152] : memref<326656xi32, #tpu.memory_space<hbm>> -> memref<88xi32, #tpu.memory_space<hbm>>
      tpu.wait_dma2 semaphore(%arg24 : memref<!tpu.dma_semaphore, #tpu.memory_space<semaphore_mem>>) src(%dma_wait3A_154 : memref<88xi32, #tpu.memory_space<hbm>>) dst(%arg12 : memref<88xi32, #tpu.memory_space<vmem>>)
      %dma_start3A_155 = arith.constant 0 : i32
      %dma_start3A_156 = arith.constant 0 : i32
      %dma_start3A_157 = tpu.memref_slice %arg7[%dma_start3A_155, %dma_start3A_156] : memref<10240x128xf32, #tpu.memory_space<vmem_shared>> -> memref<10240x128xf32, #tpu.memory_space<vmem_shared>>
      tpu.enqueue_indirect_dma source(%arg16 : memref<88x128xf32, #tpu.memory_space<vmem>>) target(%dma_start3A_157 : memref<10240x128xf32, #tpu.memory_space<vmem_shared>>) offsets(%arg12 : memref<88xi32, #tpu.memory_space<vmem>>) semaphore(%arg32 : memref<!tpu.dma_semaphore, #tpu.memory_space<semaphore_mem>>) {add = true}
      %dma_wait3A_158 = arith.constant 0 : i32
      %dma_wait3A_159 = arith.constant 0 : i32
      %dma_wait3A_160 = tpu.memref_slice %arg7[%dma_wait3A_158, %dma_wait3A_159] : memref<10240x128xf32, #tpu.memory_space<vmem_shared>> -> memref<10240x128xf32, #tpu.memory_space<vmem_shared>>
      tpu.wait_indirect_dma semaphore(%arg32 : memref<!tpu.dma_semaphore, #tpu.memory_space<semaphore_mem>>) src(%arg16 : memref<88x128xf32, #tpu.memory_space<vmem>>) dst(%dma_wait3A_160 : memref<10240x128xf32, #tpu.memory_space<vmem_shared>>)
      %add3A_161 = arith.constant 4 : i32
      %add3A_162 = arith.addi %add3A_139, %add3A_161 : i32
      %mul3A_163 = arith.constant 88 : i32
      %mul3A_164 = arith.muli %add3A_162, %mul3A_163 : i32
      %add3A_165 = arith.addi %multiple_of3A, %mul3A_164 : i32
      %dma_start3A_166 = tpu.memref_slice %arg4[%add3A_165] : memref<326656xi32, #tpu.memory_space<hbm>> -> memref<88xi32, #tpu.memory_space<hbm>>
      %dma_start3A_167 = tpu.memref_slice %arg4[%add3A_165] : memref<326656xi32, #tpu.memory_space<hbm>> -> memref<88xi32, #tpu.memory_space<hbm>>
      tpu.enqueue_dma source(%dma_start3A_167 : memref<88xi32, #tpu.memory_space<hbm>>) target(%arg12 : memref<88xi32, #tpu.memory_space<vmem>>) target_semaphore(%arg24 : memref<!tpu.dma_semaphore, #tpu.memory_space<semaphore_mem>>)
      %add3A_168 = arith.constant 4 : i32
      %add3A_169 = arith.addi %add3A_139, %add3A_168 : i32
      %mul3A_170 = arith.constant 88 : i32
      %mul3A_171 = arith.muli %add3A_169, %mul3A_170 : i32
      %add3A_172 = arith.addi %multiple_of3A, %mul3A_171 : i32
      %dma_wait3A_173 = tpu.memref_slice %arg3[%add3A_172] : memref<326656xi32, #tpu.memory_space<hbm>> -> memref<88xi32, #tpu.memory_space<hbm>>
      %dma_wait3A_174 = tpu.memref_slice %arg3[%add3A_172] : memref<326656xi32, #tpu.memory_space<hbm>> -> memref<88xi32, #tpu.memory_space<hbm>>
      tpu.wait_dma2 semaphore(%arg20 : memref<!tpu.dma_semaphore, #tpu.memory_space<semaphore_mem>>) src(%dma_wait3A_174 : memref<88xi32, #tpu.memory_space<hbm>>) dst(%arg8 : memref<88xi32, #tpu.memory_space<vmem>>)
      %dma_start3A_175 = arith.constant 0 : i32
      %dma_start3A_176 = arith.constant 0 : i32
      %dma_start3A_177 = tpu.memref_slice %arg2[%dma_start3A_175, %dma_start3A_176] : memref<10240x128xf32, #tpu.memory_space<hbm>> -> memref<10240x128xf32, #tpu.memory_space<hbm>>
      tpu.enqueue_indirect_dma source(%dma_start3A_177 : memref<10240x128xf32, #tpu.memory_space<hbm>>) target(%arg16 : memref<88x128xf32, #tpu.memory_space<vmem>>) offsets(%arg8 : memref<88xi32, #tpu.memory_space<vmem>>) semaphore(%arg28 : memref<!tpu.dma_semaphore, #tpu.memory_space<semaphore_mem>>)
      %mul3A_178 = arith.constant 4 : i32
      %mul3A_179 = arith.muli %scan3A_135, %mul3A_178 : i32
      %add3A_180 = arith.constant 1 : i32
      %add3A_181 = arith.addi %mul3A_179, %add3A_180 : i32
      %dma_wait3A_182 = arith.constant 0 : i32
      %dma_wait3A_183 = arith.constant 0 : i32
      %dma_wait3A_184 = tpu.memref_slice %arg2[%dma_wait3A_182, %dma_wait3A_183] : memref<10240x128xf32, #tpu.memory_space<hbm>> -> memref<10240x128xf32, #tpu.memory_space<hbm>>
      tpu.wait_indirect_dma semaphore(%arg29 : memref<!tpu.dma_semaphore, #tpu.memory_space<semaphore_mem>>) src(%dma_wait3A_184 : memref<10240x128xf32, #tpu.memory_space<hbm>>) dst(%arg17 : memref<88x128xf32, #tpu.memory_space<vmem>>)
      %add3A_185 = arith.constant 4 : i32
      %add3A_186 = arith.addi %add3A_181, %add3A_185 : i32
      %mul3A_187 = arith.constant 88 : i32
      %mul3A_188 = arith.muli %add3A_186, %mul3A_187 : i32
      %add3A_189 = arith.addi %multiple_of3A, %mul3A_188 : i32
      %dma_start3A_190 = tpu.memref_slice %arg3[%add3A_189] : memref<326656xi32, #tpu.memory_space<hbm>> -> memref<88xi32, #tpu.memory_space<hbm>>
      %dma_start3A_191 = tpu.memref_slice %arg3[%add3A_189] : memref<326656xi32, #tpu.memory_space<hbm>> -> memref<88xi32, #tpu.memory_space<hbm>>
      tpu.enqueue_dma source(%dma_start3A_191 : memref<88xi32, #tpu.memory_space<hbm>>) target(%arg9 : memref<88xi32, #tpu.memory_space<vmem>>) target_semaphore(%arg21 : memref<!tpu.dma_semaphore, #tpu.memory_space<semaphore_mem>>)
      %mul3A_192 = arith.constant 88 : i32
      %mul3A_193 = arith.muli %add3A_181, %mul3A_192 : i32
      %add3A_194 = arith.addi %multiple_of3A, %mul3A_193 : i32
      %dma_wait3A_195 = tpu.memref_slice %arg4[%add3A_194] : memref<326656xi32, #tpu.memory_space<hbm>> -> memref<88xi32, #tpu.memory_space<hbm>>
      %dma_wait3A_196 = tpu.memref_slice %arg4[%add3A_194] : memref<326656xi32, #tpu.memory_space<hbm>> -> memref<88xi32, #tpu.memory_space<hbm>>
      tpu.wait_dma2 semaphore(%arg25 : memref<!tpu.dma_semaphore, #tpu.memory_space<semaphore_mem>>) src(%dma_wait3A_196 : memref<88xi32, #tpu.memory_space<hbm>>) dst(%arg13 : memref<88xi32, #tpu.memory_space<vmem>>)
      %dma_start3A_197 = arith.constant 0 : i32
      %dma_start3A_198 = arith.constant 0 : i32
      %dma_start3A_199 = tpu.memref_slice %arg7[%dma_start3A_197, %dma_start3A_198] : memref<10240x128xf32, #tpu.memory_space<vmem_shared>> -> memref<10240x128xf32, #tpu.memory_space<vmem_shared>>
      tpu.enqueue_indirect_dma source(%arg17 : memref<88x128xf32, #tpu.memory_space<vmem>>) target(%dma_start3A_199 : memref<10240x128xf32, #tpu.memory_space<vmem_shared>>) offsets(%arg13 : memref<88xi32, #tpu.memory_space<vmem>>) semaphore(%arg33 : memref<!tpu.dma_semaphore, #tpu.memory_space<semaphore_mem>>) {add = true}
      %dma_wait3A_200 = arith.constant 0 : i32
      %dma_wait3A_201 = arith.constant 0 : i32
      %dma_wait3A_202 = tpu.memref_slice %arg7[%dma_wait3A_200, %dma_wait3A_201] : memref<10240x128xf32, #tpu.memory_space<vmem_shared>> -> memref<10240x128xf32, #tpu.memory_space<vmem_shared>>
      tpu.wait_indirect_dma semaphore(%arg33 : memref<!tpu.dma_semaphore, #tpu.memory_space<semaphore_mem>>) src(%arg17 : memref<88x128xf32, #tpu.memory_space<vmem>>) dst(%dma_wait3A_202 : memref<10240x128xf32, #tpu.memory_space<vmem_shared>>)
      %add3A_203 = arith.constant 4 : i32
      %add3A_204 = arith.addi %add3A_181, %add3A_203 : i32
      %mul3A_205 = arith.constant 88 : i32
      %mul3A_206 = arith.muli %add3A_204, %mul3A_205 : i32
      %add3A_207 = arith.addi %multiple_of3A, %mul3A_206 : i32
      %dma_start3A_208 = tpu.memref_slice %arg4[%add3A_207] : memref<326656xi32, #tpu.memory_space<hbm>> -> memref<88xi32, #tpu.memory_space<hbm>>
      %dma_start3A_209 = tpu.memref_slice %arg4[%add3A_207] : memref<326656xi32, #tpu.memory_space<hbm>> -> memref<88xi32, #tpu.memory_space<hbm>>
      tpu.enqueue_dma source(%dma_start3A_209 : memref<88xi32, #tpu.memory_space<hbm>>) target(%arg13 : memref<88xi32, #tpu.memory_space<vmem>>) target_semaphore(%arg25 : memref<!tpu.dma_semaphore, #tpu.memory_space<semaphore_mem>>)
      %add3A_210 = arith.constant 4 : i32
      %add3A_211 = arith.addi %add3A_181, %add3A_210 : i32
      %mul3A_212 = arith.constant 88 : i32
      %mul3A_213 = arith.muli %add3A_211, %mul3A_212 : i32
      %add3A_214 = arith.addi %multiple_of3A, %mul3A_213 : i32
      %dma_wait3A_215 = tpu.memref_slice %arg3[%add3A_214] : memref<326656xi32, #tpu.memory_space<hbm>> -> memref<88xi32, #tpu.memory_space<hbm>>
      %dma_wait3A_216 = tpu.memref_slice %arg3[%add3A_214] : memref<326656xi32, #tpu.memory_space<hbm>> -> memref<88xi32, #tpu.memory_space<hbm>>
      tpu.wait_dma2 semaphore(%arg21 : memref<!tpu.dma_semaphore, #tpu.memory_space<semaphore_mem>>) src(%dma_wait3A_216 : memref<88xi32, #tpu.memory_space<hbm>>) dst(%arg9 : memref<88xi32, #tpu.memory_space<vmem>>)
      %dma_start3A_217 = arith.constant 0 : i32
      %dma_start3A_218 = arith.constant 0 : i32
      %dma_start3A_219 = tpu.memref_slice %arg2[%dma_start3A_217, %dma_start3A_218] : memref<10240x128xf32, #tpu.memory_space<hbm>> -> memref<10240x128xf32, #tpu.memory_space<hbm>>
      tpu.enqueue_indirect_dma source(%dma_start3A_219 : memref<10240x128xf32, #tpu.memory_space<hbm>>) target(%arg17 : memref<88x128xf32, #tpu.memory_space<vmem>>) offsets(%arg9 : memref<88xi32, #tpu.memory_space<vmem>>) semaphore(%arg29 : memref<!tpu.dma_semaphore, #tpu.memory_space<semaphore_mem>>)
      %mul3A_220 = arith.constant 4 : i32
      %mul3A_221 = arith.muli %scan3A_135, %mul3A_220 : i32
      %add3A_222 = arith.constant 2 : i32
      %add3A_223 = arith.addi %mul3A_221, %add3A_222 : i32
      %dma_wait3A_224 = arith.constant 0 : i32
      %dma_wait3A_225 = arith.constant 0 : i32
      %dma_wait3A_226 = tpu.memref_slice %arg2[%dma_wait3A_224, %dma_wait3A_225] : memref<10240x128xf32, #tpu.memory_space<hbm>> -> memref<10240x128xf32, #tpu.memory_space<hbm>>
      tpu.wait_indirect_dma semaphore(%arg30 : memref<!tpu.dma_semaphore, #tpu.memory_space<semaphore_mem>>) src(%dma_wait3A_226 : memref<10240x128xf32, #tpu.memory_space<hbm>>) dst(%arg18 : memref<88x128xf32, #tpu.memory_space<vmem>>)
      %add3A_227 = arith.constant 4 : i32
      %add3A_228 = arith.addi %add3A_223, %add3A_227 : i32
      %mul3A_229 = arith.constant 88 : i32
      %mul3A_230 = arith.muli %add3A_228, %mul3A_229 : i32
      %add3A_231 = arith.addi %multiple_of3A, %mul3A_230 : i32
      %dma_start3A_232 = tpu.memref_slice %arg3[%add3A_231] : memref<326656xi32, #tpu.memory_space<hbm>> -> memref<88xi32, #tpu.memory_space<hbm>>
      %dma_start3A_233 = tpu.memref_slice %arg3[%add3A_231] : memref<326656xi32, #tpu.memory_space<hbm>> -> memref<88xi32, #tpu.memory_space<hbm>>
      tpu.enqueue_dma source(%dma_start3A_233 : memref<88xi32, #tpu.memory_space<hbm>>) target(%arg10 : memref<88xi32, #tpu.memory_space<vmem>>) target_semaphore(%arg22 : memref<!tpu.dma_semaphore, #tpu.memory_space<semaphore_mem>>)
      %mul3A_234 = arith.constant 88 : i32
      %mul3A_235 = arith.muli %add3A_223, %mul3A_234 : i32
      %add3A_236 = arith.addi %multiple_of3A, %mul3A_235 : i32
      %dma_wait3A_237 = tpu.memref_slice %arg4[%add3A_236] : memref<326656xi32, #tpu.memory_space<hbm>> -> memref<88xi32, #tpu.memory_space<hbm>>
      %dma_wait3A_238 = tpu.memref_slice %arg4[%add3A_236] : memref<326656xi32, #tpu.memory_space<hbm>> -> memref<88xi32, #tpu.memory_space<hbm>>
      tpu.wait_dma2 semaphore(%arg26 : memref<!tpu.dma_semaphore, #tpu.memory_space<semaphore_mem>>) src(%dma_wait3A_238 : memref<88xi32, #tpu.memory_space<hbm>>) dst(%arg14 : memref<88xi32, #tpu.memory_space<vmem>>)
      %dma_start3A_239 = arith.constant 0 : i32
      %dma_start3A_240 = arith.constant 0 : i32
      %dma_start3A_241 = tpu.memref_slice %arg7[%dma_start3A_239, %dma_start3A_240] : memref<10240x128xf32, #tpu.memory_space<vmem_shared>> -> memref<10240x128xf32, #tpu.memory_space<vmem_shared>>
      tpu.enqueue_indirect_dma source(%arg18 : memref<88x128xf32, #tpu.memory_space<vmem>>) target(%dma_start3A_241 : memref<10240x128xf32, #tpu.memory_space<vmem_shared>>) offsets(%arg14 : memref<88xi32, #tpu.memory_space<vmem>>) semaphore(%arg34 : memref<!tpu.dma_semaphore, #tpu.memory_space<semaphore_mem>>) {add = true}
      %dma_wait3A_242 = arith.constant 0 : i32
      %dma_wait3A_243 = arith.constant 0 : i32
      %dma_wait3A_244 = tpu.memref_slice %arg7[%dma_wait3A_242, %dma_wait3A_243] : memref<10240x128xf32, #tpu.memory_space<vmem_shared>> -> memref<10240x128xf32, #tpu.memory_space<vmem_shared>>
      tpu.wait_indirect_dma semaphore(%arg34 : memref<!tpu.dma_semaphore, #tpu.memory_space<semaphore_mem>>) src(%arg18 : memref<88x128xf32, #tpu.memory_space<vmem>>) dst(%dma_wait3A_244 : memref<10240x128xf32, #tpu.memory_space<vmem_shared>>)
      %add3A_245 = arith.constant 4 : i32
      %add3A_246 = arith.addi %add3A_223, %add3A_245 : i32
      %mul3A_247 = arith.constant 88 : i32
      %mul3A_248 = arith.muli %add3A_246, %mul3A_247 : i32
      %add3A_249 = arith.addi %multiple_of3A, %mul3A_248 : i32
      %dma_start3A_250 = tpu.memref_slice %arg4[%add3A_249] : memref<326656xi32, #tpu.memory_space<hbm>> -> memref<88xi32, #tpu.memory_space<hbm>>
      %dma_start3A_251 = tpu.memref_slice %arg4[%add3A_249] : memref<326656xi32, #tpu.memory_space<hbm>> -> memref<88xi32, #tpu.memory_space<hbm>>
      tpu.enqueue_dma source(%dma_start3A_251 : memref<88xi32, #tpu.memory_space<hbm>>) target(%arg14 : memref<88xi32, #tpu.memory_space<vmem>>) target_semaphore(%arg26 : memref<!tpu.dma_semaphore, #tpu.memory_space<semaphore_mem>>)
      %add3A_252 = arith.constant 4 : i32
      %add3A_253 = arith.addi %add3A_223, %add3A_252 : i32
      %mul3A_254 = arith.constant 88 : i32
      %mul3A_255 = arith.muli %add3A_253, %mul3A_254 : i32
      %add3A_256 = arith.addi %multiple_of3A, %mul3A_255 : i32
      %dma_wait3A_257 = tpu.memref_slice %arg3[%add3A_256] : memref<326656xi32, #tpu.memory_space<hbm>> -> memref<88xi32, #tpu.memory_space<hbm>>
      %dma_wait3A_258 = tpu.memref_slice %arg3[%add3A_256] : memref<326656xi32, #tpu.memory_space<hbm>> -> memref<88xi32, #tpu.memory_space<hbm>>
      tpu.wait_dma2 semaphore(%arg22 : memref<!tpu.dma_semaphore, #tpu.memory_space<semaphore_mem>>) src(%dma_wait3A_258 : memref<88xi32, #tpu.memory_space<hbm>>) dst(%arg10 : memref<88xi32, #tpu.memory_space<vmem>>)
      %dma_start3A_259 = arith.constant 0 : i32
      %dma_start3A_260 = arith.constant 0 : i32
      %dma_start3A_261 = tpu.memref_slice %arg2[%dma_start3A_259, %dma_start3A_260] : memref<10240x128xf32, #tpu.memory_space<hbm>> -> memref<10240x128xf32, #tpu.memory_space<hbm>>
      tpu.enqueue_indirect_dma source(%dma_start3A_261 : memref<10240x128xf32, #tpu.memory_space<hbm>>) target(%arg18 : memref<88x128xf32, #tpu.memory_space<vmem>>) offsets(%arg10 : memref<88xi32, #tpu.memory_space<vmem>>) semaphore(%arg30 : memref<!tpu.dma_semaphore, #tpu.memory_space<semaphore_mem>>)
      %mul3A_262 = arith.constant 4 : i32
      %mul3A_263 = arith.muli %scan3A_135, %mul3A_262 : i32
      %add3A_264 = arith.constant 3 : i32
      %add3A_265 = arith.addi %mul3A_263, %add3A_264 : i32
      %dma_wait3A_266 = arith.constant 0 : i32
      %dma_wait3A_267 = arith.constant 0 : i32
      %dma_wait3A_268 = tpu.memref_slice %arg2[%dma_wait3A_266, %dma_wait3A_267] : memref<10240x128xf32, #tpu.memory_space<hbm>> -> memref<10240x128xf32, #tpu.memory_space<hbm>>
      tpu.wait_indirect_dma semaphore(%arg31 : memref<!tpu.dma_semaphore, #tpu.memory_space<semaphore_mem>>) src(%dma_wait3A_268 : memref<10240x128xf32, #tpu.memory_space<hbm>>) dst(%arg19 : memref<88x128xf32, #tpu.memory_space<vmem>>)
      %add3A_269 = arith.constant 4 : i32
      %add3A_270 = arith.addi %add3A_265, %add3A_269 : i32
      %mul3A_271 = arith.constant 88 : i32
      %mul3A_272 = arith.muli %add3A_270, %mul3A_271 : i32
      %add3A_273 = arith.addi %multiple_of3A, %mul3A_272 : i32
      %dma_start3A_274 = tpu.memref_slice %arg3[%add3A_273] : memref<326656xi32, #tpu.memory_space<hbm>> -> memref<88xi32, #tpu.memory_space<hbm>>
      %dma_start3A_275 = tpu.memref_slice %arg3[%add3A_273] : memref<326656xi32, #tpu.memory_space<hbm>> -> memref<88xi32, #tpu.memory_space<hbm>>
      tpu.enqueue_dma source(%dma_start3A_275 : memref<88xi32, #tpu.memory_space<hbm>>) target(%arg11 : memref<88xi32, #tpu.memory_space<vmem>>) target_semaphore(%arg23 : memref<!tpu.dma_semaphore, #tpu.memory_space<semaphore_mem>>)
      %mul3A_276 = arith.constant 88 : i32
      %mul3A_277 = arith.muli %add3A_265, %mul3A_276 : i32
      %add3A_278 = arith.addi %multiple_of3A, %mul3A_277 : i32
      %dma_wait3A_279 = tpu.memref_slice %arg4[%add3A_278] : memref<326656xi32, #tpu.memory_space<hbm>> -> memref<88xi32, #tpu.memory_space<hbm>>
      %dma_wait3A_280 = tpu.memref_slice %arg4[%add3A_278] : memref<326656xi32, #tpu.memory_space<hbm>> -> memref<88xi32, #tpu.memory_space<hbm>>
      tpu.wait_dma2 semaphore(%arg27 : memref<!tpu.dma_semaphore, #tpu.memory_space<semaphore_mem>>) src(%dma_wait3A_280 : memref<88xi32, #tpu.memory_space<hbm>>) dst(%arg15 : memref<88xi32, #tpu.memory_space<vmem>>)
      %dma_start3A_281 = arith.constant 0 : i32
      %dma_start3A_282 = arith.constant 0 : i32
      %dma_start3A_283 = tpu.memref_slice %arg7[%dma_start3A_281, %dma_start3A_282] : memref<10240x128xf32, #tpu.memory_space<vmem_shared>> -> memref<10240x128xf32, #tpu.memory_space<vmem_shared>>
      tpu.enqueue_indirect_dma source(%arg19 : memref<88x128xf32, #tpu.memory_space<vmem>>) target(%dma_start3A_283 : memref<10240x128xf32, #tpu.memory_space<vmem_shared>>) offsets(%arg15 : memref<88xi32, #tpu.memory_space<vmem>>) semaphore(%arg35 : memref<!tpu.dma_semaphore, #tpu.memory_space<semaphore_mem>>) {add = true}
      %dma_wait3A_284 = arith.constant 0 : i32
      %dma_wait3A_285 = arith.constant 0 : i32
      %dma_wait3A_286 = tpu.memref_slice %arg7[%dma_wait3A_284, %dma_wait3A_285] : memref<10240x128xf32, #tpu.memory_space<vmem_shared>> -> memref<10240x128xf32, #tpu.memory_space<vmem_shared>>
      tpu.wait_indirect_dma semaphore(%arg35 : memref<!tpu.dma_semaphore, #tpu.memory_space<semaphore_mem>>) src(%arg19 : memref<88x128xf32, #tpu.memory_space<vmem>>) dst(%dma_wait3A_286 : memref<10240x128xf32, #tpu.memory_space<vmem_shared>>)
      %add3A_287 = arith.constant 4 : i32
      %add3A_288 = arith.addi %add3A_265, %add3A_287 : i32
      %mul3A_289 = arith.constant 88 : i32
      %mul3A_290 = arith.muli %add3A_288, %mul3A_289 : i32
      %add3A_291 = arith.addi %multiple_of3A, %mul3A_290 : i32
      %dma_start3A_292 = tpu.memref_slice %arg4[%add3A_291] : memref<326656xi32, #tpu.memory_space<hbm>> -> memref<88xi32, #tpu.memory_space<hbm>>
      %dma_start3A_293 = tpu.memref_slice %arg4[%add3A_291] : memref<326656xi32, #tpu.memory_space<hbm>> -> memref<88xi32, #tpu.memory_space<hbm>>
      tpu.enqueue_dma source(%dma_start3A_293 : memref<88xi32, #tpu.memory_space<hbm>>) target(%arg15 : memref<88xi32, #tpu.memory_space<vmem>>) target_semaphore(%arg27 : memref<!tpu.dma_semaphore, #tpu.memory_space<semaphore_mem>>)
      %add3A_294 = arith.constant 4 : i32
      %add3A_295 = arith.addi %add3A_265, %add3A_294 : i32
      %mul3A_296 = arith.constant 88 : i32
      %mul3A_297 = arith.muli %add3A_295, %mul3A_296 : i32
      %add3A_298 = arith.addi %multiple_of3A, %mul3A_297 : i32
      %dma_wait3A_299 = tpu.memref_slice %arg3[%add3A_298] : memref<326656xi32, #tpu.memory_space<hbm>> -> memref<88xi32, #tpu.memory_space<hbm>>
      %dma_wait3A_300 = tpu.memref_slice %arg3[%add3A_298] : memref<326656xi32, #tpu.memory_space<hbm>> -> memref<88xi32, #tpu.memory_space<hbm>>
      tpu.wait_dma2 semaphore(%arg23 : memref<!tpu.dma_semaphore, #tpu.memory_space<semaphore_mem>>) src(%dma_wait3A_300 : memref<88xi32, #tpu.memory_space<hbm>>) dst(%arg11 : memref<88xi32, #tpu.memory_space<vmem>>)
      %dma_start3A_301 = arith.constant 0 : i32
      %dma_start3A_302 = arith.constant 0 : i32
      %dma_start3A_303 = tpu.memref_slice %arg2[%dma_start3A_301, %dma_start3A_302] : memref<10240x128xf32, #tpu.memory_space<hbm>> -> memref<10240x128xf32, #tpu.memory_space<hbm>>
      tpu.enqueue_indirect_dma source(%dma_start3A_303 : memref<10240x128xf32, #tpu.memory_space<hbm>>) target(%arg19 : memref<88x128xf32, #tpu.memory_space<vmem>>) offsets(%arg11 : memref<88xi32, #tpu.memory_space<vmem>>) semaphore(%arg31 : memref<!tpu.dma_semaphore, #tpu.memory_space<semaphore_mem>>)
    }
    %scan3A_77 = arith.constant 28 : i32
    %dma_wait3A_78 = arith.constant 0 : i32
    %dma_wait3A_79 = arith.constant 0 : i32
    %dma_wait3A_80 = tpu.memref_slice %arg2[%dma_wait3A_78, %dma_wait3A_79] : memref<10240x128xf32, #tpu.memory_space<hbm>> -> memref<10240x128xf32, #tpu.memory_space<hbm>>
    tpu.wait_indirect_dma semaphore(%arg28 : memref<!tpu.dma_semaphore, #tpu.memory_space<semaphore_mem>>) src(%dma_wait3A_80 : memref<10240x128xf32, #tpu.memory_space<hbm>>) dst(%arg16 : memref<88x128xf32, #tpu.memory_space<vmem>>)
    %add3A_81 = arith.constant 9856 : i32
    %add3A_82 = arith.addi %multiple_of3A, %add3A_81 : i32
    %dma_wait3A_83 = tpu.memref_slice %arg4[%add3A_82] : memref<326656xi32, #tpu.memory_space<hbm>> -> memref<88xi32, #tpu.memory_space<hbm>>
    %dma_wait3A_84 = tpu.memref_slice %arg4[%add3A_82] : memref<326656xi32, #tpu.memory_space<hbm>> -> memref<88xi32, #tpu.memory_space<hbm>>
    tpu.wait_dma2 semaphore(%arg24 : memref<!tpu.dma_semaphore, #tpu.memory_space<semaphore_mem>>) src(%dma_wait3A_84 : memref<88xi32, #tpu.memory_space<hbm>>) dst(%arg12 : memref<88xi32, #tpu.memory_space<vmem>>)
    %dma_start3A_85 = arith.constant 0 : i32
    %dma_start3A_86 = arith.constant 0 : i32
    %dma_start3A_87 = tpu.memref_slice %arg7[%dma_start3A_85, %dma_start3A_86] : memref<10240x128xf32, #tpu.memory_space<vmem_shared>> -> memref<10240x128xf32, #tpu.memory_space<vmem_shared>>
    tpu.enqueue_indirect_dma source(%arg16 : memref<88x128xf32, #tpu.memory_space<vmem>>) target(%dma_start3A_87 : memref<10240x128xf32, #tpu.memory_space<vmem_shared>>) offsets(%arg12 : memref<88xi32, #tpu.memory_space<vmem>>) semaphore(%arg32 : memref<!tpu.dma_semaphore, #tpu.memory_space<semaphore_mem>>) {add = true}
    %dma_wait3A_88 = arith.constant 0 : i32
    %dma_wait3A_89 = arith.constant 0 : i32
    %dma_wait3A_90 = tpu.memref_slice %arg2[%dma_wait3A_88, %dma_wait3A_89] : memref<10240x128xf32, #tpu.memory_space<hbm>> -> memref<10240x128xf32, #tpu.memory_space<hbm>>
    tpu.wait_indirect_dma semaphore(%arg29 : memref<!tpu.dma_semaphore, #tpu.memory_space<semaphore_mem>>) src(%dma_wait3A_90 : memref<10240x128xf32, #tpu.memory_space<hbm>>) dst(%arg17 : memref<88x128xf32, #tpu.memory_space<vmem>>)
    %add3A_91 = arith.constant 9944 : i32
    %add3A_92 = arith.addi %multiple_of3A, %add3A_91 : i32
    %dma_wait3A_93 = tpu.memref_slice %arg4[%add3A_92] : memref<326656xi32, #tpu.memory_space<hbm>> -> memref<88xi32, #tpu.memory_space<hbm>>
    %dma_wait3A_94 = tpu.memref_slice %arg4[%add3A_92] : memref<326656xi32, #tpu.memory_space<hbm>> -> memref<88xi32, #tpu.memory_space<hbm>>
    tpu.wait_dma2 semaphore(%arg25 : memref<!tpu.dma_semaphore, #tpu.memory_space<semaphore_mem>>) src(%dma_wait3A_94 : memref<88xi32, #tpu.memory_space<hbm>>) dst(%arg13 : memref<88xi32, #tpu.memory_space<vmem>>)
    %dma_start3A_95 = arith.constant 0 : i32
    %dma_start3A_96 = arith.constant 0 : i32
    %dma_start3A_97 = tpu.memref_slice %arg7[%dma_start3A_95, %dma_start3A_96] : memref<10240x128xf32, #tpu.memory_space<vmem_shared>> -> memref<10240x128xf32, #tpu.memory_space<vmem_shared>>
    tpu.enqueue_indirect_dma source(%arg17 : memref<88x128xf32, #tpu.memory_space<vmem>>) target(%dma_start3A_97 : memref<10240x128xf32, #tpu.memory_space<vmem_shared>>) offsets(%arg13 : memref<88xi32, #tpu.memory_space<vmem>>) semaphore(%arg33 : memref<!tpu.dma_semaphore, #tpu.memory_space<semaphore_mem>>) {add = true}
    %dma_wait3A_98 = arith.constant 0 : i32
    %dma_wait3A_99 = arith.constant 0 : i32
    %dma_wait3A_100 = tpu.memref_slice %arg2[%dma_wait3A_98, %dma_wait3A_99] : memref<10240x128xf32, #tpu.memory_space<hbm>> -> memref<10240x128xf32, #tpu.memory_space<hbm>>
    tpu.wait_indirect_dma semaphore(%arg30 : memref<!tpu.dma_semaphore, #tpu.memory_space<semaphore_mem>>) src(%dma_wait3A_100 : memref<10240x128xf32, #tpu.memory_space<hbm>>) dst(%arg18 : memref<88x128xf32, #tpu.memory_space<vmem>>)
    %add3A_101 = arith.constant 10032 : i32
    %add3A_102 = arith.addi %multiple_of3A, %add3A_101 : i32
    %dma_wait3A_103 = tpu.memref_slice %arg4[%add3A_102] : memref<326656xi32, #tpu.memory_space<hbm>> -> memref<88xi32, #tpu.memory_space<hbm>>
    %dma_wait3A_104 = tpu.memref_slice %arg4[%add3A_102] : memref<326656xi32, #tpu.memory_space<hbm>> -> memref<88xi32, #tpu.memory_space<hbm>>
    tpu.wait_dma2 semaphore(%arg26 : memref<!tpu.dma_semaphore, #tpu.memory_space<semaphore_mem>>) src(%dma_wait3A_104 : memref<88xi32, #tpu.memory_space<hbm>>) dst(%arg14 : memref<88xi32, #tpu.memory_space<vmem>>)
    %dma_start3A_105 = arith.constant 0 : i32
    %dma_start3A_106 = arith.constant 0 : i32
    %dma_start3A_107 = tpu.memref_slice %arg7[%dma_start3A_105, %dma_start3A_106] : memref<10240x128xf32, #tpu.memory_space<vmem_shared>> -> memref<10240x128xf32, #tpu.memory_space<vmem_shared>>
    tpu.enqueue_indirect_dma source(%arg18 : memref<88x128xf32, #tpu.memory_space<vmem>>) target(%dma_start3A_107 : memref<10240x128xf32, #tpu.memory_space<vmem_shared>>) offsets(%arg14 : memref<88xi32, #tpu.memory_space<vmem>>) semaphore(%arg34 : memref<!tpu.dma_semaphore, #tpu.memory_space<semaphore_mem>>) {add = true}
    %dma_wait3A_108 = arith.constant 0 : i32
    %dma_wait3A_109 = arith.constant 0 : i32
    %dma_wait3A_110 = tpu.memref_slice %arg2[%dma_wait3A_108, %dma_wait3A_109] : memref<10240x128xf32, #tpu.memory_space<hbm>> -> memref<10240x128xf32, #tpu.memory_space<hbm>>
    tpu.wait_indirect_dma semaphore(%arg31 : memref<!tpu.dma_semaphore, #tpu.memory_space<semaphore_mem>>) src(%dma_wait3A_110 : memref<10240x128xf32, #tpu.memory_space<hbm>>) dst(%arg19 : memref<88x128xf32, #tpu.memory_space<vmem>>)
    %add3A_111 = arith.constant 10120 : i32
    %add3A_112 = arith.addi %multiple_of3A, %add3A_111 : i32
    %dma_wait3A_113 = tpu.memref_slice %arg4[%add3A_112] : memref<326656xi32, #tpu.memory_space<hbm>> -> memref<88xi32, #tpu.memory_space<hbm>>
    %dma_wait3A_114 = tpu.memref_slice %arg4[%add3A_112] : memref<326656xi32, #tpu.memory_space<hbm>> -> memref<88xi32, #tpu.memory_space<hbm>>
    tpu.wait_dma2 semaphore(%arg27 : memref<!tpu.dma_semaphore, #tpu.memory_space<semaphore_mem>>) src(%dma_wait3A_114 : memref<88xi32, #tpu.memory_space<hbm>>) dst(%arg15 : memref<88xi32, #tpu.memory_space<vmem>>)
    %dma_start3A_115 = arith.constant 0 : i32
    %dma_start3A_116 = arith.constant 0 : i32
    %dma_start3A_117 = tpu.memref_slice %arg7[%dma_start3A_115, %dma_start3A_116] : memref<10240x128xf32, #tpu.memory_space<vmem_shared>> -> memref<10240x128xf32, #tpu.memory_space<vmem_shared>>
    tpu.enqueue_indirect_dma source(%arg19 : memref<88x128xf32, #tpu.memory_space<vmem>>) target(%dma_start3A_117 : memref<10240x128xf32, #tpu.memory_space<vmem_shared>>) offsets(%arg15 : memref<88xi32, #tpu.memory_space<vmem>>) semaphore(%arg35 : memref<!tpu.dma_semaphore, #tpu.memory_space<semaphore_mem>>) {add = true}
    %dma_wait3A_118 = arith.constant 0 : i32
    %dma_wait3A_119 = arith.constant 0 : i32
    %dma_wait3A_120 = tpu.memref_slice %arg7[%dma_wait3A_118, %dma_wait3A_119] : memref<10240x128xf32, #tpu.memory_space<vmem_shared>> -> memref<10240x128xf32, #tpu.memory_space<vmem_shared>>
    tpu.wait_indirect_dma semaphore(%arg32 : memref<!tpu.dma_semaphore, #tpu.memory_space<semaphore_mem>>) src(%arg16 : memref<88x128xf32, #tpu.memory_space<vmem>>) dst(%dma_wait3A_120 : memref<10240x128xf32, #tpu.memory_space<vmem_shared>>)
    %dma_wait3A_121 = arith.constant 0 : i32
    %dma_wait3A_122 = arith.constant 0 : i32
    %dma_wait3A_123 = tpu.memref_slice %arg7[%dma_wait3A_121, %dma_wait3A_122] : memref<10240x128xf32, #tpu.memory_space<vmem_shared>> -> memref<10240x128xf32, #tpu.memory_space<vmem_shared>>
    tpu.wait_indirect_dma semaphore(%arg33 : memref<!tpu.dma_semaphore, #tpu.memory_space<semaphore_mem>>) src(%arg17 : memref<88x128xf32, #tpu.memory_space<vmem>>) dst(%dma_wait3A_123 : memref<10240x128xf32, #tpu.memory_space<vmem_shared>>)
    %dma_wait3A_124 = arith.constant 0 : i32
    %dma_wait3A_125 = arith.constant 0 : i32
    %dma_wait3A_126 = tpu.memref_slice %arg7[%dma_wait3A_124, %dma_wait3A_125] : memref<10240x128xf32, #tpu.memory_space<vmem_shared>> -> memref<10240x128xf32, #tpu.memory_space<vmem_shared>>
    tpu.wait_indirect_dma semaphore(%arg34 : memref<!tpu.dma_semaphore, #tpu.memory_space<semaphore_mem>>) src(%arg18 : memref<88x128xf32, #tpu.memory_space<vmem>>) dst(%dma_wait3A_126 : memref<10240x128xf32, #tpu.memory_space<vmem_shared>>)
    %dma_wait3A_127 = arith.constant 0 : i32
    %dma_wait3A_128 = arith.constant 0 : i32
    %dma_wait3A_129 = tpu.memref_slice %arg7[%dma_wait3A_127, %dma_wait3A_128] : memref<10240x128xf32, #tpu.memory_space<vmem_shared>> -> memref<10240x128xf32, #tpu.memory_space<vmem_shared>>
    tpu.wait_indirect_dma semaphore(%arg35 : memref<!tpu.dma_semaphore, #tpu.memory_space<semaphore_mem>>) src(%arg19 : memref<88x128xf32, #tpu.memory_space<vmem>>) dst(%dma_wait3A_129 : memref<10240x128xf32, #tpu.memory_space<vmem_shared>>)
    %barrier3A_130 = arith.constant 0 : index
    tpu.barrier barrier_id(%barrier3A_130)
    %mul3A_131 = arith.constant 10240 : i32
    %mul3A_132 = arith.muli %arg0, %mul3A_131 : i32
    %add3A_133 = arith.addi %mul3A_132, %mul3A_2 : i32
    %multiple_of3A_134 = tpu.assume_multiple %add3A_133, 8 : i32
    "tpu.region"() ({
      %run_scoped3A = tpu.sem_alloc : memref<!tpu.dma_semaphore, #tpu.memory_space<semaphore_mem>>
      %dma_start3A_135 = arith.constant 0 : i32
      %dma_start3A_136 = tpu.memref_slice %arg6[%multiple_of3A_134, %dma_start3A_135] : memref<20480x128xf32, #tpu.memory_space<hbm>> -> memref<640x128xf32, #tpu.memory_space<hbm>>
      %dma_start3A_137 = arith.constant 0 : i32
      %dma_start3A_138 = tpu.memref_slice %arg7[%mul3A_2, %dma_start3A_137] : memref<10240x128xf32, #tpu.memory_space<vmem_shared>> -> memref<640x128xf32, #tpu.memory_space<vmem_shared>>
      tpu.enqueue_dma source(%dma_start3A_138 : memref<640x128xf32, #tpu.memory_space<vmem_shared>>) target(%dma_start3A_136 : memref<640x128xf32, #tpu.memory_space<hbm>>) target_semaphore(%run_scoped3A : memref<!tpu.dma_semaphore, #tpu.memory_space<semaphore_mem>>)
      %dma_wait3A_139 = arith.constant 0 : i32
      %dma_wait3A_140 = tpu.memref_slice %arg6[%multiple_of3A_134, %dma_wait3A_139] : memref<20480x128xf32, #tpu.memory_space<hbm>> -> memref<640x128xf32, #tpu.memory_space<hbm>>
      %dma_wait3A_141 = arith.constant 0 : i32
      %dma_wait3A_142 = tpu.memref_slice %arg7[%mul3A_2, %dma_wait3A_141] : memref<10240x128xf32, #tpu.memory_space<vmem_shared>> -> memref<640x128xf32, #tpu.memory_space<vmem_shared>>
      tpu.wait_dma2 semaphore(%run_scoped3A : memref<!tpu.dma_semaphore, #tpu.memory_space<semaphore_mem>>) src(%dma_wait3A_142 : memref<640x128xf32, #tpu.memory_space<vmem_shared>>) dst(%dma_wait3A_140 : memref<640x128xf32, #tpu.memory_space<hbm>>)
      tpu.yield
    }) : () -> ()
    return
  }
}

#map = affine_map<(d0, d1) -> (0, 0)>
#map1 = affine_map<(d0, d1) -> (0)>
module attributes {stable_mosaic.version = 14 : i64} {
  func.func @_sc_phase_body(%arg0: i32, %arg1: i32, %arg2: memref<10240x128xf32, #tpu.memory_space<hbm>>, %arg3: memref<326656xi32, #tpu.memory_space<hbm>>, %arg4: memref<326656xi32, #tpu.memory_space<hbm>>, %arg5: memref<10240x128xf32, #tpu.memory_space<hbm>>, %arg6: memref<10240xf32, #tpu.memory_space<hbm>>, %arg7: memref<88xf32, #tpu.memory_space<hbm>>, %arg8: memref<20480x128xf32, #tpu.memory_space<hbm>>, %arg9: memref<20480xf32, #tpu.memory_space<hbm>>, %arg10: memref<10240x128xf32, #tpu.memory_space<vmem_shared>>, %arg11: memref<10240xf32, #tpu.memory_space<vmem_shared>>, %arg12: memref<88xi32, #tpu.memory_space<vmem>>, %arg13: memref<88xi32, #tpu.memory_space<vmem>>, %arg14: memref<88xi32, #tpu.memory_space<vmem>>, %arg15: memref<88xi32, #tpu.memory_space<vmem>>, %arg16: memref<88xi32, #tpu.memory_space<vmem>>, %arg17: memref<88xi32, #tpu.memory_space<vmem>>, %arg18: memref<88xi32, #tpu.memory_space<vmem>>, %arg19: memref<88xi32, #tpu.memory_space<vmem>>, %arg20: memref<88x128xf32, #tpu.memory_space<vmem>>, %arg21: memref<88x128xf32, #tpu.memory_space<vmem>>, %arg22: memref<88x128xf32, #tpu.memory_space<vmem>>, %arg23: memref<88x128xf32, #tpu.memory_space<vmem>>, %arg24: memref<88xf32, #tpu.memory_space<vmem>>, %arg25: memref<!tpu.dma_semaphore, #tpu.memory_space<semaphore_mem>>, %arg26: memref<!tpu.dma_semaphore, #tpu.memory_space<semaphore_mem>>, %arg27: memref<!tpu.dma_semaphore, #tpu.memory_space<semaphore_mem>>, %arg28: memref<!tpu.dma_semaphore, #tpu.memory_space<semaphore_mem>>, %arg29: memref<!tpu.dma_semaphore, #tpu.memory_space<semaphore_mem>>, %arg30: memref<!tpu.dma_semaphore, #tpu.memory_space<semaphore_mem>>, %arg31: memref<!tpu.dma_semaphore, #tpu.memory_space<semaphore_mem>>, %arg32: memref<!tpu.dma_semaphore, #tpu.memory_space<semaphore_mem>>, %arg33: memref<!tpu.dma_semaphore, #tpu.memory_space<semaphore_mem>>, %arg34: memref<!tpu.dma_semaphore, #tpu.memory_space<semaphore_mem>>, %arg35: memref<!tpu.dma_semaphore, #tpu.memory_space<semaphore_mem>>, %arg36: memref<!tpu.dma_semaphore, #tpu.memory_space<semaphore_mem>>, %arg37: memref<!tpu.dma_semaphore, #tpu.memory_space<semaphore_mem>>, %arg38: memref<!tpu.dma_semaphore, #tpu.memory_space<semaphore_mem>>, %arg39: memref<!tpu.dma_semaphore, #tpu.memory_space<semaphore_mem>>, %arg40: memref<!tpu.dma_semaphore, #tpu.memory_space<semaphore_mem>>, %arg41: memref<!tpu.dma_semaphore, #tpu.memory_space<semaphore_mem>>, %arg42: memref<!tpu.dma_semaphore, #tpu.memory_space<semaphore_mem>>, %arg43: memref<!tpu.dma_semaphore, #tpu.memory_space<semaphore_mem>>, %arg44: memref<!tpu.dma_semaphore, #tpu.memory_space<semaphore_mem>>) attributes {dimension_semantics = [#tpu.dimension_semantics<core_parallel>, #tpu.dimension_semantics<subcore_parallel>], iteration_bounds = array<i64: 2, 16>, scalar_prefetch = 0 : i64, scratch_operands = 35 : i64, tpu.core_type = #tpu.core_type<sc_vector_subcore>, window_params = [{transform_indices = #map}, {transform_indices = #map1}, {transform_indices = #map1}, {transform_indices = #map}, {transform_indices = #map1}, {transform_indices = #map1}, {transform_indices = #map}, {transform_indices = #map1}]} {
    %mul3A = arith.constant 2 : i32
    %mul3A_0 = arith.muli %arg1, %mul3A : i32
    %add3A = arith.addi %mul3A_0, %arg0 : i32
    %mul3A_1 = arith.constant 640 : i32
    %mul3A_2 = arith.muli %arg1, %mul3A_1 : i32
    %dma_start3A = arith.constant 0 : i32
    %dma_start3A_3 = tpu.memref_slice %arg10[%mul3A_2, %dma_start3A] : memref<10240x128xf32, #tpu.memory_space<vmem_shared>> -> memref<640x128xf32, #tpu.memory_space<vmem_shared>>
    %dma_start3A_4 = arith.constant 0 : i32
    %dma_start3A_5 = tpu.memref_slice %arg5[%mul3A_2, %dma_start3A_4] : memref<10240x128xf32, #tpu.memory_space<hbm>> -> memref<640x128xf32, #tpu.memory_space<hbm>>
    tpu.enqueue_dma source(%dma_start3A_5 : memref<640x128xf32, #tpu.memory_space<hbm>>) target(%dma_start3A_3 : memref<640x128xf32, #tpu.memory_space<vmem_shared>>) target_semaphore(%arg33 : memref<!tpu.dma_semaphore, #tpu.memory_space<semaphore_mem>>)
    %dma_start3A_6 = tpu.memref_slice %arg11[%mul3A_2] : memref<10240xf32, #tpu.memory_space<vmem_shared>> -> memref<640xf32, #tpu.memory_space<vmem_shared>>
    %dma_start3A_7 = tpu.memref_slice %arg6[%mul3A_2] : memref<10240xf32, #tpu.memory_space<hbm>> -> memref<640xf32, #tpu.memory_space<hbm>>
    tpu.enqueue_dma source(%dma_start3A_7 : memref<640xf32, #tpu.memory_space<hbm>>) target(%dma_start3A_6 : memref<640xf32, #tpu.memory_space<vmem_shared>>) target_semaphore(%arg34 : memref<!tpu.dma_semaphore, #tpu.memory_space<semaphore_mem>>)
    tpu.enqueue_dma source(%arg7 : memref<88xf32, #tpu.memory_space<hbm>>) target(%arg24 : memref<88xf32, #tpu.memory_space<vmem>>) target_semaphore(%arg35 : memref<!tpu.dma_semaphore, #tpu.memory_space<semaphore_mem>>)
    %mul3A_8 = arith.constant 116 : i32
    %mul3A_9 = arith.muli %add3A, %mul3A_8 : i32
    %mul3A_10 = arith.constant 88 : i32
    %mul3A_11 = arith.muli %mul3A_9, %mul3A_10 : i32
    %multiple_of3A = tpu.assume_multiple %mul3A_11, 8 : i32
    %add3A_12 = arith.constant 0 : i32
    %add3A_13 = arith.addi %multiple_of3A, %add3A_12 : i32
    %dma_start3A_14 = tpu.memref_slice %arg3[%add3A_13] : memref<326656xi32, #tpu.memory_space<hbm>> -> memref<88xi32, #tpu.memory_space<hbm>>
    %dma_start3A_15 = tpu.memref_slice %arg3[%add3A_13] : memref<326656xi32, #tpu.memory_space<hbm>> -> memref<88xi32, #tpu.memory_space<hbm>>
    tpu.enqueue_dma source(%dma_start3A_15 : memref<88xi32, #tpu.memory_space<hbm>>) target(%arg12 : memref<88xi32, #tpu.memory_space<vmem>>) target_semaphore(%arg25 : memref<!tpu.dma_semaphore, #tpu.memory_space<semaphore_mem>>)
    %add3A_16 = arith.constant 0 : i32
    %add3A_17 = arith.addi %multiple_of3A, %add3A_16 : i32
    %dma_start3A_18 = tpu.memref_slice %arg4[%add3A_17] : memref<326656xi32, #tpu.memory_space<hbm>> -> memref<88xi32, #tpu.memory_space<hbm>>
    %dma_start3A_19 = tpu.memref_slice %arg4[%add3A_17] : memref<326656xi32, #tpu.memory_space<hbm>> -> memref<88xi32, #tpu.memory_space<hbm>>
    tpu.enqueue_dma source(%dma_start3A_19 : memref<88xi32, #tpu.memory_space<hbm>>) target(%arg16 : memref<88xi32, #tpu.memory_space<vmem>>) target_semaphore(%arg29 : memref<!tpu.dma_semaphore, #tpu.memory_space<semaphore_mem>>)
    %add3A_20 = arith.constant 88 : i32
    %add3A_21 = arith.addi %multiple_of3A, %add3A_20 : i32
    %dma_start3A_22 = tpu.memref_slice %arg3[%add3A_21] : memref<326656xi32, #tpu.memory_space<hbm>> -> memref<88xi32, #tpu.memory_space<hbm>>
    %dma_start3A_23 = tpu.memref_slice %arg3[%add3A_21] : memref<326656xi32, #tpu.memory_space<hbm>> -> memref<88xi32, #tpu.memory_space<hbm>>
    tpu.enqueue_dma source(%dma_start3A_23 : memref<88xi32, #tpu.memory_space<hbm>>) target(%arg13 : memref<88xi32, #tpu.memory_space<vmem>>) target_semaphore(%arg26 : memref<!tpu.dma_semaphore, #tpu.memory_space<semaphore_mem>>)
    %add3A_24 = arith.constant 88 : i32
    %add3A_25 = arith.addi %multiple_of3A, %add3A_24 : i32
    %dma_start3A_26 = tpu.memref_slice %arg4[%add3A_25] : memref<326656xi32, #tpu.memory_space<hbm>> -> memref<88xi32, #tpu.memory_space<hbm>>
    %dma_start3A_27 = tpu.memref_slice %arg4[%add3A_25] : memref<326656xi32, #tpu.memory_space<hbm>> -> memref<88xi32, #tpu.memory_space<hbm>>
    tpu.enqueue_dma source(%dma_start3A_27 : memref<88xi32, #tpu.memory_space<hbm>>) target(%arg17 : memref<88xi32, #tpu.memory_space<vmem>>) target_semaphore(%arg30 : memref<!tpu.dma_semaphore, #tpu.memory_space<semaphore_mem>>)
    %add3A_28 = arith.constant 176 : i32
    %add3A_29 = arith.addi %multiple_of3A, %add3A_28 : i32
    %dma_start3A_30 = tpu.memref_slice %arg3[%add3A_29] : memref<326656xi32, #tpu.memory_space<hbm>> -> memref<88xi32, #tpu.memory_space<hbm>>
    %dma_start3A_31 = tpu.memref_slice %arg3[%add3A_29] : memref<326656xi32, #tpu.memory_space<hbm>> -> memref<88xi32, #tpu.memory_space<hbm>>
    tpu.enqueue_dma source(%dma_start3A_31 : memref<88xi32, #tpu.memory_space<hbm>>) target(%arg14 : memref<88xi32, #tpu.memory_space<vmem>>) target_semaphore(%arg27 : memref<!tpu.dma_semaphore, #tpu.memory_space<semaphore_mem>>)
    %add3A_32 = arith.constant 176 : i32
    %add3A_33 = arith.addi %multiple_of3A, %add3A_32 : i32
    %dma_start3A_34 = tpu.memref_slice %arg4[%add3A_33] : memref<326656xi32, #tpu.memory_space<hbm>> -> memref<88xi32, #tpu.memory_space<hbm>>
    %dma_start3A_35 = tpu.memref_slice %arg4[%add3A_33] : memref<326656xi32, #tpu.memory_space<hbm>> -> memref<88xi32, #tpu.memory_space<hbm>>
    tpu.enqueue_dma source(%dma_start3A_35 : memref<88xi32, #tpu.memory_space<hbm>>) target(%arg18 : memref<88xi32, #tpu.memory_space<vmem>>) target_semaphore(%arg31 : memref<!tpu.dma_semaphore, #tpu.memory_space<semaphore_mem>>)
    %add3A_36 = arith.constant 264 : i32
    %add3A_37 = arith.addi %multiple_of3A, %add3A_36 : i32
    %dma_start3A_38 = tpu.memref_slice %arg3[%add3A_37] : memref<326656xi32, #tpu.memory_space<hbm>> -> memref<88xi32, #tpu.memory_space<hbm>>
    %dma_start3A_39 = tpu.memref_slice %arg3[%add3A_37] : memref<326656xi32, #tpu.memory_space<hbm>> -> memref<88xi32, #tpu.memory_space<hbm>>
    tpu.enqueue_dma source(%dma_start3A_39 : memref<88xi32, #tpu.memory_space<hbm>>) target(%arg15 : memref<88xi32, #tpu.memory_space<vmem>>) target_semaphore(%arg28 : memref<!tpu.dma_semaphore, #tpu.memory_space<semaphore_mem>>)
    %add3A_40 = arith.constant 264 : i32
    %add3A_41 = arith.addi %multiple_of3A, %add3A_40 : i32
    %dma_start3A_42 = tpu.memref_slice %arg4[%add3A_41] : memref<326656xi32, #tpu.memory_space<hbm>> -> memref<88xi32, #tpu.memory_space<hbm>>
    %dma_start3A_43 = tpu.memref_slice %arg4[%add3A_41] : memref<326656xi32, #tpu.memory_space<hbm>> -> memref<88xi32, #tpu.memory_space<hbm>>
    tpu.enqueue_dma source(%dma_start3A_43 : memref<88xi32, #tpu.memory_space<hbm>>) target(%arg19 : memref<88xi32, #tpu.memory_space<vmem>>) target_semaphore(%arg32 : memref<!tpu.dma_semaphore, #tpu.memory_space<semaphore_mem>>)
    %dma_wait3A = arith.constant 0 : i32
    %dma_wait3A_44 = tpu.memref_slice %arg10[%mul3A_2, %dma_wait3A] : memref<10240x128xf32, #tpu.memory_space<vmem_shared>> -> memref<640x128xf32, #tpu.memory_space<vmem_shared>>
    %dma_wait3A_45 = arith.constant 0 : i32
    %dma_wait3A_46 = tpu.memref_slice %arg5[%mul3A_2, %dma_wait3A_45] : memref<10240x128xf32, #tpu.memory_space<hbm>> -> memref<640x128xf32, #tpu.memory_space<hbm>>
    tpu.wait_dma2 semaphore(%arg33 : memref<!tpu.dma_semaphore, #tpu.memory_space<semaphore_mem>>) src(%dma_wait3A_46 : memref<640x128xf32, #tpu.memory_space<hbm>>) dst(%dma_wait3A_44 : memref<640x128xf32, #tpu.memory_space<vmem_shared>>)
    %dma_wait3A_47 = tpu.memref_slice %arg11[%mul3A_2] : memref<10240xf32, #tpu.memory_space<vmem_shared>> -> memref<640xf32, #tpu.memory_space<vmem_shared>>
    %dma_wait3A_48 = tpu.memref_slice %arg6[%mul3A_2] : memref<10240xf32, #tpu.memory_space<hbm>> -> memref<640xf32, #tpu.memory_space<hbm>>
    tpu.wait_dma2 semaphore(%arg34 : memref<!tpu.dma_semaphore, #tpu.memory_space<semaphore_mem>>) src(%dma_wait3A_48 : memref<640xf32, #tpu.memory_space<hbm>>) dst(%dma_wait3A_47 : memref<640xf32, #tpu.memory_space<vmem_shared>>)
    tpu.wait_dma2 semaphore(%arg35 : memref<!tpu.dma_semaphore, #tpu.memory_space<semaphore_mem>>) src(%arg7 : memref<88xf32, #tpu.memory_space<hbm>>) dst(%arg24 : memref<88xf32, #tpu.memory_space<vmem>>)
    %barrier3A = arith.constant 0 : index
    tpu.barrier barrier_id(%barrier3A)
    %add3A_49 = arith.constant 0 : i32
    %add3A_50 = arith.addi %multiple_of3A, %add3A_49 : i32
    %dma_wait3A_51 = tpu.memref_slice %arg3[%add3A_50] : memref<326656xi32, #tpu.memory_space<hbm>> -> memref<88xi32, #tpu.memory_space<hbm>>
    %dma_wait3A_52 = tpu.memref_slice %arg3[%add3A_50] : memref<326656xi32, #tpu.memory_space<hbm>> -> memref<88xi32, #tpu.memory_space<hbm>>
    tpu.wait_dma2 semaphore(%arg25 : memref<!tpu.dma_semaphore, #tpu.memory_space<semaphore_mem>>) src(%dma_wait3A_52 : memref<88xi32, #tpu.memory_space<hbm>>) dst(%arg12 : memref<88xi32, #tpu.memory_space<vmem>>)
    %dma_start3A_53 = arith.constant 0 : i32
    %dma_start3A_54 = arith.constant 0 : i32
    %dma_start3A_55 = tpu.memref_slice %arg2[%dma_start3A_53, %dma_start3A_54] : memref<10240x128xf32, #tpu.memory_space<hbm>> -> memref<10240x128xf32, #tpu.memory_space<hbm>>
    tpu.enqueue_indirect_dma source(%dma_start3A_55 : memref<10240x128xf32, #tpu.memory_space<hbm>>) target(%arg20 : memref<88x128xf32, #tpu.memory_space<vmem>>) offsets(%arg12 : memref<88xi32, #tpu.memory_space<vmem>>) semaphore(%arg33 : memref<!tpu.dma_semaphore, #tpu.memory_space<semaphore_mem>>)
    %add3A_56 = arith.constant 88 : i32
    %add3A_57 = arith.addi %multiple_of3A, %add3A_56 : i32
    %dma_wait3A_58 = tpu.memref_slice %arg3[%add3A_57] : memref<326656xi32, #tpu.memory_space<hbm>> -> memref<88xi32, #tpu.memory_space<hbm>>
    %dma_wait3A_59 = tpu.memref_slice %arg3[%add3A_57] : memref<326656xi32, #tpu.memory_space<hbm>> -> memref<88xi32, #tpu.memory_space<hbm>>
    tpu.wait_dma2 semaphore(%arg26 : memref<!tpu.dma_semaphore, #tpu.memory_space<semaphore_mem>>) src(%dma_wait3A_59 : memref<88xi32, #tpu.memory_space<hbm>>) dst(%arg13 : memref<88xi32, #tpu.memory_space<vmem>>)
    %dma_start3A_60 = arith.constant 0 : i32
    %dma_start3A_61 = arith.constant 0 : i32
    %dma_start3A_62 = tpu.memref_slice %arg2[%dma_start3A_60, %dma_start3A_61] : memref<10240x128xf32, #tpu.memory_space<hbm>> -> memref<10240x128xf32, #tpu.memory_space<hbm>>
    tpu.enqueue_indirect_dma source(%dma_start3A_62 : memref<10240x128xf32, #tpu.memory_space<hbm>>) target(%arg21 : memref<88x128xf32, #tpu.memory_space<vmem>>) offsets(%arg13 : memref<88xi32, #tpu.memory_space<vmem>>) semaphore(%arg34 : memref<!tpu.dma_semaphore, #tpu.memory_space<semaphore_mem>>)
    %add3A_63 = arith.constant 176 : i32
    %add3A_64 = arith.addi %multiple_of3A, %add3A_63 : i32
    %dma_wait3A_65 = tpu.memref_slice %arg3[%add3A_64] : memref<326656xi32, #tpu.memory_space<hbm>> -> memref<88xi32, #tpu.memory_space<hbm>>
    %dma_wait3A_66 = tpu.memref_slice %arg3[%add3A_64] : memref<326656xi32, #tpu.memory_space<hbm>> -> memref<88xi32, #tpu.memory_space<hbm>>
    tpu.wait_dma2 semaphore(%arg27 : memref<!tpu.dma_semaphore, #tpu.memory_space<semaphore_mem>>) src(%dma_wait3A_66 : memref<88xi32, #tpu.memory_space<hbm>>) dst(%arg14 : memref<88xi32, #tpu.memory_space<vmem>>)
    %dma_start3A_67 = arith.constant 0 : i32
    %dma_start3A_68 = arith.constant 0 : i32
    %dma_start3A_69 = tpu.memref_slice %arg2[%dma_start3A_67, %dma_start3A_68] : memref<10240x128xf32, #tpu.memory_space<hbm>> -> memref<10240x128xf32, #tpu.memory_space<hbm>>
    tpu.enqueue_indirect_dma source(%dma_start3A_69 : memref<10240x128xf32, #tpu.memory_space<hbm>>) target(%arg22 : memref<88x128xf32, #tpu.memory_space<vmem>>) offsets(%arg14 : memref<88xi32, #tpu.memory_space<vmem>>) semaphore(%arg35 : memref<!tpu.dma_semaphore, #tpu.memory_space<semaphore_mem>>)
    %add3A_70 = arith.constant 264 : i32
    %add3A_71 = arith.addi %multiple_of3A, %add3A_70 : i32
    %dma_wait3A_72 = tpu.memref_slice %arg3[%add3A_71] : memref<326656xi32, #tpu.memory_space<hbm>> -> memref<88xi32, #tpu.memory_space<hbm>>
    %dma_wait3A_73 = tpu.memref_slice %arg3[%add3A_71] : memref<326656xi32, #tpu.memory_space<hbm>> -> memref<88xi32, #tpu.memory_space<hbm>>
    tpu.wait_dma2 semaphore(%arg28 : memref<!tpu.dma_semaphore, #tpu.memory_space<semaphore_mem>>) src(%dma_wait3A_73 : memref<88xi32, #tpu.memory_space<hbm>>) dst(%arg15 : memref<88xi32, #tpu.memory_space<vmem>>)
    %dma_start3A_74 = arith.constant 0 : i32
    %dma_start3A_75 = arith.constant 0 : i32
    %dma_start3A_76 = tpu.memref_slice %arg2[%dma_start3A_74, %dma_start3A_75] : memref<10240x128xf32, #tpu.memory_space<hbm>> -> memref<10240x128xf32, #tpu.memory_space<hbm>>
    tpu.enqueue_indirect_dma source(%dma_start3A_76 : memref<10240x128xf32, #tpu.memory_space<hbm>>) target(%arg23 : memref<88x128xf32, #tpu.memory_space<vmem>>) offsets(%arg15 : memref<88xi32, #tpu.memory_space<vmem>>) semaphore(%arg36 : memref<!tpu.dma_semaphore, #tpu.memory_space<semaphore_mem>>)
    %scan3A = arith.constant 0 : i32
    %scan3A_77 = arith.constant 0 : i32
    %scan3A_78 = arith.constant 28 : i32
    %scan3A_79 = arith.addi %scan3A_77, %scan3A_78 : i32
    %scan3A_80 = arith.constant 1 : i32
    scf.for %scan3A_155 = %scan3A_77 to %scan3A_79 step %scan3A_80  : i32 {
      %mul3A_156 = arith.constant 4 : i32
      %mul3A_157 = arith.muli %scan3A_155, %mul3A_156 : i32
      %add3A_158 = arith.constant 0 : i32
      %add3A_159 = arith.addi %mul3A_157, %add3A_158 : i32
      %dma_wait3A_160 = arith.constant 0 : i32
      %dma_wait3A_161 = arith.constant 0 : i32
      %dma_wait3A_162 = tpu.memref_slice %arg2[%dma_wait3A_160, %dma_wait3A_161] : memref<10240x128xf32, #tpu.memory_space<hbm>> -> memref<10240x128xf32, #tpu.memory_space<hbm>>
      tpu.wait_indirect_dma semaphore(%arg33 : memref<!tpu.dma_semaphore, #tpu.memory_space<semaphore_mem>>) src(%dma_wait3A_162 : memref<10240x128xf32, #tpu.memory_space<hbm>>) dst(%arg20 : memref<88x128xf32, #tpu.memory_space<vmem>>)
      %add3A_163 = arith.constant 4 : i32
      %add3A_164 = arith.addi %add3A_159, %add3A_163 : i32
      %mul3A_165 = arith.constant 88 : i32
      %mul3A_166 = arith.muli %add3A_164, %mul3A_165 : i32
      %add3A_167 = arith.addi %multiple_of3A, %mul3A_166 : i32
      %dma_start3A_168 = tpu.memref_slice %arg3[%add3A_167] : memref<326656xi32, #tpu.memory_space<hbm>> -> memref<88xi32, #tpu.memory_space<hbm>>
      %dma_start3A_169 = tpu.memref_slice %arg3[%add3A_167] : memref<326656xi32, #tpu.memory_space<hbm>> -> memref<88xi32, #tpu.memory_space<hbm>>
      tpu.enqueue_dma source(%dma_start3A_169 : memref<88xi32, #tpu.memory_space<hbm>>) target(%arg12 : memref<88xi32, #tpu.memory_space<vmem>>) target_semaphore(%arg25 : memref<!tpu.dma_semaphore, #tpu.memory_space<semaphore_mem>>)
      %mul3A_170 = arith.constant 88 : i32
      %mul3A_171 = arith.muli %add3A_159, %mul3A_170 : i32
      %add3A_172 = arith.addi %multiple_of3A, %mul3A_171 : i32
      %dma_wait3A_173 = tpu.memref_slice %arg4[%add3A_172] : memref<326656xi32, #tpu.memory_space<hbm>> -> memref<88xi32, #tpu.memory_space<hbm>>
      %dma_wait3A_174 = tpu.memref_slice %arg4[%add3A_172] : memref<326656xi32, #tpu.memory_space<hbm>> -> memref<88xi32, #tpu.memory_space<hbm>>
      tpu.wait_dma2 semaphore(%arg29 : memref<!tpu.dma_semaphore, #tpu.memory_space<semaphore_mem>>) src(%dma_wait3A_174 : memref<88xi32, #tpu.memory_space<hbm>>) dst(%arg16 : memref<88xi32, #tpu.memory_space<vmem>>)
      %dma_start3A_175 = arith.constant 0 : i32
      %dma_start3A_176 = arith.constant 0 : i32
      %dma_start3A_177 = tpu.memref_slice %arg10[%dma_start3A_175, %dma_start3A_176] : memref<10240x128xf32, #tpu.memory_space<vmem_shared>> -> memref<10240x128xf32, #tpu.memory_space<vmem_shared>>
      tpu.enqueue_indirect_dma source(%arg20 : memref<88x128xf32, #tpu.memory_space<vmem>>) target(%dma_start3A_177 : memref<10240x128xf32, #tpu.memory_space<vmem_shared>>) offsets(%arg16 : memref<88xi32, #tpu.memory_space<vmem>>) semaphore(%arg37 : memref<!tpu.dma_semaphore, #tpu.memory_space<semaphore_mem>>) {add = true}
      %dma_start3A_178 = arith.constant 0 : i32
      %dma_start3A_179 = tpu.memref_slice %arg11[%dma_start3A_178] : memref<10240xf32, #tpu.memory_space<vmem_shared>> -> memref<10240xf32, #tpu.memory_space<vmem_shared>>
      tpu.enqueue_indirect_dma source(%arg24 : memref<88xf32, #tpu.memory_space<vmem>>) target(%dma_start3A_179 : memref<10240xf32, #tpu.memory_space<vmem_shared>>) offsets(%arg16 : memref<88xi32, #tpu.memory_space<vmem>>) semaphore(%arg41 : memref<!tpu.dma_semaphore, #tpu.memory_space<semaphore_mem>>) {add = true}
      %dma_wait3A_180 = arith.constant 0 : i32
      %dma_wait3A_181 = arith.constant 0 : i32
      %dma_wait3A_182 = tpu.memref_slice %arg10[%dma_wait3A_180, %dma_wait3A_181] : memref<10240x128xf32, #tpu.memory_space<vmem_shared>> -> memref<10240x128xf32, #tpu.memory_space<vmem_shared>>
      tpu.wait_indirect_dma semaphore(%arg37 : memref<!tpu.dma_semaphore, #tpu.memory_space<semaphore_mem>>) src(%arg20 : memref<88x128xf32, #tpu.memory_space<vmem>>) dst(%dma_wait3A_182 : memref<10240x128xf32, #tpu.memory_space<vmem_shared>>)
      %dma_wait3A_183 = arith.constant 0 : i32
      %dma_wait3A_184 = tpu.memref_slice %arg11[%dma_wait3A_183] : memref<10240xf32, #tpu.memory_space<vmem_shared>> -> memref<10240xf32, #tpu.memory_space<vmem_shared>>
      tpu.wait_indirect_dma semaphore(%arg41 : memref<!tpu.dma_semaphore, #tpu.memory_space<semaphore_mem>>) src(%arg24 : memref<88xf32, #tpu.memory_space<vmem>>) dst(%dma_wait3A_184 : memref<10240xf32, #tpu.memory_space<vmem_shared>>)
      %add3A_185 = arith.constant 4 : i32
      %add3A_186 = arith.addi %add3A_159, %add3A_185 : i32
      %mul3A_187 = arith.constant 88 : i32
      %mul3A_188 = arith.muli %add3A_186, %mul3A_187 : i32
      %add3A_189 = arith.addi %multiple_of3A, %mul3A_188 : i32
      %dma_start3A_190 = tpu.memref_slice %arg4[%add3A_189] : memref<326656xi32, #tpu.memory_space<hbm>> -> memref<88xi32, #tpu.memory_space<hbm>>
      %dma_start3A_191 = tpu.memref_slice %arg4[%add3A_189] : memref<326656xi32, #tpu.memory_space<hbm>> -> memref<88xi32, #tpu.memory_space<hbm>>
      tpu.enqueue_dma source(%dma_start3A_191 : memref<88xi32, #tpu.memory_space<hbm>>) target(%arg16 : memref<88xi32, #tpu.memory_space<vmem>>) target_semaphore(%arg29 : memref<!tpu.dma_semaphore, #tpu.memory_space<semaphore_mem>>)
      %add3A_192 = arith.constant 4 : i32
      %add3A_193 = arith.addi %add3A_159, %add3A_192 : i32
      %mul3A_194 = arith.constant 88 : i32
      %mul3A_195 = arith.muli %add3A_193, %mul3A_194 : i32
      %add3A_196 = arith.addi %multiple_of3A, %mul3A_195 : i32
      %dma_wait3A_197 = tpu.memref_slice %arg3[%add3A_196] : memref<326656xi32, #tpu.memory_space<hbm>> -> memref<88xi32, #tpu.memory_space<hbm>>
      %dma_wait3A_198 = tpu.memref_slice %arg3[%add3A_196] : memref<326656xi32, #tpu.memory_space<hbm>> -> memref<88xi32, #tpu.memory_space<hbm>>
      tpu.wait_dma2 semaphore(%arg25 : memref<!tpu.dma_semaphore, #tpu.memory_space<semaphore_mem>>) src(%dma_wait3A_198 : memref<88xi32, #tpu.memory_space<hbm>>) dst(%arg12 : memref<88xi32, #tpu.memory_space<vmem>>)
      %dma_start3A_199 = arith.constant 0 : i32
      %dma_start3A_200 = arith.constant 0 : i32
      %dma_start3A_201 = tpu.memref_slice %arg2[%dma_start3A_199, %dma_start3A_200] : memref<10240x128xf32, #tpu.memory_space<hbm>> -> memref<10240x128xf32, #tpu.memory_space<hbm>>
      tpu.enqueue_indirect_dma source(%dma_start3A_201 : memref<10240x128xf32, #tpu.memory_space<hbm>>) target(%arg20 : memref<88x128xf32, #tpu.memory_space<vmem>>) offsets(%arg12 : memref<88xi32, #tpu.memory_space<vmem>>) semaphore(%arg33 : memref<!tpu.dma_semaphore, #tpu.memory_space<semaphore_mem>>)
      %mul3A_202 = arith.constant 4 : i32
      %mul3A_203 = arith.muli %scan3A_155, %mul3A_202 : i32
      %add3A_204 = arith.constant 1 : i32
      %add3A_205 = arith.addi %mul3A_203, %add3A_204 : i32
      %dma_wait3A_206 = arith.constant 0 : i32
      %dma_wait3A_207 = arith.constant 0 : i32
      %dma_wait3A_208 = tpu.memref_slice %arg2[%dma_wait3A_206, %dma_wait3A_207] : memref<10240x128xf32, #tpu.memory_space<hbm>> -> memref<10240x128xf32, #tpu.memory_space<hbm>>
      tpu.wait_indirect_dma semaphore(%arg34 : memref<!tpu.dma_semaphore, #tpu.memory_space<semaphore_mem>>) src(%dma_wait3A_208 : memref<10240x128xf32, #tpu.memory_space<hbm>>) dst(%arg21 : memref<88x128xf32, #tpu.memory_space<vmem>>)
      %add3A_209 = arith.constant 4 : i32
      %add3A_210 = arith.addi %add3A_205, %add3A_209 : i32
      %mul3A_211 = arith.constant 88 : i32
      %mul3A_212 = arith.muli %add3A_210, %mul3A_211 : i32
      %add3A_213 = arith.addi %multiple_of3A, %mul3A_212 : i32
      %dma_start3A_214 = tpu.memref_slice %arg3[%add3A_213] : memref<326656xi32, #tpu.memory_space<hbm>> -> memref<88xi32, #tpu.memory_space<hbm>>
      %dma_start3A_215 = tpu.memref_slice %arg3[%add3A_213] : memref<326656xi32, #tpu.memory_space<hbm>> -> memref<88xi32, #tpu.memory_space<hbm>>
      tpu.enqueue_dma source(%dma_start3A_215 : memref<88xi32, #tpu.memory_space<hbm>>) target(%arg13 : memref<88xi32, #tpu.memory_space<vmem>>) target_semaphore(%arg26 : memref<!tpu.dma_semaphore, #tpu.memory_space<semaphore_mem>>)
      %mul3A_216 = arith.constant 88 : i32
      %mul3A_217 = arith.muli %add3A_205, %mul3A_216 : i32
      %add3A_218 = arith.addi %multiple_of3A, %mul3A_217 : i32
      %dma_wait3A_219 = tpu.memref_slice %arg4[%add3A_218] : memref<326656xi32, #tpu.memory_space<hbm>> -> memref<88xi32, #tpu.memory_space<hbm>>
      %dma_wait3A_220 = tpu.memref_slice %arg4[%add3A_218] : memref<326656xi32, #tpu.memory_space<hbm>> -> memref<88xi32, #tpu.memory_space<hbm>>
      tpu.wait_dma2 semaphore(%arg30 : memref<!tpu.dma_semaphore, #tpu.memory_space<semaphore_mem>>) src(%dma_wait3A_220 : memref<88xi32, #tpu.memory_space<hbm>>) dst(%arg17 : memref<88xi32, #tpu.memory_space<vmem>>)
      %dma_start3A_221 = arith.constant 0 : i32
      %dma_start3A_222 = arith.constant 0 : i32
      %dma_start3A_223 = tpu.memref_slice %arg10[%dma_start3A_221, %dma_start3A_222] : memref<10240x128xf32, #tpu.memory_space<vmem_shared>> -> memref<10240x128xf32, #tpu.memory_space<vmem_shared>>
      tpu.enqueue_indirect_dma source(%arg21 : memref<88x128xf32, #tpu.memory_space<vmem>>) target(%dma_start3A_223 : memref<10240x128xf32, #tpu.memory_space<vmem_shared>>) offsets(%arg17 : memref<88xi32, #tpu.memory_space<vmem>>) semaphore(%arg38 : memref<!tpu.dma_semaphore, #tpu.memory_space<semaphore_mem>>) {add = true}
      %dma_start3A_224 = arith.constant 0 : i32
      %dma_start3A_225 = tpu.memref_slice %arg11[%dma_start3A_224] : memref<10240xf32, #tpu.memory_space<vmem_shared>> -> memref<10240xf32, #tpu.memory_space<vmem_shared>>
      tpu.enqueue_indirect_dma source(%arg24 : memref<88xf32, #tpu.memory_space<vmem>>) target(%dma_start3A_225 : memref<10240xf32, #tpu.memory_space<vmem_shared>>) offsets(%arg17 : memref<88xi32, #tpu.memory_space<vmem>>) semaphore(%arg42 : memref<!tpu.dma_semaphore, #tpu.memory_space<semaphore_mem>>) {add = true}
      %dma_wait3A_226 = arith.constant 0 : i32
      %dma_wait3A_227 = arith.constant 0 : i32
      %dma_wait3A_228 = tpu.memref_slice %arg10[%dma_wait3A_226, %dma_wait3A_227] : memref<10240x128xf32, #tpu.memory_space<vmem_shared>> -> memref<10240x128xf32, #tpu.memory_space<vmem_shared>>
      tpu.wait_indirect_dma semaphore(%arg38 : memref<!tpu.dma_semaphore, #tpu.memory_space<semaphore_mem>>) src(%arg21 : memref<88x128xf32, #tpu.memory_space<vmem>>) dst(%dma_wait3A_228 : memref<10240x128xf32, #tpu.memory_space<vmem_shared>>)
      %dma_wait3A_229 = arith.constant 0 : i32
      %dma_wait3A_230 = tpu.memref_slice %arg11[%dma_wait3A_229] : memref<10240xf32, #tpu.memory_space<vmem_shared>> -> memref<10240xf32, #tpu.memory_space<vmem_shared>>
      tpu.wait_indirect_dma semaphore(%arg42 : memref<!tpu.dma_semaphore, #tpu.memory_space<semaphore_mem>>) src(%arg24 : memref<88xf32, #tpu.memory_space<vmem>>) dst(%dma_wait3A_230 : memref<10240xf32, #tpu.memory_space<vmem_shared>>)
      %add3A_231 = arith.constant 4 : i32
      %add3A_232 = arith.addi %add3A_205, %add3A_231 : i32
      %mul3A_233 = arith.constant 88 : i32
      %mul3A_234 = arith.muli %add3A_232, %mul3A_233 : i32
      %add3A_235 = arith.addi %multiple_of3A, %mul3A_234 : i32
      %dma_start3A_236 = tpu.memref_slice %arg4[%add3A_235] : memref<326656xi32, #tpu.memory_space<hbm>> -> memref<88xi32, #tpu.memory_space<hbm>>
      %dma_start3A_237 = tpu.memref_slice %arg4[%add3A_235] : memref<326656xi32, #tpu.memory_space<hbm>> -> memref<88xi32, #tpu.memory_space<hbm>>
      tpu.enqueue_dma source(%dma_start3A_237 : memref<88xi32, #tpu.memory_space<hbm>>) target(%arg17 : memref<88xi32, #tpu.memory_space<vmem>>) target_semaphore(%arg30 : memref<!tpu.dma_semaphore, #tpu.memory_space<semaphore_mem>>)
      %add3A_238 = arith.constant 4 : i32
      %add3A_239 = arith.addi %add3A_205, %add3A_238 : i32
      %mul3A_240 = arith.constant 88 : i32
      %mul3A_241 = arith.muli %add3A_239, %mul3A_240 : i32
      %add3A_242 = arith.addi %multiple_of3A, %mul3A_241 : i32
      %dma_wait3A_243 = tpu.memref_slice %arg3[%add3A_242] : memref<326656xi32, #tpu.memory_space<hbm>> -> memref<88xi32, #tpu.memory_space<hbm>>
      %dma_wait3A_244 = tpu.memref_slice %arg3[%add3A_242] : memref<326656xi32, #tpu.memory_space<hbm>> -> memref<88xi32, #tpu.memory_space<hbm>>
      tpu.wait_dma2 semaphore(%arg26 : memref<!tpu.dma_semaphore, #tpu.memory_space<semaphore_mem>>) src(%dma_wait3A_244 : memref<88xi32, #tpu.memory_space<hbm>>) dst(%arg13 : memref<88xi32, #tpu.memory_space<vmem>>)
      %dma_start3A_245 = arith.constant 0 : i32
      %dma_start3A_246 = arith.constant 0 : i32
      %dma_start3A_247 = tpu.memref_slice %arg2[%dma_start3A_245, %dma_start3A_246] : memref<10240x128xf32, #tpu.memory_space<hbm>> -> memref<10240x128xf32, #tpu.memory_space<hbm>>
      tpu.enqueue_indirect_dma source(%dma_start3A_247 : memref<10240x128xf32, #tpu.memory_space<hbm>>) target(%arg21 : memref<88x128xf32, #tpu.memory_space<vmem>>) offsets(%arg13 : memref<88xi32, #tpu.memory_space<vmem>>) semaphore(%arg34 : memref<!tpu.dma_semaphore, #tpu.memory_space<semaphore_mem>>)
      %mul3A_248 = arith.constant 4 : i32
      %mul3A_249 = arith.muli %scan3A_155, %mul3A_248 : i32
      %add3A_250 = arith.constant 2 : i32
      %add3A_251 = arith.addi %mul3A_249, %add3A_250 : i32
      %dma_wait3A_252 = arith.constant 0 : i32
      %dma_wait3A_253 = arith.constant 0 : i32
      %dma_wait3A_254 = tpu.memref_slice %arg2[%dma_wait3A_252, %dma_wait3A_253] : memref<10240x128xf32, #tpu.memory_space<hbm>> -> memref<10240x128xf32, #tpu.memory_space<hbm>>
      tpu.wait_indirect_dma semaphore(%arg35 : memref<!tpu.dma_semaphore, #tpu.memory_space<semaphore_mem>>) src(%dma_wait3A_254 : memref<10240x128xf32, #tpu.memory_space<hbm>>) dst(%arg22 : memref<88x128xf32, #tpu.memory_space<vmem>>)
      %add3A_255 = arith.constant 4 : i32
      %add3A_256 = arith.addi %add3A_251, %add3A_255 : i32
      %mul3A_257 = arith.constant 88 : i32
      %mul3A_258 = arith.muli %add3A_256, %mul3A_257 : i32
      %add3A_259 = arith.addi %multiple_of3A, %mul3A_258 : i32
      %dma_start3A_260 = tpu.memref_slice %arg3[%add3A_259] : memref<326656xi32, #tpu.memory_space<hbm>> -> memref<88xi32, #tpu.memory_space<hbm>>
      %dma_start3A_261 = tpu.memref_slice %arg3[%add3A_259] : memref<326656xi32, #tpu.memory_space<hbm>> -> memref<88xi32, #tpu.memory_space<hbm>>
      tpu.enqueue_dma source(%dma_start3A_261 : memref<88xi32, #tpu.memory_space<hbm>>) target(%arg14 : memref<88xi32, #tpu.memory_space<vmem>>) target_semaphore(%arg27 : memref<!tpu.dma_semaphore, #tpu.memory_space<semaphore_mem>>)
      %mul3A_262 = arith.constant 88 : i32
      %mul3A_263 = arith.muli %add3A_251, %mul3A_262 : i32
      %add3A_264 = arith.addi %multiple_of3A, %mul3A_263 : i32
      %dma_wait3A_265 = tpu.memref_slice %arg4[%add3A_264] : memref<326656xi32, #tpu.memory_space<hbm>> -> memref<88xi32, #tpu.memory_space<hbm>>
      %dma_wait3A_266 = tpu.memref_slice %arg4[%add3A_264] : memref<326656xi32, #tpu.memory_space<hbm>> -> memref<88xi32, #tpu.memory_space<hbm>>
      tpu.wait_dma2 semaphore(%arg31 : memref<!tpu.dma_semaphore, #tpu.memory_space<semaphore_mem>>) src(%dma_wait3A_266 : memref<88xi32, #tpu.memory_space<hbm>>) dst(%arg18 : memref<88xi32, #tpu.memory_space<vmem>>)
      %dma_start3A_267 = arith.constant 0 : i32
      %dma_start3A_268 = arith.constant 0 : i32
      %dma_start3A_269 = tpu.memref_slice %arg10[%dma_start3A_267, %dma_start3A_268] : memref<10240x128xf32, #tpu.memory_space<vmem_shared>> -> memref<10240x128xf32, #tpu.memory_space<vmem_shared>>
      tpu.enqueue_indirect_dma source(%arg22 : memref<88x128xf32, #tpu.memory_space<vmem>>) target(%dma_start3A_269 : memref<10240x128xf32, #tpu.memory_space<vmem_shared>>) offsets(%arg18 : memref<88xi32, #tpu.memory_space<vmem>>) semaphore(%arg39 : memref<!tpu.dma_semaphore, #tpu.memory_space<semaphore_mem>>) {add = true}
      %dma_start3A_270 = arith.constant 0 : i32
      %dma_start3A_271 = tpu.memref_slice %arg11[%dma_start3A_270] : memref<10240xf32, #tpu.memory_space<vmem_shared>> -> memref<10240xf32, #tpu.memory_space<vmem_shared>>
      tpu.enqueue_indirect_dma source(%arg24 : memref<88xf32, #tpu.memory_space<vmem>>) target(%dma_start3A_271 : memref<10240xf32, #tpu.memory_space<vmem_shared>>) offsets(%arg18 : memref<88xi32, #tpu.memory_space<vmem>>) semaphore(%arg43 : memref<!tpu.dma_semaphore, #tpu.memory_space<semaphore_mem>>) {add = true}
      %dma_wait3A_272 = arith.constant 0 : i32
      %dma_wait3A_273 = arith.constant 0 : i32
      %dma_wait3A_274 = tpu.memref_slice %arg10[%dma_wait3A_272, %dma_wait3A_273] : memref<10240x128xf32, #tpu.memory_space<vmem_shared>> -> memref<10240x128xf32, #tpu.memory_space<vmem_shared>>
      tpu.wait_indirect_dma semaphore(%arg39 : memref<!tpu.dma_semaphore, #tpu.memory_space<semaphore_mem>>) src(%arg22 : memref<88x128xf32, #tpu.memory_space<vmem>>) dst(%dma_wait3A_274 : memref<10240x128xf32, #tpu.memory_space<vmem_shared>>)
      %dma_wait3A_275 = arith.constant 0 : i32
      %dma_wait3A_276 = tpu.memref_slice %arg11[%dma_wait3A_275] : memref<10240xf32, #tpu.memory_space<vmem_shared>> -> memref<10240xf32, #tpu.memory_space<vmem_shared>>
      tpu.wait_indirect_dma semaphore(%arg43 : memref<!tpu.dma_semaphore, #tpu.memory_space<semaphore_mem>>) src(%arg24 : memref<88xf32, #tpu.memory_space<vmem>>) dst(%dma_wait3A_276 : memref<10240xf32, #tpu.memory_space<vmem_shared>>)
      %add3A_277 = arith.constant 4 : i32
      %add3A_278 = arith.addi %add3A_251, %add3A_277 : i32
      %mul3A_279 = arith.constant 88 : i32
      %mul3A_280 = arith.muli %add3A_278, %mul3A_279 : i32
      %add3A_281 = arith.addi %multiple_of3A, %mul3A_280 : i32
      %dma_start3A_282 = tpu.memref_slice %arg4[%add3A_281] : memref<326656xi32, #tpu.memory_space<hbm>> -> memref<88xi32, #tpu.memory_space<hbm>>
      %dma_start3A_283 = tpu.memref_slice %arg4[%add3A_281] : memref<326656xi32, #tpu.memory_space<hbm>> -> memref<88xi32, #tpu.memory_space<hbm>>
      tpu.enqueue_dma source(%dma_start3A_283 : memref<88xi32, #tpu.memory_space<hbm>>) target(%arg18 : memref<88xi32, #tpu.memory_space<vmem>>) target_semaphore(%arg31 : memref<!tpu.dma_semaphore, #tpu.memory_space<semaphore_mem>>)
      %add3A_284 = arith.constant 4 : i32
      %add3A_285 = arith.addi %add3A_251, %add3A_284 : i32
      %mul3A_286 = arith.constant 88 : i32
      %mul3A_287 = arith.muli %add3A_285, %mul3A_286 : i32
      %add3A_288 = arith.addi %multiple_of3A, %mul3A_287 : i32
      %dma_wait3A_289 = tpu.memref_slice %arg3[%add3A_288] : memref<326656xi32, #tpu.memory_space<hbm>> -> memref<88xi32, #tpu.memory_space<hbm>>
      %dma_wait3A_290 = tpu.memref_slice %arg3[%add3A_288] : memref<326656xi32, #tpu.memory_space<hbm>> -> memref<88xi32, #tpu.memory_space<hbm>>
      tpu.wait_dma2 semaphore(%arg27 : memref<!tpu.dma_semaphore, #tpu.memory_space<semaphore_mem>>) src(%dma_wait3A_290 : memref<88xi32, #tpu.memory_space<hbm>>) dst(%arg14 : memref<88xi32, #tpu.memory_space<vmem>>)
      %dma_start3A_291 = arith.constant 0 : i32
      %dma_start3A_292 = arith.constant 0 : i32
      %dma_start3A_293 = tpu.memref_slice %arg2[%dma_start3A_291, %dma_start3A_292] : memref<10240x128xf32, #tpu.memory_space<hbm>> -> memref<10240x128xf32, #tpu.memory_space<hbm>>
      tpu.enqueue_indirect_dma source(%dma_start3A_293 : memref<10240x128xf32, #tpu.memory_space<hbm>>) target(%arg22 : memref<88x128xf32, #tpu.memory_space<vmem>>) offsets(%arg14 : memref<88xi32, #tpu.memory_space<vmem>>) semaphore(%arg35 : memref<!tpu.dma_semaphore, #tpu.memory_space<semaphore_mem>>)
      %mul3A_294 = arith.constant 4 : i32
      %mul3A_295 = arith.muli %scan3A_155, %mul3A_294 : i32
      %add3A_296 = arith.constant 3 : i32
      %add3A_297 = arith.addi %mul3A_295, %add3A_296 : i32
      %dma_wait3A_298 = arith.constant 0 : i32
      %dma_wait3A_299 = arith.constant 0 : i32
      %dma_wait3A_300 = tpu.memref_slice %arg2[%dma_wait3A_298, %dma_wait3A_299] : memref<10240x128xf32, #tpu.memory_space<hbm>> -> memref<10240x128xf32, #tpu.memory_space<hbm>>
      tpu.wait_indirect_dma semaphore(%arg36 : memref<!tpu.dma_semaphore, #tpu.memory_space<semaphore_mem>>) src(%dma_wait3A_300 : memref<10240x128xf32, #tpu.memory_space<hbm>>) dst(%arg23 : memref<88x128xf32, #tpu.memory_space<vmem>>)
      %add3A_301 = arith.constant 4 : i32
      %add3A_302 = arith.addi %add3A_297, %add3A_301 : i32
      %mul3A_303 = arith.constant 88 : i32
      %mul3A_304 = arith.muli %add3A_302, %mul3A_303 : i32
      %add3A_305 = arith.addi %multiple_of3A, %mul3A_304 : i32
      %dma_start3A_306 = tpu.memref_slice %arg3[%add3A_305] : memref<326656xi32, #tpu.memory_space<hbm>> -> memref<88xi32, #tpu.memory_space<hbm>>
      %dma_start3A_307 = tpu.memref_slice %arg3[%add3A_305] : memref<326656xi32, #tpu.memory_space<hbm>> -> memref<88xi32, #tpu.memory_space<hbm>>
      tpu.enqueue_dma source(%dma_start3A_307 : memref<88xi32, #tpu.memory_space<hbm>>) target(%arg15 : memref<88xi32, #tpu.memory_space<vmem>>) target_semaphore(%arg28 : memref<!tpu.dma_semaphore, #tpu.memory_space<semaphore_mem>>)
      %mul3A_308 = arith.constant 88 : i32
      %mul3A_309 = arith.muli %add3A_297, %mul3A_308 : i32
      %add3A_310 = arith.addi %multiple_of3A, %mul3A_309 : i32
      %dma_wait3A_311 = tpu.memref_slice %arg4[%add3A_310] : memref<326656xi32, #tpu.memory_space<hbm>> -> memref<88xi32, #tpu.memory_space<hbm>>
      %dma_wait3A_312 = tpu.memref_slice %arg4[%add3A_310] : memref<326656xi32, #tpu.memory_space<hbm>> -> memref<88xi32, #tpu.memory_space<hbm>>
      tpu.wait_dma2 semaphore(%arg32 : memref<!tpu.dma_semaphore, #tpu.memory_space<semaphore_mem>>) src(%dma_wait3A_312 : memref<88xi32, #tpu.memory_space<hbm>>) dst(%arg19 : memref<88xi32, #tpu.memory_space<vmem>>)
      %dma_start3A_313 = arith.constant 0 : i32
      %dma_start3A_314 = arith.constant 0 : i32
      %dma_start3A_315 = tpu.memref_slice %arg10[%dma_start3A_313, %dma_start3A_314] : memref<10240x128xf32, #tpu.memory_space<vmem_shared>> -> memref<10240x128xf32, #tpu.memory_space<vmem_shared>>
      tpu.enqueue_indirect_dma source(%arg23 : memref<88x128xf32, #tpu.memory_space<vmem>>) target(%dma_start3A_315 : memref<10240x128xf32, #tpu.memory_space<vmem_shared>>) offsets(%arg19 : memref<88xi32, #tpu.memory_space<vmem>>) semaphore(%arg40 : memref<!tpu.dma_semaphore, #tpu.memory_space<semaphore_mem>>) {add = true}
      %dma_start3A_316 = arith.constant 0 : i32
      %dma_start3A_317 = tpu.memref_slice %arg11[%dma_start3A_316] : memref<10240xf32, #tpu.memory_space<vmem_shared>> -> memref<10240xf32, #tpu.memory_space<vmem_shared>>
      tpu.enqueue_indirect_dma source(%arg24 : memref<88xf32, #tpu.memory_space<vmem>>) target(%dma_start3A_317 : memref<10240xf32, #tpu.memory_space<vmem_shared>>) offsets(%arg19 : memref<88xi32, #tpu.memory_space<vmem>>) semaphore(%arg44 : memref<!tpu.dma_semaphore, #tpu.memory_space<semaphore_mem>>) {add = true}
      %dma_wait3A_318 = arith.constant 0 : i32
      %dma_wait3A_319 = arith.constant 0 : i32
      %dma_wait3A_320 = tpu.memref_slice %arg10[%dma_wait3A_318, %dma_wait3A_319] : memref<10240x128xf32, #tpu.memory_space<vmem_shared>> -> memref<10240x128xf32, #tpu.memory_space<vmem_shared>>
      tpu.wait_indirect_dma semaphore(%arg40 : memref<!tpu.dma_semaphore, #tpu.memory_space<semaphore_mem>>) src(%arg23 : memref<88x128xf32, #tpu.memory_space<vmem>>) dst(%dma_wait3A_320 : memref<10240x128xf32, #tpu.memory_space<vmem_shared>>)
      %dma_wait3A_321 = arith.constant 0 : i32
      %dma_wait3A_322 = tpu.memref_slice %arg11[%dma_wait3A_321] : memref<10240xf32, #tpu.memory_space<vmem_shared>> -> memref<10240xf32, #tpu.memory_space<vmem_shared>>
      tpu.wait_indirect_dma semaphore(%arg44 : memref<!tpu.dma_semaphore, #tpu.memory_space<semaphore_mem>>) src(%arg24 : memref<88xf32, #tpu.memory_space<vmem>>) dst(%dma_wait3A_322 : memref<10240xf32, #tpu.memory_space<vmem_shared>>)
      %add3A_323 = arith.constant 4 : i32
      %add3A_324 = arith.addi %add3A_297, %add3A_323 : i32
      %mul3A_325 = arith.constant 88 : i32
      %mul3A_326 = arith.muli %add3A_324, %mul3A_325 : i32
      %add3A_327 = arith.addi %multiple_of3A, %mul3A_326 : i32
      %dma_start3A_328 = tpu.memref_slice %arg4[%add3A_327] : memref<326656xi32, #tpu.memory_space<hbm>> -> memref<88xi32, #tpu.memory_space<hbm>>
      %dma_start3A_329 = tpu.memref_slice %arg4[%add3A_327] : memref<326656xi32, #tpu.memory_space<hbm>> -> memref<88xi32, #tpu.memory_space<hbm>>
      tpu.enqueue_dma source(%dma_start3A_329 : memref<88xi32, #tpu.memory_space<hbm>>) target(%arg19 : memref<88xi32, #tpu.memory_space<vmem>>) target_semaphore(%arg32 : memref<!tpu.dma_semaphore, #tpu.memory_space<semaphore_mem>>)
      %add3A_330 = arith.constant 4 : i32
      %add3A_331 = arith.addi %add3A_297, %add3A_330 : i32
      %mul3A_332 = arith.constant 88 : i32
      %mul3A_333 = arith.muli %add3A_331, %mul3A_332 : i32
      %add3A_334 = arith.addi %multiple_of3A, %mul3A_333 : i32
      %dma_wait3A_335 = tpu.memref_slice %arg3[%add3A_334] : memref<326656xi32, #tpu.memory_space<hbm>> -> memref<88xi32, #tpu.memory_space<hbm>>
      %dma_wait3A_336 = tpu.memref_slice %arg3[%add3A_334] : memref<326656xi32, #tpu.memory_space<hbm>> -> memref<88xi32, #tpu.memory_space<hbm>>
      tpu.wait_dma2 semaphore(%arg28 : memref<!tpu.dma_semaphore, #tpu.memory_space<semaphore_mem>>) src(%dma_wait3A_336 : memref<88xi32, #tpu.memory_space<hbm>>) dst(%arg15 : memref<88xi32, #tpu.memory_space<vmem>>)
      %dma_start3A_337 = arith.constant 0 : i32
      %dma_start3A_338 = arith.constant 0 : i32
      %dma_start3A_339 = tpu.memref_slice %arg2[%dma_start3A_337, %dma_start3A_338] : memref<10240x128xf32, #tpu.memory_space<hbm>> -> memref<10240x128xf32, #tpu.memory_space<hbm>>
      tpu.enqueue_indirect_dma source(%dma_start3A_339 : memref<10240x128xf32, #tpu.memory_space<hbm>>) target(%arg23 : memref<88x128xf32, #tpu.memory_space<vmem>>) offsets(%arg15 : memref<88xi32, #tpu.memory_space<vmem>>) semaphore(%arg36 : memref<!tpu.dma_semaphore, #tpu.memory_space<semaphore_mem>>)
    }
    %scan3A_81 = arith.constant 28 : i32
    %dma_wait3A_82 = arith.constant 0 : i32
    %dma_wait3A_83 = arith.constant 0 : i32
    %dma_wait3A_84 = tpu.memref_slice %arg2[%dma_wait3A_82, %dma_wait3A_83] : memref<10240x128xf32, #tpu.memory_space<hbm>> -> memref<10240x128xf32, #tpu.memory_space<hbm>>
    tpu.wait_indirect_dma semaphore(%arg33 : memref<!tpu.dma_semaphore, #tpu.memory_space<semaphore_mem>>) src(%dma_wait3A_84 : memref<10240x128xf32, #tpu.memory_space<hbm>>) dst(%arg20 : memref<88x128xf32, #tpu.memory_space<vmem>>)
    %add3A_85 = arith.constant 9856 : i32
    %add3A_86 = arith.addi %multiple_of3A, %add3A_85 : i32
    %dma_wait3A_87 = tpu.memref_slice %arg4[%add3A_86] : memref<326656xi32, #tpu.memory_space<hbm>> -> memref<88xi32, #tpu.memory_space<hbm>>
    %dma_wait3A_88 = tpu.memref_slice %arg4[%add3A_86] : memref<326656xi32, #tpu.memory_space<hbm>> -> memref<88xi32, #tpu.memory_space<hbm>>
    tpu.wait_dma2 semaphore(%arg29 : memref<!tpu.dma_semaphore, #tpu.memory_space<semaphore_mem>>) src(%dma_wait3A_88 : memref<88xi32, #tpu.memory_space<hbm>>) dst(%arg16 : memref<88xi32, #tpu.memory_space<vmem>>)
    %dma_start3A_89 = arith.constant 0 : i32
    %dma_start3A_90 = arith.constant 0 : i32
    %dma_start3A_91 = tpu.memref_slice %arg10[%dma_start3A_89, %dma_start3A_90] : memref<10240x128xf32, #tpu.memory_space<vmem_shared>> -> memref<10240x128xf32, #tpu.memory_space<vmem_shared>>
    tpu.enqueue_indirect_dma source(%arg20 : memref<88x128xf32, #tpu.memory_space<vmem>>) target(%dma_start3A_91 : memref<10240x128xf32, #tpu.memory_space<vmem_shared>>) offsets(%arg16 : memref<88xi32, #tpu.memory_space<vmem>>) semaphore(%arg37 : memref<!tpu.dma_semaphore, #tpu.memory_space<semaphore_mem>>) {add = true}
    %dma_start3A_92 = arith.constant 0 : i32
    %dma_start3A_93 = tpu.memref_slice %arg11[%dma_start3A_92] : memref<10240xf32, #tpu.memory_space<vmem_shared>> -> memref<10240xf32, #tpu.memory_space<vmem_shared>>
    tpu.enqueue_indirect_dma source(%arg24 : memref<88xf32, #tpu.memory_space<vmem>>) target(%dma_start3A_93 : memref<10240xf32, #tpu.memory_space<vmem_shared>>) offsets(%arg16 : memref<88xi32, #tpu.memory_space<vmem>>) semaphore(%arg41 : memref<!tpu.dma_semaphore, #tpu.memory_space<semaphore_mem>>) {add = true}
    %dma_wait3A_94 = arith.constant 0 : i32
    %dma_wait3A_95 = arith.constant 0 : i32
    %dma_wait3A_96 = tpu.memref_slice %arg2[%dma_wait3A_94, %dma_wait3A_95] : memref<10240x128xf32, #tpu.memory_space<hbm>> -> memref<10240x128xf32, #tpu.memory_space<hbm>>
    tpu.wait_indirect_dma semaphore(%arg34 : memref<!tpu.dma_semaphore, #tpu.memory_space<semaphore_mem>>) src(%dma_wait3A_96 : memref<10240x128xf32, #tpu.memory_space<hbm>>) dst(%arg21 : memref<88x128xf32, #tpu.memory_space<vmem>>)
    %add3A_97 = arith.constant 9944 : i32
    %add3A_98 = arith.addi %multiple_of3A, %add3A_97 : i32
    %dma_wait3A_99 = tpu.memref_slice %arg4[%add3A_98] : memref<326656xi32, #tpu.memory_space<hbm>> -> memref<88xi32, #tpu.memory_space<hbm>>
    %dma_wait3A_100 = tpu.memref_slice %arg4[%add3A_98] : memref<326656xi32, #tpu.memory_space<hbm>> -> memref<88xi32, #tpu.memory_space<hbm>>
    tpu.wait_dma2 semaphore(%arg30 : memref<!tpu.dma_semaphore, #tpu.memory_space<semaphore_mem>>) src(%dma_wait3A_100 : memref<88xi32, #tpu.memory_space<hbm>>) dst(%arg17 : memref<88xi32, #tpu.memory_space<vmem>>)
    %dma_start3A_101 = arith.constant 0 : i32
    %dma_start3A_102 = arith.constant 0 : i32
    %dma_start3A_103 = tpu.memref_slice %arg10[%dma_start3A_101, %dma_start3A_102] : memref<10240x128xf32, #tpu.memory_space<vmem_shared>> -> memref<10240x128xf32, #tpu.memory_space<vmem_shared>>
    tpu.enqueue_indirect_dma source(%arg21 : memref<88x128xf32, #tpu.memory_space<vmem>>) target(%dma_start3A_103 : memref<10240x128xf32, #tpu.memory_space<vmem_shared>>) offsets(%arg17 : memref<88xi32, #tpu.memory_space<vmem>>) semaphore(%arg38 : memref<!tpu.dma_semaphore, #tpu.memory_space<semaphore_mem>>) {add = true}
    %dma_start3A_104 = arith.constant 0 : i32
    %dma_start3A_105 = tpu.memref_slice %arg11[%dma_start3A_104] : memref<10240xf32, #tpu.memory_space<vmem_shared>> -> memref<10240xf32, #tpu.memory_space<vmem_shared>>
    tpu.enqueue_indirect_dma source(%arg24 : memref<88xf32, #tpu.memory_space<vmem>>) target(%dma_start3A_105 : memref<10240xf32, #tpu.memory_space<vmem_shared>>) offsets(%arg17 : memref<88xi32, #tpu.memory_space<vmem>>) semaphore(%arg42 : memref<!tpu.dma_semaphore, #tpu.memory_space<semaphore_mem>>) {add = true}
    %dma_wait3A_106 = arith.constant 0 : i32
    %dma_wait3A_107 = arith.constant 0 : i32
    %dma_wait3A_108 = tpu.memref_slice %arg2[%dma_wait3A_106, %dma_wait3A_107] : memref<10240x128xf32, #tpu.memory_space<hbm>> -> memref<10240x128xf32, #tpu.memory_space<hbm>>
    tpu.wait_indirect_dma semaphore(%arg35 : memref<!tpu.dma_semaphore, #tpu.memory_space<semaphore_mem>>) src(%dma_wait3A_108 : memref<10240x128xf32, #tpu.memory_space<hbm>>) dst(%arg22 : memref<88x128xf32, #tpu.memory_space<vmem>>)
    %add3A_109 = arith.constant 10032 : i32
    %add3A_110 = arith.addi %multiple_of3A, %add3A_109 : i32
    %dma_wait3A_111 = tpu.memref_slice %arg4[%add3A_110] : memref<326656xi32, #tpu.memory_space<hbm>> -> memref<88xi32, #tpu.memory_space<hbm>>
    %dma_wait3A_112 = tpu.memref_slice %arg4[%add3A_110] : memref<326656xi32, #tpu.memory_space<hbm>> -> memref<88xi32, #tpu.memory_space<hbm>>
    tpu.wait_dma2 semaphore(%arg31 : memref<!tpu.dma_semaphore, #tpu.memory_space<semaphore_mem>>) src(%dma_wait3A_112 : memref<88xi32, #tpu.memory_space<hbm>>) dst(%arg18 : memref<88xi32, #tpu.memory_space<vmem>>)
    %dma_start3A_113 = arith.constant 0 : i32
    %dma_start3A_114 = arith.constant 0 : i32
    %dma_start3A_115 = tpu.memref_slice %arg10[%dma_start3A_113, %dma_start3A_114] : memref<10240x128xf32, #tpu.memory_space<vmem_shared>> -> memref<10240x128xf32, #tpu.memory_space<vmem_shared>>
    tpu.enqueue_indirect_dma source(%arg22 : memref<88x128xf32, #tpu.memory_space<vmem>>) target(%dma_start3A_115 : memref<10240x128xf32, #tpu.memory_space<vmem_shared>>) offsets(%arg18 : memref<88xi32, #tpu.memory_space<vmem>>) semaphore(%arg39 : memref<!tpu.dma_semaphore, #tpu.memory_space<semaphore_mem>>) {add = true}
    %dma_start3A_116 = arith.constant 0 : i32
    %dma_start3A_117 = tpu.memref_slice %arg11[%dma_start3A_116] : memref<10240xf32, #tpu.memory_space<vmem_shared>> -> memref<10240xf32, #tpu.memory_space<vmem_shared>>
    tpu.enqueue_indirect_dma source(%arg24 : memref<88xf32, #tpu.memory_space<vmem>>) target(%dma_start3A_117 : memref<10240xf32, #tpu.memory_space<vmem_shared>>) offsets(%arg18 : memref<88xi32, #tpu.memory_space<vmem>>) semaphore(%arg43 : memref<!tpu.dma_semaphore, #tpu.memory_space<semaphore_mem>>) {add = true}
    %dma_wait3A_118 = arith.constant 0 : i32
    %dma_wait3A_119 = arith.constant 0 : i32
    %dma_wait3A_120 = tpu.memref_slice %arg2[%dma_wait3A_118, %dma_wait3A_119] : memref<10240x128xf32, #tpu.memory_space<hbm>> -> memref<10240x128xf32, #tpu.memory_space<hbm>>
    tpu.wait_indirect_dma semaphore(%arg36 : memref<!tpu.dma_semaphore, #tpu.memory_space<semaphore_mem>>) src(%dma_wait3A_120 : memref<10240x128xf32, #tpu.memory_space<hbm>>) dst(%arg23 : memref<88x128xf32, #tpu.memory_space<vmem>>)
    %add3A_121 = arith.constant 10120 : i32
    %add3A_122 = arith.addi %multiple_of3A, %add3A_121 : i32
    %dma_wait3A_123 = tpu.memref_slice %arg4[%add3A_122] : memref<326656xi32, #tpu.memory_space<hbm>> -> memref<88xi32, #tpu.memory_space<hbm>>
    %dma_wait3A_124 = tpu.memref_slice %arg4[%add3A_122] : memref<326656xi32, #tpu.memory_space<hbm>> -> memref<88xi32, #tpu.memory_space<hbm>>
    tpu.wait_dma2 semaphore(%arg32 : memref<!tpu.dma_semaphore, #tpu.memory_space<semaphore_mem>>) src(%dma_wait3A_124 : memref<88xi32, #tpu.memory_space<hbm>>) dst(%arg19 : memref<88xi32, #tpu.memory_space<vmem>>)
    %dma_start3A_125 = arith.constant 0 : i32
    %dma_start3A_126 = arith.constant 0 : i32
    %dma_start3A_127 = tpu.memref_slice %arg10[%dma_start3A_125, %dma_start3A_126] : memref<10240x128xf32, #tpu.memory_space<vmem_shared>> -> memref<10240x128xf32, #tpu.memory_space<vmem_shared>>
    tpu.enqueue_indirect_dma source(%arg23 : memref<88x128xf32, #tpu.memory_space<vmem>>) target(%dma_start3A_127 : memref<10240x128xf32, #tpu.memory_space<vmem_shared>>) offsets(%arg19 : memref<88xi32, #tpu.memory_space<vmem>>) semaphore(%arg40 : memref<!tpu.dma_semaphore, #tpu.memory_space<semaphore_mem>>) {add = true}
    %dma_start3A_128 = arith.constant 0 : i32
    %dma_start3A_129 = tpu.memref_slice %arg11[%dma_start3A_128] : memref<10240xf32, #tpu.memory_space<vmem_shared>> -> memref<10240xf32, #tpu.memory_space<vmem_shared>>
    tpu.enqueue_indirect_dma source(%arg24 : memref<88xf32, #tpu.memory_space<vmem>>) target(%dma_start3A_129 : memref<10240xf32, #tpu.memory_space<vmem_shared>>) offsets(%arg19 : memref<88xi32, #tpu.memory_space<vmem>>) semaphore(%arg44 : memref<!tpu.dma_semaphore, #tpu.memory_space<semaphore_mem>>) {add = true}
    %dma_wait3A_130 = arith.constant 0 : i32
    %dma_wait3A_131 = arith.constant 0 : i32
    %dma_wait3A_132 = tpu.memref_slice %arg10[%dma_wait3A_130, %dma_wait3A_131] : memref<10240x128xf32, #tpu.memory_space<vmem_shared>> -> memref<10240x128xf32, #tpu.memory_space<vmem_shared>>
    tpu.wait_indirect_dma semaphore(%arg37 : memref<!tpu.dma_semaphore, #tpu.memory_space<semaphore_mem>>) src(%arg20 : memref<88x128xf32, #tpu.memory_space<vmem>>) dst(%dma_wait3A_132 : memref<10240x128xf32, #tpu.memory_space<vmem_shared>>)
    %dma_wait3A_133 = arith.constant 0 : i32
    %dma_wait3A_134 = tpu.memref_slice %arg11[%dma_wait3A_133] : memref<10240xf32, #tpu.memory_space<vmem_shared>> -> memref<10240xf32, #tpu.memory_space<vmem_shared>>
    tpu.wait_indirect_dma semaphore(%arg41 : memref<!tpu.dma_semaphore, #tpu.memory_space<semaphore_mem>>) src(%arg24 : memref<88xf32, #tpu.memory_space<vmem>>) dst(%dma_wait3A_134 : memref<10240xf32, #tpu.memory_space<vmem_shared>>)
    %dma_wait3A_135 = arith.constant 0 : i32
    %dma_wait3A_136 = arith.constant 0 : i32
    %dma_wait3A_137 = tpu.memref_slice %arg10[%dma_wait3A_135, %dma_wait3A_136] : memref<10240x128xf32, #tpu.memory_space<vmem_shared>> -> memref<10240x128xf32, #tpu.memory_space<vmem_shared>>
    tpu.wait_indirect_dma semaphore(%arg38 : memref<!tpu.dma_semaphore, #tpu.memory_space<semaphore_mem>>) src(%arg21 : memref<88x128xf32, #tpu.memory_space<vmem>>) dst(%dma_wait3A_137 : memref<10240x128xf32, #tpu.memory_space<vmem_shared>>)
    %dma_wait3A_138 = arith.constant 0 : i32
    %dma_wait3A_139 = tpu.memref_slice %arg11[%dma_wait3A_138] : memref<10240xf32, #tpu.memory_space<vmem_shared>> -> memref<10240xf32, #tpu.memory_space<vmem_shared>>
    tpu.wait_indirect_dma semaphore(%arg42 : memref<!tpu.dma_semaphore, #tpu.memory_space<semaphore_mem>>) src(%arg24 : memref<88xf32, #tpu.memory_space<vmem>>) dst(%dma_wait3A_139 : memref<10240xf32, #tpu.memory_space<vmem_shared>>)
    %dma_wait3A_140 = arith.constant 0 : i32
    %dma_wait3A_141 = arith.constant 0 : i32
    %dma_wait3A_142 = tpu.memref_slice %arg10[%dma_wait3A_140, %dma_wait3A_141] : memref<10240x128xf32, #tpu.memory_space<vmem_shared>> -> memref<10240x128xf32, #tpu.memory_space<vmem_shared>>
    tpu.wait_indirect_dma semaphore(%arg39 : memref<!tpu.dma_semaphore, #tpu.memory_space<semaphore_mem>>) src(%arg22 : memref<88x128xf32, #tpu.memory_space<vmem>>) dst(%dma_wait3A_142 : memref<10240x128xf32, #tpu.memory_space<vmem_shared>>)
    %dma_wait3A_143 = arith.constant 0 : i32
    %dma_wait3A_144 = tpu.memref_slice %arg11[%dma_wait3A_143] : memref<10240xf32, #tpu.memory_space<vmem_shared>> -> memref<10240xf32, #tpu.memory_space<vmem_shared>>
    tpu.wait_indirect_dma semaphore(%arg43 : memref<!tpu.dma_semaphore, #tpu.memory_space<semaphore_mem>>) src(%arg24 : memref<88xf32, #tpu.memory_space<vmem>>) dst(%dma_wait3A_144 : memref<10240xf32, #tpu.memory_space<vmem_shared>>)
    %dma_wait3A_145 = arith.constant 0 : i32
    %dma_wait3A_146 = arith.constant 0 : i32
    %dma_wait3A_147 = tpu.memref_slice %arg10[%dma_wait3A_145, %dma_wait3A_146] : memref<10240x128xf32, #tpu.memory_space<vmem_shared>> -> memref<10240x128xf32, #tpu.memory_space<vmem_shared>>
    tpu.wait_indirect_dma semaphore(%arg40 : memref<!tpu.dma_semaphore, #tpu.memory_space<semaphore_mem>>) src(%arg23 : memref<88x128xf32, #tpu.memory_space<vmem>>) dst(%dma_wait3A_147 : memref<10240x128xf32, #tpu.memory_space<vmem_shared>>)
    %dma_wait3A_148 = arith.constant 0 : i32
    %dma_wait3A_149 = tpu.memref_slice %arg11[%dma_wait3A_148] : memref<10240xf32, #tpu.memory_space<vmem_shared>> -> memref<10240xf32, #tpu.memory_space<vmem_shared>>
    tpu.wait_indirect_dma semaphore(%arg44 : memref<!tpu.dma_semaphore, #tpu.memory_space<semaphore_mem>>) src(%arg24 : memref<88xf32, #tpu.memory_space<vmem>>) dst(%dma_wait3A_149 : memref<10240xf32, #tpu.memory_space<vmem_shared>>)
    %barrier3A_150 = arith.constant 0 : index
    tpu.barrier barrier_id(%barrier3A_150)
    %mul3A_151 = arith.constant 10240 : i32
    %mul3A_152 = arith.muli %arg0, %mul3A_151 : i32
    %add3A_153 = arith.addi %mul3A_152, %mul3A_2 : i32
    %multiple_of3A_154 = tpu.assume_multiple %add3A_153, 8 : i32
    "tpu.region"() ({
      %run_scoped3A = tpu.sem_alloc : memref<!tpu.dma_semaphore, #tpu.memory_space<semaphore_mem>>
      %dma_start3A_155 = arith.constant 0 : i32
      %dma_start3A_156 = tpu.memref_slice %arg8[%multiple_of3A_154, %dma_start3A_155] : memref<20480x128xf32, #tpu.memory_space<hbm>> -> memref<640x128xf32, #tpu.memory_space<hbm>>
      %dma_start3A_157 = arith.constant 0 : i32
      %dma_start3A_158 = tpu.memref_slice %arg10[%mul3A_2, %dma_start3A_157] : memref<10240x128xf32, #tpu.memory_space<vmem_shared>> -> memref<640x128xf32, #tpu.memory_space<vmem_shared>>
      tpu.enqueue_dma source(%dma_start3A_158 : memref<640x128xf32, #tpu.memory_space<vmem_shared>>) target(%dma_start3A_156 : memref<640x128xf32, #tpu.memory_space<hbm>>) target_semaphore(%run_scoped3A : memref<!tpu.dma_semaphore, #tpu.memory_space<semaphore_mem>>)
      %dma_wait3A_159 = arith.constant 0 : i32
      %dma_wait3A_160 = tpu.memref_slice %arg8[%multiple_of3A_154, %dma_wait3A_159] : memref<20480x128xf32, #tpu.memory_space<hbm>> -> memref<640x128xf32, #tpu.memory_space<hbm>>
      %dma_wait3A_161 = arith.constant 0 : i32
      %dma_wait3A_162 = tpu.memref_slice %arg10[%mul3A_2, %dma_wait3A_161] : memref<10240x128xf32, #tpu.memory_space<vmem_shared>> -> memref<640x128xf32, #tpu.memory_space<vmem_shared>>
      tpu.wait_dma2 semaphore(%run_scoped3A : memref<!tpu.dma_semaphore, #tpu.memory_space<semaphore_mem>>) src(%dma_wait3A_162 : memref<640x128xf32, #tpu.memory_space<vmem_shared>>) dst(%dma_wait3A_160 : memref<640x128xf32, #tpu.memory_space<hbm>>)
      tpu.yield
    }) : () -> ()
    "tpu.region"() ({
      %run_scoped3A = tpu.sem_alloc : memref<!tpu.dma_semaphore, #tpu.memory_space<semaphore_mem>>
      %dma_start3A_155 = tpu.memref_slice %arg9[%multiple_of3A_154] : memref<20480xf32, #tpu.memory_space<hbm>> -> memref<640xf32, #tpu.memory_space<hbm>>
      %dma_start3A_156 = tpu.memref_slice %arg11[%mul3A_2] : memref<10240xf32, #tpu.memory_space<vmem_shared>> -> memref<640xf32, #tpu.memory_space<vmem_shared>>
      tpu.enqueue_dma source(%dma_start3A_156 : memref<640xf32, #tpu.memory_space<vmem_shared>>) target(%dma_start3A_155 : memref<640xf32, #tpu.memory_space<hbm>>) target_semaphore(%run_scoped3A : memref<!tpu.dma_semaphore, #tpu.memory_space<semaphore_mem>>)
      %dma_wait3A_157 = tpu.memref_slice %arg9[%multiple_of3A_154] : memref<20480xf32, #tpu.memory_space<hbm>> -> memref<640xf32, #tpu.memory_space<hbm>>
      %dma_wait3A_158 = tpu.memref_slice %arg11[%mul3A_2] : memref<10240xf32, #tpu.memory_space<vmem_shared>> -> memref<640xf32, #tpu.memory_space<vmem_shared>>
      tpu.wait_dma2 semaphore(%run_scoped3A : memref<!tpu.dma_semaphore, #tpu.memory_space<semaphore_mem>>) src(%dma_wait3A_158 : memref<640xf32, #tpu.memory_space<vmem_shared>>) dst(%dma_wait3A_157 : memref<640xf32, #tpu.memory_space<hbm>>)
      tpu.yield
    }) : () -> ()
    return
  }
}

#map = affine_map<(d0, d1) -> (0, 0)>
#map1 = affine_map<(d0, d1) -> (0)>
module attributes {stable_mosaic.version = 14 : i64} {
  func.func @_sc_phase_body(%arg0: i32, %arg1: i32, %arg2: memref<10240x128xf32, #tpu.memory_space<hbm>>, %arg3: memref<326656xi32, #tpu.memory_space<hbm>>, %arg4: memref<326656xi32, #tpu.memory_space<hbm>>, %arg5: memref<10240x128xf32, #tpu.memory_space<hbm>>, %arg6: memref<20480x128xf32, #tpu.memory_space<hbm>>, %arg7: memref<10240x128xf32, #tpu.memory_space<vmem_shared>>, %arg8: memref<88xi32, #tpu.memory_space<vmem>>, %arg9: memref<88xi32, #tpu.memory_space<vmem>>, %arg10: memref<88xi32, #tpu.memory_space<vmem>>, %arg11: memref<88xi32, #tpu.memory_space<vmem>>, %arg12: memref<88xi32, #tpu.memory_space<vmem>>, %arg13: memref<88xi32, #tpu.memory_space<vmem>>, %arg14: memref<88xi32, #tpu.memory_space<vmem>>, %arg15: memref<88xi32, #tpu.memory_space<vmem>>, %arg16: memref<88x128xf32, #tpu.memory_space<vmem>>, %arg17: memref<88x128xf32, #tpu.memory_space<vmem>>, %arg18: memref<88x128xf32, #tpu.memory_space<vmem>>, %arg19: memref<88x128xf32, #tpu.memory_space<vmem>>, %arg20: memref<!tpu.dma_semaphore, #tpu.memory_space<semaphore_mem>>, %arg21: memref<!tpu.dma_semaphore, #tpu.memory_space<semaphore_mem>>, %arg22: memref<!tpu.dma_semaphore, #tpu.memory_space<semaphore_mem>>, %arg23: memref<!tpu.dma_semaphore, #tpu.memory_space<semaphore_mem>>, %arg24: memref<!tpu.dma_semaphore, #tpu.memory_space<semaphore_mem>>, %arg25: memref<!tpu.dma_semaphore, #tpu.memory_space<semaphore_mem>>, %arg26: memref<!tpu.dma_semaphore, #tpu.memory_space<semaphore_mem>>, %arg27: memref<!tpu.dma_semaphore, #tpu.memory_space<semaphore_mem>>, %arg28: memref<!tpu.dma_semaphore, #tpu.memory_space<semaphore_mem>>, %arg29: memref<!tpu.dma_semaphore, #tpu.memory_space<semaphore_mem>>, %arg30: memref<!tpu.dma_semaphore, #tpu.memory_space<semaphore_mem>>, %arg31: memref<!tpu.dma_semaphore, #tpu.memory_space<semaphore_mem>>, %arg32: memref<!tpu.dma_semaphore, #tpu.memory_space<semaphore_mem>>, %arg33: memref<!tpu.dma_semaphore, #tpu.memory_space<semaphore_mem>>, %arg34: memref<!tpu.dma_semaphore, #tpu.memory_space<semaphore_mem>>, %arg35: memref<!tpu.dma_semaphore, #tpu.memory_space<semaphore_mem>>) attributes {dimension_semantics = [#tpu.dimension_semantics<core_parallel>, #tpu.dimension_semantics<subcore_parallel>], iteration_bounds = array<i64: 2, 16>, scalar_prefetch = 0 : i64, scratch_operands = 29 : i64, tpu.core_type = #tpu.core_type<sc_vector_subcore>, window_params = [{transform_indices = #map}, {transform_indices = #map1}, {transform_indices = #map1}, {transform_indices = #map}, {transform_indices = #map}]} {
    %mul3A = arith.constant 2 : i32
    %mul3A_0 = arith.muli %arg1, %mul3A : i32
    %add3A = arith.addi %mul3A_0, %arg0 : i32
    %mul3A_1 = arith.constant 640 : i32
    %mul3A_2 = arith.muli %arg1, %mul3A_1 : i32
    %dma_start3A = arith.constant 0 : i32
    %dma_start3A_3 = tpu.memref_slice %arg7[%mul3A_2, %dma_start3A] : memref<10240x128xf32, #tpu.memory_space<vmem_shared>> -> memref<640x128xf32, #tpu.memory_space<vmem_shared>>
    %dma_start3A_4 = arith.constant 0 : i32
    %dma_start3A_5 = tpu.memref_slice %arg5[%mul3A_2, %dma_start3A_4] : memref<10240x128xf32, #tpu.memory_space<hbm>> -> memref<640x128xf32, #tpu.memory_space<hbm>>
    tpu.enqueue_dma source(%dma_start3A_5 : memref<640x128xf32, #tpu.memory_space<hbm>>) target(%dma_start3A_3 : memref<640x128xf32, #tpu.memory_space<vmem_shared>>) target_semaphore(%arg28 : memref<!tpu.dma_semaphore, #tpu.memory_space<semaphore_mem>>)
    %mul3A_6 = arith.constant 116 : i32
    %mul3A_7 = arith.muli %add3A, %mul3A_6 : i32
    %mul3A_8 = arith.constant 88 : i32
    %mul3A_9 = arith.muli %mul3A_7, %mul3A_8 : i32
    %multiple_of3A = tpu.assume_multiple %mul3A_9, 8 : i32
    %add3A_10 = arith.constant 0 : i32
    %add3A_11 = arith.addi %multiple_of3A, %add3A_10 : i32
    %dma_start3A_12 = tpu.memref_slice %arg3[%add3A_11] : memref<326656xi32, #tpu.memory_space<hbm>> -> memref<88xi32, #tpu.memory_space<hbm>>
    %dma_start3A_13 = tpu.memref_slice %arg3[%add3A_11] : memref<326656xi32, #tpu.memory_space<hbm>> -> memref<88xi32, #tpu.memory_space<hbm>>
    tpu.enqueue_dma source(%dma_start3A_13 : memref<88xi32, #tpu.memory_space<hbm>>) target(%arg8 : memref<88xi32, #tpu.memory_space<vmem>>) target_semaphore(%arg20 : memref<!tpu.dma_semaphore, #tpu.memory_space<semaphore_mem>>)
    %add3A_14 = arith.constant 0 : i32
    %add3A_15 = arith.addi %multiple_of3A, %add3A_14 : i32
    %dma_start3A_16 = tpu.memref_slice %arg4[%add3A_15] : memref<326656xi32, #tpu.memory_space<hbm>> -> memref<88xi32, #tpu.memory_space<hbm>>
    %dma_start3A_17 = tpu.memref_slice %arg4[%add3A_15] : memref<326656xi32, #tpu.memory_space<hbm>> -> memref<88xi32, #tpu.memory_space<hbm>>
    tpu.enqueue_dma source(%dma_start3A_17 : memref<88xi32, #tpu.memory_space<hbm>>) target(%arg12 : memref<88xi32, #tpu.memory_space<vmem>>) target_semaphore(%arg24 : memref<!tpu.dma_semaphore, #tpu.memory_space<semaphore_mem>>)
    %add3A_18 = arith.constant 88 : i32
    %add3A_19 = arith.addi %multiple_of3A, %add3A_18 : i32
    %dma_start3A_20 = tpu.memref_slice %arg3[%add3A_19] : memref<326656xi32, #tpu.memory_space<hbm>> -> memref<88xi32, #tpu.memory_space<hbm>>
    %dma_start3A_21 = tpu.memref_slice %arg3[%add3A_19] : memref<326656xi32, #tpu.memory_space<hbm>> -> memref<88xi32, #tpu.memory_space<hbm>>
    tpu.enqueue_dma source(%dma_start3A_21 : memref<88xi32, #tpu.memory_space<hbm>>) target(%arg9 : memref<88xi32, #tpu.memory_space<vmem>>) target_semaphore(%arg21 : memref<!tpu.dma_semaphore, #tpu.memory_space<semaphore_mem>>)
    %add3A_22 = arith.constant 88 : i32
    %add3A_23 = arith.addi %multiple_of3A, %add3A_22 : i32
    %dma_start3A_24 = tpu.memref_slice %arg4[%add3A_23] : memref<326656xi32, #tpu.memory_space<hbm>> -> memref<88xi32, #tpu.memory_space<hbm>>
    %dma_start3A_25 = tpu.memref_slice %arg4[%add3A_23] : memref<326656xi32, #tpu.memory_space<hbm>> -> memref<88xi32, #tpu.memory_space<hbm>>
    tpu.enqueue_dma source(%dma_start3A_25 : memref<88xi32, #tpu.memory_space<hbm>>) target(%arg13 : memref<88xi32, #tpu.memory_space<vmem>>) target_semaphore(%arg25 : memref<!tpu.dma_semaphore, #tpu.memory_space<semaphore_mem>>)
    %add3A_26 = arith.constant 176 : i32
    %add3A_27 = arith.addi %multiple_of3A, %add3A_26 : i32
    %dma_start3A_28 = tpu.memref_slice %arg3[%add3A_27] : memref<326656xi32, #tpu.memory_space<hbm>> -> memref<88xi32, #tpu.memory_space<hbm>>
    %dma_start3A_29 = tpu.memref_slice %arg3[%add3A_27] : memref<326656xi32, #tpu.memory_space<hbm>> -> memref<88xi32, #tpu.memory_space<hbm>>
    tpu.enqueue_dma source(%dma_start3A_29 : memref<88xi32, #tpu.memory_space<hbm>>) target(%arg10 : memref<88xi32, #tpu.memory_space<vmem>>) target_semaphore(%arg22 : memref<!tpu.dma_semaphore, #tpu.memory_space<semaphore_mem>>)
    %add3A_30 = arith.constant 176 : i32
    %add3A_31 = arith.addi %multiple_of3A, %add3A_30 : i32
    %dma_start3A_32 = tpu.memref_slice %arg4[%add3A_31] : memref<326656xi32, #tpu.memory_space<hbm>> -> memref<88xi32, #tpu.memory_space<hbm>>
    %dma_start3A_33 = tpu.memref_slice %arg4[%add3A_31] : memref<326656xi32, #tpu.memory_space<hbm>> -> memref<88xi32, #tpu.memory_space<hbm>>
    tpu.enqueue_dma source(%dma_start3A_33 : memref<88xi32, #tpu.memory_space<hbm>>) target(%arg14 : memref<88xi32, #tpu.memory_space<vmem>>) target_semaphore(%arg26 : memref<!tpu.dma_semaphore, #tpu.memory_space<semaphore_mem>>)
    %add3A_34 = arith.constant 264 : i32
    %add3A_35 = arith.addi %multiple_of3A, %add3A_34 : i32
    %dma_start3A_36 = tpu.memref_slice %arg3[%add3A_35] : memref<326656xi32, #tpu.memory_space<hbm>> -> memref<88xi32, #tpu.memory_space<hbm>>
    %dma_start3A_37 = tpu.memref_slice %arg3[%add3A_35] : memref<326656xi32, #tpu.memory_space<hbm>> -> memref<88xi32, #tpu.memory_space<hbm>>
    tpu.enqueue_dma source(%dma_start3A_37 : memref<88xi32, #tpu.memory_space<hbm>>) target(%arg11 : memref<88xi32, #tpu.memory_space<vmem>>) target_semaphore(%arg23 : memref<!tpu.dma_semaphore, #tpu.memory_space<semaphore_mem>>)
    %add3A_38 = arith.constant 264 : i32
    %add3A_39 = arith.addi %multiple_of3A, %add3A_38 : i32
    %dma_start3A_40 = tpu.memref_slice %arg4[%add3A_39] : memref<326656xi32, #tpu.memory_space<hbm>> -> memref<88xi32, #tpu.memory_space<hbm>>
    %dma_start3A_41 = tpu.memref_slice %arg4[%add3A_39] : memref<326656xi32, #tpu.memory_space<hbm>> -> memref<88xi32, #tpu.memory_space<hbm>>
    tpu.enqueue_dma source(%dma_start3A_41 : memref<88xi32, #tpu.memory_space<hbm>>) target(%arg15 : memref<88xi32, #tpu.memory_space<vmem>>) target_semaphore(%arg27 : memref<!tpu.dma_semaphore, #tpu.memory_space<semaphore_mem>>)
    %dma_wait3A = arith.constant 0 : i32
    %dma_wait3A_42 = tpu.memref_slice %arg7[%mul3A_2, %dma_wait3A] : memref<10240x128xf32, #tpu.memory_space<vmem_shared>> -> memref<640x128xf32, #tpu.memory_space<vmem_shared>>
    %dma_wait3A_43 = arith.constant 0 : i32
    %dma_wait3A_44 = tpu.memref_slice %arg5[%mul3A_2, %dma_wait3A_43] : memref<10240x128xf32, #tpu.memory_space<hbm>> -> memref<640x128xf32, #tpu.memory_space<hbm>>
    tpu.wait_dma2 semaphore(%arg28 : memref<!tpu.dma_semaphore, #tpu.memory_space<semaphore_mem>>) src(%dma_wait3A_44 : memref<640x128xf32, #tpu.memory_space<hbm>>) dst(%dma_wait3A_42 : memref<640x128xf32, #tpu.memory_space<vmem_shared>>)
    %barrier3A = arith.constant 0 : index
    tpu.barrier barrier_id(%barrier3A)
    %add3A_45 = arith.constant 0 : i32
    %add3A_46 = arith.addi %multiple_of3A, %add3A_45 : i32
    %dma_wait3A_47 = tpu.memref_slice %arg3[%add3A_46] : memref<326656xi32, #tpu.memory_space<hbm>> -> memref<88xi32, #tpu.memory_space<hbm>>
    %dma_wait3A_48 = tpu.memref_slice %arg3[%add3A_46] : memref<326656xi32, #tpu.memory_space<hbm>> -> memref<88xi32, #tpu.memory_space<hbm>>
    tpu.wait_dma2 semaphore(%arg20 : memref<!tpu.dma_semaphore, #tpu.memory_space<semaphore_mem>>) src(%dma_wait3A_48 : memref<88xi32, #tpu.memory_space<hbm>>) dst(%arg8 : memref<88xi32, #tpu.memory_space<vmem>>)
    %dma_start3A_49 = arith.constant 0 : i32
    %dma_start3A_50 = arith.constant 0 : i32
    %dma_start3A_51 = tpu.memref_slice %arg2[%dma_start3A_49, %dma_start3A_50] : memref<10240x128xf32, #tpu.memory_space<hbm>> -> memref<10240x128xf32, #tpu.memory_space<hbm>>
    tpu.enqueue_indirect_dma source(%dma_start3A_51 : memref<10240x128xf32, #tpu.memory_space<hbm>>) target(%arg16 : memref<88x128xf32, #tpu.memory_space<vmem>>) offsets(%arg8 : memref<88xi32, #tpu.memory_space<vmem>>) semaphore(%arg28 : memref<!tpu.dma_semaphore, #tpu.memory_space<semaphore_mem>>)
    %add3A_52 = arith.constant 88 : i32
    %add3A_53 = arith.addi %multiple_of3A, %add3A_52 : i32
    %dma_wait3A_54 = tpu.memref_slice %arg3[%add3A_53] : memref<326656xi32, #tpu.memory_space<hbm>> -> memref<88xi32, #tpu.memory_space<hbm>>
    %dma_wait3A_55 = tpu.memref_slice %arg3[%add3A_53] : memref<326656xi32, #tpu.memory_space<hbm>> -> memref<88xi32, #tpu.memory_space<hbm>>
    tpu.wait_dma2 semaphore(%arg21 : memref<!tpu.dma_semaphore, #tpu.memory_space<semaphore_mem>>) src(%dma_wait3A_55 : memref<88xi32, #tpu.memory_space<hbm>>) dst(%arg9 : memref<88xi32, #tpu.memory_space<vmem>>)
    %dma_start3A_56 = arith.constant 0 : i32
    %dma_start3A_57 = arith.constant 0 : i32
    %dma_start3A_58 = tpu.memref_slice %arg2[%dma_start3A_56, %dma_start3A_57] : memref<10240x128xf32, #tpu.memory_space<hbm>> -> memref<10240x128xf32, #tpu.memory_space<hbm>>
    tpu.enqueue_indirect_dma source(%dma_start3A_58 : memref<10240x128xf32, #tpu.memory_space<hbm>>) target(%arg17 : memref<88x128xf32, #tpu.memory_space<vmem>>) offsets(%arg9 : memref<88xi32, #tpu.memory_space<vmem>>) semaphore(%arg29 : memref<!tpu.dma_semaphore, #tpu.memory_space<semaphore_mem>>)
    %add3A_59 = arith.constant 176 : i32
    %add3A_60 = arith.addi %multiple_of3A, %add3A_59 : i32
    %dma_wait3A_61 = tpu.memref_slice %arg3[%add3A_60] : memref<326656xi32, #tpu.memory_space<hbm>> -> memref<88xi32, #tpu.memory_space<hbm>>
    %dma_wait3A_62 = tpu.memref_slice %arg3[%add3A_60] : memref<326656xi32, #tpu.memory_space<hbm>> -> memref<88xi32, #tpu.memory_space<hbm>>
    tpu.wait_dma2 semaphore(%arg22 : memref<!tpu.dma_semaphore, #tpu.memory_space<semaphore_mem>>) src(%dma_wait3A_62 : memref<88xi32, #tpu.memory_space<hbm>>) dst(%arg10 : memref<88xi32, #tpu.memory_space<vmem>>)
    %dma_start3A_63 = arith.constant 0 : i32
    %dma_start3A_64 = arith.constant 0 : i32
    %dma_start3A_65 = tpu.memref_slice %arg2[%dma_start3A_63, %dma_start3A_64] : memref<10240x128xf32, #tpu.memory_space<hbm>> -> memref<10240x128xf32, #tpu.memory_space<hbm>>
    tpu.enqueue_indirect_dma source(%dma_start3A_65 : memref<10240x128xf32, #tpu.memory_space<hbm>>) target(%arg18 : memref<88x128xf32, #tpu.memory_space<vmem>>) offsets(%arg10 : memref<88xi32, #tpu.memory_space<vmem>>) semaphore(%arg30 : memref<!tpu.dma_semaphore, #tpu.memory_space<semaphore_mem>>)
    %add3A_66 = arith.constant 264 : i32
    %add3A_67 = arith.addi %multiple_of3A, %add3A_66 : i32
    %dma_wait3A_68 = tpu.memref_slice %arg3[%add3A_67] : memref<326656xi32, #tpu.memory_space<hbm>> -> memref<88xi32, #tpu.memory_space<hbm>>
    %dma_wait3A_69 = tpu.memref_slice %arg3[%add3A_67] : memref<326656xi32, #tpu.memory_space<hbm>> -> memref<88xi32, #tpu.memory_space<hbm>>
    tpu.wait_dma2 semaphore(%arg23 : memref<!tpu.dma_semaphore, #tpu.memory_space<semaphore_mem>>) src(%dma_wait3A_69 : memref<88xi32, #tpu.memory_space<hbm>>) dst(%arg11 : memref<88xi32, #tpu.memory_space<vmem>>)
    %dma_start3A_70 = arith.constant 0 : i32
    %dma_start3A_71 = arith.constant 0 : i32
    %dma_start3A_72 = tpu.memref_slice %arg2[%dma_start3A_70, %dma_start3A_71] : memref<10240x128xf32, #tpu.memory_space<hbm>> -> memref<10240x128xf32, #tpu.memory_space<hbm>>
    tpu.enqueue_indirect_dma source(%dma_start3A_72 : memref<10240x128xf32, #tpu.memory_space<hbm>>) target(%arg19 : memref<88x128xf32, #tpu.memory_space<vmem>>) offsets(%arg11 : memref<88xi32, #tpu.memory_space<vmem>>) semaphore(%arg31 : memref<!tpu.dma_semaphore, #tpu.memory_space<semaphore_mem>>)
    %scan3A = arith.constant 0 : i32
    %scan3A_73 = arith.constant 0 : i32
    %scan3A_74 = arith.constant 28 : i32
    %scan3A_75 = arith.addi %scan3A_73, %scan3A_74 : i32
    %scan3A_76 = arith.constant 1 : i32
    scf.for %scan3A_135 = %scan3A_73 to %scan3A_75 step %scan3A_76  : i32 {
      %mul3A_136 = arith.constant 4 : i32
      %mul3A_137 = arith.muli %scan3A_135, %mul3A_136 : i32
      %add3A_138 = arith.constant 0 : i32
      %add3A_139 = arith.addi %mul3A_137, %add3A_138 : i32
      %dma_wait3A_140 = arith.constant 0 : i32
      %dma_wait3A_141 = arith.constant 0 : i32
      %dma_wait3A_142 = tpu.memref_slice %arg2[%dma_wait3A_140, %dma_wait3A_141] : memref<10240x128xf32, #tpu.memory_space<hbm>> -> memref<10240x128xf32, #tpu.memory_space<hbm>>
      tpu.wait_indirect_dma semaphore(%arg28 : memref<!tpu.dma_semaphore, #tpu.memory_space<semaphore_mem>>) src(%dma_wait3A_142 : memref<10240x128xf32, #tpu.memory_space<hbm>>) dst(%arg16 : memref<88x128xf32, #tpu.memory_space<vmem>>)
      %add3A_143 = arith.constant 4 : i32
      %add3A_144 = arith.addi %add3A_139, %add3A_143 : i32
      %mul3A_145 = arith.constant 88 : i32
      %mul3A_146 = arith.muli %add3A_144, %mul3A_145 : i32
      %add3A_147 = arith.addi %multiple_of3A, %mul3A_146 : i32
      %dma_start3A_148 = tpu.memref_slice %arg3[%add3A_147] : memref<326656xi32, #tpu.memory_space<hbm>> -> memref<88xi32, #tpu.memory_space<hbm>>
      %dma_start3A_149 = tpu.memref_slice %arg3[%add3A_147] : memref<326656xi32, #tpu.memory_space<hbm>> -> memref<88xi32, #tpu.memory_space<hbm>>
      tpu.enqueue_dma source(%dma_start3A_149 : memref<88xi32, #tpu.memory_space<hbm>>) target(%arg8 : memref<88xi32, #tpu.memory_space<vmem>>) target_semaphore(%arg20 : memref<!tpu.dma_semaphore, #tpu.memory_space<semaphore_mem>>)
      %mul3A_150 = arith.constant 88 : i32
      %mul3A_151 = arith.muli %add3A_139, %mul3A_150 : i32
      %add3A_152 = arith.addi %multiple_of3A, %mul3A_151 : i32
      %dma_wait3A_153 = tpu.memref_slice %arg4[%add3A_152] : memref<326656xi32, #tpu.memory_space<hbm>> -> memref<88xi32, #tpu.memory_space<hbm>>
      %dma_wait3A_154 = tpu.memref_slice %arg4[%add3A_152] : memref<326656xi32, #tpu.memory_space<hbm>> -> memref<88xi32, #tpu.memory_space<hbm>>
      tpu.wait_dma2 semaphore(%arg24 : memref<!tpu.dma_semaphore, #tpu.memory_space<semaphore_mem>>) src(%dma_wait3A_154 : memref<88xi32, #tpu.memory_space<hbm>>) dst(%arg12 : memref<88xi32, #tpu.memory_space<vmem>>)
      %dma_start3A_155 = arith.constant 0 : i32
      %dma_start3A_156 = arith.constant 0 : i32
      %dma_start3A_157 = tpu.memref_slice %arg7[%dma_start3A_155, %dma_start3A_156] : memref<10240x128xf32, #tpu.memory_space<vmem_shared>> -> memref<10240x128xf32, #tpu.memory_space<vmem_shared>>
      tpu.enqueue_indirect_dma source(%arg16 : memref<88x128xf32, #tpu.memory_space<vmem>>) target(%dma_start3A_157 : memref<10240x128xf32, #tpu.memory_space<vmem_shared>>) offsets(%arg12 : memref<88xi32, #tpu.memory_space<vmem>>) semaphore(%arg32 : memref<!tpu.dma_semaphore, #tpu.memory_space<semaphore_mem>>) {add = true}
      %dma_wait3A_158 = arith.constant 0 : i32
      %dma_wait3A_159 = arith.constant 0 : i32
      %dma_wait3A_160 = tpu.memref_slice %arg7[%dma_wait3A_158, %dma_wait3A_159] : memref<10240x128xf32, #tpu.memory_space<vmem_shared>> -> memref<10240x128xf32, #tpu.memory_space<vmem_shared>>
      tpu.wait_indirect_dma semaphore(%arg32 : memref<!tpu.dma_semaphore, #tpu.memory_space<semaphore_mem>>) src(%arg16 : memref<88x128xf32, #tpu.memory_space<vmem>>) dst(%dma_wait3A_160 : memref<10240x128xf32, #tpu.memory_space<vmem_shared>>)
      %add3A_161 = arith.constant 4 : i32
      %add3A_162 = arith.addi %add3A_139, %add3A_161 : i32
      %mul3A_163 = arith.constant 88 : i32
      %mul3A_164 = arith.muli %add3A_162, %mul3A_163 : i32
      %add3A_165 = arith.addi %multiple_of3A, %mul3A_164 : i32
      %dma_start3A_166 = tpu.memref_slice %arg4[%add3A_165] : memref<326656xi32, #tpu.memory_space<hbm>> -> memref<88xi32, #tpu.memory_space<hbm>>
      %dma_start3A_167 = tpu.memref_slice %arg4[%add3A_165] : memref<326656xi32, #tpu.memory_space<hbm>> -> memref<88xi32, #tpu.memory_space<hbm>>
      tpu.enqueue_dma source(%dma_start3A_167 : memref<88xi32, #tpu.memory_space<hbm>>) target(%arg12 : memref<88xi32, #tpu.memory_space<vmem>>) target_semaphore(%arg24 : memref<!tpu.dma_semaphore, #tpu.memory_space<semaphore_mem>>)
      %add3A_168 = arith.constant 4 : i32
      %add3A_169 = arith.addi %add3A_139, %add3A_168 : i32
      %mul3A_170 = arith.constant 88 : i32
      %mul3A_171 = arith.muli %add3A_169, %mul3A_170 : i32
      %add3A_172 = arith.addi %multiple_of3A, %mul3A_171 : i32
      %dma_wait3A_173 = tpu.memref_slice %arg3[%add3A_172] : memref<326656xi32, #tpu.memory_space<hbm>> -> memref<88xi32, #tpu.memory_space<hbm>>
      %dma_wait3A_174 = tpu.memref_slice %arg3[%add3A_172] : memref<326656xi32, #tpu.memory_space<hbm>> -> memref<88xi32, #tpu.memory_space<hbm>>
      tpu.wait_dma2 semaphore(%arg20 : memref<!tpu.dma_semaphore, #tpu.memory_space<semaphore_mem>>) src(%dma_wait3A_174 : memref<88xi32, #tpu.memory_space<hbm>>) dst(%arg8 : memref<88xi32, #tpu.memory_space<vmem>>)
      %dma_start3A_175 = arith.constant 0 : i32
      %dma_start3A_176 = arith.constant 0 : i32
      %dma_start3A_177 = tpu.memref_slice %arg2[%dma_start3A_175, %dma_start3A_176] : memref<10240x128xf32, #tpu.memory_space<hbm>> -> memref<10240x128xf32, #tpu.memory_space<hbm>>
      tpu.enqueue_indirect_dma source(%dma_start3A_177 : memref<10240x128xf32, #tpu.memory_space<hbm>>) target(%arg16 : memref<88x128xf32, #tpu.memory_space<vmem>>) offsets(%arg8 : memref<88xi32, #tpu.memory_space<vmem>>) semaphore(%arg28 : memref<!tpu.dma_semaphore, #tpu.memory_space<semaphore_mem>>)
      %mul3A_178 = arith.constant 4 : i32
      %mul3A_179 = arith.muli %scan3A_135, %mul3A_178 : i32
      %add3A_180 = arith.constant 1 : i32
      %add3A_181 = arith.addi %mul3A_179, %add3A_180 : i32
      %dma_wait3A_182 = arith.constant 0 : i32
      %dma_wait3A_183 = arith.constant 0 : i32
      %dma_wait3A_184 = tpu.memref_slice %arg2[%dma_wait3A_182, %dma_wait3A_183] : memref<10240x128xf32, #tpu.memory_space<hbm>> -> memref<10240x128xf32, #tpu.memory_space<hbm>>
      tpu.wait_indirect_dma semaphore(%arg29 : memref<!tpu.dma_semaphore, #tpu.memory_space<semaphore_mem>>) src(%dma_wait3A_184 : memref<10240x128xf32, #tpu.memory_space<hbm>>) dst(%arg17 : memref<88x128xf32, #tpu.memory_space<vmem>>)
      %add3A_185 = arith.constant 4 : i32
      %add3A_186 = arith.addi %add3A_181, %add3A_185 : i32
      %mul3A_187 = arith.constant 88 : i32
      %mul3A_188 = arith.muli %add3A_186, %mul3A_187 : i32
      %add3A_189 = arith.addi %multiple_of3A, %mul3A_188 : i32
      %dma_start3A_190 = tpu.memref_slice %arg3[%add3A_189] : memref<326656xi32, #tpu.memory_space<hbm>> -> memref<88xi32, #tpu.memory_space<hbm>>
      %dma_start3A_191 = tpu.memref_slice %arg3[%add3A_189] : memref<326656xi32, #tpu.memory_space<hbm>> -> memref<88xi32, #tpu.memory_space<hbm>>
      tpu.enqueue_dma source(%dma_start3A_191 : memref<88xi32, #tpu.memory_space<hbm>>) target(%arg9 : memref<88xi32, #tpu.memory_space<vmem>>) target_semaphore(%arg21 : memref<!tpu.dma_semaphore, #tpu.memory_space<semaphore_mem>>)
      %mul3A_192 = arith.constant 88 : i32
      %mul3A_193 = arith.muli %add3A_181, %mul3A_192 : i32
      %add3A_194 = arith.addi %multiple_of3A, %mul3A_193 : i32
      %dma_wait3A_195 = tpu.memref_slice %arg4[%add3A_194] : memref<326656xi32, #tpu.memory_space<hbm>> -> memref<88xi32, #tpu.memory_space<hbm>>
      %dma_wait3A_196 = tpu.memref_slice %arg4[%add3A_194] : memref<326656xi32, #tpu.memory_space<hbm>> -> memref<88xi32, #tpu.memory_space<hbm>>
      tpu.wait_dma2 semaphore(%arg25 : memref<!tpu.dma_semaphore, #tpu.memory_space<semaphore_mem>>) src(%dma_wait3A_196 : memref<88xi32, #tpu.memory_space<hbm>>) dst(%arg13 : memref<88xi32, #tpu.memory_space<vmem>>)
      %dma_start3A_197 = arith.constant 0 : i32
      %dma_start3A_198 = arith.constant 0 : i32
      %dma_start3A_199 = tpu.memref_slice %arg7[%dma_start3A_197, %dma_start3A_198] : memref<10240x128xf32, #tpu.memory_space<vmem_shared>> -> memref<10240x128xf32, #tpu.memory_space<vmem_shared>>
      tpu.enqueue_indirect_dma source(%arg17 : memref<88x128xf32, #tpu.memory_space<vmem>>) target(%dma_start3A_199 : memref<10240x128xf32, #tpu.memory_space<vmem_shared>>) offsets(%arg13 : memref<88xi32, #tpu.memory_space<vmem>>) semaphore(%arg33 : memref<!tpu.dma_semaphore, #tpu.memory_space<semaphore_mem>>) {add = true}
      %dma_wait3A_200 = arith.constant 0 : i32
      %dma_wait3A_201 = arith.constant 0 : i32
      %dma_wait3A_202 = tpu.memref_slice %arg7[%dma_wait3A_200, %dma_wait3A_201] : memref<10240x128xf32, #tpu.memory_space<vmem_shared>> -> memref<10240x128xf32, #tpu.memory_space<vmem_shared>>
      tpu.wait_indirect_dma semaphore(%arg33 : memref<!tpu.dma_semaphore, #tpu.memory_space<semaphore_mem>>) src(%arg17 : memref<88x128xf32, #tpu.memory_space<vmem>>) dst(%dma_wait3A_202 : memref<10240x128xf32, #tpu.memory_space<vmem_shared>>)
      %add3A_203 = arith.constant 4 : i32
      %add3A_204 = arith.addi %add3A_181, %add3A_203 : i32
      %mul3A_205 = arith.constant 88 : i32
      %mul3A_206 = arith.muli %add3A_204, %mul3A_205 : i32
      %add3A_207 = arith.addi %multiple_of3A, %mul3A_206 : i32
      %dma_start3A_208 = tpu.memref_slice %arg4[%add3A_207] : memref<326656xi32, #tpu.memory_space<hbm>> -> memref<88xi32, #tpu.memory_space<hbm>>
      %dma_start3A_209 = tpu.memref_slice %arg4[%add3A_207] : memref<326656xi32, #tpu.memory_space<hbm>> -> memref<88xi32, #tpu.memory_space<hbm>>
      tpu.enqueue_dma source(%dma_start3A_209 : memref<88xi32, #tpu.memory_space<hbm>>) target(%arg13 : memref<88xi32, #tpu.memory_space<vmem>>) target_semaphore(%arg25 : memref<!tpu.dma_semaphore, #tpu.memory_space<semaphore_mem>>)
      %add3A_210 = arith.constant 4 : i32
      %add3A_211 = arith.addi %add3A_181, %add3A_210 : i32
      %mul3A_212 = arith.constant 88 : i32
      %mul3A_213 = arith.muli %add3A_211, %mul3A_212 : i32
      %add3A_214 = arith.addi %multiple_of3A, %mul3A_213 : i32
      %dma_wait3A_215 = tpu.memref_slice %arg3[%add3A_214] : memref<326656xi32, #tpu.memory_space<hbm>> -> memref<88xi32, #tpu.memory_space<hbm>>
      %dma_wait3A_216 = tpu.memref_slice %arg3[%add3A_214] : memref<326656xi32, #tpu.memory_space<hbm>> -> memref<88xi32, #tpu.memory_space<hbm>>
      tpu.wait_dma2 semaphore(%arg21 : memref<!tpu.dma_semaphore, #tpu.memory_space<semaphore_mem>>) src(%dma_wait3A_216 : memref<88xi32, #tpu.memory_space<hbm>>) dst(%arg9 : memref<88xi32, #tpu.memory_space<vmem>>)
      %dma_start3A_217 = arith.constant 0 : i32
      %dma_start3A_218 = arith.constant 0 : i32
      %dma_start3A_219 = tpu.memref_slice %arg2[%dma_start3A_217, %dma_start3A_218] : memref<10240x128xf32, #tpu.memory_space<hbm>> -> memref<10240x128xf32, #tpu.memory_space<hbm>>
      tpu.enqueue_indirect_dma source(%dma_start3A_219 : memref<10240x128xf32, #tpu.memory_space<hbm>>) target(%arg17 : memref<88x128xf32, #tpu.memory_space<vmem>>) offsets(%arg9 : memref<88xi32, #tpu.memory_space<vmem>>) semaphore(%arg29 : memref<!tpu.dma_semaphore, #tpu.memory_space<semaphore_mem>>)
      %mul3A_220 = arith.constant 4 : i32
      %mul3A_221 = arith.muli %scan3A_135, %mul3A_220 : i32
      %add3A_222 = arith.constant 2 : i32
      %add3A_223 = arith.addi %mul3A_221, %add3A_222 : i32
      %dma_wait3A_224 = arith.constant 0 : i32
      %dma_wait3A_225 = arith.constant 0 : i32
      %dma_wait3A_226 = tpu.memref_slice %arg2[%dma_wait3A_224, %dma_wait3A_225] : memref<10240x128xf32, #tpu.memory_space<hbm>> -> memref<10240x128xf32, #tpu.memory_space<hbm>>
      tpu.wait_indirect_dma semaphore(%arg30 : memref<!tpu.dma_semaphore, #tpu.memory_space<semaphore_mem>>) src(%dma_wait3A_226 : memref<10240x128xf32, #tpu.memory_space<hbm>>) dst(%arg18 : memref<88x128xf32, #tpu.memory_space<vmem>>)
      %add3A_227 = arith.constant 4 : i32
      %add3A_228 = arith.addi %add3A_223, %add3A_227 : i32
      %mul3A_229 = arith.constant 88 : i32
      %mul3A_230 = arith.muli %add3A_228, %mul3A_229 : i32
      %add3A_231 = arith.addi %multiple_of3A, %mul3A_230 : i32
      %dma_start3A_232 = tpu.memref_slice %arg3[%add3A_231] : memref<326656xi32, #tpu.memory_space<hbm>> -> memref<88xi32, #tpu.memory_space<hbm>>
      %dma_start3A_233 = tpu.memref_slice %arg3[%add3A_231] : memref<326656xi32, #tpu.memory_space<hbm>> -> memref<88xi32, #tpu.memory_space<hbm>>
      tpu.enqueue_dma source(%dma_start3A_233 : memref<88xi32, #tpu.memory_space<hbm>>) target(%arg10 : memref<88xi32, #tpu.memory_space<vmem>>) target_semaphore(%arg22 : memref<!tpu.dma_semaphore, #tpu.memory_space<semaphore_mem>>)
      %mul3A_234 = arith.constant 88 : i32
      %mul3A_235 = arith.muli %add3A_223, %mul3A_234 : i32
      %add3A_236 = arith.addi %multiple_of3A, %mul3A_235 : i32
      %dma_wait3A_237 = tpu.memref_slice %arg4[%add3A_236] : memref<326656xi32, #tpu.memory_space<hbm>> -> memref<88xi32, #tpu.memory_space<hbm>>
      %dma_wait3A_238 = tpu.memref_slice %arg4[%add3A_236] : memref<326656xi32, #tpu.memory_space<hbm>> -> memref<88xi32, #tpu.memory_space<hbm>>
      tpu.wait_dma2 semaphore(%arg26 : memref<!tpu.dma_semaphore, #tpu.memory_space<semaphore_mem>>) src(%dma_wait3A_238 : memref<88xi32, #tpu.memory_space<hbm>>) dst(%arg14 : memref<88xi32, #tpu.memory_space<vmem>>)
      %dma_start3A_239 = arith.constant 0 : i32
      %dma_start3A_240 = arith.constant 0 : i32
      %dma_start3A_241 = tpu.memref_slice %arg7[%dma_start3A_239, %dma_start3A_240] : memref<10240x128xf32, #tpu.memory_space<vmem_shared>> -> memref<10240x128xf32, #tpu.memory_space<vmem_shared>>
      tpu.enqueue_indirect_dma source(%arg18 : memref<88x128xf32, #tpu.memory_space<vmem>>) target(%dma_start3A_241 : memref<10240x128xf32, #tpu.memory_space<vmem_shared>>) offsets(%arg14 : memref<88xi32, #tpu.memory_space<vmem>>) semaphore(%arg34 : memref<!tpu.dma_semaphore, #tpu.memory_space<semaphore_mem>>) {add = true}
      %dma_wait3A_242 = arith.constant 0 : i32
      %dma_wait3A_243 = arith.constant 0 : i32
      %dma_wait3A_244 = tpu.memref_slice %arg7[%dma_wait3A_242, %dma_wait3A_243] : memref<10240x128xf32, #tpu.memory_space<vmem_shared>> -> memref<10240x128xf32, #tpu.memory_space<vmem_shared>>
      tpu.wait_indirect_dma semaphore(%arg34 : memref<!tpu.dma_semaphore, #tpu.memory_space<semaphore_mem>>) src(%arg18 : memref<88x128xf32, #tpu.memory_space<vmem>>) dst(%dma_wait3A_244 : memref<10240x128xf32, #tpu.memory_space<vmem_shared>>)
      %add3A_245 = arith.constant 4 : i32
      %add3A_246 = arith.addi %add3A_223, %add3A_245 : i32
      %mul3A_247 = arith.constant 88 : i32
      %mul3A_248 = arith.muli %add3A_246, %mul3A_247 : i32
      %add3A_249 = arith.addi %multiple_of3A, %mul3A_248 : i32
      %dma_start3A_250 = tpu.memref_slice %arg4[%add3A_249] : memref<326656xi32, #tpu.memory_space<hbm>> -> memref<88xi32, #tpu.memory_space<hbm>>
      %dma_start3A_251 = tpu.memref_slice %arg4[%add3A_249] : memref<326656xi32, #tpu.memory_space<hbm>> -> memref<88xi32, #tpu.memory_space<hbm>>
      tpu.enqueue_dma source(%dma_start3A_251 : memref<88xi32, #tpu.memory_space<hbm>>) target(%arg14 : memref<88xi32, #tpu.memory_space<vmem>>) target_semaphore(%arg26 : memref<!tpu.dma_semaphore, #tpu.memory_space<semaphore_mem>>)
      %add3A_252 = arith.constant 4 : i32
      %add3A_253 = arith.addi %add3A_223, %add3A_252 : i32
      %mul3A_254 = arith.constant 88 : i32
      %mul3A_255 = arith.muli %add3A_253, %mul3A_254 : i32
      %add3A_256 = arith.addi %multiple_of3A, %mul3A_255 : i32
      %dma_wait3A_257 = tpu.memref_slice %arg3[%add3A_256] : memref<326656xi32, #tpu.memory_space<hbm>> -> memref<88xi32, #tpu.memory_space<hbm>>
      %dma_wait3A_258 = tpu.memref_slice %arg3[%add3A_256] : memref<326656xi32, #tpu.memory_space<hbm>> -> memref<88xi32, #tpu.memory_space<hbm>>
      tpu.wait_dma2 semaphore(%arg22 : memref<!tpu.dma_semaphore, #tpu.memory_space<semaphore_mem>>) src(%dma_wait3A_258 : memref<88xi32, #tpu.memory_space<hbm>>) dst(%arg10 : memref<88xi32, #tpu.memory_space<vmem>>)
      %dma_start3A_259 = arith.constant 0 : i32
      %dma_start3A_260 = arith.constant 0 : i32
      %dma_start3A_261 = tpu.memref_slice %arg2[%dma_start3A_259, %dma_start3A_260] : memref<10240x128xf32, #tpu.memory_space<hbm>> -> memref<10240x128xf32, #tpu.memory_space<hbm>>
      tpu.enqueue_indirect_dma source(%dma_start3A_261 : memref<10240x128xf32, #tpu.memory_space<hbm>>) target(%arg18 : memref<88x128xf32, #tpu.memory_space<vmem>>) offsets(%arg10 : memref<88xi32, #tpu.memory_space<vmem>>) semaphore(%arg30 : memref<!tpu.dma_semaphore, #tpu.memory_space<semaphore_mem>>)
      %mul3A_262 = arith.constant 4 : i32
      %mul3A_263 = arith.muli %scan3A_135, %mul3A_262 : i32
      %add3A_264 = arith.constant 3 : i32
      %add3A_265 = arith.addi %mul3A_263, %add3A_264 : i32
      %dma_wait3A_266 = arith.constant 0 : i32
      %dma_wait3A_267 = arith.constant 0 : i32
      %dma_wait3A_268 = tpu.memref_slice %arg2[%dma_wait3A_266, %dma_wait3A_267] : memref<10240x128xf32, #tpu.memory_space<hbm>> -> memref<10240x128xf32, #tpu.memory_space<hbm>>
      tpu.wait_indirect_dma semaphore(%arg31 : memref<!tpu.dma_semaphore, #tpu.memory_space<semaphore_mem>>) src(%dma_wait3A_268 : memref<10240x128xf32, #tpu.memory_space<hbm>>) dst(%arg19 : memref<88x128xf32, #tpu.memory_space<vmem>>)
      %add3A_269 = arith.constant 4 : i32
      %add3A_270 = arith.addi %add3A_265, %add3A_269 : i32
      %mul3A_271 = arith.constant 88 : i32
      %mul3A_272 = arith.muli %add3A_270, %mul3A_271 : i32
      %add3A_273 = arith.addi %multiple_of3A, %mul3A_272 : i32
      %dma_start3A_274 = tpu.memref_slice %arg3[%add3A_273] : memref<326656xi32, #tpu.memory_space<hbm>> -> memref<88xi32, #tpu.memory_space<hbm>>
      %dma_start3A_275 = tpu.memref_slice %arg3[%add3A_273] : memref<326656xi32, #tpu.memory_space<hbm>> -> memref<88xi32, #tpu.memory_space<hbm>>
      tpu.enqueue_dma source(%dma_start3A_275 : memref<88xi32, #tpu.memory_space<hbm>>) target(%arg11 : memref<88xi32, #tpu.memory_space<vmem>>) target_semaphore(%arg23 : memref<!tpu.dma_semaphore, #tpu.memory_space<semaphore_mem>>)
      %mul3A_276 = arith.constant 88 : i32
      %mul3A_277 = arith.muli %add3A_265, %mul3A_276 : i32
      %add3A_278 = arith.addi %multiple_of3A, %mul3A_277 : i32
      %dma_wait3A_279 = tpu.memref_slice %arg4[%add3A_278] : memref<326656xi32, #tpu.memory_space<hbm>> -> memref<88xi32, #tpu.memory_space<hbm>>
      %dma_wait3A_280 = tpu.memref_slice %arg4[%add3A_278] : memref<326656xi32, #tpu.memory_space<hbm>> -> memref<88xi32, #tpu.memory_space<hbm>>
      tpu.wait_dma2 semaphore(%arg27 : memref<!tpu.dma_semaphore, #tpu.memory_space<semaphore_mem>>) src(%dma_wait3A_280 : memref<88xi32, #tpu.memory_space<hbm>>) dst(%arg15 : memref<88xi32, #tpu.memory_space<vmem>>)
      %dma_start3A_281 = arith.constant 0 : i32
      %dma_start3A_282 = arith.constant 0 : i32
      %dma_start3A_283 = tpu.memref_slice %arg7[%dma_start3A_281, %dma_start3A_282] : memref<10240x128xf32, #tpu.memory_space<vmem_shared>> -> memref<10240x128xf32, #tpu.memory_space<vmem_shared>>
      tpu.enqueue_indirect_dma source(%arg19 : memref<88x128xf32, #tpu.memory_space<vmem>>) target(%dma_start3A_283 : memref<10240x128xf32, #tpu.memory_space<vmem_shared>>) offsets(%arg15 : memref<88xi32, #tpu.memory_space<vmem>>) semaphore(%arg35 : memref<!tpu.dma_semaphore, #tpu.memory_space<semaphore_mem>>) {add = true}
      %dma_wait3A_284 = arith.constant 0 : i32
      %dma_wait3A_285 = arith.constant 0 : i32
      %dma_wait3A_286 = tpu.memref_slice %arg7[%dma_wait3A_284, %dma_wait3A_285] : memref<10240x128xf32, #tpu.memory_space<vmem_shared>> -> memref<10240x128xf32, #tpu.memory_space<vmem_shared>>
      tpu.wait_indirect_dma semaphore(%arg35 : memref<!tpu.dma_semaphore, #tpu.memory_space<semaphore_mem>>) src(%arg19 : memref<88x128xf32, #tpu.memory_space<vmem>>) dst(%dma_wait3A_286 : memref<10240x128xf32, #tpu.memory_space<vmem_shared>>)
      %add3A_287 = arith.constant 4 : i32
      %add3A_288 = arith.addi %add3A_265, %add3A_287 : i32
      %mul3A_289 = arith.constant 88 : i32
      %mul3A_290 = arith.muli %add3A_288, %mul3A_289 : i32
      %add3A_291 = arith.addi %multiple_of3A, %mul3A_290 : i32
      %dma_start3A_292 = tpu.memref_slice %arg4[%add3A_291] : memref<326656xi32, #tpu.memory_space<hbm>> -> memref<88xi32, #tpu.memory_space<hbm>>
      %dma_start3A_293 = tpu.memref_slice %arg4[%add3A_291] : memref<326656xi32, #tpu.memory_space<hbm>> -> memref<88xi32, #tpu.memory_space<hbm>>
      tpu.enqueue_dma source(%dma_start3A_293 : memref<88xi32, #tpu.memory_space<hbm>>) target(%arg15 : memref<88xi32, #tpu.memory_space<vmem>>) target_semaphore(%arg27 : memref<!tpu.dma_semaphore, #tpu.memory_space<semaphore_mem>>)
      %add3A_294 = arith.constant 4 : i32
      %add3A_295 = arith.addi %add3A_265, %add3A_294 : i32
      %mul3A_296 = arith.constant 88 : i32
      %mul3A_297 = arith.muli %add3A_295, %mul3A_296 : i32
      %add3A_298 = arith.addi %multiple_of3A, %mul3A_297 : i32
      %dma_wait3A_299 = tpu.memref_slice %arg3[%add3A_298] : memref<326656xi32, #tpu.memory_space<hbm>> -> memref<88xi32, #tpu.memory_space<hbm>>
      %dma_wait3A_300 = tpu.memref_slice %arg3[%add3A_298] : memref<326656xi32, #tpu.memory_space<hbm>> -> memref<88xi32, #tpu.memory_space<hbm>>
      tpu.wait_dma2 semaphore(%arg23 : memref<!tpu.dma_semaphore, #tpu.memory_space<semaphore_mem>>) src(%dma_wait3A_300 : memref<88xi32, #tpu.memory_space<hbm>>) dst(%arg11 : memref<88xi32, #tpu.memory_space<vmem>>)
      %dma_start3A_301 = arith.constant 0 : i32
      %dma_start3A_302 = arith.constant 0 : i32
      %dma_start3A_303 = tpu.memref_slice %arg2[%dma_start3A_301, %dma_start3A_302] : memref<10240x128xf32, #tpu.memory_space<hbm>> -> memref<10240x128xf32, #tpu.memory_space<hbm>>
      tpu.enqueue_indirect_dma source(%dma_start3A_303 : memref<10240x128xf32, #tpu.memory_space<hbm>>) target(%arg19 : memref<88x128xf32, #tpu.memory_space<vmem>>) offsets(%arg11 : memref<88xi32, #tpu.memory_space<vmem>>) semaphore(%arg31 : memref<!tpu.dma_semaphore, #tpu.memory_space<semaphore_mem>>)
    }
    %scan3A_77 = arith.constant 28 : i32
    %dma_wait3A_78 = arith.constant 0 : i32
    %dma_wait3A_79 = arith.constant 0 : i32
    %dma_wait3A_80 = tpu.memref_slice %arg2[%dma_wait3A_78, %dma_wait3A_79] : memref<10240x128xf32, #tpu.memory_space<hbm>> -> memref<10240x128xf32, #tpu.memory_space<hbm>>
    tpu.wait_indirect_dma semaphore(%arg28 : memref<!tpu.dma_semaphore, #tpu.memory_space<semaphore_mem>>) src(%dma_wait3A_80 : memref<10240x128xf32, #tpu.memory_space<hbm>>) dst(%arg16 : memref<88x128xf32, #tpu.memory_space<vmem>>)
    %add3A_81 = arith.constant 9856 : i32
    %add3A_82 = arith.addi %multiple_of3A, %add3A_81 : i32
    %dma_wait3A_83 = tpu.memref_slice %arg4[%add3A_82] : memref<326656xi32, #tpu.memory_space<hbm>> -> memref<88xi32, #tpu.memory_space<hbm>>
    %dma_wait3A_84 = tpu.memref_slice %arg4[%add3A_82] : memref<326656xi32, #tpu.memory_space<hbm>> -> memref<88xi32, #tpu.memory_space<hbm>>
    tpu.wait_dma2 semaphore(%arg24 : memref<!tpu.dma_semaphore, #tpu.memory_space<semaphore_mem>>) src(%dma_wait3A_84 : memref<88xi32, #tpu.memory_space<hbm>>) dst(%arg12 : memref<88xi32, #tpu.memory_space<vmem>>)
    %dma_start3A_85 = arith.constant 0 : i32
    %dma_start3A_86 = arith.constant 0 : i32
    %dma_start3A_87 = tpu.memref_slice %arg7[%dma_start3A_85, %dma_start3A_86] : memref<10240x128xf32, #tpu.memory_space<vmem_shared>> -> memref<10240x128xf32, #tpu.memory_space<vmem_shared>>
    tpu.enqueue_indirect_dma source(%arg16 : memref<88x128xf32, #tpu.memory_space<vmem>>) target(%dma_start3A_87 : memref<10240x128xf32, #tpu.memory_space<vmem_shared>>) offsets(%arg12 : memref<88xi32, #tpu.memory_space<vmem>>) semaphore(%arg32 : memref<!tpu.dma_semaphore, #tpu.memory_space<semaphore_mem>>) {add = true}
    %dma_wait3A_88 = arith.constant 0 : i32
    %dma_wait3A_89 = arith.constant 0 : i32
    %dma_wait3A_90 = tpu.memref_slice %arg2[%dma_wait3A_88, %dma_wait3A_89] : memref<10240x128xf32, #tpu.memory_space<hbm>> -> memref<10240x128xf32, #tpu.memory_space<hbm>>
    tpu.wait_indirect_dma semaphore(%arg29 : memref<!tpu.dma_semaphore, #tpu.memory_space<semaphore_mem>>) src(%dma_wait3A_90 : memref<10240x128xf32, #tpu.memory_space<hbm>>) dst(%arg17 : memref<88x128xf32, #tpu.memory_space<vmem>>)
    %add3A_91 = arith.constant 9944 : i32
    %add3A_92 = arith.addi %multiple_of3A, %add3A_91 : i32
    %dma_wait3A_93 = tpu.memref_slice %arg4[%add3A_92] : memref<326656xi32, #tpu.memory_space<hbm>> -> memref<88xi32, #tpu.memory_space<hbm>>
    %dma_wait3A_94 = tpu.memref_slice %arg4[%add3A_92] : memref<326656xi32, #tpu.memory_space<hbm>> -> memref<88xi32, #tpu.memory_space<hbm>>
    tpu.wait_dma2 semaphore(%arg25 : memref<!tpu.dma_semaphore, #tpu.memory_space<semaphore_mem>>) src(%dma_wait3A_94 : memref<88xi32, #tpu.memory_space<hbm>>) dst(%arg13 : memref<88xi32, #tpu.memory_space<vmem>>)
    %dma_start3A_95 = arith.constant 0 : i32
    %dma_start3A_96 = arith.constant 0 : i32
    %dma_start3A_97 = tpu.memref_slice %arg7[%dma_start3A_95, %dma_start3A_96] : memref<10240x128xf32, #tpu.memory_space<vmem_shared>> -> memref<10240x128xf32, #tpu.memory_space<vmem_shared>>
    tpu.enqueue_indirect_dma source(%arg17 : memref<88x128xf32, #tpu.memory_space<vmem>>) target(%dma_start3A_97 : memref<10240x128xf32, #tpu.memory_space<vmem_shared>>) offsets(%arg13 : memref<88xi32, #tpu.memory_space<vmem>>) semaphore(%arg33 : memref<!tpu.dma_semaphore, #tpu.memory_space<semaphore_mem>>) {add = true}
    %dma_wait3A_98 = arith.constant 0 : i32
    %dma_wait3A_99 = arith.constant 0 : i32
    %dma_wait3A_100 = tpu.memref_slice %arg2[%dma_wait3A_98, %dma_wait3A_99] : memref<10240x128xf32, #tpu.memory_space<hbm>> -> memref<10240x128xf32, #tpu.memory_space<hbm>>
    tpu.wait_indirect_dma semaphore(%arg30 : memref<!tpu.dma_semaphore, #tpu.memory_space<semaphore_mem>>) src(%dma_wait3A_100 : memref<10240x128xf32, #tpu.memory_space<hbm>>) dst(%arg18 : memref<88x128xf32, #tpu.memory_space<vmem>>)
    %add3A_101 = arith.constant 10032 : i32
    %add3A_102 = arith.addi %multiple_of3A, %add3A_101 : i32
    %dma_wait3A_103 = tpu.memref_slice %arg4[%add3A_102] : memref<326656xi32, #tpu.memory_space<hbm>> -> memref<88xi32, #tpu.memory_space<hbm>>
    %dma_wait3A_104 = tpu.memref_slice %arg4[%add3A_102] : memref<326656xi32, #tpu.memory_space<hbm>> -> memref<88xi32, #tpu.memory_space<hbm>>
    tpu.wait_dma2 semaphore(%arg26 : memref<!tpu.dma_semaphore, #tpu.memory_space<semaphore_mem>>) src(%dma_wait3A_104 : memref<88xi32, #tpu.memory_space<hbm>>) dst(%arg14 : memref<88xi32, #tpu.memory_space<vmem>>)
    %dma_start3A_105 = arith.constant 0 : i32
    %dma_start3A_106 = arith.constant 0 : i32
    %dma_start3A_107 = tpu.memref_slice %arg7[%dma_start3A_105, %dma_start3A_106] : memref<10240x128xf32, #tpu.memory_space<vmem_shared>> -> memref<10240x128xf32, #tpu.memory_space<vmem_shared>>
    tpu.enqueue_indirect_dma source(%arg18 : memref<88x128xf32, #tpu.memory_space<vmem>>) target(%dma_start3A_107 : memref<10240x128xf32, #tpu.memory_space<vmem_shared>>) offsets(%arg14 : memref<88xi32, #tpu.memory_space<vmem>>) semaphore(%arg34 : memref<!tpu.dma_semaphore, #tpu.memory_space<semaphore_mem>>) {add = true}
    %dma_wait3A_108 = arith.constant 0 : i32
    %dma_wait3A_109 = arith.constant 0 : i32
    %dma_wait3A_110 = tpu.memref_slice %arg2[%dma_wait3A_108, %dma_wait3A_109] : memref<10240x128xf32, #tpu.memory_space<hbm>> -> memref<10240x128xf32, #tpu.memory_space<hbm>>
    tpu.wait_indirect_dma semaphore(%arg31 : memref<!tpu.dma_semaphore, #tpu.memory_space<semaphore_mem>>) src(%dma_wait3A_110 : memref<10240x128xf32, #tpu.memory_space<hbm>>) dst(%arg19 : memref<88x128xf32, #tpu.memory_space<vmem>>)
    %add3A_111 = arith.constant 10120 : i32
    %add3A_112 = arith.addi %multiple_of3A, %add3A_111 : i32
    %dma_wait3A_113 = tpu.memref_slice %arg4[%add3A_112] : memref<326656xi32, #tpu.memory_space<hbm>> -> memref<88xi32, #tpu.memory_space<hbm>>
    %dma_wait3A_114 = tpu.memref_slice %arg4[%add3A_112] : memref<326656xi32, #tpu.memory_space<hbm>> -> memref<88xi32, #tpu.memory_space<hbm>>
    tpu.wait_dma2 semaphore(%arg27 : memref<!tpu.dma_semaphore, #tpu.memory_space<semaphore_mem>>) src(%dma_wait3A_114 : memref<88xi32, #tpu.memory_space<hbm>>) dst(%arg15 : memref<88xi32, #tpu.memory_space<vmem>>)
    %dma_start3A_115 = arith.constant 0 : i32
    %dma_start3A_116 = arith.constant 0 : i32
    %dma_start3A_117 = tpu.memref_slice %arg7[%dma_start3A_115, %dma_start3A_116] : memref<10240x128xf32, #tpu.memory_space<vmem_shared>> -> memref<10240x128xf32, #tpu.memory_space<vmem_shared>>
    tpu.enqueue_indirect_dma source(%arg19 : memref<88x128xf32, #tpu.memory_space<vmem>>) target(%dma_start3A_117 : memref<10240x128xf32, #tpu.memory_space<vmem_shared>>) offsets(%arg15 : memref<88xi32, #tpu.memory_space<vmem>>) semaphore(%arg35 : memref<!tpu.dma_semaphore, #tpu.memory_space<semaphore_mem>>) {add = true}
    %dma_wait3A_118 = arith.constant 0 : i32
    %dma_wait3A_119 = arith.constant 0 : i32
    %dma_wait3A_120 = tpu.memref_slice %arg7[%dma_wait3A_118, %dma_wait3A_119] : memref<10240x128xf32, #tpu.memory_space<vmem_shared>> -> memref<10240x128xf32, #tpu.memory_space<vmem_shared>>
    tpu.wait_indirect_dma semaphore(%arg32 : memref<!tpu.dma_semaphore, #tpu.memory_space<semaphore_mem>>) src(%arg16 : memref<88x128xf32, #tpu.memory_space<vmem>>) dst(%dma_wait3A_120 : memref<10240x128xf32, #tpu.memory_space<vmem_shared>>)
    %dma_wait3A_121 = arith.constant 0 : i32
    %dma_wait3A_122 = arith.constant 0 : i32
    %dma_wait3A_123 = tpu.memref_slice %arg7[%dma_wait3A_121, %dma_wait3A_122] : memref<10240x128xf32, #tpu.memory_space<vmem_shared>> -> memref<10240x128xf32, #tpu.memory_space<vmem_shared>>
    tpu.wait_indirect_dma semaphore(%arg33 : memref<!tpu.dma_semaphore, #tpu.memory_space<semaphore_mem>>) src(%arg17 : memref<88x128xf32, #tpu.memory_space<vmem>>) dst(%dma_wait3A_123 : memref<10240x128xf32, #tpu.memory_space<vmem_shared>>)
    %dma_wait3A_124 = arith.constant 0 : i32
    %dma_wait3A_125 = arith.constant 0 : i32
    %dma_wait3A_126 = tpu.memref_slice %arg7[%dma_wait3A_124, %dma_wait3A_125] : memref<10240x128xf32, #tpu.memory_space<vmem_shared>> -> memref<10240x128xf32, #tpu.memory_space<vmem_shared>>
    tpu.wait_indirect_dma semaphore(%arg34 : memref<!tpu.dma_semaphore, #tpu.memory_space<semaphore_mem>>) src(%arg18 : memref<88x128xf32, #tpu.memory_space<vmem>>) dst(%dma_wait3A_126 : memref<10240x128xf32, #tpu.memory_space<vmem_shared>>)
    %dma_wait3A_127 = arith.constant 0 : i32
    %dma_wait3A_128 = arith.constant 0 : i32
    %dma_wait3A_129 = tpu.memref_slice %arg7[%dma_wait3A_127, %dma_wait3A_128] : memref<10240x128xf32, #tpu.memory_space<vmem_shared>> -> memref<10240x128xf32, #tpu.memory_space<vmem_shared>>
    tpu.wait_indirect_dma semaphore(%arg35 : memref<!tpu.dma_semaphore, #tpu.memory_space<semaphore_mem>>) src(%arg19 : memref<88x128xf32, #tpu.memory_space<vmem>>) dst(%dma_wait3A_129 : memref<10240x128xf32, #tpu.memory_space<vmem_shared>>)
    %barrier3A_130 = arith.constant 0 : index
    tpu.barrier barrier_id(%barrier3A_130)
    %mul3A_131 = arith.constant 10240 : i32
    %mul3A_132 = arith.muli %arg0, %mul3A_131 : i32
    %add3A_133 = arith.addi %mul3A_132, %mul3A_2 : i32
    %multiple_of3A_134 = tpu.assume_multiple %add3A_133, 8 : i32
    "tpu.region"() ({
      %run_scoped3A = tpu.sem_alloc : memref<!tpu.dma_semaphore, #tpu.memory_space<semaphore_mem>>
      %dma_start3A_135 = arith.constant 0 : i32
      %dma_start3A_136 = tpu.memref_slice %arg6[%multiple_of3A_134, %dma_start3A_135] : memref<20480x128xf32, #tpu.memory_space<hbm>> -> memref<640x128xf32, #tpu.memory_space<hbm>>
      %dma_start3A_137 = arith.constant 0 : i32
      %dma_start3A_138 = tpu.memref_slice %arg7[%mul3A_2, %dma_start3A_137] : memref<10240x128xf32, #tpu.memory_space<vmem_shared>> -> memref<640x128xf32, #tpu.memory_space<vmem_shared>>
      tpu.enqueue_dma source(%dma_start3A_138 : memref<640x128xf32, #tpu.memory_space<vmem_shared>>) target(%dma_start3A_136 : memref<640x128xf32, #tpu.memory_space<hbm>>) target_semaphore(%run_scoped3A : memref<!tpu.dma_semaphore, #tpu.memory_space<semaphore_mem>>)
      %dma_wait3A_139 = arith.constant 0 : i32
      %dma_wait3A_140 = tpu.memref_slice %arg6[%multiple_of3A_134, %dma_wait3A_139] : memref<20480x128xf32, #tpu.memory_space<hbm>> -> memref<640x128xf32, #tpu.memory_space<hbm>>
      %dma_wait3A_141 = arith.constant 0 : i32
      %dma_wait3A_142 = tpu.memref_slice %arg7[%mul3A_2, %dma_wait3A_141] : memref<10240x128xf32, #tpu.memory_space<vmem_shared>> -> memref<640x128xf32, #tpu.memory_space<vmem_shared>>
      tpu.wait_dma2 semaphore(%run_scoped3A : memref<!tpu.dma_semaphore, #tpu.memory_space<semaphore_mem>>) src(%dma_wait3A_142 : memref<640x128xf32, #tpu.memory_space<vmem_shared>>) dst(%dma_wait3A_140 : memref<640x128xf32, #tpu.memory_space<hbm>>)
      tpu.yield
    }) : () -> ()
    return
  }
}

module attributes {stable_mosaic.version = 14 : i64} {
  func.func @_linear_relu_body(%arg0: i32, %arg1: memref<1024x128xf32, #tpu.memory_space<vmem>>, %arg2: memref<128x128xf32, #tpu.memory_space<vmem>>, %arg3: memref<1x128xf32, #tpu.memory_space<vmem>>, %arg4: memref<1024x128xf32, #tpu.memory_space<vmem>>) attributes {dimension_semantics = [#tpu.dimension_semantics<arbitrary>], iteration_bounds = array<i64: 10>, scalar_prefetch = 0 : i64, scratch_operands = 0 : i64, tpu.core_type = #tpu.core_type<tc>, window_params = [{transform_indices = @transform_0, window_bounds = array<i64: 1024, 128>}, {pipeline_mode = #tpu.pipeline_mode<synchronous>, transform_indices = @transform_1, window_bounds = array<i64: 128, 128>}, {pipeline_mode = #tpu.pipeline_mode<synchronous>, transform_indices = @transform_2, window_bounds = array<i64: 1, 128>}, {transform_indices = @transform_3, window_bounds = array<i64: 1024, 128>}]} {
    %get3A = arith.constant 0 : index
    %get3A_0 = arith.constant 0 : index
    %get3A_1 = vector.load %arg1[%get3A, %get3A_0] : memref<1024x128xf32, #tpu.memory_space<vmem>>, vector<1024x128xf32>
    %get3A_2 = arith.constant 0 : index
    %get3A_3 = arith.constant 0 : index
    %get3A_4 = vector.load %arg2[%get3A_2, %get3A_3] : memref<128x128xf32, #tpu.memory_space<vmem>>, vector<128x128xf32>
    %dot_general3A = arith.constant dense<0.000000e+00> : vector<1024x128xf32>
    %dot_general3A_5 = tpu.matmul %get3A_1, %get3A_4, %dot_general3A {dimension_numbers = #tpu.dot_dimension_numbers<[1], [0], [0], [1], [0, 0, 1, 1], [], []>, transpose_lhs_hint = false} : vector<1024x128xf32>, vector<128x128xf32>, vector<1024x128xf32> -> vector<1024x128xf32>
    %get3A_6 = arith.constant 0 : index
    %get3A_7 = arith.constant 0 : index
    %get3A_8 = vector.load %arg3[%get3A_6, %get3A_7] : memref<1x128xf32, #tpu.memory_space<vmem>>, vector<1x128xf32>
    %add3A = vector.broadcast %get3A_8 : vector<1x128xf32> to vector<1024x128xf32>
    %add3A_9 = arith.addf %dot_general3A_5, %add3A : vector<1024x128xf32>
    %max3A = arith.constant 0.000000e+00 : f32
    %max3A_10 = vector.broadcast %max3A : f32 to vector<1024x128xf32>
    %max3A_11 = arith.maximumf %add3A_9, %max3A_10 : vector<1024x128xf32>
    %swap3A = arith.constant 0 : index
    %swap3A_12 = arith.constant 0 : index
    %swap3A_13 = vector.load %arg4[%swap3A, %swap3A_12] : memref<1024x128xf32, #tpu.memory_space<vmem>>, vector<1024x128xf32>
    tpu.vector_store %arg4[%swap3A, %swap3A_12], %max3A_11 {strides = array<i32>} : memref<1024x128xf32, #tpu.memory_space<vmem>>, vector<1024x128xf32>,
    return
  }
  func.func @transform_0(%arg0: i32) -> (i32, i32) {
    %c0_i32 = arith.constant 0 : i32
    %c0_i32_0 = arith.constant 0 : i32
    return %arg0, %c0_i32 : i32, i32
  }
  func.func @transform_1(%arg0: i32) -> (i32, i32) {
    %c0_i32 = arith.constant 0 : i32
    %c0_i32_0 = arith.constant 0 : i32
    %c0_i32_1 = arith.constant 0 : i32
    return %c0_i32, %c0_i32_0 : i32, i32
  }
  func.func @transform_2(%arg0: i32) -> (i32, i32) {
    %c0_i32 = arith.constant 0 : i32
    %c0_i32_0 = arith.constant 0 : i32
    %c0_i32_1 = arith.constant 0 : i32
    return %c0_i32, %c0_i32_0 : i32, i32
  }
  func.func @transform_3(%arg0: i32) -> (i32, i32) {
    %c0_i32 = arith.constant 0 : i32
    %c0_i32_0 = arith.constant 0 : i32
    return %arg0, %c0_i32 : i32, i32
  }
}

module attributes {stable_mosaic.version = 14 : i64} {
  func.func @_mean_body(%arg0: i32, %arg1: memref<2x1024x128xf32, #tpu.memory_space<vmem>>, %arg2: memref<2x1024x1xf32, #tpu.memory_space<vmem>>, %arg3: memref<1024x128xf32, #tpu.memory_space<vmem>>) attributes {dimension_semantics = [#tpu.dimension_semantics<arbitrary>], iteration_bounds = array<i64: 10>, scalar_prefetch = 0 : i64, scratch_operands = 0 : i64, tpu.core_type = #tpu.core_type<tc>, window_params = [{transform_indices = @transform_0, window_bounds = array<i64: 2, 1024, 128>}, {transform_indices = @transform_1, window_bounds = array<i64: 2, 1024, 1>}, {transform_indices = @transform_2, window_bounds = array<i64: 1024, 128>}]} {
    %get3A = arith.constant 0 : index
    %get3A_0 = arith.constant 0 : index
    %get3A_1 = arith.constant 0 : index
    %get3A_2 = vector.load %arg1[%get3A, %get3A_0, %get3A_1] : memref<2x1024x128xf32, #tpu.memory_space<vmem>>, vector<1x1024x128xf32>
    %get3A_3 = vector.shape_cast %get3A_2 : vector<1x1024x128xf32> to vector<1024x128xf32>
    %get3A_4 = arith.constant 1 : index
    %get3A_5 = arith.constant 0 : index
    %get3A_6 = arith.constant 0 : index
    %get3A_7 = vector.load %arg1[%get3A_4, %get3A_5, %get3A_6] : memref<2x1024x128xf32, #tpu.memory_space<vmem>>, vector<1x1024x128xf32>
    %get3A_8 = vector.shape_cast %get3A_7 : vector<1x1024x128xf32> to vector<1024x128xf32>
    %add3A = arith.addf %get3A_3, %get3A_8 : vector<1024x128xf32>
    %get3A_9 = arith.constant 0 : index
    %get3A_10 = arith.constant 0 : index
    %get3A_11 = arith.constant 0 : index
    %get3A_12 = vector.load %arg2[%get3A_9, %get3A_10, %get3A_11] : memref<2x1024x1xf32, #tpu.memory_space<vmem>>, vector<1x1024x1xf32>
    %get3A_13 = vector.shape_cast %get3A_12 : vector<1x1024x1xf32> to vector<1024x1xf32>
    %get3A_14 = arith.constant 1 : index
    %get3A_15 = arith.constant 0 : index
    %get3A_16 = arith.constant 0 : index
    %get3A_17 = vector.load %arg2[%get3A_14, %get3A_15, %get3A_16] : memref<2x1024x1xf32, #tpu.memory_space<vmem>>, vector<1x1024x1xf32>
    %get3A_18 = vector.shape_cast %get3A_17 : vector<1x1024x1xf32> to vector<1024x1xf32>
    %add3A_19 = arith.addf %get3A_13, %get3A_18 : vector<1024x1xf32>
    %max3A = arith.constant 1.000000e+00 : f32
    %max3A_20 = vector.broadcast %max3A : f32 to vector<1024x1xf32>
    %max3A_21 = arith.maximumf %add3A_19, %max3A_20 : vector<1024x1xf32>
    %div3A = vector.broadcast %max3A_21 : vector<1024x1xf32> to vector<1024x128xf32>
    %div3A_22 = arith.divf %add3A, %div3A : vector<1024x128xf32>
    %swap3A = arith.constant 0 : index
    %swap3A_23 = arith.constant 0 : index
    %swap3A_24 = vector.load %arg3[%swap3A, %swap3A_23] : memref<1024x128xf32, #tpu.memory_space<vmem>>, vector<1024x128xf32>
    tpu.vector_store %arg3[%swap3A, %swap3A_23], %div3A_22 {strides = array<i32>} : memref<1024x128xf32, #tpu.memory_space<vmem>>, vector<1024x128xf32>,
    return
  }
  func.func @transform_0(%arg0: i32) -> (i32, i32, i32) {
    %c0_i32 = arith.constant 0 : i32
    %c0_i32_0 = arith.constant 0 : i32
    %c0_i32_1 = arith.constant 0 : i32
    return %c0_i32, %arg0, %c0_i32_0 : i32, i32, i32
  }
  func.func @transform_1(%arg0: i32) -> (i32, i32, i32) {
    %c0_i32 = arith.constant 0 : i32
    %c0_i32_0 = arith.constant 0 : i32
    %c0_i32_1 = arith.constant 0 : i32
    return %c0_i32, %arg0, %c0_i32_0 : i32, i32, i32
  }
  func.func @transform_2(%arg0: i32) -> (i32, i32) {
    %c0_i32 = arith.constant 0 : i32
    %c0_i32_0 = arith.constant 0 : i32
    return %arg0, %c0_i32 : i32, i32
  }
}

module attributes {stable_mosaic.version = 14 : i64} {
  func.func @_layer_body(%arg0: i32, %arg1: memref<2x1024x128xf32, #tpu.memory_space<vmem>>, %arg2: memref<1024x128xf32, #tpu.memory_space<vmem>>, %arg3: memref<128x128xf32, #tpu.memory_space<vmem>>, %arg4: memref<1024x128xf32, #tpu.memory_space<vmem>>) attributes {dimension_semantics = [#tpu.dimension_semantics<arbitrary>], iteration_bounds = array<i64: 10>, scalar_prefetch = 0 : i64, scratch_operands = 0 : i64, tpu.core_type = #tpu.core_type<tc>, window_params = [{transform_indices = @transform_0, window_bounds = array<i64: 2, 1024, 128>}, {transform_indices = @transform_1, window_bounds = array<i64: 1024, 128>}, {pipeline_mode = #tpu.pipeline_mode<synchronous>, transform_indices = @transform_2, window_bounds = array<i64: 128, 128>}, {transform_indices = @transform_3, window_bounds = array<i64: 1024, 128>}]} {
    %get3A = arith.constant 0 : index
    %get3A_0 = arith.constant 0 : index
    %get3A_1 = arith.constant 0 : index
    %get3A_2 = vector.load %arg1[%get3A, %get3A_0, %get3A_1] : memref<2x1024x128xf32, #tpu.memory_space<vmem>>, vector<1x1024x128xf32>
    %get3A_3 = vector.shape_cast %get3A_2 : vector<1x1024x128xf32> to vector<1024x128xf32>
    %get3A_4 = arith.constant 1 : index
    %get3A_5 = arith.constant 0 : index
    %get3A_6 = arith.constant 0 : index
    %get3A_7 = vector.load %arg1[%get3A_4, %get3A_5, %get3A_6] : memref<2x1024x128xf32, #tpu.memory_space<vmem>>, vector<1x1024x128xf32>
    %get3A_8 = vector.shape_cast %get3A_7 : vector<1x1024x128xf32> to vector<1024x128xf32>
    %add3A = arith.addf %get3A_3, %get3A_8 : vector<1024x128xf32>
    %mul3A = arith.constant 0.899999976 : f32
    %mul3A_9 = vector.broadcast %mul3A : f32 to vector<1024x128xf32>
    %mul3A_10 = arith.mulf %mul3A_9, %add3A : vector<1024x128xf32>
    %get3A_11 = arith.constant 0 : index
    %get3A_12 = arith.constant 0 : index
    %get3A_13 = vector.load %arg2[%get3A_11, %get3A_12] : memref<1024x128xf32, #tpu.memory_space<vmem>>, vector<1024x128xf32>
    %mul3A_14 = arith.constant 1.000000e-01 : f32
    %mul3A_15 = vector.broadcast %mul3A_14 : f32 to vector<1024x128xf32>
    %mul3A_16 = arith.mulf %mul3A_15, %get3A_13 : vector<1024x128xf32>
    %add3A_17 = arith.addf %mul3A_10, %mul3A_16 : vector<1024x128xf32>
    %mul3A_18 = arith.constant 0.594534874 : f32
    %mul3A_19 = vector.broadcast %mul3A_18 : f32 to vector<1024x128xf32>
    %mul3A_20 = arith.mulf %mul3A_19, %add3A_17 : vector<1024x128xf32>
    %get3A_21 = arith.constant 0 : index
    %get3A_22 = arith.constant 0 : index
    %get3A_23 = vector.load %arg3[%get3A_21, %get3A_22] : memref<128x128xf32, #tpu.memory_space<vmem>>, vector<128x128xf32>
    %dot_general3A = arith.constant dense<0.000000e+00> : vector<1024x128xf32>
    %dot_general3A_24 = tpu.matmul %add3A_17, %get3A_23, %dot_general3A {dimension_numbers = #tpu.dot_dimension_numbers<[1], [0], [0], [1], [0, 0, 1, 1], [], []>, transpose_lhs_hint = false} : vector<1024x128xf32>, vector<128x128xf32>, vector<1024x128xf32> -> vector<1024x128xf32>
    %mul3A_25 = arith.constant 0.405465096 : f32
    %mul3A_26 = vector.broadcast %mul3A_25 : f32 to vector<1024x128xf32>
    %mul3A_27 = arith.mulf %mul3A_26, %dot_general3A_24 : vector<1024x128xf32>
    %add3A_28 = arith.addf %mul3A_20, %mul3A_27 : vector<1024x128xf32>
    %max3A = arith.constant 0.000000e+00 : f32
    %max3A_29 = vector.broadcast %max3A : f32 to vector<1024x128xf32>
    %max3A_30 = arith.maximumf %add3A_28, %max3A_29 : vector<1024x128xf32>
    %swap3A = arith.constant 0 : index
    %swap3A_31 = arith.constant 0 : index
    %swap3A_32 = vector.load %arg4[%swap3A, %swap3A_31] : memref<1024x128xf32, #tpu.memory_space<vmem>>, vector<1024x128xf32>
    tpu.vector_store %arg4[%swap3A, %swap3A_31], %max3A_30 {strides = array<i32>} : memref<1024x128xf32, #tpu.memory_space<vmem>>, vector<1024x128xf32>,
    return
  }
  func.func @transform_0(%arg0: i32) -> (i32, i32, i32) {
    %c0_i32 = arith.constant 0 : i32
    %c0_i32_0 = arith.constant 0 : i32
    %c0_i32_1 = arith.constant 0 : i32
    return %c0_i32, %arg0, %c0_i32_0 : i32, i32, i32
  }
  func.func @transform_1(%arg0: i32) -> (i32, i32) {
    %c0_i32 = arith.constant 0 : i32
    %c0_i32_0 = arith.constant 0 : i32
    return %arg0, %c0_i32 : i32, i32
  }
  func.func @transform_2(%arg0: i32) -> (i32, i32) {
    %c0_i32 = arith.constant 0 : i32
    %c0_i32_0 = arith.constant 0 : i32
    %c0_i32_1 = arith.constant 0 : i32
    return %c0_i32, %c0_i32_0 : i32, i32
  }
  func.func @transform_3(%arg0: i32) -> (i32, i32) {
    %c0_i32 = arith.constant 0 : i32
    %c0_i32_0 = arith.constant 0 : i32
    return %arg0, %c0_i32 : i32, i32
  }
}

module attributes {stable_mosaic.version = 14 : i64} {
  func.func @_layer_final_body(%arg0: i32, %arg1: memref<2x1024x128xf32, #tpu.memory_space<vmem>>, %arg2: memref<1024x128xf32, #tpu.memory_space<vmem>>, %arg3: memref<128x128xf32, #tpu.memory_space<vmem>>, %arg4: memref<128x128xf32, #tpu.memory_space<vmem>>, %arg5: memref<1x128xf32, #tpu.memory_space<vmem>>, %arg6: memref<1024x128xf32, #tpu.memory_space<vmem>>) attributes {dimension_semantics = [#tpu.dimension_semantics<arbitrary>], iteration_bounds = array<i64: 10>, scalar_prefetch = 0 : i64, scratch_operands = 0 : i64, tpu.core_type = #tpu.core_type<tc>, window_params = [{transform_indices = @transform_0, window_bounds = array<i64: 2, 1024, 128>}, {transform_indices = @transform_1, window_bounds = array<i64: 1024, 128>}, {pipeline_mode = #tpu.pipeline_mode<synchronous>, transform_indices = @transform_2, window_bounds = array<i64: 128, 128>}, {pipeline_mode = #tpu.pipeline_mode<synchronous>, transform_indices = @transform_3, window_bounds = array<i64: 128, 128>}, {pipeline_mode = #tpu.pipeline_mode<synchronous>, transform_indices = @transform_4, window_bounds = array<i64: 1, 128>}, {transform_indices = @transform_5, window_bounds = array<i64: 1024, 128>}]} {
    %get3A = arith.constant 0 : index
    %get3A_0 = arith.constant 0 : index
    %get3A_1 = arith.constant 0 : index
    %get3A_2 = vector.load %arg1[%get3A, %get3A_0, %get3A_1] : memref<2x1024x128xf32, #tpu.memory_space<vmem>>, vector<1x1024x128xf32>
    %get3A_3 = vector.shape_cast %get3A_2 : vector<1x1024x128xf32> to vector<1024x128xf32>
    %get3A_4 = arith.constant 1 : index
    %get3A_5 = arith.constant 0 : index
    %get3A_6 = arith.constant 0 : index
    %get3A_7 = vector.load %arg1[%get3A_4, %get3A_5, %get3A_6] : memref<2x1024x128xf32, #tpu.memory_space<vmem>>, vector<1x1024x128xf32>
    %get3A_8 = vector.shape_cast %get3A_7 : vector<1x1024x128xf32> to vector<1024x128xf32>
    %add3A = arith.addf %get3A_3, %get3A_8 : vector<1024x128xf32>
    %mul3A = arith.constant 0.899999976 : f32
    %mul3A_9 = vector.broadcast %mul3A : f32 to vector<1024x128xf32>
    %mul3A_10 = arith.mulf %mul3A_9, %add3A : vector<1024x128xf32>
    %get3A_11 = arith.constant 0 : index
    %get3A_12 = arith.constant 0 : index
    %get3A_13 = vector.load %arg2[%get3A_11, %get3A_12] : memref<1024x128xf32, #tpu.memory_space<vmem>>, vector<1024x128xf32>
    %mul3A_14 = arith.constant 1.000000e-01 : f32
    %mul3A_15 = vector.broadcast %mul3A_14 : f32 to vector<1024x128xf32>
    %mul3A_16 = arith.mulf %mul3A_15, %get3A_13 : vector<1024x128xf32>
    %add3A_17 = arith.addf %mul3A_10, %mul3A_16 : vector<1024x128xf32>
    %mul3A_18 = arith.constant 0.776856422 : f32
    %mul3A_19 = vector.broadcast %mul3A_18 : f32 to vector<1024x128xf32>
    %mul3A_20 = arith.mulf %mul3A_19, %add3A_17 : vector<1024x128xf32>
    %get3A_21 = arith.constant 0 : index
    %get3A_22 = arith.constant 0 : index
    %get3A_23 = vector.load %arg3[%get3A_21, %get3A_22] : memref<128x128xf32, #tpu.memory_space<vmem>>, vector<128x128xf32>
    %dot_general3A = arith.constant dense<0.000000e+00> : vector<1024x128xf32>
    %dot_general3A_24 = tpu.matmul %add3A_17, %get3A_23, %dot_general3A {dimension_numbers = #tpu.dot_dimension_numbers<[1], [0], [0], [1], [0, 0, 1, 1], [], []>, transpose_lhs_hint = false} : vector<1024x128xf32>, vector<128x128xf32>, vector<1024x128xf32> -> vector<1024x128xf32>
    %mul3A_25 = arith.constant 0.223143548 : f32
    %mul3A_26 = vector.broadcast %mul3A_25 : f32 to vector<1024x128xf32>
    %mul3A_27 = arith.mulf %mul3A_26, %dot_general3A_24 : vector<1024x128xf32>
    %add3A_28 = arith.addf %mul3A_20, %mul3A_27 : vector<1024x128xf32>
    %max3A = arith.constant 0.000000e+00 : f32
    %max3A_29 = vector.broadcast %max3A : f32 to vector<1024x128xf32>
    %max3A_30 = arith.maximumf %add3A_28, %max3A_29 : vector<1024x128xf32>
    %get3A_31 = arith.constant 0 : index
    %get3A_32 = arith.constant 0 : index
    %get3A_33 = vector.load %arg4[%get3A_31, %get3A_32] : memref<128x128xf32, #tpu.memory_space<vmem>>, vector<128x128xf32>
    %dot_general3A_34 = arith.constant dense<0.000000e+00> : vector<1024x128xf32>
    %dot_general3A_35 = tpu.matmul %max3A_30, %get3A_33, %dot_general3A_34 {dimension_numbers = #tpu.dot_dimension_numbers<[1], [0], [0], [1], [0, 0, 1, 1], [], []>, transpose_lhs_hint = false} : vector<1024x128xf32>, vector<128x128xf32>, vector<1024x128xf32> -> vector<1024x128xf32>
    %get3A_36 = arith.constant 0 : index
    %get3A_37 = arith.constant 0 : index
    %get3A_38 = vector.load %arg5[%get3A_36, %get3A_37] : memref<1x128xf32, #tpu.memory_space<vmem>>, vector<1x128xf32>
    %add3A_39 = vector.broadcast %get3A_38 : vector<1x128xf32> to vector<1024x128xf32>
    %add3A_40 = arith.addf %dot_general3A_35, %add3A_39 : vector<1024x128xf32>
    %iota3A = tpu.iota {dimensions = array<i32: 1>} : vector<1024x128xi32>
    %lt3A = arith.constant 40 : i32
    %lt3A_41 = vector.broadcast %lt3A : i32 to vector<1024x128xi32>
    %lt3A_42 = arith.cmpi slt, %iota3A, %lt3A_41 : vector<1024x128xi32>
    %jit3A = arith.constant -1.000000e+30 : f32
    %broadcast_in_dim3A = vector.broadcast %jit3A : f32 to vector<1024x128xf32>
    %select_n3A = arith.select %lt3A_42, %add3A_40, %broadcast_in_dim3A : vector<1024x128xi1>, vector<1024x128xf32>
    %reduce_max3A = arith.constant dense<0xFF800000> : vector<1024xf32>
    %reduce_max3A_43 = vector.multi_reduction <maximumf>, %select_n3A, %reduce_max3A [1] : vector<1024x128xf32> to vector<1024xf32>
    %broadcast_in_dim3A_44 = vector.shape_cast %reduce_max3A_43 : vector<1024xf32> to vector<1024x1xf32>
    %sub3A = vector.broadcast %broadcast_in_dim3A_44 : vector<1024x1xf32> to vector<1024x128xf32>
    %sub3A_45 = arith.subf %add3A_40, %sub3A : vector<1024x128xf32>
    %exp3A = math.exp %sub3A_45 : vector<1024x128xf32>
    %jit3A_46 = arith.constant 0.000000e+00 : f32
    %broadcast_in_dim3A_47 = vector.broadcast %jit3A_46 : f32 to vector<1024x128xf32>
    %select_n3A_48 = arith.select %lt3A_42, %exp3A, %broadcast_in_dim3A_47 : vector<1024x128xi1>, vector<1024x128xf32>
    %reduce_sum3A = arith.constant dense<0.000000e+00> : vector<1024xf32>
    %reduce_sum3A_49 = vector.multi_reduction <add>, %select_n3A_48, %reduce_sum3A [1] : vector<1024x128xf32> to vector<1024xf32>
    %broadcast_in_dim3A_50 = vector.shape_cast %reduce_sum3A_49 : vector<1024xf32> to vector<1024x1xf32>
    %sub3A_51 = vector.broadcast %broadcast_in_dim3A_44 : vector<1024x1xf32> to vector<1024x128xf32>
    %sub3A_52 = arith.subf %add3A_40, %sub3A_51 : vector<1024x128xf32>
    %log3A = math.log %broadcast_in_dim3A_50 : vector<1024x1xf32>
    %sub3A_53 = vector.broadcast %log3A : vector<1024x1xf32> to vector<1024x128xf32>
    %sub3A_54 = arith.subf %sub3A_52, %sub3A_53 : vector<1024x128xf32>
    %swap3A = arith.constant 0 : index
    %swap3A_55 = arith.constant 0 : index
    %swap3A_56 = vector.load %arg6[%swap3A, %swap3A_55] : memref<1024x128xf32, #tpu.memory_space<vmem>>, vector<1024x128xf32>
    tpu.vector_store %arg6[%swap3A, %swap3A_55], %sub3A_54 {strides = array<i32>} : memref<1024x128xf32, #tpu.memory_space<vmem>>, vector<1024x128xf32>,
    return
  }
  func.func @transform_0(%arg0: i32) -> (i32, i32, i32) {
    %c0_i32 = arith.constant 0 : i32
    %c0_i32_0 = arith.constant 0 : i32
    %c0_i32_1 = arith.constant 0 : i32
    return %c0_i32, %arg0, %c0_i32_0 : i32, i32, i32
  }
  func.func @transform_1(%arg0: i32) -> (i32, i32) {
    %c0_i32 = arith.constant 0 : i32
    %c0_i32_0 = arith.constant 0 : i32
    return %arg0, %c0_i32 : i32, i32
  }
  func.func @transform_2(%arg0: i32) -> (i32, i32) {
    %c0_i32 = arith.constant 0 : i32
    %c0_i32_0 = arith.constant 0 : i32
    %c0_i32_1 = arith.constant 0 : i32
    return %c0_i32, %c0_i32_0 : i32, i32
  }
  func.func @transform_3(%arg0: i32) -> (i32, i32) {
    %c0_i32 = arith.constant 0 : i32
    %c0_i32_0 = arith.constant 0 : i32
    %c0_i32_1 = arith.constant 0 : i32
    return %c0_i32, %c0_i32_0 : i32, i32
  }
  func.func @transform_4(%arg0: i32) -> (i32, i32) {
    %c0_i32 = arith.constant 0 : i32
    %c0_i32_0 = arith.constant 0 : i32
    %c0_i32_1 = arith.constant 0 : i32
    return %c0_i32, %c0_i32_0 : i32, i32
  }
  func.func @transform_5(%arg0: i32) -> (i32, i32) {
    %c0_i32 = arith.constant 0 : i32
    %c0_i32_0 = arith.constant 0 : i32
    return %arg0, %c0_i32 : i32, i32
  }
}

</mosaic_0001>

<sc_bundles>
// kernel: kernel.11.cloned.1.call-start
scs
__scs_entry_jumppad:
0x0: {  	(pc) =	sbr.rel $0x88, $3  }
0x1: {  	(tag) =	ssettag $0x0;
	lr =	simm.s32 $0x1  }
0x2: {  	[smem:$0x3F98] =	sst lr;
	_ =	strace $0xD0000000  }
0x3: {  	_ = 	snop  }
0x4: {  	_ = 	snop  }
0x5: {  	_ = 	snop  }
0x6: {  	_ = 	snop  }
0x7: {  	_ = 	snop  }
__scs_overlays_trampoline_lowered:
0x8: {  	[smem:$0x3FA7] =	sst s0  }
0x9: {  	[smem:$0x3FA8] =	sst s1  }
0xa: {  	[smem:$0x3FA9] =	sst s2  }
0xb: {  	[smem:$0x3FAA] =	sst s3  }
0xc: {  	[smem:$0x3FAB] =	sst s4  }
0xd: {  	[smem:$0x3FAC] =	sst s5  }
0xe: {  	[smem:$0x3FAD] =	sst s6  }
0xf: {  	[smem:$0x3FAE] =	sst s7  }
0x10: {  	[smem:$0x3FAF] =	sst s8  }
0x11: {  	[smem:$0x3FB0] =	sst s9;
	s0 =	simm.s32 @!p0 $0x0  }
0x12: {  	s1 =	sld [smem:$0x3F96];
	s0 =	simm.s32 @p0 $0x1  }
0x13: {  	[smem:$0x3FB1] =	sst s0;
	s0 =	simm.s32 @!p1 $0x0  }
0x14: {  	s2 =	sld [smem:$0x3F95];
	s0 =	simm.s32 @p1 $0x1  }
0x15: {  	[smem:$0x3FB2] =	sst s0;
	s0 =	simm.s32 @!p2 $0x0  }
0x16: {  	s3 =	sld [smem:$0x3FDB];
	s0 =	simm.s32 @p2 $0x1  }
0x17: {  	s4 =	simm.s32 $0x1BF5;
	[smem:$0x3FB4] =	sst s0  }
0x18: {  	s0 =	sld [smem:$0x3F97];
	_ =	swait.ge [sflag:s4], $0x0  }
0x19: {  	s7 =	sld [smem:$0x3F98]  }
0x1a: {  	s8 =	sadd.s32 $0xFFFFE003, lr  }
0x1b: {  	s9 =	sadd.s32 $0xFFFFFEF7, lr;
	s5 =	simm.s32 $0xFFFFFFFF;
	p2 =	slt.u32 s8, $0xFFFFF086  }
0x1c: {  	p1 =	slt.u32 s9, $0xF7A;
	s5 =	simm.s32 @!p2 $0x0  }
0x1d: {  	s5 =	simm.s32 @p1 $0x1;
	p0 =	seq.s32 s7, s2  }
0x1e: {  	s7 =	smul.u32 @!p0 $0xF7A, s2;
	p2 =	seq.s32 @!p0 s5, $0x0  }
0x1f: {  	s9 =	smul.u32 $0xF7A, s1;
	s8 =	simm.s32 @!p0 $0x1BF5;
	p2 =	por !p2, p0  }
0x20: {  	[sflag:s8] =	ssyncset.s32 @!p0 $0xFFFFF086;
	s6 =	sadd.s32 @!p0 s3, s7;
	s7 =	simm.s32 @!p0 $0x108  }
0x21: {  	s3 =	sadd.s32 s3, s9;
	s6 =	sadd.s32 @!p0 $0x88, s6;
	s7 =	simm.s32 @p2 $0x1082  }
0x22: {  	[simem:s7], [sflag:s8] =	dma.local @!p0 [hbm:s6], $0xF7A  }
0x23: {  	s9 =	sor.u32 $0xD0000000, s2;
	s6 =	simm.s32 $0x108;
	_ =	swait.ge @!p0 [sflag:s8], $0x0  }
0x24: {  	s3 =	sadd.s32 $0x88, s3;
	s6 =	simm.s32 @!p1 $0x1082;
	[sflag:s4] =	ssyncset.s32 $0xFFFFF086  }
0x25: {  	[simem:s6], [sflag:s4] =	dma.local [hbm:s3], $0xF7A  }
0x26: {  	[smem:$0x3F98] =	sst s1;
	(tag) =	ssettag s2;
	_ =	strace s9  }
0x27: {  	s1 =	sld [smem:$0x3FA8]  }
0x28: {  	s2 =	sld [smem:$0x3FA9]  }
0x29: {  	s4 =	sld [smem:$0x3FAB]  }
0x2a: {  	p0 =	seq.s32 s5, $0x0;
	s5 =	sld [smem:$0x3FAC]  }
0x2b: {  	s6 =	sld [smem:$0x3FAD]  }
0x2c: {  	s7 =	sld [smem:$0x3FAE]  }
0x2d: {  	s3 =	simm.s32 $0x108;
	s8 =	sld [smem:$0x3FAF]  }
0x2e: {  	s3 =	simm.s32 @!p0 $0x1082;
	s9 =	sld [smem:$0x3FB0]  }
0x2f: {  	lr =	sadd.s32 s0, s3;
	s0 =	sld [smem:$0x3FA7]  }
0x30: {  	s3 =	sld [smem:$0x3FAA]  }
0x31: {  	[smem:$0x3FB3] =	sst s10  }
0x32: {  	s10 =	sld [smem:$0x3FB1];
	_ =	sdelay $0x3  }
0x33: {  	p0 =	seq.s32 s10, $0x1;
	s10 =	sld [smem:$0x3FB3];
	_ =	sdelay $0x3  }
0x34: {  	[smem:$0x3FB3] =	sst s10  }
0x35: {  	s10 =	sld [smem:$0x3FB2];
	_ =	sdelay $0x3  }
0x36: {  	p1 =	seq.s32 s10, $0x1;
	s10 =	sld [smem:$0x3FB3];
	_ =	sdelay $0x3  }
0x37: {  	[smem:$0x3FB3] =	sst s10  }
0x38: {  	s10 =	sld [smem:$0x3FB4]  }
0x39: {  	_ = 	snop;
	(pc) =	sbr.ind lr, $3  }
0x3a: {  	_ = 	snop  }
0x3b: {  	_ = 	snop  }
0x3c: {  	p2 =	seq.s32 s10, $0x1;
	s10 =	sld [smem:$0x3FB3]  }
0x3d: {  	_ =	shalt  }
0x3e: {  	_ =	shalt  }
0x3f: {  	_ =	shalt  }
0x40: {  	_ =	shalt  }
0x41: {  	_ =	shalt  }
0x42: {  	_ =	shalt  }
0x43: {  	_ =	shalt  }
0x44: {  	_ =	shalt  }
0x45: {  	_ =	shalt  }
0x46: {  	_ =	shalt  }
0x47: {  	_ =	shalt  }
0x48: {  	_ =	shalt  }
0x49: {  	_ =	shalt  }
0x4a: {  	_ =	shalt  }
0x4b: {  	_ =	shalt  }
0x4c: {  	_ =	shalt  }
0x4d: {  	_ =	shalt  }
0x4e: {  	_ =	shalt  }
0x4f: {  	_ =	shalt  }
0x50: {  	_ =	shalt  }
0x51: {  	_ =	shalt  }
0x52: {  	_ =	shalt  }
0x53: {  	_ =	shalt  }
0x54: {  	_ =	shalt  }
0x55: {  	_ =	shalt  }
0x56: {  	_ =	shalt  }
0x57: {  	_ =	shalt  }
0x58: {  	_ =	shalt  }
0x59: {  	_ =	shalt  }
0x5a: {  	_ =	shalt  }
0x5b: {  	_ =	shalt  }
0x5c: {  	_ =	shalt  }
0x5d: {  	_ =	shalt  }
0x5e: {  	_ =	shalt  }
0x5f: {  	_ =	shalt  }
0x60: {  	_ =	shalt  }
0x61: {  	_ =	shalt  }
0x62: {  	_ =	shalt  }
0x63: {  	_ =	shalt  }
0x64: {  	_ =	shalt  }
0x65: {  	_ =	shalt  }
0x66: {  	_ =	shalt  }
0x67: {  	_ =	shalt  }
0x68: {  	_ =	shalt  }
0x69: {  	_ =	shalt  }
0x6a: {  	_ =	shalt  }
0x6b: {  	_ =	shalt  }
0x6c: {  	_ =	shalt  }
0x6d: {  	_ =	shalt  }
0x6e: {  	_ =	shalt  }
0x6f: {  	_ =	shalt  }
0x70: {  	_ =	shalt  }
0x71: {  	_ =	shalt  }
0x72: {  	_ =	shalt  }
0x73: {  	_ =	shalt  }
0x74: {  	_ =	shalt  }
0x75: {  	_ =	shalt  }
0x76: {  	_ =	shalt  }
0x77: {  	_ =	shalt  }
0x78: {  	_ =	shalt  }
0x79: {  	_ =	shalt  }
0x7a: {  	_ =	shalt  }
0x7b: {  	_ =	shalt  }
0x7c: {  	_ =	shalt  }
0x7d: {  	_ =	shalt  }
0x7e: {  	_ =	shalt  }
0x7f: {  	_ =	shalt  }
0x80: {  	_ =	shalt  }
0x81: {  	_ =	shalt  }
0x82: {  	_ =	shalt  }
0x83: {  	_ =	shalt  }
0x84: {  	_ =	shalt  }
0x85: {  	_ =	shalt  }
0x86: {  	_ =	shalt  }
0x87: {  	_ =	shalt  }
.Lfunc_end0:
.L_simem_size_0:
called_computation_lowered:
.L_overlay_start_0:
0x88: {  	s2 =	sld [smem:$0x3FD9]  }
0x89: {  	s3 =	sld [smem:$0x3FFE];
	_ =	sdelay $0x1  }
0x8a: {  	s1 =	srdreg.scid  }
0x8b: {  	s0 =	sand.u32 $0x1, s1  }
0x8c: {  	s17 =	sshll.u32 s0, $0xA;
	s2 =	sadd.s32 s3, s2  }
0x8d: {  	s2 =	sadd.s32 s2, s17  }
0x8e: {  	[smem:$0x3FBF] =	sst s2  }
0x8f: {  	_ = 	snop  }
0x90: {  	s2 =	sld [smem:$0x3FD0];
	(tm) =	ssettm $0x1  }
0x91: {  	s18 =	sld [smem:$0x3FFB];
	_ =	sdelay $0x3  }
0x92: {  	_ =	strace s18  }
0x93: {  	s3 =	sld [smem:$0x3FFC];
	_ =	sdelay $0x3  }
0x94: {  	_ =	strace s3  }
0x95: {  	s3 =	sld [smem:$0x3FFD];
	_ =	sdelay $0x3  }
0x96: {  	_ =	strace s3  }
0x97: {  	_ =	strace $0x8FFFFFFF  }
0x98: {  	s19 =	sld [smem:$0x3FDB];
	_ =	sdelay $0x1  }
0x99: {  	s4 =	simm.s32 $_scs_section_size  }
0x9a: {  	s5 =	simm.s32 $_size__tile_overlayer_lowered;
	s6 =	simm.s32 $_tile_overlayer_lowered  }
0x9b: {  	s22 =	simm.s32 $0x1BFF;
	s21 =	sshll.u32 s6, $0x1;
	s3 =	sadd.s32 s4, s19  }
0x9c: {  	s7 =	simm.s32 $0x0;
	s20 =	sshll.u32 s5, $0x1;
	s5 =	sadd.s32 s21, s3  }
0x9d: {  	[timem:s7], [sflag:s22] =	dma.local [hbm:s5], s20  }
0x9e: {  	_ =	swait.ge [sflag:s22], s20  }
0x9f: {  	s4 =	ssub.s32 $0x0, s20;
	[sflag:s22] =	ssyncset.done $0x0  }
0xa0: {  	[sflag:s22] =	ssyncadd.s32 s4;
	_ =	sdelay $0x1  }
0xa1: {  	s23 =	simm.s32 $0x1B8B  }
0xa2: {  	_ =	swait.ge [sflag:s23], $0x1  }
0xa3: {  	[sflag:s23] =	ssyncset.done $0x0  }
0xa4: {  	s25 =	simm.s32 $0x1B8E;
	s24 =	sld [smem:$0x3FFE];
	[sflag:s23] =	ssyncadd.s32 $0xFFFFFFFF  }
0xa5: {  	s26 =	simm.s32 $execute0_lowered;
	[smem:$0x3FD2] =	sst s25  }
0xa6: {  	s5 =	sshll.u32 s26, $0x1;
	_ =	strace $0x80000046;
	[dreg:$0x1] =	wrdreg $0xFFFFFFFF  }
0xa7: {  	s28 =	simm.s32 $_size_execute0_lowered;
	s3 =	sadd.s32 s3, s5;
	[dreg:$0x0] =	wrdreg $0x0  }
0xa8: {  	s5 =	sshll.u32 s28, $0x1;
	[dreg:$0x2] =	wrdreg s3  }
0xa9: {  	[dreg:$0x3] =	wrdreg s5  }
0xaa: {  	[dreg:$0x4] =	wrdreg $0xC0  }
0xab: {  	_ =	task [dreg:s7], $0x5FFFF  }
0xac: {  	[dreg:$0x1] =	wrdreg $0xFFFFFFFF  }
0xad: {  	[dreg:$0x0] =	wrdreg $0x60  }
0xae: {  	[dreg:$0x2] =	wrdreg s24  }
0xaf: {  	[dreg:$0x3] =	wrdreg s2  }
0xb0: {  	[dreg:$0x4] =	wrdreg $0x0  }
0xb1: {  	[dreg:$0x5] =	wrdreg $0x140000  }
0xb2: {  	[dreg:$0x6] =	wrdreg $0x9  }
0xb3: {  	_ =	task.clear_ibuf [dreg:s7], $0x7FFFF;
	_ =	strace $0x90000046  }
0xb4: {  	s29 =	simm.s32 $0x9;
	_ =	strace $0x80000048  }
0xb5: {  	_ =	swait.ge [sflag:s29], $0x1  }
0xb6: {  	[sflag:s29] =	ssyncadd.s32 $0xFFFFFFFF  }
0xb7: {  	_ =	strace $0x90000048  }
0xb8: {  	_ =	sfence  }
0xb9: {  	s30 =	sld [smem:$0x0];
	_ =	sdelay $0x2  }
0xba: {  	s31 =	sshll.u32 s1, $0xD;
	s1 =	sshrl.u32 s1, $0x2  }
0xbb: {  	s3 =	sand.u32 $0x4000, s31;
	s1 =	sadd.s32 s1, s30  }
0xbc: {  	s0 =	sor.u32 s3, s0;
	s1 =	sshll.u32 s1, $0x11  }
0xbd: {  	s0 =	sor.u32 s1, s0  }
0xbe: {  	s0 =	sadd.s32 $0x8F2B, s0  }
0xbf: {  	[sflag:s0] =	ssyncadd.remote.s32 $0x1  }
0xc0: {  	_ =	sfence.sel $0xFFFF  }
0xc1: {  	[dreg:$0x0] =	wrdreg $0xFFFFFFFF;
	(pc) =	sbr.abs _section_cstart, $3  }
0xc2: {  	[dreg:$0x1] =	wrdreg $0xFFFFFFFF  }
0xc3: {  	_ =	task.clear_ibuf [dreg:s7], $0x2FFFF;
	_ =	strace $0x9FFFFFFF  }
0xc4: {  	(tm) =	ssettm $0x7FFFFFFF  }
0xc5: {  	_ =	shalt  }
tec
execute0_lowered:
.L_overlay_start_1:
0x0: {  	(tag) =	ssettag $0x1  }
0x1: {  	s0 =	rddreg [dreg:$0x0]  }
0x2: {  	s16 =	rddreg [dreg:$0x1]  }
0x3: {  	s3 =	rddreg [dreg:$0x2]  }
0x4: {  	s4 =	rddreg [dreg:$0x3]  }
0x5: {  	s15 =	stileid.u32;
	s1 =	srdreg.scid;
	s5 =	simm.s32 $0x0  }
0x6: {  	s28 =	simm.s32 $0x1F680;
	s29 =	simm.s32 $0x7;
	s2 =	smul.u32 $0x280, s15  }
0x7: {  	s31 =	simm.s32 $0xF;
	s1 =	sand.u32 $0x1, s1;
	s8 =	smul.u32 $0x2800, s15  }
0x8: {  	[smem:$0x7FF] =	sst s5;
	s6 =	sadd.s32 $0xD800, s0;
	s18 =	smul.u32 $0x50000, s15  }
0x9: {  	s14 =	sadd.s32 $0x3800, s0;
	s11 =	sadd.s32 $0x5DE00, s0;
	s17 =	smul.u32 $0x4FC0, s15  }
0xa: {  	s13 =	sshll.u32 s15, $0x1;
	s30 =	sshll.u32 s15, $0x6;
	s7 =	smul.u32 $0x2800, s1  }
0xb: {  	_ =	strace $0x80000047;
	[dreg:$0xc] =	wrdreg s11;
	s26 =	ssub.s32 $0x2, s1  }
0xc: {  	s13 =	sor.u32 s1, s13;
	s1 =	smul.u32 $0x27E0, s1;
	[dreg:$0xf] =	wrdreg s30  }
0xd: {  	s9 =	sshrl.u32 s2, $0x3;
	s8 =	sadd.s32 s8, s0;
	s12 =	sshrl.u32 s26, $0x1  }
0xe: {  	s11 =	sshrl.u32 s18, $0x2;
	s7 =	sadd.s32 s2, s7;
	s9 =	sadd.s32 s9, s0  }
0xf: {  	s11 =	sadd.s32 s11, s3;
	s8 =	sadd.s32 $0x35800, s8;
	s1 =	sadd.s32 s1, s17  }
0x10: {  	s2 =	sadd.s32 s2, s4;
	s10 =	sshll.u32 s7, $0x4;
	[dreg:$0xd] =	wrdreg s11  }
0x11: {  	s7 =	sshrl.u32 s7, $0x3;
	s11 =	smul.u32 $0x27E0, s13;
	[dreg:$0xe] =	wrdreg s8  }
0x12: {  	[dreg:$0x10] =	wrdreg s2;
	s20 =	sadd.s32 $0x268, s1;
	s9 =	sadd.s32 $0x5D800, s9  }
0x13: {  	s24 =	sadd.s32 $0x210, s1;
	s15 =	sadd.s32 $0x1B8, s1;
	s8 =	sshrl.u32 s20, $0x3  }
0x14: {  	s10 =	sadd.s32 s10, s0;
	[dreg:$0x11] =	wrdreg s9;
	s23 =	sadd.s32 s8, s16  }
0x15: {  	s25 =	sshrl.u32 s24, $0x3;
	s8 =	sadd.s32 s8, s14;
	[dreg:$0x5] =	wrdreg s23  }
0x16: {  	s0 =	sadd.s32 s7, s0;
	s13 =	sadd.s32 s25, s16;
	[dreg:$0x6] =	wrdreg s8  }
0x17: {  	s7 =	ssub.s32 s26, s12;
	s9 =	sadd.s32 s25, s14;
	[dreg:$0x7] =	wrdreg s13  }
0x18: {  	s19 =	sshrl.u32 s11, $0x3;
	s0 =	sadd.s32 $0x5E000, s0;
	[dreg:$0x8] =	wrdreg s9  }
0x19: {  	s26 =	sadd.s32 $0x58, s11;
	s24 =	smax.u32 s7, $0x1;
	[dreg:$0x1b] =	wrdreg s0  }
0x1a: {  	s11 =	sadd.s32 $0x108, s11;
	s25 =	sadd.s32 $0x160, s1;
	[dreg:$0x1c] =	wrdreg s24  }
0x1b: {  	s7 =	simm.s32 $0x12;
	s21 =	sadd.s32 s14, s19;
	[dreg:$0x1d] =	wrdreg s25  }
0x1c: {  	s1 =	simm.s32 $0x13;
	s22 =	sadd.s32 s16, s19;
	[dreg:$0x12] =	wrdreg s21  }
0x1d: {  	s12 =	sshrl.u32 s26, $0x3;
	s23 =	sadd.s32 $0x5EA00, s10;
	[dreg:$0x13] =	wrdreg s22  }
0x1e: {  	s8 =	sshrl.u32 s15, $0x3;
	s26 =	sor.u32 $0x1C09, s30;
	[dreg:$0x1a] =	wrdreg s23  }
0x1f: {  	s2 =	sadd.s32 $0x16, s19;
	s17 =	sadd.s32 s14, s12;
	[dreg:$0x1e] =	wrdreg s26  }
0x20: {  	s20 =	sshrl.u32 s11, $0x3;
	s12 =	sadd.s32 s16, s12;
	[dreg:$0x14] =	wrdreg s17  }
0x21: {  	s10 =	smov.u32 s16;
	s18 =	sadd.s32 s8, s16;
	[dreg:$0x15] =	wrdreg s12  }
0x22: {  	s24 =	simm.s32 $0x3;
	s19 =	sadd.s32 s14, s2;
	[dreg:$0x9] =	wrdreg s18  }
0x23: {  	s11 =	simm.s32 $0x4;
	s2 =	sadd.s32 s16, s2;
	[dreg:$0x16] =	wrdreg s19  }
0x24: {  	s9 =	simm.s32 $0xC;
	s8 =	sadd.s32 s8, s14;
	[dreg:$0x17] =	wrdreg s2  }
0x25: {  	s21 =	sadd.s32 s14, s20;
	s22 =	sadd.s32 s16, s20;
	[dreg:$0xa] =	wrdreg s8  }
0x26: {  	s16 =	simm.s32 $0x58;
	s20 =	simm.s32 $0x2;
	[dreg:$0x18] =	wrdreg s21  }
0x27: {  	[dreg:$0x19] =	wrdreg s22;
	s2 =	smov.u32 s14;
	s12 =	simm.s32 $0x14280  }
0x28: {  	s18 =	simm.s32 $0x1;
	s17 =	simm.s32 $0x8;
	s19 =	simm.s32 $0x10  }
0x29: {  	s21 =	simm.s32 $0x14;
	s8 =	simm.s32 $0x0;
	[dreg:$0xb] =	wrdreg s2  }
.LBB2_1:
0x2a: {  	[dreg:$0x1f] =	wrdreg s8  }
0x2b: {  	s0 =	rddreg [dreg:$0xd]  }
0x2c: {  	s25 =	rddreg [dreg:$0xe]  }
0x2d: {  	s26 =	rddreg [dreg:$0x1e];
	s13 =	sshrl.u32 s0, $0x3  }
0x2e: {  	[smem:$0x7FC] =	sst s13  }
0x2f: {  	[spmem:s13], [sflag:s26] =	dma.local [hbm:s25], $0x2800  }
0x30: {  	s8 =	rddreg [dreg:$0x10]  }
0x31: {  	s22 =	rddreg [dreg:$0x11];
	s15 =	sshrl.u32 s8, $0x3  }
0x32: {  	s14 =	sor.u32 $0x1C0A, s30;
	[smem:$0x7FD] =	sst s15  }
0x33: {  	[spmem:s15], [sflag:s14] =	dma.local [hbm:s22], $0x50  }
0x34: {  	s0 =	rddreg [dreg:$0xc]  }
0x35: {  	[tilespmem:s28], [sflag:$0xB] =	stream.linear.gather [hbm4b:s0+s5], $0x80, $0x38;
	[tilespmem:$0x1F700] =	vst v63  }
0x36: {  	s23 =	rddreg [dreg:$0x12]  }
0x37: {  	[tilespmem:s12], [sflag:$0x1] =	stream.linear.gather [hbm4b:s23+s5], $0x58, $0x38;
	[tilespmem:$0x1F700] =	vst v63  }
0x38: {  	s13 =	simm.s32 $0x14480;
	s25 =	rddreg [dreg:$0x13]  }
0x39: {  	[tilespmem:s13], [sflag:$0x5] =	stream.linear.gather [hbm4b:s25+s5], $0x58, $0x38;
	[tilespmem:$0x1F700] =	vst v63  }
0x3a: {  	s26 =	rddreg [dreg:$0x14];
	s25 =	simm.s32 $0x14300  }
0x3b: {  	[tilespmem:s25], [sflag:$0x2] =	stream.linear.gather [hbm4b:s26+s5], $0x58, $0x38;
	[tilespmem:$0x1F700] =	vst v63  }
0x3c: {  	s14 =	simm.s32 $0x14500;
	s8 =	rddreg [dreg:$0x15]  }
0x3d: {  	[tilespmem:s14], [sflag:$0x6] =	stream.linear.gather [hbm4b:s8+s5], $0x58, $0x38;
	[tilespmem:$0x1F700] =	vst v63  }
0x3e: {  	s15 =	rddreg [dreg:$0x16];
	s26 =	simm.s32 $0x14380  }
0x3f: {  	[tilespmem:s26], [sflag:$0x3] =	stream.linear.gather [hbm4b:s15+s5], $0x58, $0x38;
	[tilespmem:$0x1F700] =	vst v63  }
0x40: {  	s22 =	rddreg [dreg:$0x17];
	s23 =	simm.s32 $0x14580  }
0x41: {  	[tilespmem:s23], [sflag:$0x7] =	stream.linear.gather [hbm4b:s22+s5], $0x58, $0x38;
	[tilespmem:$0x1F700] =	vst v63  }
0x42: {  	s14 =	rddreg [dreg:$0x18];
	s15 =	simm.s32 $0x14400  }
0x43: {  	[tilespmem:s15], [sflag:$0x4] =	stream.linear.gather [hbm4b:s14+s5], $0x58, $0x38;
	[tilespmem:$0x1F700] =	vst v63  }
0x44: {  	s22 =	rddreg [dreg:$0x19];
	s23 =	simm.s32 $0x14600  }
0x45: {  	[tilespmem:s23], [sflag:$0x8] =	stream.linear.gather [hbm4b:s22+s5], $0x58, $0x38;
	[tilespmem:$0x1F700] =	vst v63  }
0x46: {  	s23 =	simm.s32 $0x9  }
0x47: {  	_ =	swait.ge [sflag:s23], $0x2800  }
0x48: {  	[sflag:s23] =	ssyncset.done $0x0  }
0x49: {  	s14 =	simm.s32 $0xA;
	[sflag:s23] =	ssyncadd.s32 $0xFFFFD800  }
0x4a: {  	_ =	swait.ge [sflag:s14], $0x50  }
0x4b: {  	[sflag:s14] =	ssyncset.done $0x0  }
0x4c: {  	s8 =	simm.s32 $0xB;
	[sflag:s14] =	ssyncadd.s32 $0xFFFFFFB0  }
0x4d: {  	_ =	swait.ge [sflag:s8], $0x80  }
0x4e: {  	[sflag:s8] =	ssyncset.done $0x0  }
0x4f: {  	[sflag:s8] =	ssyncadd.s32 $0xFFFFFF80  }
0x50: {  	[bflag:$0x0] =	sbarrier.arrive $0xFFFF  }
0x51: {  	_ =	swait.ge [sflag:s18], $0x58  }
0x52: {  	[sflag:s18] =	ssyncset.done $0x0  }
0x53: {  	s15 =	simm.s32 $0x14680;
	[sflag:s18] =	ssyncadd.s32 $0xFFFFFFA8  }
0x54: {  	[tilespmem:s15], [sflag:$0x9] =	stream.indirect.gather [hbm4b:s6+s16], $0x80, s12, s16, $0xb8;
	[tilespmem:$0x1F700] =	vst v63  }
0x55: {  	_ =	swait.ge [sflag:s20], $0x58  }
0x56: {  	[sflag:s20] =	ssyncset.done $0x0  }
0x57: {  	s22 =	simm.s32 $0x17280;
	[sflag:s20] =	ssyncadd.s32 $0xFFFFFFA8  }
0x58: {  	[tilespmem:s22], [sflag:$0xA] =	stream.indirect.gather [hbm4b:s6+s16], $0x80, s25, s16, $0xb8;
	[tilespmem:$0x1F700] =	vst v63  }
0x59: {  	_ =	swait.ge [sflag:s24], $0x58  }
0x5a: {  	[sflag:s24] =	ssyncset.done $0x0  }
0x5b: {  	s0 =	simm.s32 $0x19E80;
	[sflag:s24] =	ssyncadd.s32 $0xFFFFFFA8  }
0x5c: {  	[tilespmem:s0], [sflag:$0xB] =	stream.indirect.gather [hbm4b:s6+s16], $0x80, s26, s16, $0xb8;
	[tilespmem:$0x1F700] =	vst v63  }
0x5d: {  	_ =	swait.ge [sflag:s11], $0x58  }
0x5e: {  	[sflag:s11] =	ssyncset.done $0x0  }
0x5f: {  	s30 =	simm.s32 $0x14400;
	s0 =	simm.s32 $0x1CA80;
	[sflag:s11] =	ssyncadd.s32 $0xFFFFFFA8  }
0x60: {  	[tilespmem:s0], [sflag:$0xC] =	stream.indirect.gather [hbm4b:s6+s16], $0x80, s30, s16, $0xb8;
	[tilespmem:$0x1F700] =	vst v63  }
0x61: {  	_ =	swait.ge [sflag:s23], $0x2C00  }
0x62: {  	s30 =	rddreg [dreg:$0x1d]  }
0x63: {  	[sflag:s23] =	ssyncset.done $0x0;
	s0 =	sshrl.u32 s30, $0x3  }
0x64: {  	[sflag:s23] =	ssyncadd.s32 $0xFFFFD400;
	s2 =	sadd.s32 s2, s0  }
0x65: {  	[tilespmem:s12], [sflag:$0x1] =	stream.linear.gather [hbm4b:s2+s5], $0x58, $0x38;
	[tilespmem:$0x1F700] =	vst v63  }
0x66: {  	s2 =	simm.s32 $0x5  }
0x67: {  	_ =	swait.ge [sflag:s2], $0x58  }
0x68: {  	[sflag:s2] =	ssyncset.done $0x0  }
0x69: {  	[sflag:s2] =	ssyncadd.s32 $0xFFFFFFA8  }
0x6a: {  	[spmem:s3] =	stream.indirect.scatter.add.f32 [tilespmem:s15], [sflag:$0xD], $0x80, s13, s16, $0xb8;
	[tilespmem:$0x1F700] =	vst v63  }
0x6b: {  	s2 =	simm.s32 $0xD  }
0x6c: {  	[spmem:s4] =	stream.indirect.scatter.add.f32 [tilespmem:s28], [sflag:$0x11], $0x1, s13, s16, $0xb8;
	[tilespmem:$0x1F700] =	vst v63  }
0x6d: {  	_ =	swait.ge [sflag:s2], $0x2C00  }
0x6e: {  	[sflag:s2] =	ssyncset.done $0x0  }
0x6f: {  	[sflag:s2] =	ssyncadd.s32 $0xFFFFD400;
	s2 =	simm.s32 $0x11  }
0x70: {  	_ =	swait.ge [sflag:s2], $0x58  }
0x71: {  	[sflag:s2] =	ssyncset.done $0x0  }
0x72: {  	s0 =	sadd.s32 s10, s0;
	[sflag:s2] =	ssyncadd.s32 $0xFFFFFFA8  }
0x73: {  	[tilespmem:s13], [sflag:$0x5] =	stream.linear.gather [hbm4b:s0+s5], $0x58, $0x38;
	[tilespmem:$0x1F700] =	vst v63  }
0x74: {  	_ =	swait.ge [sflag:s18], $0x58  }
0x75: {  	[sflag:s18] =	ssyncset.done $0x0  }
0x76: {  	[sflag:s18] =	ssyncadd.s32 $0xFFFFFFA8  }
0x77: {  	[tilespmem:s15], [sflag:$0x9] =	stream.indirect.gather [hbm4b:s6+s16], $0x80, s12, s16, $0xb8;
	[tilespmem:$0x1F700] =	vst v63  }
0x78: {  	_ =	swait.ge [sflag:s14], $0x2C00  }
0x79: {  	s12 =	rddreg [dreg:$0xa];
	[sflag:s14] =	ssyncset.done $0x0  }
0x7a: {  	s13 =	simm.s32 $0x6;
	[sflag:s14] =	ssyncadd.s32 $0xFFFFD400;
	s0 =	sadd.s32 $0x0, s12  }
0x7b: {  	[tilespmem:s25], [sflag:$0x2] =	stream.linear.gather [hbm4b:s0+s5], $0x58, $0x38;
	[tilespmem:$0x1F700] =	vst v63  }
0x7c: {  	_ =	swait.ge [sflag:s13], $0x58  }
0x7d: {  	[sflag:s13] =	ssyncset.done $0x0  }
0x7e: {  	s14 =	simm.s32 $0x14500;
	[sflag:s13] =	ssyncadd.s32 $0xFFFFFFA8  }
0x7f: {  	[spmem:s3] =	stream.indirect.scatter.add.f32 [tilespmem:s22], [sflag:$0xE], $0x80, s14, s16, $0xb8;
	[tilespmem:$0x1F700] =	vst v63  }
0x80: {  	s18 =	simm.s32 $0xE  }
0x81: {  	[spmem:s4] =	stream.indirect.scatter.add.f32 [tilespmem:s28], [sflag:$0x12], $0x1, s14, s16, $0xb8;
	[tilespmem:$0x1F700] =	vst v63  }
0x82: {  	_ =	swait.ge [sflag:s18], $0x2C00  }
0x83: {  	[sflag:s18] =	ssyncset.done $0x0  }
0x84: {  	[sflag:s18] =	ssyncadd.s32 $0xFFFFD400  }
0x85: {  	_ =	swait.ge [sflag:s7], $0x58  }
0x86: {  	s23 =	rddreg [dreg:$0x9];
	[sflag:s7] =	ssyncset.done $0x0  }
0x87: {  	s15 =	simm.s32 $0x14500;
	[sflag:s7] =	ssyncadd.s32 $0xFFFFFFA8;
	s0 =	sadd.s32 $0x0, s23  }
0x88: {  	[tilespmem:s15], [sflag:$0x6] =	stream.linear.gather [hbm4b:s0+s5], $0x58, $0x38;
	[tilespmem:$0x1F700] =	vst v63  }
0x89: {  	_ =	swait.ge [sflag:s20], $0x58  }
0x8a: {  	[sflag:s20] =	ssyncset.done $0x0  }
0x8b: {  	[sflag:s20] =	ssyncadd.s32 $0xFFFFFFA8  }
0x8c: {  	[tilespmem:s22], [sflag:$0xA] =	stream.indirect.gather [hbm4b:s6+s16], $0x80, s25, s16, $0xb8;
	[tilespmem:$0x1F700] =	vst v63  }
0x8d: {  	_ =	swait.ge [sflag:s8], $0x2C00  }
0x8e: {  	s12 =	rddreg [dreg:$0x8];
	[sflag:s8] =	ssyncset.done $0x0  }
0x8f: {  	[sflag:s8] =	ssyncadd.s32 $0xFFFFD400;
	s0 =	sadd.s32 $0x0, s12  }
0x90: {  	[tilespmem:s26], [sflag:$0x3] =	stream.linear.gather [hbm4b:s0+s5], $0x58, $0x38;
	[tilespmem:$0x1F700] =	vst v63  }
0x91: {  	_ =	swait.ge [sflag:s29], $0x58  }
0x92: {  	[sflag:s29] =	ssyncset.done $0x0  }
0x93: {  	s13 =	simm.s32 $0x14580;
	s14 =	simm.s32 $0x19E80;
	[sflag:s29] =	ssyncadd.s32 $0xFFFFFFA8  }
0x94: {  	[spmem:s3] =	stream.indirect.scatter.add.f32 [tilespmem:s14], [sflag:$0xF], $0x80, s13, s16, $0xb8;
	[tilespmem:$0x1F700] =	vst v63  }
0x95: {  	_ = 	snop  }
0x96: {  	[spmem:s4] =	stream.indirect.scatter.add.f32 [tilespmem:s28], [sflag:$0x13], $0x1, s13, s16, $0xb8;
	[tilespmem:$0x1F700] =	vst v63  }
0x97: {  	_ =	swait.ge [sflag:s31], $0x2C00  }
0x98: {  	[sflag:s31] =	ssyncset.done $0x0  }
0x99: {  	[sflag:s31] =	ssyncadd.s32 $0xFFFFD400  }
0x9a: {  	_ =	swait.ge [sflag:s1], $0x58  }
0x9b: {  	s18 =	rddreg [dreg:$0x7];
	[sflag:s1] =	ssyncset.done $0x0  }
0x9c: {  	s15 =	simm.s32 $0x14580;
	[sflag:s1] =	ssyncadd.s32 $0xFFFFFFA8;
	s0 =	sadd.s32 $0x0, s18  }
0x9d: {  	[tilespmem:s15], [sflag:$0x7] =	stream.linear.gather [hbm4b:s0+s5], $0x58, $0x38;
	[tilespmem:$0x1F700] =	vst v63  }
0x9e: {  	_ =	swait.ge [sflag:s24], $0x58  }
0x9f: {  	[sflag:s24] =	ssyncset.done $0x0  }
0xa0: {  	[sflag:s24] =	ssyncadd.s32 $0xFFFFFFA8  }
0xa1: {  	[tilespmem:s14], [sflag:$0xB] =	stream.indirect.gather [hbm4b:s6+s16], $0x80, s26, s16, $0xb8;
	[tilespmem:$0x1F700] =	vst v63  }
0xa2: {  	_ =	swait.ge [sflag:s9], $0x2C00  }
0xa3: {  	s20 =	rddreg [dreg:$0x6];
	[sflag:s9] =	ssyncset.done $0x0  }
0xa4: {  	s22 =	simm.s32 $0x14400;
	[sflag:s9] =	ssyncadd.s32 $0xFFFFD400;
	s0 =	sadd.s32 $0x0, s20  }
0xa5: {  	[tilespmem:s22], [sflag:$0x4] =	stream.linear.gather [hbm4b:s0+s5], $0x58, $0x38;
	[tilespmem:$0x1F700] =	vst v63  }
0xa6: {  	_ =	swait.ge [sflag:s17], $0x58  }
0xa7: {  	[sflag:s17] =	ssyncset.done $0x0  }
0xa8: {  	s23 =	simm.s32 $0x14600;
	s24 =	simm.s32 $0x1CA80;
	[sflag:s17] =	ssyncadd.s32 $0xFFFFFFA8  }
0xa9: {  	[spmem:s3] =	stream.indirect.scatter.add.f32 [tilespmem:s24], [sflag:$0x10], $0x80, s23, s16, $0xb8;
	[tilespmem:$0x1F700] =	vst v63  }
0xaa: {  	_ = 	snop  }
0xab: {  	[spmem:s4] =	stream.indirect.scatter.add.f32 [tilespmem:s28], [sflag:$0x14], $0x1, s23, s16, $0xb8;
	[tilespmem:$0x1F700] =	vst v63  }
0xac: {  	_ =	swait.ge [sflag:s19], $0x2C00  }
0xad: {  	[sflag:s19] =	ssyncset.done $0x0  }
0xae: {  	[sflag:s19] =	ssyncadd.s32 $0xFFFFD400  }
0xaf: {  	_ =	swait.ge [sflag:s21], $0x58  }
0xb0: {  	s26 =	rddreg [dreg:$0x5];
	[sflag:s21] =	ssyncset.done $0x0  }
0xb1: {  	s25 =	simm.s32 $0x14600;
	[sflag:s21] =	ssyncadd.s32 $0xFFFFFFA8;
	s0 =	sadd.s32 $0x0, s26  }
0xb2: {  	[tilespmem:s25], [sflag:$0x8] =	stream.linear.gather [hbm4b:s0+s5], $0x58, $0x38;
	[tilespmem:$0x1F700] =	vst v63  }
0xb3: {  	_ =	swait.ge [sflag:s11], $0x58  }
0xb4: {  	s30 =	sadd.s32 $0x160, s30;
	s20 =	simm.s32 $0x1;
	[sflag:s11] =	ssyncset.done $0x0  }
0xb5: {  	s22 =	simm.s32 $0x2;
	s23 =	simm.s32 $0x2C;
	[sflag:s11] =	ssyncadd.s32 $0xFFFFFFA8  }
.LBB2_2:
0xb6: {  	s14 =	simm.s32 $0x14400;
	s25 =	simm.s32 $0x1CA80;
	s12 =	simm.s32 $0x9  }
0xb7: {  	[tilespmem:s25], [sflag:$0xC] =	stream.indirect.gather [hbm4b:s6+s16], $0x80, s14, s16, $0xb8;
	[tilespmem:$0x1F700] =	vst v63  }
0xb8: {  	s8 =	sshrl.u32 s30, $0x3;
	s13 =	simm.s32 $0x14280;
	_ =	swait.ge [sflag:s12], $0x2C00  }
0xb9: {  	s15 =	smov.u32 s10;
	[sflag:s12] =	ssyncset.done $0x0;
	s18 =	rddreg [dreg:$0xb]  }
0xba: {  	s11 =	simm.s32 $0x5;
	[sflag:s12] =	ssyncadd.s32 $0xFFFFD400;
	s10 =	sadd.s32 s18, s8  }
0xbb: {  	[tilespmem:s13], [sflag:$0x1] =	stream.linear.gather [hbm4b:s10+s5], $0x58, $0x38;
	[tilespmem:$0x1F700] =	vst v63  }
0xbc: {  	_ =	swait.ge [sflag:s11], $0x58  }
0xbd: {  	[sflag:s11] =	ssyncset.done $0x0  }
0xbe: {  	s24 =	simm.s32 $0x14480;
	s18 =	simm.s32 $0x14680;
	[sflag:s11] =	ssyncadd.s32 $0xFFFFFFA8  }
0xbf: {  	[spmem:s3] =	stream.indirect.scatter.add.f32 [tilespmem:s18], [sflag:$0xD], $0x80, s24, s16, $0xb8;
	[tilespmem:$0x1F700] =	vst v63  }
0xc0: {  	s26 =	simm.s32 $0xD  }
0xc1: {  	[spmem:s4] =	stream.indirect.scatter.add.f32 [tilespmem:s28], [sflag:$0x11], $0x1, s24, s16, $0xb8;
	[tilespmem:$0x1F700] =	vst v63  }
0xc2: {  	_ =	swait.ge [sflag:s26], $0x2C00  }
0xc3: {  	[sflag:s26] =	ssyncset.done $0x0  }
0xc4: {  	s2 =	simm.s32 $0x11;
	[sflag:s26] =	ssyncadd.s32 $0xFFFFD400  }
0xc5: {  	_ =	swait.ge [sflag:s2], $0x58  }
0xc6: {  	s10 =	smov.u32 s15;
	[sflag:s2] =	ssyncset.done $0x0  }
0xc7: {  	s8 =	sadd.s32 s10, s8;
	[sflag:s2] =	ssyncadd.s32 $0xFFFFFFA8  }
0xc8: {  	[tilespmem:s24], [sflag:$0x5] =	stream.linear.gather [hbm4b:s8+s5], $0x58, $0x38;
	[tilespmem:$0x1F700] =	vst v63  }
0xc9: {  	_ =	swait.ge [sflag:s20], $0x58  }
0xca: {  	[sflag:s20] =	ssyncset.done $0x0  }
0xcb: {  	s12 =	simm.s32 $0x14280;
	s11 =	simm.s32 $0xA;
	[sflag:s20] =	ssyncadd.s32 $0xFFFFFFA8  }
0xcc: {  	[tilespmem:s18], [sflag:$0x9] =	stream.indirect.gather [hbm4b:s6+s16], $0x80, s12, s16, $0xb8;
	[tilespmem:$0x1F700] =	vst v63  }
0xcd: {  	s0 =	smov.u32 s23;
	_ =	swait.ge [sflag:s11], $0x2C00  }
0xce: {  	s24 =	simm.s32 $0x6;
	s18 =	rddreg [dreg:$0xa];
	[sflag:s11] =	ssyncset.done $0x0  }
0xcf: {  	[sflag:s11] =	ssyncadd.s32 $0xFFFFD400;
	s8 =	sadd.s32 s0, s18;
	s11 =	simm.s32 $0x14300  }
0xd0: {  	[tilespmem:s11], [sflag:$0x2] =	stream.linear.gather [hbm4b:s8+s5], $0x58, $0x38;
	[tilespmem:$0x1F700] =	vst v63  }
0xd1: {  	_ =	swait.ge [sflag:s24], $0x58  }
0xd2: {  	[sflag:s24] =	ssyncset.done $0x0  }
0xd3: {  	s26 =	simm.s32 $0x14500;
	[sflag:s24] =	ssyncadd.s32 $0xFFFFFFA8;
	s24 =	simm.s32 $0x17280  }
0xd4: {  	[spmem:s3] =	stream.indirect.scatter.add.f32 [tilespmem:s24], [sflag:$0xE], $0x80, s26, s16, $0xb8;
	[tilespmem:$0x1F700] =	vst v63  }
0xd5: {  	s2 =	simm.s32 $0xE  }
0xd6: {  	[spmem:s4] =	stream.indirect.scatter.add.f32 [tilespmem:s28], [sflag:$0x12], $0x1, s26, s16, $0xb8;
	[tilespmem:$0x1F700] =	vst v63  }
0xd7: {  	_ =	swait.ge [sflag:s2], $0x2C00  }
0xd8: {  	[sflag:s2] =	ssyncset.done $0x0  }
0xd9: {  	[sflag:s2] =	ssyncadd.s32 $0xFFFFD400  }
0xda: {  	_ =	swait.ge [sflag:s7], $0x58  }
0xdb: {  	s2 =	rddreg [dreg:$0x9];
	[sflag:s7] =	ssyncset.done $0x0  }
0xdc: {  	[sflag:s7] =	ssyncadd.s32 $0xFFFFFFA8;
	s8 =	sadd.s32 s0, s2  }
0xdd: {  	[tilespmem:s26], [sflag:$0x6] =	stream.linear.gather [hbm4b:s8+s5], $0x58, $0x38;
	[tilespmem:$0x1F700] =	vst v63  }
0xde: {  	_ =	swait.ge [sflag:s22], $0x58  }
0xdf: {  	[sflag:s22] =	ssyncset.done $0x0  }
0xe0: {  	s8 =	simm.s32 $0xB;
	[sflag:s22] =	ssyncadd.s32 $0xFFFFFFA8  }
0xe1: {  	[tilespmem:s24], [sflag:$0xA] =	stream.indirect.gather [hbm4b:s6+s16], $0x80, s11, s16, $0xb8;
	[tilespmem:$0x1F700] =	vst v63  }
0xe2: {  	_ =	swait.ge [sflag:s8], $0x2C00  }
0xe3: {  	s11 =	rddreg [dreg:$0x8];
	[sflag:s8] =	ssyncset.done $0x0  }
0xe4: {  	s2 =	simm.s32 $0x14380;
	[sflag:s8] =	ssyncadd.s32 $0xFFFFD400;
	s8 =	sadd.s32 s0, s11  }
0xe5: {  	[tilespmem:s2], [sflag:$0x3] =	stream.linear.gather [hbm4b:s8+s5], $0x58, $0x38;
	[tilespmem:$0x1F700] =	vst v63  }
0xe6: {  	_ =	swait.ge [sflag:s29], $0x58  }
0xe7: {  	[sflag:s29] =	ssyncset.done $0x0  }
0xe8: {  	s13 =	simm.s32 $0x14580;
	s11 =	simm.s32 $0x19E80;
	[sflag:s29] =	ssyncadd.s32 $0xFFFFFFA8  }
0xe9: {  	[spmem:s3] =	stream.indirect.scatter.add.f32 [tilespmem:s11], [sflag:$0xF], $0x80, s13, s16, $0xb8;
	[tilespmem:$0x1F700] =	vst v63  }
0xea: {  	_ = 	snop  }
0xeb: {  	[spmem:s4] =	stream.indirect.scatter.add.f32 [tilespmem:s28], [sflag:$0x13], $0x1, s13, s16, $0xb8;
	[tilespmem:$0x1F700] =	vst v63  }
0xec: {  	_ =	swait.ge [sflag:s31], $0x2C00  }
0xed: {  	[sflag:s31] =	ssyncset.done $0x0  }
0xee: {  	[sflag:s31] =	ssyncadd.s32 $0xFFFFD400  }
0xef: {  	_ =	swait.ge [sflag:s1], $0x58  }
0xf0: {  	s26 =	rddreg [dreg:$0x7];
	[sflag:s1] =	ssyncset.done $0x0  }
0xf1: {  	s24 =	simm.s32 $0x3;
	[sflag:s1] =	ssyncadd.s32 $0xFFFFFFA8;
	s8 =	sadd.s32 s0, s26  }
0xf2: {  	[tilespmem:s13], [sflag:$0x7] =	stream.linear.gather [hbm4b:s8+s5], $0x58, $0x38;
	[tilespmem:$0x1F700] =	vst v63  }
0xf3: {  	_ =	swait.ge [sflag:s24], $0x58  }
0xf4: {  	[sflag:s24] =	ssyncset.done $0x0  }
0xf5: {  	[sflag:s24] =	ssyncadd.s32 $0xFFFFFFA8  }
0xf6: {  	[tilespmem:s11], [sflag:$0xB] =	stream.indirect.gather [hbm4b:s6+s16], $0x80, s2, s16, $0xb8;
	[tilespmem:$0x1F700] =	vst v63  }
0xf7: {  	_ =	swait.ge [sflag:s9], $0x2C00  }
0xf8: {  	s13 =	rddreg [dreg:$0x6];
	[sflag:s9] =	ssyncset.done $0x0  }
0xf9: {  	[sflag:s9] =	ssyncadd.s32 $0xFFFFD400;
	s8 =	sadd.s32 s0, s13  }
0xfa: {  	[tilespmem:s14], [sflag:$0x4] =	stream.linear.gather [hbm4b:s8+s5], $0x58, $0x38;
	[tilespmem:$0x1F700] =	vst v63  }
0xfb: {  	_ =	swait.ge [sflag:s17], $0x58  }
0xfc: {  	[sflag:s17] =	ssyncset.done $0x0  }
0xfd: {  	s2 =	simm.s32 $0x14600;
	[sflag:s17] =	ssyncadd.s32 $0xFFFFFFA8  }
0xfe: {  	[spmem:s3] =	stream.indirect.scatter.add.f32 [tilespmem:s25], [sflag:$0x10], $0x80, s2, s16, $0xb8;
	[tilespmem:$0x1F700] =	vst v63  }
0xff: {  	_ = 	snop  }
0x100: {  	[spmem:s4] =	stream.indirect.scatter.add.f32 [tilespmem:s28], [sflag:$0x14], $0x1, s2, s16, $0xb8;
	[tilespmem:$0x1F700] =	vst v63  }
0x101: {  	_ =	swait.ge [sflag:s19], $0x2C00  }
0x102: {  	[sflag:s19] =	ssyncset.done $0x0  }
0x103: {  	[sflag:s19] =	ssyncadd.s32 $0xFFFFD400  }
0x104: {  	p0 =	sne.s32 s23, $0x4A4;
	_ =	swait.ge [sflag:s21], $0x58  }
0x105: {  	s11 =	simm.s32 $0x4;
	s25 =	rddreg [dreg:$0x5];
	[sflag:s21] =	ssyncset.done $0x0  }
.Ltmp0:
0x106: {  	[sflag:s21] =	ssyncadd.s32 $0xFFFFFFA8;
	s0 =	sadd.s32 s0, s25;
	(pc) =	sbr.rel @p0 .LBB2_2-.Ltmp0, $4  }
0x107: {  	[tilespmem:s2], [sflag:$0x8] =	stream.linear.gather [hbm4b:s0+s5], $0x58, $0x38;
	[tilespmem:$0x1F700] =	vst v63  }
0x108: {  	s23 =	sadd.s32 $0x2C, s23;
	s30 =	sadd.s32 $0x160, s30;
	_ =	swait.ge [sflag:s11], $0x58  }
0x109: {  	s15 =	simm.s32 $0x14680;
	s18 =	simm.s32 $0x17280;
	[sflag:s11] =	ssyncset.done $0x0  }
0x10a: {  	s26 =	simm.s32 $0x19E80;
	s13 =	simm.s32 $0x14400;
	[sflag:s11] =	ssyncadd.s32 $0xFFFFFFA8  }
0x10b: {  	s8 =	simm.s32 $0x1CA80;
	s0 =	simm.s32 $0x9  }
0x10c: {  	[tilespmem:s8], [sflag:$0xC] =	stream.indirect.gather [hbm4b:s6+s16], $0x80, s13, s16, $0xb8;
	[tilespmem:$0x1F700] =	vst v63  }
0x10d: {  	_ =	swait.ge [sflag:s0], $0x2C00  }
0x10e: {  	[sflag:s0] =	ssyncset.done $0x0  }
0x10f: {  	s13 =	simm.s32 $0x5;
	[sflag:s0] =	ssyncadd.s32 $0xFFFFD400  }
0x110: {  	_ =	swait.ge [sflag:s13], $0x58  }
0x111: {  	[sflag:s13] =	ssyncset.done $0x0  }
0x112: {  	s14 =	simm.s32 $0x14480;
	[sflag:s13] =	ssyncadd.s32 $0xFFFFFFA8  }
0x113: {  	[spmem:s3] =	stream.indirect.scatter.add.f32 [tilespmem:s15], [sflag:$0xD], $0x80, s14, s16, $0xb8;
	[tilespmem:$0x1F700] =	vst v63  }
0x114: {  	s15 =	simm.s32 $0xA  }
0x115: {  	[spmem:s4] =	stream.indirect.scatter.add.f32 [tilespmem:s28], [sflag:$0x11], $0x1, s14, s16, $0xb8;
	[tilespmem:$0x1F700] =	vst v63  }
0x116: {  	_ =	swait.ge [sflag:s15], $0x2C00  }
0x117: {  	[sflag:s15] =	ssyncset.done $0x0  }
0x118: {  	s20 =	simm.s32 $0x6;
	[sflag:s15] =	ssyncadd.s32 $0xFFFFD400  }
0x119: {  	_ =	swait.ge [sflag:s20], $0x58  }
0x11a: {  	[sflag:s20] =	ssyncset.done $0x0  }
0x11b: {  	s22 =	simm.s32 $0x14500;
	[sflag:s20] =	ssyncadd.s32 $0xFFFFFFA8  }
0x11c: {  	[spmem:s3] =	stream.indirect.scatter.add.f32 [tilespmem:s18], [sflag:$0xE], $0x80, s22, s16, $0xb8;
	[tilespmem:$0x1F700] =	vst v63  }
0x11d: {  	s23 =	simm.s32 $0xB  }
0x11e: {  	[spmem:s4] =	stream.indirect.scatter.add.f32 [tilespmem:s28], [sflag:$0x12], $0x1, s22, s16, $0xb8;
	[tilespmem:$0x1F700] =	vst v63  }
0x11f: {  	_ =	swait.ge [sflag:s23], $0x2C00  }
0x120: {  	[sflag:s23] =	ssyncset.done $0x0  }
0x121: {  	[sflag:s23] =	ssyncadd.s32 $0xFFFFD400  }
0x122: {  	_ =	swait.ge [sflag:s29], $0x58  }
0x123: {  	[sflag:s29] =	ssyncset.done $0x0  }
0x124: {  	s25 =	simm.s32 $0x14580;
	[sflag:s29] =	ssyncadd.s32 $0xFFFFFFA8  }
0x125: {  	[spmem:s3] =	stream.indirect.scatter.add.f32 [tilespmem:s26], [sflag:$0xF], $0x80, s25, s16, $0xb8;
	[tilespmem:$0x1F700] =	vst v63  }
0x126: {  	_ = 	snop  }
0x127: {  	[spmem:s4] =	stream.indirect.scatter.add.f32 [tilespmem:s28], [sflag:$0x13], $0x1, s25, s16, $0xb8;
	[tilespmem:$0x1F700] =	vst v63  }
0x128: {  	_ =	swait.ge [sflag:s9], $0x2C00  }
0x129: {  	[sflag:s9] =	ssyncset.done $0x0  }
0x12a: {  	[sflag:s9] =	ssyncadd.s32 $0xFFFFD400  }
0x12b: {  	_ =	swait.ge [sflag:s17], $0x58  }
0x12c: {  	[sflag:s17] =	ssyncset.done $0x0  }
0x12d: {  	s2 =	simm.s32 $0x14600;
	[sflag:s17] =	ssyncadd.s32 $0xFFFFFFA8  }
0x12e: {  	[spmem:s3] =	stream.indirect.scatter.add.f32 [tilespmem:s8], [sflag:$0x10], $0x80, s2, s16, $0xb8;
	[tilespmem:$0x1F700] =	vst v63  }
0x12f: {  	s8 =	simm.s32 $0xD  }
0x130: {  	[spmem:s4] =	stream.indirect.scatter.add.f32 [tilespmem:s28], [sflag:$0x14], $0x1, s2, s16, $0xb8;
	[tilespmem:$0x1F700] =	vst v63  }
0x131: {  	_ =	swait.ge [sflag:s8], $0x2C00  }
0x132: {  	[sflag:s8] =	ssyncset.done $0x0  }
0x133: {  	s13 =	simm.s32 $0x11;
	[sflag:s8] =	ssyncadd.s32 $0xFFFFD400  }
0x134: {  	_ =	swait.ge [sflag:s13], $0x58  }
0x135: {  	[sflag:s13] =	ssyncset.done $0x0  }
0x136: {  	s14 =	simm.s32 $0xE;
	[sflag:s13] =	ssyncadd.s32 $0xFFFFFFA8  }
0x137: {  	_ =	swait.ge [sflag:s14], $0x2C00  }
0x138: {  	[sflag:s14] =	ssyncset.done $0x0  }
0x139: {  	[sflag:s14] =	ssyncadd.s32 $0xFFFFD400  }
0x13a: {  	_ =	swait.ge [sflag:s7], $0x58  }
0x13b: {  	[sflag:s7] =	ssyncset.done $0x0  }
0x13c: {  	[sflag:s7] =	ssyncadd.s32 $0xFFFFFFA8  }
0x13d: {  	_ =	swait.ge [sflag:s31], $0x2C00  }
0x13e: {  	[sflag:s31] =	ssyncset.done $0x0  }
0x13f: {  	[sflag:s31] =	ssyncadd.s32 $0xFFFFD400  }
0x140: {  	_ =	swait.ge [sflag:s1], $0x58  }
0x141: {  	[sflag:s1] =	ssyncset.done $0x0  }
0x142: {  	[sflag:s1] =	ssyncadd.s32 $0xFFFFFFA8  }
0x143: {  	_ =	swait.ge [sflag:s19], $0x2C00  }
0x144: {  	[sflag:s19] =	ssyncset.done $0x0  }
0x145: {  	[sflag:s19] =	ssyncadd.s32 $0xFFFFD400  }
0x146: {  	_ =	swait.ge [sflag:s21], $0x58  }
0x147: {  	[sflag:s21] =	ssyncset.done $0x0  }
0x148: {  	[sflag:s21] =	ssyncadd.s32 $0xFFFFFFA8  }
0x149: {  	[bflag:$0x0] =	sbarrier.arrive $0xFFFF  }
0x14a: {  	s20 =	sld [smem:$0x7FC]  }
0x14b: {  	s30 =	rddreg [dreg:$0xf]  }
0x14c: {  	s22 =	simm.s32 $0x15;
	s18 =	rddreg [dreg:$0x1a];
	s15 =	sor.u32 $0x1C15, s30  }
0x14d: {  	[hbm:s18], [sflag:s15] =	dma.local [spmem:s20], $0x2800  }
0x14e: {  	_ =	swait.ge [sflag:s22], $0x2800  }
0x14f: {  	s14 =	sld [smem:$0x7FD]  }
0x150: {  	[sflag:s22] =	ssyncset.done $0x0  }
0x151: {  	s23 =	rddreg [dreg:$0x1b];
	[sflag:s22] =	ssyncadd.s32 $0xFFFFD800  }
0x152: {  	[hbm:s23], [sflag:s15] =	dma.local [spmem:s14], $0x50  }
0x153: {  	_ =	swait.ge [sflag:s22], $0x50  }
0x154: {  	s25 =	rddreg [dreg:$0x1f]  }
0x155: {  	s26 =	rddreg [dreg:$0x1c];
	s8 =	sadd.s32 $0x1, s25  }
0x156: {  	p0 =	sne.s32 s8, s26  }
.Ltmp1:
0x157: {  	_ = 	snop;
	(pc) =	sbr.rel @p0 .LBB2_1-.Ltmp1, $3  }
0x158: {  	_ =	sdelay $0x1  }
0x159: {  	s18 =	simm.s32 $0x1;
	[sflag:s22] =	ssyncset.done $0x0  }
0x15a: {  	s20 =	simm.s32 $0x2;
	s2 =	rddreg [dreg:$0xb];
	[sflag:s22] =	ssyncadd.s32 $0xFFFFFFB0  }
0x15b: {  	_ =	sfence.sel $0x180000  }
0x15c: {  	[bflag:$0x0] =	sbarrier.arrive $0xFFFF  }
0x15d: {  	_ =	strace $0x90000047  }
0x15e: {  	s0 =	stileid.u32;
	[bflag:$0x2] =	sbarrier.arrive $0xFFFF  }
0x15f: {  	p0 =	sne.s32 s0, $0x0;
	s0 =	rddreg [dreg:$0x4]  }
0x160: {  	s0 =	sadd.s32 @!p0 $0x100000, s0  }
0x161: {  	[sflag:s0] =	ssyncadd.tile.s32 @!p0 $0x1;
	_ =	shalt  }
.Lfunc_end2:
_tile_overlayer_lowered:
.L_overlay_start_2:
0x162: {  	(tag) =	ssettag $0x2  }
0x163: {  	s0 =	rddreg [dreg:$0x0];
	s2 =	stileid.u32  }
0x164: {  	s1 =	rddreg [dreg:$0x1];
	p0 =	sne.s32 s2, $0x0  }
0x165: {  	s3 =	rddreg [dreg:$0x2];
	[bflag:$0x3] =	sbarrier.arrive $0xFFFF;
	s2 =	simm.s32 @!p0 $0x1C15  }
0x166: {  	[timem:s3], [sflag:s2] =	dma.local @!p0 [hbm:s0], s1  }
0x167: {  	s0 =	simm.s32 @!p0 $0x15  }
0x168: {  	_ =	swait.ge @!p0 [sflag:s0], s1  }
0x169: {  	s1 =	ssub.s32 @!p0 $0x0, s1;
	[sflag:s0] =	ssyncset.done @!p0 $0x0  }
0x16a: {  	[sflag:s0] =	ssyncadd.s32 @!p0 s1  }
0x16b: {  	[bflag:$0x3] =	sbarrier.arrive $0xFFFF  }
0x16c: {  	_ =	shalt  }

// kernel: kernel.14.cloned.1.call-start
scs
__scs_entry_jumppad:
0x0: {  	(pc) =	sbr.rel $0x88, $3  }
0x1: {  	(tag) =	ssettag $0x0;
	lr =	simm.s32 $0x1  }
0x2: {  	[smem:$0x3F98] =	sst lr;
	_ =	strace $0xD0000000  }
0x3: {  	_ = 	snop  }
0x4: {  	_ = 	snop  }
0x5: {  	_ = 	snop  }
0x6: {  	_ = 	snop  }
0x7: {  	_ = 	snop  }
__scs_overlays_trampoline_lowered:
0x8: {  	[smem:$0x3FA7] =	sst s0  }
0x9: {  	[smem:$0x3FA8] =	sst s1  }
0xa: {  	[smem:$0x3FA9] =	sst s2  }
0xb: {  	[smem:$0x3FAA] =	sst s3  }
0xc: {  	[smem:$0x3FAB] =	sst s4  }
0xd: {  	[smem:$0x3FAC] =	sst s5  }
0xe: {  	[smem:$0x3FAD] =	sst s6  }
0xf: {  	[smem:$0x3FAE] =	sst s7  }
0x10: {  	[smem:$0x3FAF] =	sst s8  }
0x11: {  	[smem:$0x3FB0] =	sst s9;
	s0 =	simm.s32 @!p0 $0x0  }
0x12: {  	s1 =	sld [smem:$0x3F96];
	s0 =	simm.s32 @p0 $0x1  }
0x13: {  	[smem:$0x3FB1] =	sst s0;
	s0 =	simm.s32 @!p1 $0x0  }
0x14: {  	s2 =	sld [smem:$0x3F95];
	s0 =	simm.s32 @p1 $0x1  }
0x15: {  	[smem:$0x3FB2] =	sst s0;
	s0 =	simm.s32 @!p2 $0x0  }
0x16: {  	s3 =	sld [smem:$0x3FDB];
	s0 =	simm.s32 @p2 $0x1  }
0x17: {  	s4 =	simm.s32 $0x1BF5;
	[smem:$0x3FB4] =	sst s0  }
0x18: {  	s0 =	sld [smem:$0x3F97];
	_ =	swait.ge [sflag:s4], $0x0  }
0x19: {  	s7 =	sld [smem:$0x3F98]  }
0x1a: {  	s8 =	sadd.s32 $0xFFFFE003, lr  }
0x1b: {  	s9 =	sadd.s32 $0xFFFFFEF7, lr;
	s5 =	simm.s32 $0xFFFFFFFF;
	p2 =	slt.u32 s8, $0xFFFFF086  }
0x1c: {  	p1 =	slt.u32 s9, $0xF7A;
	s5 =	simm.s32 @!p2 $0x0  }
0x1d: {  	s5 =	simm.s32 @p1 $0x1;
	p0 =	seq.s32 s7, s2  }
0x1e: {  	s7 =	smul.u32 @!p0 $0xF7A, s2;
	p2 =	seq.s32 @!p0 s5, $0x0  }
0x1f: {  	s9 =	smul.u32 $0xF7A, s1;
	s8 =	simm.s32 @!p0 $0x1BF5;
	p2 =	por !p2, p0  }
0x20: {  	[sflag:s8] =	ssyncset.s32 @!p0 $0xFFFFF086;
	s6 =	sadd.s32 @!p0 s3, s7;
	s7 =	simm.s32 @!p0 $0x108  }
0x21: {  	s3 =	sadd.s32 s3, s9;
	s6 =	sadd.s32 @!p0 $0x88, s6;
	s7 =	simm.s32 @p2 $0x1082  }
0x22: {  	[simem:s7], [sflag:s8] =	dma.local @!p0 [hbm:s6], $0xF7A  }
0x23: {  	s9 =	sor.u32 $0xD0000000, s2;
	s6 =	simm.s32 $0x108;
	_ =	swait.ge @!p0 [sflag:s8], $0x0  }
0x24: {  	s3 =	sadd.s32 $0x88, s3;
	s6 =	simm.s32 @!p1 $0x1082;
	[sflag:s4] =	ssyncset.s32 $0xFFFFF086  }
0x25: {  	[simem:s6], [sflag:s4] =	dma.local [hbm:s3], $0xF7A  }
0x26: {  	[smem:$0x3F98] =	sst s1;
	(tag) =	ssettag s2;
	_ =	strace s9  }
0x27: {  	s1 =	sld [smem:$0x3FA8]  }
0x28: {  	s2 =	sld [smem:$0x3FA9]  }
0x29: {  	s4 =	sld [smem:$0x3FAB]  }
0x2a: {  	p0 =	seq.s32 s5, $0x0;
	s5 =	sld [smem:$0x3FAC]  }
0x2b: {  	s6 =	sld [smem:$0x3FAD]  }
0x2c: {  	s7 =	sld [smem:$0x3FAE]  }
0x2d: {  	s3 =	simm.s32 $0x108;
	s8 =	sld [smem:$0x3FAF]  }
0x2e: {  	s3 =	simm.s32 @!p0 $0x1082;
	s9 =	sld [smem:$0x3FB0]  }
0x2f: {  	lr =	sadd.s32 s0, s3;
	s0 =	sld [smem:$0x3FA7]  }
0x30: {  	s3 =	sld [smem:$0x3FAA]  }
0x31: {  	[smem:$0x3FB3] =	sst s10  }
0x32: {  	s10 =	sld [smem:$0x3FB1];
	_ =	sdelay $0x3  }
0x33: {  	p0 =	seq.s32 s10, $0x1;
	s10 =	sld [smem:$0x3FB3];
	_ =	sdelay $0x3  }
0x34: {  	[smem:$0x3FB3] =	sst s10  }
0x35: {  	s10 =	sld [smem:$0x3FB2];
	_ =	sdelay $0x3  }
0x36: {  	p1 =	seq.s32 s10, $0x1;
	s10 =	sld [smem:$0x3FB3];
	_ =	sdelay $0x3  }
0x37: {  	[smem:$0x3FB3] =	sst s10  }
0x38: {  	s10 =	sld [smem:$0x3FB4]  }
0x39: {  	_ = 	snop;
	(pc) =	sbr.ind lr, $3  }
0x3a: {  	_ = 	snop  }
0x3b: {  	_ = 	snop  }
0x3c: {  	p2 =	seq.s32 s10, $0x1;
	s10 =	sld [smem:$0x3FB3]  }
0x3d: {  	_ =	shalt  }
0x3e: {  	_ =	shalt  }
0x3f: {  	_ =	shalt  }
0x40: {  	_ =	shalt  }
0x41: {  	_ =	shalt  }
0x42: {  	_ =	shalt  }
0x43: {  	_ =	shalt  }
0x44: {  	_ =	shalt  }
0x45: {  	_ =	shalt  }
0x46: {  	_ =	shalt  }
0x47: {  	_ =	shalt  }
0x48: {  	_ =	shalt  }
0x49: {  	_ =	shalt  }
0x4a: {  	_ =	shalt  }
0x4b: {  	_ =	shalt  }
0x4c: {  	_ =	shalt  }
0x4d: {  	_ =	shalt  }
0x4e: {  	_ =	shalt  }
0x4f: {  	_ =	shalt  }
0x50: {  	_ =	shalt  }
0x51: {  	_ =	shalt  }
0x52: {  	_ =	shalt  }
0x53: {  	_ =	shalt  }
0x54: {  	_ =	shalt  }
0x55: {  	_ =	shalt  }
0x56: {  	_ =	shalt  }
0x57: {  	_ =	shalt  }
0x58: {  	_ =	shalt  }
0x59: {  	_ =	shalt  }
0x5a: {  	_ =	shalt  }
0x5b: {  	_ =	shalt  }
0x5c: {  	_ =	shalt  }
0x5d: {  	_ =	shalt  }
0x5e: {  	_ =	shalt  }
0x5f: {  	_ =	shalt  }
0x60: {  	_ =	shalt  }
0x61: {  	_ =	shalt  }
0x62: {  	_ =	shalt  }
0x63: {  	_ =	shalt  }
0x64: {  	_ =	shalt  }
0x65: {  	_ =	shalt  }
0x66: {  	_ =	shalt  }
0x67: {  	_ =	shalt  }
0x68: {  	_ =	shalt  }
0x69: {  	_ =	shalt  }
0x6a: {  	_ =	shalt  }
0x6b: {  	_ =	shalt  }
0x6c: {  	_ =	shalt  }
0x6d: {  	_ =	shalt  }
0x6e: {  	_ =	shalt  }
0x6f: {  	_ =	shalt  }
0x70: {  	_ =	shalt  }
0x71: {  	_ =	shalt  }
0x72: {  	_ =	shalt  }
0x73: {  	_ =	shalt  }
0x74: {  	_ =	shalt  }
0x75: {  	_ =	shalt  }
0x76: {  	_ =	shalt  }
0x77: {  	_ =	shalt  }
0x78: {  	_ =	shalt  }
0x79: {  	_ =	shalt  }
0x7a: {  	_ =	shalt  }
0x7b: {  	_ =	shalt  }
0x7c: {  	_ =	shalt  }
0x7d: {  	_ =	shalt  }
0x7e: {  	_ =	shalt  }
0x7f: {  	_ =	shalt  }
0x80: {  	_ =	shalt  }
0x81: {  	_ =	shalt  }
0x82: {  	_ =	shalt  }
0x83: {  	_ =	shalt  }
0x84: {  	_ =	shalt  }
0x85: {  	_ =	shalt  }
0x86: {  	_ =	shalt  }
0x87: {  	_ =	shalt  }
.Lfunc_end0:
.L_simem_size_0:
called_computation.1_lowered:
.L_overlay_start_0:
0x88: {  	s2 =	sld [smem:$0x3FD9]  }
0x89: {  	s3 =	sld [smem:$0x3FFE];
	_ =	sdelay $0x1  }
0x8a: {  	s1 =	srdreg.scid  }
0x8b: {  	s0 =	sand.u32 $0x1, s1  }
0x8c: {  	s17 =	sshll.u32 s0, $0xA;
	s2 =	sadd.s32 s3, s2  }
0x8d: {  	s2 =	sadd.s32 s2, s17  }
0x8e: {  	[smem:$0x3FBF] =	sst s2  }
0x8f: {  	_ = 	snop  }
0x90: {  	s2 =	sld [smem:$0x3FD0];
	(tm) =	ssettm $0x1  }
0x91: {  	s18 =	sld [smem:$0x3FFB];
	_ =	sdelay $0x3  }
0x92: {  	_ =	strace s18  }
0x93: {  	s3 =	sld [smem:$0x3FFC];
	_ =	sdelay $0x3  }
0x94: {  	_ =	strace s3  }
0x95: {  	s3 =	sld [smem:$0x3FFD];
	_ =	sdelay $0x3  }
0x96: {  	_ =	strace s3  }
0x97: {  	_ =	strace $0x8FFFFFFF  }
0x98: {  	s19 =	sld [smem:$0x3FDB];
	_ =	sdelay $0x1  }
0x99: {  	s4 =	simm.s32 $_scs_section_size  }
0x9a: {  	s5 =	simm.s32 $_size__tile_overlayer_lowered;
	s6 =	simm.s32 $_tile_overlayer_lowered  }
0x9b: {  	s22 =	simm.s32 $0x1BFF;
	s21 =	sshll.u32 s6, $0x1;
	s3 =	sadd.s32 s4, s19  }
0x9c: {  	s7 =	simm.s32 $0x0;
	s20 =	sshll.u32 s5, $0x1;
	s5 =	sadd.s32 s21, s3  }
0x9d: {  	[timem:s7], [sflag:s22] =	dma.local [hbm:s5], s20  }
0x9e: {  	_ =	swait.ge [sflag:s22], s20  }
0x9f: {  	s4 =	ssub.s32 $0x0, s20;
	[sflag:s22] =	ssyncset.done $0x0  }
0xa0: {  	[sflag:s22] =	ssyncadd.s32 s4;
	_ =	sdelay $0x1  }
0xa1: {  	s23 =	simm.s32 $0x1B8B  }
0xa2: {  	_ =	swait.ge [sflag:s23], $0x1  }
0xa3: {  	[sflag:s23] =	ssyncset.done $0x0  }
0xa4: {  	s25 =	simm.s32 $0x1B8E;
	s24 =	sld [smem:$0x3FFE];
	[sflag:s23] =	ssyncadd.s32 $0xFFFFFFFF  }
0xa5: {  	s26 =	simm.s32 $execute0_lowered;
	[smem:$0x3FD2] =	sst s25  }
0xa6: {  	s5 =	sshll.u32 s26, $0x1;
	_ =	strace $0x80000049;
	[dreg:$0x1] =	wrdreg $0xFFFFFFFF  }
0xa7: {  	s28 =	simm.s32 $_size_execute0_lowered;
	s3 =	sadd.s32 s3, s5;
	[dreg:$0x0] =	wrdreg $0x0  }
0xa8: {  	s5 =	sshll.u32 s28, $0x1;
	[dreg:$0x2] =	wrdreg s3  }
0xa9: {  	[dreg:$0x3] =	wrdreg s5  }
0xaa: {  	[dreg:$0x4] =	wrdreg $0xC0  }
0xab: {  	_ =	task [dreg:s7], $0x5FFFF  }
0xac: {  	[dreg:$0x1] =	wrdreg $0xFFFFFFFF  }
0xad: {  	[dreg:$0x0] =	wrdreg $0x60  }
0xae: {  	[dreg:$0x2] =	wrdreg s24  }
0xaf: {  	[dreg:$0x3] =	wrdreg s2  }
0xb0: {  	[dreg:$0x4] =	wrdreg $0x0  }
0xb1: {  	[dreg:$0x5] =	wrdreg $0x9  }
0xb2: {  	_ =	task.clear_ibuf [dreg:s7], $0x6FFFF;
	_ =	strace $0x90000049  }
0xb3: {  	s29 =	simm.s32 $0x9;
	_ =	strace $0x8000004B  }
0xb4: {  	_ =	swait.ge [sflag:s29], $0x1  }
0xb5: {  	[sflag:s29] =	ssyncadd.s32 $0xFFFFFFFF  }
0xb6: {  	_ =	strace $0x9000004B  }
0xb7: {  	_ =	sfence  }
0xb8: {  	s30 =	sld [smem:$0x0];
	_ =	sdelay $0x2  }
0xb9: {  	s31 =	sshll.u32 s1, $0xD;
	s1 =	sshrl.u32 s1, $0x2  }
0xba: {  	s3 =	sand.u32 $0x4000, s31;
	s1 =	sadd.s32 s1, s30  }
0xbb: {  	s0 =	sor.u32 s3, s0;
	s1 =	sshll.u32 s1, $0x11  }
0xbc: {  	s0 =	sor.u32 s1, s0  }
0xbd: {  	s0 =	sadd.s32 $0x8F2B, s0  }
0xbe: {  	[sflag:s0] =	ssyncadd.remote.s32 $0x1  }
0xbf: {  	_ =	sfence.sel $0xFFFF  }
0xc0: {  	[dreg:$0x0] =	wrdreg $0xFFFFFFFF;
	(pc) =	sbr.abs _section_cstart, $3  }
0xc1: {  	[dreg:$0x1] =	wrdreg $0xFFFFFFFF  }
0xc2: {  	_ =	task.clear_ibuf [dreg:s7], $0x2FFFF;
	_ =	strace $0x9FFFFFFF  }
0xc3: {  	(tm) =	ssettm $0x7FFFFFFF  }
tec
execute0_lowered:
.L_overlay_start_1:
0x0: {  	(tag) =	ssettag $0x1  }
0x1: {  	s0 =	rddreg [dreg:$0x0]  }
0x2: {  	s28 =	rddreg [dreg:$0x1]  }
0x3: {  	s3 =	rddreg [dreg:$0x2]  }
0x4: {  	s11 =	stileid.u32;
	s1 =	srdreg.scid  }
0x5: {  	s4 =	simm.s32 $0x0;
	s31 =	simm.s32 $0x14300;
	s2 =	smul.u32 $0x2800, s11  }
0x6: {  	s1 =	sand.u32 $0x1, s1;
	[smem:$0x7FF] =	sst s4;
	s9 =	smul.u32 $0x50000, s11  }
0x7: {  	s5 =	sadd.s32 $0x5D800, s0;
	s29 =	sadd.s32 $0x3800, s0;
	s26 =	smul.u32 $0x4FC0, s11  }
0x8: {  	s10 =	sshll.u32 s11, $0x1;
	s22 =	sshll.u32 s11, $0x6;
	s6 =	smul.u32 $0x28000, s1  }
0x9: {  	_ =	strace $0x8000004A;
	s19 =	ssub.s32 $0x2, s1;
	s20 =	sor.u32 s1, s10  }
0xa: {  	[dreg:$0xa] =	wrdreg s22;
	s23 =	sor.u32 $0x1C09, s22;
	s1 =	smul.u32 $0x27E0, s1  }
0xb: {  	s10 =	simm.s32 $0x14080;
	s7 =	sadd.s32 s2, s0;
	s8 =	sshrl.u32 s19, $0x1  }
0xc: {  	s21 =	sshrl.u32 s9, $0x2;
	[dreg:$0xd] =	wrdreg s23;
	s9 =	simm.s32 $0x0  }
0xd: {  	s2 =	sadd.s32 s2, s6;
	s6 =	smul.u32 $0x27E0, s20;
	s7 =	sadd.s32 $0x35800, s7  }
0xe: {  	s1 =	sadd.s32 s1, s26;
	s0 =	sadd.s32 s2, s0;
	s2 =	ssub.s32 s19, s8  }
0xf: {  	s8 =	sadd.s32 s21, s3;
	[dreg:$0xc] =	wrdreg s7;
	s14 =	sadd.s32 $0x268, s1  }
0x10: {  	s18 =	sadd.s32 $0x210, s1;
	[dreg:$0xb] =	wrdreg s8;
	s0 =	sadd.s32 $0xFEA00, s0  }
0x11: {  	s24 =	sshrl.u32 s6, $0x3;
	s2 =	smax.u32 s2, $0x1;
	[dreg:$0x16] =	wrdreg s0  }
0x12: {  	s22 =	sadd.s32 $0x1B8, s1;
	s30 =	sadd.s32 s28, s24;
	[dreg:$0x17] =	wrdreg s2  }
0x13: {  	s16 =	sshrl.u32 s14, $0x3;
	s11 =	sadd.s32 s29, s24;
	[dreg:$0xe] =	wrdreg s30  }
0x14: {  	s25 =	sadd.s32 $0x58, s6;
	s17 =	sadd.s32 s16, s29;
	[dreg:$0xf] =	wrdreg s11  }
0x15: {  	s20 =	sshrl.u32 s18, $0x3;
	s19 =	sadd.s32 s16, s28;
	[dreg:$0x4] =	wrdreg s17  }
0x16: {  	s6 =	sadd.s32 $0x108, s6;
	s21 =	sadd.s32 s20, s29;
	[dreg:$0x5] =	wrdreg s19  }
0x17: {  	s8 =	sshrl.u32 s25, $0x3;
	s23 =	sadd.s32 s20, s28;
	[dreg:$0x6] =	wrdreg s21  }
0x18: {  	s7 =	sadd.s32 $0x16, s24;
	s12 =	sadd.s32 s28, s8;
	[dreg:$0x7] =	wrdreg s23  }
0x19: {  	s6 =	sshrl.u32 s6, $0x3;
	s8 =	sadd.s32 s29, s8;
	[dreg:$0x10] =	wrdreg s12  }
0x1a: {  	s24 =	sshrl.u32 s22, $0x3;
	s13 =	sadd.s32 s28, s7;
	[dreg:$0x11] =	wrdreg s8  }
0x1b: {  	s2 =	simm.s32 $0xC;
	s7 =	sadd.s32 s29, s7;
	[dreg:$0x12] =	wrdreg s13  }
0x1c: {  	s22 =	simm.s32 $0x10;
	s15 =	sadd.s32 s28, s6;
	[dreg:$0x13] =	wrdreg s7  }
0x1d: {  	s6 =	sadd.s32 s29, s6;
	s25 =	sadd.s32 s24, s29;
	[dreg:$0x14] =	wrdreg s15  }
0x1e: {  	s26 =	sadd.s32 s24, s28;
	s30 =	sadd.s32 $0x160, s1;
	[dreg:$0x15] =	wrdreg s6  }
0x1f: {  	s1 =	simm.s32 $0x58;
	s17 =	simm.s32 $0x3;
	[dreg:$0x8] =	wrdreg s25  }
0x20: {  	s19 =	simm.s32 $0x4;
	s21 =	simm.s32 $0xF;
	[dreg:$0x9] =	wrdreg s26  }
0x21: {  	[dreg:$0x18] =	wrdreg s30;
	s8 =	simm.s32 $0x14000;
	s7 =	simm.s32 $0x14100  }
0x22: {  	s13 =	simm.s32 $0x1;
	s15 =	simm.s32 $0x2;
	s6 =	simm.s32 $0x8  }
.LBB2_1:
0x23: {  	[dreg:$0x19] =	wrdreg s9  }
0x24: {  	s23 =	rddreg [dreg:$0xb]  }
0x25: {  	s11 =	rddreg [dreg:$0xc]  }
0x26: {  	s24 =	rddreg [dreg:$0xd];
	s0 =	sshrl.u32 s23, $0x3  }
0x27: {  	[dreg:$0x1a] =	wrdreg s0  }
0x28: {  	[spmem:s0], [sflag:s24] =	dma.local [hbm:s11], $0x2800  }
0x29: {  	s23 =	rddreg [dreg:$0xe]  }
0x2a: {  	[tilespmem:s8], [sflag:$0x1] =	stream.linear.gather [hbm4b:s23+s4], $0x58, $0x38;
	[tilespmem:$0x1F400] =	vst v63  }
0x2b: {  	s26 =	simm.s32 $0x14200;
	s12 =	rddreg [dreg:$0xf]  }
0x2c: {  	[tilespmem:s26], [sflag:$0x5] =	stream.linear.gather [hbm4b:s12+s4], $0x58, $0x38;
	[tilespmem:$0x1F400] =	vst v63  }
0x2d: {  	s14 =	rddreg [dreg:$0x10]  }
0x2e: {  	[tilespmem:s10], [sflag:$0x2] =	stream.linear.gather [hbm4b:s14+s4], $0x58, $0x38;
	[tilespmem:$0x1F400] =	vst v63  }
0x2f: {  	s16 =	rddreg [dreg:$0x11];
	s12 =	simm.s32 $0x14280  }
0x30: {  	[tilespmem:s12], [sflag:$0x6] =	stream.linear.gather [hbm4b:s16+s4], $0x58, $0x38;
	[tilespmem:$0x1F400] =	vst v63  }
0x31: {  	s18 =	rddreg [dreg:$0x12]  }
0x32: {  	[tilespmem:s7], [sflag:$0x3] =	stream.linear.gather [hbm4b:s18+s4], $0x58, $0x38;
	[tilespmem:$0x1F400] =	vst v63  }
0x33: {  	s30 =	simm.s32 $0x14300;
	s20 =	rddreg [dreg:$0x13]  }
0x34: {  	[tilespmem:s30], [sflag:$0x7] =	stream.linear.gather [hbm4b:s20+s4], $0x58, $0x38;
	[tilespmem:$0x1F400] =	vst v63  }
0x35: {  	s0 =	simm.s32 $0x14180;
	s24 =	rddreg [dreg:$0x14]  }
0x36: {  	[tilespmem:s0], [sflag:$0x4] =	stream.linear.gather [hbm4b:s24+s4], $0x58, $0x38;
	[tilespmem:$0x1F400] =	vst v63  }
0x37: {  	s9 =	simm.s32 $0x14380;
	s11 =	simm.s32 $0x9;
	s25 =	rddreg [dreg:$0x15]  }
0x38: {  	[tilespmem:s9], [sflag:$0x8] =	stream.linear.gather [hbm4b:s25+s4], $0x58, $0x38;
	[tilespmem:$0x1F400] =	vst v63  }
0x39: {  	_ =	swait.ge [sflag:s11], $0x2800  }
0x3a: {  	[sflag:s11] =	ssyncset.done $0x0  }
0x3b: {  	[sflag:s11] =	ssyncadd.s32 $0xFFFFD800  }
0x3c: {  	[bflag:$0x0] =	sbarrier.arrive $0xFFFF  }
0x3d: {  	_ =	swait.ge [sflag:s13], $0x58  }
0x3e: {  	[sflag:s13] =	ssyncset.done $0x0  }
0x3f: {  	s14 =	simm.s32 $0x14400;
	[sflag:s13] =	ssyncadd.s32 $0xFFFFFFA8  }
0x40: {  	[tilespmem:s14], [sflag:$0x9] =	stream.indirect.gather [hbm4b:s5+s1], $0x80, s8, s1, $0xb8;
	[tilespmem:$0x1F400] =	vst v63  }
0x41: {  	_ =	swait.ge [sflag:s15], $0x58  }
0x42: {  	[sflag:s15] =	ssyncset.done $0x0  }
0x43: {  	s16 =	simm.s32 $0x17000;
	[sflag:s15] =	ssyncadd.s32 $0xFFFFFFA8  }
0x44: {  	[tilespmem:s16], [sflag:$0xA] =	stream.indirect.gather [hbm4b:s5+s1], $0x80, s10, s1, $0xb8;
	[tilespmem:$0x1F400] =	vst v63  }
0x45: {  	_ =	swait.ge [sflag:s17], $0x58  }
0x46: {  	[sflag:s17] =	ssyncset.done $0x0  }
0x47: {  	s18 =	simm.s32 $0x19C00;
	[sflag:s17] =	ssyncadd.s32 $0xFFFFFFA8  }
0x48: {  	[tilespmem:s18], [sflag:$0xB] =	stream.indirect.gather [hbm4b:s5+s1], $0x80, s7, s1, $0xb8;
	[tilespmem:$0x1F400] =	vst v63  }
0x49: {  	_ =	swait.ge [sflag:s19], $0x58  }
0x4a: {  	[sflag:s19] =	ssyncset.done $0x0  }
0x4b: {  	s20 =	simm.s32 $0x1C800;
	[sflag:s19] =	ssyncadd.s32 $0xFFFFFFA8  }
0x4c: {  	[tilespmem:s20], [sflag:$0xC] =	stream.indirect.gather [hbm4b:s5+s1], $0x80, s0, s1, $0xb8;
	[tilespmem:$0x1F400] =	vst v63  }
0x4d: {  	_ =	swait.ge [sflag:s11], $0x2C00  }
0x4e: {  	s25 =	rddreg [dreg:$0x18]  }
0x4f: {  	[sflag:s11] =	ssyncset.done $0x0;
	s23 =	sshrl.u32 s25, $0x3  }
0x50: {  	s24 =	simm.s32 $0x5;
	[sflag:s11] =	ssyncadd.s32 $0xFFFFD400;
	s11 =	sadd.s32 s28, s23  }
0x51: {  	[tilespmem:s8], [sflag:$0x1] =	stream.linear.gather [hbm4b:s11+s4], $0x58, $0x38;
	[tilespmem:$0x1F400] =	vst v63  }
0x52: {  	_ =	swait.ge [sflag:s24], $0x58  }
0x53: {  	[sflag:s24] =	ssyncset.done $0x0  }
0x54: {  	[sflag:s24] =	ssyncadd.s32 $0xFFFFFFA8;
	s24 =	simm.s32 $0xD  }
0x55: {  	[spmem:s3] =	stream.indirect.scatter.add.f32 [tilespmem:s14], [sflag:$0xD], $0x80, s26, s1, $0xb8;
	[tilespmem:$0x1F400] =	vst v63  }
0x56: {  	_ =	swait.ge [sflag:s24], $0x2C00  }
0x57: {  	[sflag:s24] =	ssyncset.done $0x0  }
0x58: {  	s23 =	sadd.s32 s29, s23;
	[sflag:s24] =	ssyncadd.s32 $0xFFFFD400  }
0x59: {  	[tilespmem:s26], [sflag:$0x5] =	stream.linear.gather [hbm4b:s23+s4], $0x58, $0x38;
	[tilespmem:$0x1F400] =	vst v63  }
0x5a: {  	_ =	swait.ge [sflag:s13], $0x58  }
0x5b: {  	[sflag:s13] =	ssyncset.done $0x0  }
0x5c: {  	s24 =	simm.s32 $0xA;
	[sflag:s13] =	ssyncadd.s32 $0xFFFFFFA8  }
0x5d: {  	[tilespmem:s14], [sflag:$0x9] =	stream.indirect.gather [hbm4b:s5+s1], $0x80, s8, s1, $0xb8;
	[tilespmem:$0x1F400] =	vst v63  }
0x5e: {  	_ =	swait.ge [sflag:s24], $0x2C00  }
0x5f: {  	s26 =	rddreg [dreg:$0x9];
	[sflag:s24] =	ssyncset.done $0x0  }
0x60: {  	s11 =	simm.s32 $0x6;
	[sflag:s24] =	ssyncadd.s32 $0xFFFFD400;
	s23 =	sadd.s32 $0x0, s26  }
0x61: {  	[tilespmem:s10], [sflag:$0x2] =	stream.linear.gather [hbm4b:s23+s4], $0x58, $0x38;
	[tilespmem:$0x1F400] =	vst v63  }
0x62: {  	_ =	swait.ge [sflag:s11], $0x58  }
0x63: {  	[sflag:s11] =	ssyncset.done $0x0  }
0x64: {  	s13 =	simm.s32 $0xE;
	[sflag:s11] =	ssyncadd.s32 $0xFFFFFFA8  }
0x65: {  	[spmem:s3] =	stream.indirect.scatter.add.f32 [tilespmem:s16], [sflag:$0xE], $0x80, s12, s1, $0xb8;
	[tilespmem:$0x1F400] =	vst v63  }
0x66: {  	_ =	swait.ge [sflag:s13], $0x2C00  }
0x67: {  	s14 =	rddreg [dreg:$0x8];
	[sflag:s13] =	ssyncset.done $0x0  }
0x68: {  	[sflag:s13] =	ssyncadd.s32 $0xFFFFD400;
	s23 =	sadd.s32 $0x0, s14  }
0x69: {  	[tilespmem:s12], [sflag:$0x6] =	stream.linear.gather [hbm4b:s23+s4], $0x58, $0x38;
	[tilespmem:$0x1F400] =	vst v63  }
0x6a: {  	_ =	swait.ge [sflag:s15], $0x58  }
0x6b: {  	[sflag:s15] =	ssyncset.done $0x0  }
0x6c: {  	[sflag:s15] =	ssyncadd.s32 $0xFFFFFFA8;
	s15 =	simm.s32 $0xB  }
0x6d: {  	[tilespmem:s16], [sflag:$0xA] =	stream.indirect.gather [hbm4b:s5+s1], $0x80, s10, s1, $0xb8;
	[tilespmem:$0x1F400] =	vst v63  }
0x6e: {  	_ =	swait.ge [sflag:s15], $0x2C00  }
0x6f: {  	s16 =	rddreg [dreg:$0x7];
	[sflag:s15] =	ssyncset.done $0x0  }
0x70: {  	[sflag:s15] =	ssyncadd.s32 $0xFFFFD400;
	s23 =	sadd.s32 $0x0, s16  }
0x71: {  	[tilespmem:s7], [sflag:$0x3] =	stream.linear.gather [hbm4b:s23+s4], $0x58, $0x38;
	[tilespmem:$0x1F400] =	vst v63  }
0x72: {  	s23 =	simm.s32 $0x7  }
0x73: {  	_ =	swait.ge [sflag:s23], $0x58  }
0x74: {  	[sflag:s23] =	ssyncset.done $0x0  }
0x75: {  	[sflag:s23] =	ssyncadd.s32 $0xFFFFFFA8  }
0x76: {  	[spmem:s3] =	stream.indirect.scatter.add.f32 [tilespmem:s18], [sflag:$0xF], $0x80, s30, s1, $0xb8;
	[tilespmem:$0x1F400] =	vst v63  }
0x77: {  	_ =	swait.ge [sflag:s21], $0x2C00  }
0x78: {  	s24 =	rddreg [dreg:$0x6];
	[sflag:s21] =	ssyncset.done $0x0  }
0x79: {  	[sflag:s21] =	ssyncadd.s32 $0xFFFFD400;
	s23 =	sadd.s32 $0x0, s24  }
0x7a: {  	[tilespmem:s30], [sflag:$0x7] =	stream.linear.gather [hbm4b:s23+s4], $0x58, $0x38;
	[tilespmem:$0x1F400] =	vst v63  }
0x7b: {  	_ =	swait.ge [sflag:s17], $0x58  }
0x7c: {  	[sflag:s17] =	ssyncset.done $0x0  }
0x7d: {  	[sflag:s17] =	ssyncadd.s32 $0xFFFFFFA8  }
0x7e: {  	[tilespmem:s18], [sflag:$0xB] =	stream.indirect.gather [hbm4b:s5+s1], $0x80, s7, s1, $0xb8;
	[tilespmem:$0x1F400] =	vst v63  }
0x7f: {  	_ =	swait.ge [sflag:s2], $0x2C00  }
0x80: {  	s26 =	rddreg [dreg:$0x5];
	[sflag:s2] =	ssyncset.done $0x0  }
0x81: {  	[sflag:s2] =	ssyncadd.s32 $0xFFFFD400;
	s23 =	sadd.s32 $0x0, s26  }
0x82: {  	[tilespmem:s0], [sflag:$0x4] =	stream.linear.gather [hbm4b:s23+s4], $0x58, $0x38;
	[tilespmem:$0x1F400] =	vst v63  }
0x83: {  	_ =	swait.ge [sflag:s6], $0x58  }
0x84: {  	[sflag:s6] =	ssyncset.done $0x0  }
0x85: {  	[sflag:s6] =	ssyncadd.s32 $0xFFFFFFA8  }
0x86: {  	[spmem:s3] =	stream.indirect.scatter.add.f32 [tilespmem:s20], [sflag:$0x10], $0x80, s9, s1, $0xb8;
	[tilespmem:$0x1F400] =	vst v63  }
0x87: {  	_ =	swait.ge [sflag:s22], $0x2C00  }
0x88: {  	s30 =	rddreg [dreg:$0x4];
	[sflag:s22] =	ssyncset.done $0x0  }
0x89: {  	s8 =	simm.s32 $0x14000;
	[sflag:s22] =	ssyncadd.s32 $0xFFFFD400;
	s23 =	sadd.s32 $0x0, s30  }
0x8a: {  	[tilespmem:s9], [sflag:$0x8] =	stream.linear.gather [hbm4b:s23+s4], $0x58, $0x38;
	[tilespmem:$0x1F400] =	vst v63  }
0x8b: {  	s13 =	simm.s32 $0x1;
	s15 =	simm.s32 $0x2;
	_ =	swait.ge [sflag:s19], $0x58  }
0x8c: {  	s24 =	sadd.s32 $0x160, s25;
	s17 =	simm.s32 $0x3;
	[sflag:s19] =	ssyncset.done $0x0  }
0x8d: {  	s23 =	simm.s32 $0x2C;
	[sflag:s19] =	ssyncadd.s32 $0xFFFFFFA8;
	s19 =	simm.s32 $0x4  }
.LBB2_2:
0x8e: {  	s9 =	simm.s32 $0x14180;
	s20 =	simm.s32 $0x1C800;
	s0 =	simm.s32 $0x9  }
0x8f: {  	[tilespmem:s20], [sflag:$0xC] =	stream.indirect.gather [hbm4b:s5+s1], $0x80, s9, s1, $0xb8;
	[tilespmem:$0x1F400] =	vst v63  }
0x90: {  	_ =	swait.ge [sflag:s0], $0x2C00  }
0x91: {  	s26 =	sshrl.u32 s24, $0x3;
	s30 =	smov.u32 s29;
	[sflag:s0] =	ssyncset.done $0x0  }
0x92: {  	s16 =	simm.s32 $0x5;
	s29 =	sadd.s32 s28, s26;
	[sflag:s0] =	ssyncadd.s32 $0xFFFFD400  }
0x93: {  	[tilespmem:s8], [sflag:$0x1] =	stream.linear.gather [hbm4b:s29+s4], $0x58, $0x38;
	[tilespmem:$0x1F400] =	vst v63  }
0x94: {  	_ =	swait.ge [sflag:s16], $0x58  }
0x95: {  	s10 =	simm.s32 $0x14200;
	[sflag:s16] =	ssyncset.done $0x0  }
0x96: {  	s18 =	simm.s32 $0x14400;
	s7 =	simm.s32 $0xD;
	[sflag:s16] =	ssyncadd.s32 $0xFFFFFFA8  }
0x97: {  	[spmem:s3] =	stream.indirect.scatter.add.f32 [tilespmem:s18], [sflag:$0xD], $0x80, s10, s1, $0xb8;
	[tilespmem:$0x1F400] =	vst v63  }
0x98: {  	_ =	swait.ge [sflag:s7], $0x2C00  }
0x99: {  	[sflag:s7] =	ssyncset.done $0x0  }
0x9a: {  	s26 =	sadd.s32 s30, s26;
	[sflag:s7] =	ssyncadd.s32 $0xFFFFD400  }
0x9b: {  	[tilespmem:s10], [sflag:$0x5] =	stream.linear.gather [hbm4b:s26+s4], $0x58, $0x38;
	[tilespmem:$0x1F400] =	vst v63  }
0x9c: {  	_ =	swait.ge [sflag:s13], $0x58  }
0x9d: {  	[sflag:s13] =	ssyncset.done $0x0  }
0x9e: {  	s7 =	simm.s32 $0xA;
	[sflag:s13] =	ssyncadd.s32 $0xFFFFFFA8  }
0x9f: {  	[tilespmem:s18], [sflag:$0x9] =	stream.indirect.gather [hbm4b:s5+s1], $0x80, s8, s1, $0xb8;
	[tilespmem:$0x1F400] =	vst v63  }
0xa0: {  	s25 =	smov.u32 s23;
	_ =	swait.ge [sflag:s7], $0x2C00  }
0xa1: {  	s12 =	simm.s32 $0x6;
	s11 =	rddreg [dreg:$0x9];
	[sflag:s7] =	ssyncset.done $0x0  }
0xa2: {  	s10 =	simm.s32 $0x14080;
	[sflag:s7] =	ssyncadd.s32 $0xFFFFD400;
	s26 =	sadd.s32 s25, s11  }
0xa3: {  	[tilespmem:s10], [sflag:$0x2] =	stream.linear.gather [hbm4b:s26+s4], $0x58, $0x38;
	[tilespmem:$0x1F400] =	vst v63  }
0xa4: {  	_ =	swait.ge [sflag:s12], $0x58  }
0xa5: {  	s0 =	simm.s32 $0x17000;
	[sflag:s12] =	ssyncset.done $0x0  }
0xa6: {  	s16 =	simm.s32 $0x14280;
	s11 =	simm.s32 $0xE;
	[sflag:s12] =	ssyncadd.s32 $0xFFFFFFA8  }
0xa7: {  	[spmem:s3] =	stream.indirect.scatter.add.f32 [tilespmem:s0], [sflag:$0xE], $0x80, s16, s1, $0xb8;
	[tilespmem:$0x1F400] =	vst v63  }
0xa8: {  	_ =	swait.ge [sflag:s11], $0x2C00  }
0xa9: {  	s18 =	rddreg [dreg:$0x8];
	[sflag:s11] =	ssyncset.done $0x0  }
0xaa: {  	[sflag:s11] =	ssyncadd.s32 $0xFFFFD400;
	s26 =	sadd.s32 s25, s18  }
0xab: {  	[tilespmem:s16], [sflag:$0x6] =	stream.linear.gather [hbm4b:s26+s4], $0x58, $0x38;
	[tilespmem:$0x1F400] =	vst v63  }
0xac: {  	_ =	swait.ge [sflag:s15], $0x58  }
0xad: {  	[sflag:s15] =	ssyncset.done $0x0  }
0xae: {  	s11 =	simm.s32 $0xB;
	[sflag:s15] =	ssyncadd.s32 $0xFFFFFFA8  }
0xaf: {  	[tilespmem:s0], [sflag:$0xA] =	stream.indirect.gather [hbm4b:s5+s1], $0x80, s10, s1, $0xb8;
	[tilespmem:$0x1F400] =	vst v63  }
0xb0: {  	_ =	swait.ge [sflag:s11], $0x2C00  }
0xb1: {  	s7 =	simm.s32 $0x14100;
	s18 =	rddreg [dreg:$0x7];
	[sflag:s11] =	ssyncset.done $0x0  }
0xb2: {  	[sflag:s11] =	ssyncadd.s32 $0xFFFFD400;
	s26 =	sadd.s32 s25, s18;
	s11 =	simm.s32 $0x7  }
0xb3: {  	[tilespmem:s7], [sflag:$0x3] =	stream.linear.gather [hbm4b:s26+s4], $0x58, $0x38;
	[tilespmem:$0x1F400] =	vst v63  }
0xb4: {  	_ =	swait.ge [sflag:s11], $0x58  }
0xb5: {  	[sflag:s11] =	ssyncset.done $0x0  }
0xb6: {  	s0 =	simm.s32 $0x14300;
	[sflag:s11] =	ssyncadd.s32 $0xFFFFFFA8;
	s11 =	simm.s32 $0x19C00  }
0xb7: {  	[spmem:s3] =	stream.indirect.scatter.add.f32 [tilespmem:s11], [sflag:$0xF], $0x80, s0, s1, $0xb8;
	[tilespmem:$0x1F400] =	vst v63  }
0xb8: {  	_ =	swait.ge [sflag:s21], $0x2C00  }
0xb9: {  	s18 =	rddreg [dreg:$0x6];
	[sflag:s21] =	ssyncset.done $0x0  }
0xba: {  	[sflag:s21] =	ssyncadd.s32 $0xFFFFD400;
	s26 =	sadd.s32 s25, s18  }
0xbb: {  	[tilespmem:s0], [sflag:$0x7] =	stream.linear.gather [hbm4b:s26+s4], $0x58, $0x38;
	[tilespmem:$0x1F400] =	vst v63  }
0xbc: {  	_ =	swait.ge [sflag:s17], $0x58  }
0xbd: {  	[sflag:s17] =	ssyncset.done $0x0  }
0xbe: {  	[sflag:s17] =	ssyncadd.s32 $0xFFFFFFA8  }
0xbf: {  	[tilespmem:s11], [sflag:$0xB] =	stream.indirect.gather [hbm4b:s5+s1], $0x80, s7, s1, $0xb8;
	[tilespmem:$0x1F400] =	vst v63  }
0xc0: {  	_ =	swait.ge [sflag:s2], $0x2C00  }
0xc1: {  	s11 =	rddreg [dreg:$0x5];
	[sflag:s2] =	ssyncset.done $0x0  }
0xc2: {  	[sflag:s2] =	ssyncadd.s32 $0xFFFFD400;
	s26 =	sadd.s32 s25, s11  }
0xc3: {  	[tilespmem:s9], [sflag:$0x4] =	stream.linear.gather [hbm4b:s26+s4], $0x58, $0x38;
	[tilespmem:$0x1F400] =	vst v63  }
0xc4: {  	_ =	swait.ge [sflag:s6], $0x58  }
0xc5: {  	p0 =	sne.s32 s23, $0x4A4;
	[sflag:s6] =	ssyncset.done $0x0  }
0xc6: {  	s23 =	sadd.s32 $0x2C, s23;
	s11 =	simm.s32 $0x14380;
	[sflag:s6] =	ssyncadd.s32 $0xFFFFFFA8  }
0xc7: {  	[spmem:s3] =	stream.indirect.scatter.add.f32 [tilespmem:s20], [sflag:$0x10], $0x80, s11, s1, $0xb8;
	[tilespmem:$0x1F400] =	vst v63  }
0xc8: {  	s14 =	simm.s32 $0x14400;
	s24 =	sadd.s32 $0x160, s24;
	_ =	swait.ge [sflag:s22], $0x2C00  }
0xc9: {  	s29 =	smov.u32 s30;
	s20 =	rddreg [dreg:$0x4];
	[sflag:s22] =	ssyncset.done $0x0  }
.Ltmp0:
0xca: {  	[sflag:s22] =	ssyncadd.s32 $0xFFFFD400;
	s25 =	sadd.s32 s25, s20;
	(pc) =	sbr.rel @p0 .LBB2_2-.Ltmp0, $4  }
0xcb: {  	[tilespmem:s11], [sflag:$0x8] =	stream.linear.gather [hbm4b:s25+s4], $0x58, $0x38;
	[tilespmem:$0x1F400] =	vst v63  }
0xcc: {  	s30 =	simm.s32 $0x14200;
	s12 =	simm.s32 $0x14280;
	_ =	swait.ge [sflag:s19], $0x58  }
0xcd: {  	s16 =	simm.s32 $0x17000;
	s18 =	simm.s32 $0x19C00;
	[sflag:s19] =	ssyncset.done $0x0  }
0xce: {  	s0 =	simm.s32 $0x14180;
	s9 =	simm.s32 $0x14380;
	[sflag:s19] =	ssyncadd.s32 $0xFFFFFFA8  }
0xcf: {  	s8 =	simm.s32 $0x1C800;
	s11 =	simm.s32 $0x9  }
0xd0: {  	[tilespmem:s8], [sflag:$0xC] =	stream.indirect.gather [hbm4b:s5+s1], $0x80, s0, s1, $0xb8;
	[tilespmem:$0x1F400] =	vst v63  }
0xd1: {  	_ =	swait.ge [sflag:s11], $0x2C00  }
0xd2: {  	[sflag:s11] =	ssyncset.done $0x0  }
0xd3: {  	s13 =	simm.s32 $0x5;
	[sflag:s11] =	ssyncadd.s32 $0xFFFFD400  }
0xd4: {  	_ =	swait.ge [sflag:s13], $0x58  }
0xd5: {  	[sflag:s13] =	ssyncset.done $0x0  }
0xd6: {  	[sflag:s13] =	ssyncadd.s32 $0xFFFFFFA8  }
0xd7: {  	[spmem:s3] =	stream.indirect.scatter.add.f32 [tilespmem:s14], [sflag:$0xD], $0x80, s30, s1, $0xb8;
	[tilespmem:$0x1F400] =	vst v63  }
0xd8: {  	s14 =	simm.s32 $0xA  }
0xd9: {  	_ =	swait.ge [sflag:s14], $0x2C00  }
0xda: {  	[sflag:s14] =	ssyncset.done $0x0  }
0xdb: {  	s15 =	simm.s32 $0x6;
	[sflag:s14] =	ssyncadd.s32 $0xFFFFD400  }
0xdc: {  	_ =	swait.ge [sflag:s15], $0x58  }
0xdd: {  	[sflag:s15] =	ssyncset.done $0x0  }
0xde: {  	[sflag:s15] =	ssyncadd.s32 $0xFFFFFFA8  }
0xdf: {  	[spmem:s3] =	stream.indirect.scatter.add.f32 [tilespmem:s16], [sflag:$0xE], $0x80, s12, s1, $0xb8;
	[tilespmem:$0x1F400] =	vst v63  }
0xe0: {  	s16 =	simm.s32 $0xB  }
0xe1: {  	_ =	swait.ge [sflag:s16], $0x2C00  }
0xe2: {  	[sflag:s16] =	ssyncset.done $0x0  }
0xe3: {  	s17 =	simm.s32 $0x7;
	[sflag:s16] =	ssyncadd.s32 $0xFFFFD400  }
0xe4: {  	_ =	swait.ge [sflag:s17], $0x58  }
0xe5: {  	[sflag:s17] =	ssyncset.done $0x0  }
0xe6: {  	[sflag:s17] =	ssyncadd.s32 $0xFFFFFFA8  }
0xe7: {  	[spmem:s3] =	stream.indirect.scatter.add.f32 [tilespmem:s18], [sflag:$0xF], $0x80, s31, s1, $0xb8;
	[tilespmem:$0x1F400] =	vst v63  }
0xe8: {  	_ =	swait.ge [sflag:s2], $0x2C00  }
0xe9: {  	[sflag:s2] =	ssyncset.done $0x0  }
0xea: {  	[sflag:s2] =	ssyncadd.s32 $0xFFFFD400  }
0xeb: {  	_ =	swait.ge [sflag:s6], $0x58  }
0xec: {  	[sflag:s6] =	ssyncset.done $0x0  }
0xed: {  	s18 =	simm.s32 $0xD;
	[sflag:s6] =	ssyncadd.s32 $0xFFFFFFA8  }
0xee: {  	[spmem:s3] =	stream.indirect.scatter.add.f32 [tilespmem:s8], [sflag:$0x10], $0x80, s9, s1, $0xb8;
	[tilespmem:$0x1F400] =	vst v63  }
0xef: {  	_ =	swait.ge [sflag:s18], $0x2C00  }
0xf0: {  	[sflag:s18] =	ssyncset.done $0x0  }
0xf1: {  	s19 =	simm.s32 $0xE;
	[sflag:s18] =	ssyncadd.s32 $0xFFFFD400  }
0xf2: {  	_ =	swait.ge [sflag:s19], $0x2C00  }
0xf3: {  	[sflag:s19] =	ssyncset.done $0x0  }
0xf4: {  	[sflag:s19] =	ssyncadd.s32 $0xFFFFD400  }
0xf5: {  	_ =	swait.ge [sflag:s21], $0x2C00  }
0xf6: {  	[sflag:s21] =	ssyncset.done $0x0  }
0xf7: {  	[sflag:s21] =	ssyncadd.s32 $0xFFFFD400  }
0xf8: {  	_ =	swait.ge [sflag:s22], $0x2C00  }
0xf9: {  	[sflag:s22] =	ssyncset.done $0x0  }
0xfa: {  	[sflag:s22] =	ssyncadd.s32 $0xFFFFD400  }
0xfb: {  	[bflag:$0x0] =	sbarrier.arrive $0xFFFF  }
0xfc: {  	s23 =	rddreg [dreg:$0xa]  }
0xfd: {  	s24 =	rddreg [dreg:$0x16]  }
0xfe: {  	s25 =	simm.s32 $0x11;
	s20 =	rddreg [dreg:$0x1a];
	s23 =	sor.u32 $0x1C11, s23  }
0xff: {  	[hbm:s24], [sflag:s23] =	dma.local [spmem:s20], $0x2800  }
0x100: {  	_ =	swait.ge [sflag:s25], $0x2800  }
0x101: {  	s26 =	rddreg [dreg:$0x19]  }
0x102: {  	s30 =	rddreg [dreg:$0x17];
	s9 =	sadd.s32 $0x1, s26  }
0x103: {  	p0 =	sne.s32 s9, s30  }
.Ltmp1:
0x104: {  	_ = 	snop;
	(pc) =	sbr.rel @p0 .LBB2_1-.Ltmp1, $4  }
0x105: {  	_ = 	snop  }
0x106: {  	s13 =	simm.s32 $0x1  }
0x107: {  	s15 =	simm.s32 $0x2;
	s17 =	simm.s32 $0x3;
	[sflag:s25] =	ssyncset.done $0x0  }
0x108: {  	s8 =	simm.s32 $0x14000;
	s19 =	simm.s32 $0x4;
	[sflag:s25] =	ssyncadd.s32 $0xFFFFD800  }
0x109: {  	_ =	sfence.sel $0x180000  }
0x10a: {  	[bflag:$0x0] =	sbarrier.arrive $0xFFFF  }
0x10b: {  	_ =	strace $0x9000004A  }
0x10c: {  	s0 =	stileid.u32;
	[bflag:$0x2] =	sbarrier.arrive $0xFFFF  }
0x10d: {  	p0 =	sne.s32 s0, $0x0;
	s0 =	rddreg [dreg:$0x3]  }
0x10e: {  	s0 =	sadd.s32 @!p0 $0x100000, s0  }
0x10f: {  	[sflag:s0] =	ssyncadd.tile.s32 @!p0 $0x1;
	_ =	shalt  }
.Lfunc_end2:
_tile_overlayer_lowered:
.L_overlay_start_2:
0x110: {  	(tag) =	ssettag $0x2  }
0x111: {  	s0 =	rddreg [dreg:$0x0];
	s2 =	stileid.u32  }
0x112: {  	s1 =	rddreg [dreg:$0x1];
	p0 =	sne.s32 s2, $0x0  }
0x113: {  	s3 =	rddreg [dreg:$0x2];
	[bflag:$0x3] =	sbarrier.arrive $0xFFFF;
	s2 =	simm.s32 @!p0 $0x1C11  }
0x114: {  	[timem:s3], [sflag:s2] =	dma.local @!p0 [hbm:s0], s1  }
0x115: {  	s0 =	simm.s32 @!p0 $0x11  }
0x116: {  	_ =	swait.ge @!p0 [sflag:s0], s1  }
0x117: {  	s1 =	ssub.s32 @!p0 $0x0, s1;
	[sflag:s0] =	ssyncset.done @!p0 $0x0  }
0x118: {  	[sflag:s0] =	ssyncadd.s32 @!p0 s1  }
0x119: {  	[bflag:$0x3] =	sbarrier.arrive $0xFFFF  }
0x11a: {  	_ =	shalt  }

// kernel: kernel.17.cloned.1.call-start
scs
__scs_entry_jumppad:
0x0: {  	(pc) =	sbr.rel $0x88, $3  }
0x1: {  	(tag) =	ssettag $0x0;
	lr =	simm.s32 $0x1  }
0x2: {  	[smem:$0x3F98] =	sst lr;
	_ =	strace $0xD0000000  }
0x3: {  	_ = 	snop  }
0x4: {  	_ = 	snop  }
0x5: {  	_ = 	snop  }
0x6: {  	_ = 	snop  }
0x7: {  	_ = 	snop  }
__scs_overlays_trampoline_lowered:
0x8: {  	[smem:$0x3FA7] =	sst s0  }
0x9: {  	[smem:$0x3FA8] =	sst s1  }
0xa: {  	[smem:$0x3FA9] =	sst s2  }
0xb: {  	[smem:$0x3FAA] =	sst s3  }
0xc: {  	[smem:$0x3FAB] =	sst s4  }
0xd: {  	[smem:$0x3FAC] =	sst s5  }
0xe: {  	[smem:$0x3FAD] =	sst s6  }
0xf: {  	[smem:$0x3FAE] =	sst s7  }
0x10: {  	[smem:$0x3FAF] =	sst s8  }
0x11: {  	[smem:$0x3FB0] =	sst s9;
	s0 =	simm.s32 @!p0 $0x0  }
0x12: {  	s1 =	sld [smem:$0x3F96];
	s0 =	simm.s32 @p0 $0x1  }
0x13: {  	[smem:$0x3FB1] =	sst s0;
	s0 =	simm.s32 @!p1 $0x0  }
0x14: {  	s2 =	sld [smem:$0x3F95];
	s0 =	simm.s32 @p1 $0x1  }
0x15: {  	[smem:$0x3FB2] =	sst s0;
	s0 =	simm.s32 @!p2 $0x0  }
0x16: {  	s3 =	sld [smem:$0x3FDB];
	s0 =	simm.s32 @p2 $0x1  }
0x17: {  	s4 =	simm.s32 $0x1BF5;
	[smem:$0x3FB4] =	sst s0  }
0x18: {  	s0 =	sld [smem:$0x3F97];
	_ =	swait.ge [sflag:s4], $0x0  }
0x19: {  	s7 =	sld [smem:$0x3F98]  }
0x1a: {  	s8 =	sadd.s32 $0xFFFFE003, lr  }
0x1b: {  	s9 =	sadd.s32 $0xFFFFFEF7, lr;
	s5 =	simm.s32 $0xFFFFFFFF;
	p2 =	slt.u32 s8, $0xFFFFF086  }
0x1c: {  	p1 =	slt.u32 s9, $0xF7A;
	s5 =	simm.s32 @!p2 $0x0  }
0x1d: {  	s5 =	simm.s32 @p1 $0x1;
	p0 =	seq.s32 s7, s2  }
0x1e: {  	s7 =	smul.u32 @!p0 $0xF7A, s2;
	p2 =	seq.s32 @!p0 s5, $0x0  }
0x1f: {  	s9 =	smul.u32 $0xF7A, s1;
	s8 =	simm.s32 @!p0 $0x1BF5;
	p2 =	por !p2, p0  }
0x20: {  	[sflag:s8] =	ssyncset.s32 @!p0 $0xFFFFF086;
	s6 =	sadd.s32 @!p0 s3, s7;
	s7 =	simm.s32 @!p0 $0x108  }
0x21: {  	s3 =	sadd.s32 s3, s9;
	s6 =	sadd.s32 @!p0 $0x88, s6;
	s7 =	simm.s32 @p2 $0x1082  }
0x22: {  	[simem:s7], [sflag:s8] =	dma.local @!p0 [hbm:s6], $0xF7A  }
0x23: {  	s9 =	sor.u32 $0xD0000000, s2;
	s6 =	simm.s32 $0x108;
	_ =	swait.ge @!p0 [sflag:s8], $0x0  }
0x24: {  	s3 =	sadd.s32 $0x88, s3;
	s6 =	simm.s32 @!p1 $0x1082;
	[sflag:s4] =	ssyncset.s32 $0xFFFFF086  }
0x25: {  	[simem:s6], [sflag:s4] =	dma.local [hbm:s3], $0xF7A  }
0x26: {  	[smem:$0x3F98] =	sst s1;
	(tag) =	ssettag s2;
	_ =	strace s9  }
0x27: {  	s1 =	sld [smem:$0x3FA8]  }
0x28: {  	s2 =	sld [smem:$0x3FA9]  }
0x29: {  	s4 =	sld [smem:$0x3FAB]  }
0x2a: {  	p0 =	seq.s32 s5, $0x0;
	s5 =	sld [smem:$0x3FAC]  }
0x2b: {  	s6 =	sld [smem:$0x3FAD]  }
0x2c: {  	s7 =	sld [smem:$0x3FAE]  }
0x2d: {  	s3 =	simm.s32 $0x108;
	s8 =	sld [smem:$0x3FAF]  }
0x2e: {  	s3 =	simm.s32 @!p0 $0x1082;
	s9 =	sld [smem:$0x3FB0]  }
0x2f: {  	lr =	sadd.s32 s0, s3;
	s0 =	sld [smem:$0x3FA7]  }
0x30: {  	s3 =	sld [smem:$0x3FAA]  }
0x31: {  	[smem:$0x3FB3] =	sst s10  }
0x32: {  	s10 =	sld [smem:$0x3FB1];
	_ =	sdelay $0x3  }
0x33: {  	p0 =	seq.s32 s10, $0x1;
	s10 =	sld [smem:$0x3FB3];
	_ =	sdelay $0x3  }
0x34: {  	[smem:$0x3FB3] =	sst s10  }
0x35: {  	s10 =	sld [smem:$0x3FB2];
	_ =	sdelay $0x3  }
0x36: {  	p1 =	seq.s32 s10, $0x1;
	s10 =	sld [smem:$0x3FB3];
	_ =	sdelay $0x3  }
0x37: {  	[smem:$0x3FB3] =	sst s10  }
0x38: {  	s10 =	sld [smem:$0x3FB4]  }
0x39: {  	_ = 	snop;
	(pc) =	sbr.ind lr, $3  }
0x3a: {  	_ = 	snop  }
0x3b: {  	_ = 	snop  }
0x3c: {  	p2 =	seq.s32 s10, $0x1;
	s10 =	sld [smem:$0x3FB3]  }
0x3d: {  	_ =	shalt  }
0x3e: {  	_ =	shalt  }
0x3f: {  	_ =	shalt  }
0x40: {  	_ =	shalt  }
0x41: {  	_ =	shalt  }
0x42: {  	_ =	shalt  }
0x43: {  	_ =	shalt  }
0x44: {  	_ =	shalt  }
0x45: {  	_ =	shalt  }
0x46: {  	_ =	shalt  }
0x47: {  	_ =	shalt  }
0x48: {  	_ =	shalt  }
0x49: {  	_ =	shalt  }
0x4a: {  	_ =	shalt  }
0x4b: {  	_ =	shalt  }
0x4c: {  	_ =	shalt  }
0x4d: {  	_ =	shalt  }
0x4e: {  	_ =	shalt  }
0x4f: {  	_ =	shalt  }
0x50: {  	_ =	shalt  }
0x51: {  	_ =	shalt  }
0x52: {  	_ =	shalt  }
0x53: {  	_ =	shalt  }
0x54: {  	_ =	shalt  }
0x55: {  	_ =	shalt  }
0x56: {  	_ =	shalt  }
0x57: {  	_ =	shalt  }
0x58: {  	_ =	shalt  }
0x59: {  	_ =	shalt  }
0x5a: {  	_ =	shalt  }
0x5b: {  	_ =	shalt  }
0x5c: {  	_ =	shalt  }
0x5d: {  	_ =	shalt  }
0x5e: {  	_ =	shalt  }
0x5f: {  	_ =	shalt  }
0x60: {  	_ =	shalt  }
0x61: {  	_ =	shalt  }
0x62: {  	_ =	shalt  }
0x63: {  	_ =	shalt  }
0x64: {  	_ =	shalt  }
0x65: {  	_ =	shalt  }
0x66: {  	_ =	shalt  }
0x67: {  	_ =	shalt  }
0x68: {  	_ =	shalt  }
0x69: {  	_ =	shalt  }
0x6a: {  	_ =	shalt  }
0x6b: {  	_ =	shalt  }
0x6c: {  	_ =	shalt  }
0x6d: {  	_ =	shalt  }
0x6e: {  	_ =	shalt  }
0x6f: {  	_ =	shalt  }
0x70: {  	_ =	shalt  }
0x71: {  	_ =	shalt  }
0x72: {  	_ =	shalt  }
0x73: {  	_ =	shalt  }
0x74: {  	_ =	shalt  }
0x75: {  	_ =	shalt  }
0x76: {  	_ =	shalt  }
0x77: {  	_ =	shalt  }
0x78: {  	_ =	shalt  }
0x79: {  	_ =	shalt  }
0x7a: {  	_ =	shalt  }
0x7b: {  	_ =	shalt  }
0x7c: {  	_ =	shalt  }
0x7d: {  	_ =	shalt  }
0x7e: {  	_ =	shalt  }
0x7f: {  	_ =	shalt  }
0x80: {  	_ =	shalt  }
0x81: {  	_ =	shalt  }
0x82: {  	_ =	shalt  }
0x83: {  	_ =	shalt  }
0x84: {  	_ =	shalt  }
0x85: {  	_ =	shalt  }
0x86: {  	_ =	shalt  }
0x87: {  	_ =	shalt  }
.Lfunc_end0:
.L_simem_size_0:
called_computation.2_lowered:
.L_overlay_start_0:
0x88: {  	s2 =	sld [smem:$0x3FD9]  }
0x89: {  	s3 =	sld [smem:$0x3FFE];
	_ =	sdelay $0x1  }
0x8a: {  	s1 =	srdreg.scid  }
0x8b: {  	s0 =	sand.u32 $0x1, s1  }
0x8c: {  	s17 =	sshll.u32 s0, $0xA;
	s2 =	sadd.s32 s3, s2  }
0x8d: {  	s2 =	sadd.s32 s2, s17  }
0x8e: {  	[smem:$0x3FBF] =	sst s2  }
0x8f: {  	_ = 	snop  }
0x90: {  	s2 =	sld [smem:$0x3FD0];
	(tm) =	ssettm $0x1  }
0x91: {  	s18 =	sld [smem:$0x3FFB];
	_ =	sdelay $0x3  }
0x92: {  	_ =	strace s18  }
0x93: {  	s3 =	sld [smem:$0x3FFC];
	_ =	sdelay $0x3  }
0x94: {  	_ =	strace s3  }
0x95: {  	s3 =	sld [smem:$0x3FFD];
	_ =	sdelay $0x3  }
0x96: {  	_ =	strace s3  }
0x97: {  	_ =	strace $0x8FFFFFFF  }
0x98: {  	s19 =	sld [smem:$0x3FDB];
	_ =	sdelay $0x1  }
0x99: {  	s4 =	simm.s32 $_scs_section_size  }
0x9a: {  	s5 =	simm.s32 $_size__tile_overlayer_lowered;
	s6 =	simm.s32 $_tile_overlayer_lowered  }
0x9b: {  	s22 =	simm.s32 $0x1BFF;
	s21 =	sshll.u32 s6, $0x1;
	s3 =	sadd.s32 s4, s19  }
0x9c: {  	s7 =	simm.s32 $0x0;
	s20 =	sshll.u32 s5, $0x1;
	s5 =	sadd.s32 s21, s3  }
0x9d: {  	[timem:s7], [sflag:s22] =	dma.local [hbm:s5], s20  }
0x9e: {  	_ =	swait.ge [sflag:s22], s20  }
0x9f: {  	s4 =	ssub.s32 $0x0, s20;
	[sflag:s22] =	ssyncset.done $0x0  }
0xa0: {  	[sflag:s22] =	ssyncadd.s32 s4;
	_ =	sdelay $0x1  }
0xa1: {  	s23 =	simm.s32 $0x1B8B  }
0xa2: {  	_ =	swait.ge [sflag:s23], $0x1  }
0xa3: {  	[sflag:s23] =	ssyncset.done $0x0  }
0xa4: {  	s25 =	simm.s32 $0x1B8E;
	s24 =	sld [smem:$0x3FFE];
	[sflag:s23] =	ssyncadd.s32 $0xFFFFFFFF  }
0xa5: {  	s26 =	simm.s32 $execute0_lowered;
	[smem:$0x3FD2] =	sst s25  }
0xa6: {  	s5 =	sshll.u32 s26, $0x1;
	_ =	strace $0x8000004C;
	[dreg:$0x1] =	wrdreg $0xFFFFFFFF  }
0xa7: {  	s28 =	simm.s32 $_size_execute0_lowered;
	s3 =	sadd.s32 s3, s5;
	[dreg:$0x0] =	wrdreg $0x0  }
0xa8: {  	s5 =	sshll.u32 s28, $0x1;
	[dreg:$0x2] =	wrdreg s3  }
0xa9: {  	[dreg:$0x3] =	wrdreg s5  }
0xaa: {  	[dreg:$0x4] =	wrdreg $0xC0  }
0xab: {  	_ =	task [dreg:s7], $0x5FFFF  }
0xac: {  	[dreg:$0x1] =	wrdreg $0xFFFFFFFF  }
0xad: {  	[dreg:$0x0] =	wrdreg $0x60  }
0xae: {  	[dreg:$0x2] =	wrdreg s24  }
0xaf: {  	[dreg:$0x3] =	wrdreg s2  }
0xb0: {  	[dreg:$0x4] =	wrdreg $0x0  }
0xb1: {  	[dreg:$0x5] =	wrdreg $0x9  }
0xb2: {  	_ =	task.clear_ibuf [dreg:s7], $0x6FFFF;
	_ =	strace $0x9000004C  }
0xb3: {  	s29 =	simm.s32 $0x9;
	_ =	strace $0x8000004E  }
0xb4: {  	_ =	swait.ge [sflag:s29], $0x1  }
0xb5: {  	[sflag:s29] =	ssyncadd.s32 $0xFFFFFFFF  }
0xb6: {  	_ =	strace $0x9000004E  }
0xb7: {  	_ =	sfence  }
0xb8: {  	s30 =	sld [smem:$0x0];
	_ =	sdelay $0x2  }
0xb9: {  	s31 =	sshll.u32 s1, $0xD;
	s1 =	sshrl.u32 s1, $0x2  }
0xba: {  	s3 =	sand.u32 $0x4000, s31;
	s1 =	sadd.s32 s1, s30  }
0xbb: {  	s0 =	sor.u32 s3, s0;
	s1 =	sshll.u32 s1, $0x11  }
0xbc: {  	s0 =	sor.u32 s1, s0  }
0xbd: {  	s0 =	sadd.s32 $0x8F2B, s0  }
0xbe: {  	[sflag:s0] =	ssyncadd.remote.s32 $0x1  }
0xbf: {  	_ =	sfence.sel $0xFFFF  }
0xc0: {  	[dreg:$0x0] =	wrdreg $0xFFFFFFFF;
	(pc) =	sbr.abs _section_cstart, $3  }
0xc1: {  	[dreg:$0x1] =	wrdreg $0xFFFFFFFF  }
0xc2: {  	_ =	task.clear_ibuf [dreg:s7], $0x2FFFF;
	_ =	strace $0x9FFFFFFF  }
0xc3: {  	(tm) =	ssettm $0x7FFFFFFF  }
tec
execute0_lowered:
.L_overlay_start_1:
0x0: {  	(tag) =	ssettag $0x1  }
0x1: {  	s0 =	rddreg [dreg:$0x0]  }
0x2: {  	s28 =	rddreg [dreg:$0x1]  }
0x3: {  	s3 =	rddreg [dreg:$0x2]  }
0x4: {  	s11 =	stileid.u32;
	s1 =	srdreg.scid;
	s4 =	simm.s32 $0x0  }
0x5: {  	s2 =	smul.u32 $0x2800, s11;
	s1 =	sand.u32 $0x1, s1;
	[smem:$0x7FF] =	sst s4  }
0x6: {  	s5 =	sadd.s32 $0xD800, s0;
	s31 =	sadd.s32 $0x3800, s0;
	s9 =	smul.u32 $0x50000, s11  }
0x7: {  	s10 =	sshll.u32 s11, $0x1;
	s24 =	sshll.u32 s11, $0x6;
	s30 =	smul.u32 $0x4FC0, s11  }
0x8: {  	s6 =	smul.u32 $0x28000, s1;
	_ =	strace $0x8000004D;
	s21 =	ssub.s32 $0x2, s1  }
0x9: {  	s22 =	sor.u32 s1, s10;
	[dreg:$0xb] =	wrdreg s24;
	s25 =	sor.u32 $0x1C09, s24  }
0xa: {  	s1 =	smul.u32 $0x27E0, s1;
	s10 =	simm.s32 $0x14080;
	[dreg:$0xa] =	wrdreg s31  }
0xb: {  	s7 =	sadd.s32 s2, s0;
	s8 =	sshrl.u32 s21, $0x1;
	s23 =	sshrl.u32 s9, $0x2  }
0xc: {  	[dreg:$0xe] =	wrdreg s25;
	s9 =	simm.s32 $0x0;
	s2 =	sadd.s32 s2, s6  }
0xd: {  	s6 =	smul.u32 $0x27E0, s22;
	s7 =	sadd.s32 $0x35800, s7;
	s1 =	sadd.s32 s1, s30  }
0xe: {  	s0 =	sadd.s32 s2, s0;
	s2 =	ssub.s32 s21, s8;
	s8 =	sadd.s32 s23, s3  }
0xf: {  	[dreg:$0xd] =	wrdreg s7;
	s15 =	sadd.s32 $0x268, s1;
	s19 =	sadd.s32 $0x210, s1  }
0x10: {  	s23 =	sadd.s32 $0x1B8, s1;
	s30 =	sadd.s32 $0x160, s1;
	[dreg:$0xc] =	wrdreg s8  }
0x11: {  	s1 =	simm.s32 $0x58;
	s0 =	sadd.s32 $0x5D800, s0;
	[dreg:$0x19] =	wrdreg s30  }
0x12: {  	s26 =	sshrl.u32 s6, $0x3;
	s2 =	smax.u32 s2, $0x1;
	[dreg:$0x17] =	wrdreg s0  }
0x13: {  	s29 =	sadd.s32 $0x58, s6;
	s11 =	sadd.s32 s31, s26;
	[dreg:$0x18] =	wrdreg s2  }
0x14: {  	s17 =	sshrl.u32 s15, $0x3;
	s12 =	sadd.s32 s28, s26;
	[dreg:$0xf] =	wrdreg s11  }
0x15: {  	s6 =	sadd.s32 $0x108, s6;
	s18 =	sadd.s32 s17, s28;
	[dreg:$0x10] =	wrdreg s12  }
0x16: {  	s21 =	sshrl.u32 s19, $0x3;
	s20 =	sadd.s32 s17, s31;
	[dreg:$0x4] =	wrdreg s18  }
0x17: {  	s25 =	sshrl.u32 s23, $0x3;
	s22 =	sadd.s32 s21, s28;
	[dreg:$0x5] =	wrdreg s20  }
0x18: {  	s8 =	sshrl.u32 s29, $0x3;
	s24 =	sadd.s32 s21, s31;
	[dreg:$0x6] =	wrdreg s22  }
0x19: {  	s7 =	sadd.s32 $0x16, s26;
	s26 =	sadd.s32 s25, s28;
	[dreg:$0x7] =	wrdreg s24  }
0x1a: {  	s6 =	sshrl.u32 s6, $0x3;
	s29 =	sadd.s32 s25, s31;
	[dreg:$0x8] =	wrdreg s26  }
0x1b: {  	s21 =	simm.s32 $0xF;
	s13 =	sadd.s32 s31, s8;
	[dreg:$0x9] =	wrdreg s29  }
0x1c: {  	s2 =	simm.s32 $0xC;
	s8 =	sadd.s32 s28, s8;
	[dreg:$0x11] =	wrdreg s13  }
0x1d: {  	s14 =	sadd.s32 s31, s7;
	s7 =	sadd.s32 s28, s7;
	[dreg:$0x12] =	wrdreg s8  }
0x1e: {  	s16 =	sadd.s32 s31, s6;
	s6 =	sadd.s32 s28, s6;
	[dreg:$0x13] =	wrdreg s14  }
0x1f: {  	s11 =	simm.s32 $0x1;
	s18 =	simm.s32 $0x4;
	[dreg:$0x14] =	wrdreg s7  }
0x20: {  	s20 =	simm.s32 $0x7;
	s22 =	simm.s32 $0x10;
	[dreg:$0x15] =	wrdreg s16  }
0x21: {  	[dreg:$0x16] =	wrdreg s6;
	s8 =	simm.s32 $0x14000;
	s7 =	simm.s32 $0x14100  }
0x22: {  	s14 =	simm.s32 $0x2;
	s16 =	simm.s32 $0x3;
	s6 =	simm.s32 $0x8  }
.LBB2_1:
0x23: {  	[dreg:$0x1a] =	wrdreg s9  }
0x24: {  	s23 =	rddreg [dreg:$0xc]  }
0x25: {  	s29 =	rddreg [dreg:$0xd]  }
0x26: {  	s24 =	rddreg [dreg:$0xe];
	s0 =	sshrl.u32 s23, $0x3  }
0x27: {  	[dreg:$0x1b] =	wrdreg s0  }
0x28: {  	[spmem:s0], [sflag:s24] =	dma.local [hbm:s29], $0x2800  }
0x29: {  	s23 =	rddreg [dreg:$0xf]  }
0x2a: {  	[tilespmem:s8], [sflag:$0x1] =	stream.linear.gather [hbm4b:s23+s4], $0x58, $0x38;
	[tilespmem:$0x1F400] =	vst v63  }
0x2b: {  	s26 =	simm.s32 $0x14200;
	s30 =	rddreg [dreg:$0x10]  }
0x2c: {  	[tilespmem:s26], [sflag:$0x5] =	stream.linear.gather [hbm4b:s30+s4], $0x58, $0x38;
	[tilespmem:$0x1F400] =	vst v63  }
0x2d: {  	s0 =	rddreg [dreg:$0x11]  }
0x2e: {  	[tilespmem:s10], [sflag:$0x2] =	stream.linear.gather [hbm4b:s0+s4], $0x58, $0x38;
	[tilespmem:$0x1F400] =	vst v63  }
0x2f: {  	s12 =	simm.s32 $0x14280;
	s9 =	rddreg [dreg:$0x12]  }
0x30: {  	[tilespmem:s12], [sflag:$0x6] =	stream.linear.gather [hbm4b:s9+s4], $0x58, $0x38;
	[tilespmem:$0x1F400] =	vst v63  }
0x31: {  	s13 =	rddreg [dreg:$0x13]  }
0x32: {  	[tilespmem:s7], [sflag:$0x3] =	stream.linear.gather [hbm4b:s13+s4], $0x58, $0x38;
	[tilespmem:$0x1F400] =	vst v63  }
0x33: {  	s29 =	simm.s32 $0x14300;
	s15 =	rddreg [dreg:$0x14]  }
0x34: {  	[tilespmem:s29], [sflag:$0x7] =	stream.linear.gather [hbm4b:s15+s4], $0x58, $0x38;
	[tilespmem:$0x1F400] =	vst v63  }
0x35: {  	s17 =	rddreg [dreg:$0x15];
	s0 =	simm.s32 $0x14180  }
0x36: {  	[tilespmem:s0], [sflag:$0x4] =	stream.linear.gather [hbm4b:s17+s4], $0x58, $0x38;
	[tilespmem:$0x1F400] =	vst v63  }
0x37: {  	s24 =	simm.s32 $0x9;
	s19 =	rddreg [dreg:$0x16];
	s30 =	simm.s32 $0x14380  }
0x38: {  	[tilespmem:s30], [sflag:$0x8] =	stream.linear.gather [hbm4b:s19+s4], $0x58, $0x38;
	[tilespmem:$0x1F400] =	vst v63  }
0x39: {  	_ =	swait.ge [sflag:s24], $0x2800  }
0x3a: {  	[sflag:s24] =	ssyncset.done $0x0  }
0x3b: {  	[sflag:s24] =	ssyncadd.s32 $0xFFFFD800  }
0x3c: {  	[bflag:$0x0] =	sbarrier.arrive $0xFFFF  }
0x3d: {  	_ =	swait.ge [sflag:s11], $0x58  }
0x3e: {  	[sflag:s11] =	ssyncset.done $0x0  }
0x3f: {  	s13 =	simm.s32 $0x14400;
	[sflag:s11] =	ssyncadd.s32 $0xFFFFFFA8  }
0x40: {  	[tilespmem:s13], [sflag:$0x9] =	stream.indirect.gather [hbm4b:s5+s1], $0x80, s8, s1, $0xb8;
	[tilespmem:$0x1F400] =	vst v63  }
0x41: {  	_ =	swait.ge [sflag:s14], $0x58  }
0x42: {  	[sflag:s14] =	ssyncset.done $0x0  }
0x43: {  	s15 =	simm.s32 $0x17000;
	[sflag:s14] =	ssyncadd.s32 $0xFFFFFFA8  }
0x44: {  	[tilespmem:s15], [sflag:$0xA] =	stream.indirect.gather [hbm4b:s5+s1], $0x80, s10, s1, $0xb8;
	[tilespmem:$0x1F400] =	vst v63  }
0x45: {  	_ =	swait.ge [sflag:s16], $0x58  }
0x46: {  	[sflag:s16] =	ssyncset.done $0x0  }
0x47: {  	s17 =	simm.s32 $0x19C00;
	[sflag:s16] =	ssyncadd.s32 $0xFFFFFFA8  }
0x48: {  	[tilespmem:s17], [sflag:$0xB] =	stream.indirect.gather [hbm4b:s5+s1], $0x80, s7, s1, $0xb8;
	[tilespmem:$0x1F400] =	vst v63  }
0x49: {  	_ =	swait.ge [sflag:s18], $0x58  }
0x4a: {  	[sflag:s18] =	ssyncset.done $0x0  }
0x4b: {  	s19 =	simm.s32 $0x1C800;
	[sflag:s18] =	ssyncadd.s32 $0xFFFFFFA8  }
0x4c: {  	[tilespmem:s19], [sflag:$0xC] =	stream.indirect.gather [hbm4b:s5+s1], $0x80, s0, s1, $0xb8;
	[tilespmem:$0x1F400] =	vst v63  }
0x4d: {  	_ =	swait.ge [sflag:s24], $0x2C00  }
0x4e: {  	s25 =	rddreg [dreg:$0x19]  }
0x4f: {  	[sflag:s24] =	ssyncset.done $0x0;
	s23 =	sshrl.u32 s25, $0x3  }
0x50: {  	[sflag:s24] =	ssyncadd.s32 $0xFFFFD400;
	s24 =	simm.s32 $0x5;
	s9 =	sadd.s32 s31, s23  }
0x51: {  	[tilespmem:s8], [sflag:$0x1] =	stream.linear.gather [hbm4b:s9+s4], $0x58, $0x38;
	[tilespmem:$0x1F400] =	vst v63  }
0x52: {  	_ =	swait.ge [sflag:s24], $0x58  }
0x53: {  	[sflag:s24] =	ssyncset.done $0x0  }
0x54: {  	s31 =	simm.s32 $0xD;
	[sflag:s24] =	ssyncadd.s32 $0xFFFFFFA8  }
0x55: {  	[spmem:s3] =	stream.indirect.scatter.add.f32 [tilespmem:s13], [sflag:$0xD], $0x80, s26, s1, $0xb8;
	[tilespmem:$0x1F400] =	vst v63  }
0x56: {  	_ =	swait.ge [sflag:s31], $0x2C00  }
0x57: {  	[sflag:s31] =	ssyncset.done $0x0  }
0x58: {  	s11 =	simm.s32 $0x1;
	s23 =	sadd.s32 s28, s23;
	[sflag:s31] =	ssyncadd.s32 $0xFFFFD400  }
0x59: {  	[tilespmem:s26], [sflag:$0x5] =	stream.linear.gather [hbm4b:s23+s4], $0x58, $0x38;
	[tilespmem:$0x1F400] =	vst v63  }
0x5a: {  	_ =	swait.ge [sflag:s11], $0x58  }
0x5b: {  	[sflag:s11] =	ssyncset.done $0x0  }
0x5c: {  	s24 =	simm.s32 $0xA;
	[sflag:s11] =	ssyncadd.s32 $0xFFFFFFA8  }
0x5d: {  	[tilespmem:s13], [sflag:$0x9] =	stream.indirect.gather [hbm4b:s5+s1], $0x80, s8, s1, $0xb8;
	[tilespmem:$0x1F400] =	vst v63  }
0x5e: {  	_ =	swait.ge [sflag:s24], $0x2C00  }
0x5f: {  	s26 =	rddreg [dreg:$0x9];
	[sflag:s24] =	ssyncset.done $0x0  }
0x60: {  	s31 =	simm.s32 $0x6;
	[sflag:s24] =	ssyncadd.s32 $0xFFFFD400;
	s23 =	sadd.s32 $0x0, s26  }
0x61: {  	[tilespmem:s10], [sflag:$0x2] =	stream.linear.gather [hbm4b:s23+s4], $0x58, $0x38;
	[tilespmem:$0x1F400] =	vst v63  }
0x62: {  	_ =	swait.ge [sflag:s31], $0x58  }
0x63: {  	[sflag:s31] =	ssyncset.done $0x0  }
0x64: {  	s9 =	simm.s32 $0xE;
	[sflag:s31] =	ssyncadd.s32 $0xFFFFFFA8  }
0x65: {  	[spmem:s3] =	stream.indirect.scatter.add.f32 [tilespmem:s15], [sflag:$0xE], $0x80, s12, s1, $0xb8;
	[tilespmem:$0x1F400] =	vst v63  }
0x66: {  	_ =	swait.ge [sflag:s9], $0x2C00  }
0x67: {  	s13 =	rddreg [dreg:$0x8];
	[sflag:s9] =	ssyncset.done $0x0  }
0x68: {  	s14 =	simm.s32 $0x2;
	[sflag:s9] =	ssyncadd.s32 $0xFFFFD400;
	s23 =	sadd.s32 $0x0, s13  }
0x69: {  	[tilespmem:s12], [sflag:$0x6] =	stream.linear.gather [hbm4b:s23+s4], $0x58, $0x38;
	[tilespmem:$0x1F400] =	vst v63  }
0x6a: {  	_ =	swait.ge [sflag:s14], $0x58  }
0x6b: {  	[sflag:s14] =	ssyncset.done $0x0  }
0x6c: {  	s23 =	simm.s32 $0xB;
	[sflag:s14] =	ssyncadd.s32 $0xFFFFFFA8  }
0x6d: {  	[tilespmem:s15], [sflag:$0xA] =	stream.indirect.gather [hbm4b:s5+s1], $0x80, s10, s1, $0xb8;
	[tilespmem:$0x1F400] =	vst v63  }
0x6e: {  	_ =	swait.ge [sflag:s23], $0x2C00  }
0x6f: {  	s24 =	rddreg [dreg:$0x7];
	[sflag:s23] =	ssyncset.done $0x0  }
0x70: {  	[sflag:s23] =	ssyncadd.s32 $0xFFFFD400;
	s23 =	sadd.s32 $0x0, s24  }
0x71: {  	[tilespmem:s7], [sflag:$0x3] =	stream.linear.gather [hbm4b:s23+s4], $0x58, $0x38;
	[tilespmem:$0x1F400] =	vst v63  }
0x72: {  	_ =	swait.ge [sflag:s20], $0x58  }
0x73: {  	[sflag:s20] =	ssyncset.done $0x0  }
0x74: {  	[sflag:s20] =	ssyncadd.s32 $0xFFFFFFA8  }
0x75: {  	[spmem:s3] =	stream.indirect.scatter.add.f32 [tilespmem:s17], [sflag:$0xF], $0x80, s29, s1, $0xb8;
	[tilespmem:$0x1F400] =	vst v63  }
0x76: {  	_ =	swait.ge [sflag:s21], $0x2C00  }
0x77: {  	s26 =	rddreg [dreg:$0x6];
	[sflag:s21] =	ssyncset.done $0x0  }
0x78: {  	s16 =	simm.s32 $0x3;
	[sflag:s21] =	ssyncadd.s32 $0xFFFFD400;
	s23 =	sadd.s32 $0x0, s26  }
0x79: {  	[tilespmem:s29], [sflag:$0x7] =	stream.linear.gather [hbm4b:s23+s4], $0x58, $0x38;
	[tilespmem:$0x1F400] =	vst v63  }
0x7a: {  	_ =	swait.ge [sflag:s16], $0x58  }
0x7b: {  	[sflag:s16] =	ssyncset.done $0x0  }
0x7c: {  	[sflag:s16] =	ssyncadd.s32 $0xFFFFFFA8  }
0x7d: {  	[tilespmem:s17], [sflag:$0xB] =	stream.indirect.gather [hbm4b:s5+s1], $0x80, s7, s1, $0xb8;
	[tilespmem:$0x1F400] =	vst v63  }
0x7e: {  	_ =	swait.ge [sflag:s2], $0x2C00  }
0x7f: {  	s29 =	rddreg [dreg:$0x5];
	[sflag:s2] =	ssyncset.done $0x0  }
0x80: {  	[sflag:s2] =	ssyncadd.s32 $0xFFFFD400;
	s23 =	sadd.s32 $0x0, s29  }
0x81: {  	[tilespmem:s0], [sflag:$0x4] =	stream.linear.gather [hbm4b:s23+s4], $0x58, $0x38;
	[tilespmem:$0x1F400] =	vst v63  }
0x82: {  	_ =	swait.ge [sflag:s6], $0x58  }
0x83: {  	[sflag:s6] =	ssyncset.done $0x0  }
0x84: {  	[sflag:s6] =	ssyncadd.s32 $0xFFFFFFA8  }
0x85: {  	[spmem:s3] =	stream.indirect.scatter.add.f32 [tilespmem:s19], [sflag:$0x10], $0x80, s30, s1, $0xb8;
	[tilespmem:$0x1F400] =	vst v63  }
0x86: {  	_ =	swait.ge [sflag:s22], $0x2C00  }
0x87: {  	s31 =	rddreg [dreg:$0x4];
	[sflag:s22] =	ssyncset.done $0x0  }
0x88: {  	s18 =	simm.s32 $0x4;
	[sflag:s22] =	ssyncadd.s32 $0xFFFFD400;
	s23 =	sadd.s32 $0x0, s31  }
0x89: {  	[tilespmem:s30], [sflag:$0x8] =	stream.linear.gather [hbm4b:s23+s4], $0x58, $0x38;
	[tilespmem:$0x1F400] =	vst v63  }
0x8a: {  	_ =	swait.ge [sflag:s18], $0x58  }
0x8b: {  	s8 =	simm.s32 $0x14000;
	[sflag:s18] =	ssyncset.done $0x0  }
0x8c: {  	s24 =	sadd.s32 $0x160, s25;
	s23 =	simm.s32 $0x2C;
	[sflag:s18] =	ssyncadd.s32 $0xFFFFFFA8  }
.LBB2_2:
0x8d: {  	s0 =	simm.s32 $0x14180;
	s19 =	simm.s32 $0x1C800;
	s7 =	simm.s32 $0x9  }
0x8e: {  	[tilespmem:s19], [sflag:$0xC] =	stream.indirect.gather [hbm4b:s5+s1], $0x80, s0, s1, $0xb8;
	[tilespmem:$0x1F400] =	vst v63  }
0x8f: {  	s26 =	sshrl.u32 s24, $0x3;
	_ =	swait.ge [sflag:s7], $0x2C00  }
0x90: {  	s29 =	smov.u32 s28;
	[sflag:s7] =	ssyncset.done $0x0;
	s13 =	rddreg [dreg:$0xa]  }
0x91: {  	s15 =	simm.s32 $0x5;
	[sflag:s7] =	ssyncadd.s32 $0xFFFFD400;
	s28 =	sadd.s32 s13, s26  }
0x92: {  	[tilespmem:s8], [sflag:$0x1] =	stream.linear.gather [hbm4b:s28+s4], $0x58, $0x38;
	[tilespmem:$0x1F400] =	vst v63  }
0x93: {  	_ =	swait.ge [sflag:s15], $0x58  }
0x94: {  	s10 =	simm.s32 $0x14200;
	[sflag:s15] =	ssyncset.done $0x0  }
0x95: {  	s17 =	simm.s32 $0x14400;
	s9 =	simm.s32 $0xD;
	[sflag:s15] =	ssyncadd.s32 $0xFFFFFFA8  }
0x96: {  	[spmem:s3] =	stream.indirect.scatter.add.f32 [tilespmem:s17], [sflag:$0xD], $0x80, s10, s1, $0xb8;
	[tilespmem:$0x1F400] =	vst v63  }
0x97: {  	_ =	swait.ge [sflag:s9], $0x2C00  }
0x98: {  	[sflag:s9] =	ssyncset.done $0x0  }
0x99: {  	s26 =	sadd.s32 s29, s26;
	[sflag:s9] =	ssyncadd.s32 $0xFFFFD400  }
0x9a: {  	[tilespmem:s10], [sflag:$0x5] =	stream.linear.gather [hbm4b:s26+s4], $0x58, $0x38;
	[tilespmem:$0x1F400] =	vst v63  }
0x9b: {  	_ =	swait.ge [sflag:s11], $0x58  }
0x9c: {  	[sflag:s11] =	ssyncset.done $0x0  }
0x9d: {  	s26 =	simm.s32 $0xA;
	[sflag:s11] =	ssyncadd.s32 $0xFFFFFFA8  }
0x9e: {  	[tilespmem:s17], [sflag:$0x9] =	stream.indirect.gather [hbm4b:s5+s1], $0x80, s8, s1, $0xb8;
	[tilespmem:$0x1F400] =	vst v63  }
0x9f: {  	s25 =	smov.u32 s23;
	_ =	swait.ge [sflag:s26], $0x2C00  }
0xa0: {  	s12 =	simm.s32 $0x6;
	s9 =	rddreg [dreg:$0x9];
	[sflag:s26] =	ssyncset.done $0x0  }
0xa1: {  	s10 =	simm.s32 $0x14080;
	[sflag:s26] =	ssyncadd.s32 $0xFFFFD400;
	s26 =	sadd.s32 s25, s9  }
0xa2: {  	[tilespmem:s10], [sflag:$0x2] =	stream.linear.gather [hbm4b:s26+s4], $0x58, $0x38;
	[tilespmem:$0x1F400] =	vst v63  }
0xa3: {  	_ =	swait.ge [sflag:s12], $0x58  }
0xa4: {  	s15 =	simm.s32 $0x14280;
	[sflag:s12] =	ssyncset.done $0x0  }
0xa5: {  	s9 =	simm.s32 $0x17000;
	[sflag:s12] =	ssyncadd.s32 $0xFFFFFFA8;
	s12 =	simm.s32 $0xE  }
0xa6: {  	[spmem:s3] =	stream.indirect.scatter.add.f32 [tilespmem:s9], [sflag:$0xE], $0x80, s15, s1, $0xb8;
	[tilespmem:$0x1F400] =	vst v63  }
0xa7: {  	_ =	swait.ge [sflag:s12], $0x2C00  }
0xa8: {  	s17 =	rddreg [dreg:$0x8];
	[sflag:s12] =	ssyncset.done $0x0  }
0xa9: {  	[sflag:s12] =	ssyncadd.s32 $0xFFFFD400;
	s26 =	sadd.s32 s25, s17  }
0xaa: {  	[tilespmem:s15], [sflag:$0x6] =	stream.linear.gather [hbm4b:s26+s4], $0x58, $0x38;
	[tilespmem:$0x1F400] =	vst v63  }
0xab: {  	_ =	swait.ge [sflag:s14], $0x58  }
0xac: {  	[sflag:s14] =	ssyncset.done $0x0  }
0xad: {  	s26 =	simm.s32 $0xB;
	[sflag:s14] =	ssyncadd.s32 $0xFFFFFFA8  }
0xae: {  	[tilespmem:s9], [sflag:$0xA] =	stream.indirect.gather [hbm4b:s5+s1], $0x80, s10, s1, $0xb8;
	[tilespmem:$0x1F400] =	vst v63  }
0xaf: {  	_ =	swait.ge [sflag:s26], $0x2C00  }
0xb0: {  	s17 =	rddreg [dreg:$0x7];
	[sflag:s26] =	ssyncset.done $0x0  }
0xb1: {  	s7 =	simm.s32 $0x14100;
	[sflag:s26] =	ssyncadd.s32 $0xFFFFD400;
	s26 =	sadd.s32 s25, s17  }
0xb2: {  	[tilespmem:s7], [sflag:$0x3] =	stream.linear.gather [hbm4b:s26+s4], $0x58, $0x38;
	[tilespmem:$0x1F400] =	vst v63  }
0xb3: {  	_ =	swait.ge [sflag:s20], $0x58  }
0xb4: {  	[sflag:s20] =	ssyncset.done $0x0  }
0xb5: {  	s30 =	simm.s32 $0x14300;
	s9 =	simm.s32 $0x19C00;
	[sflag:s20] =	ssyncadd.s32 $0xFFFFFFA8  }
0xb6: {  	[spmem:s3] =	stream.indirect.scatter.add.f32 [tilespmem:s9], [sflag:$0xF], $0x80, s30, s1, $0xb8;
	[tilespmem:$0x1F400] =	vst v63  }
0xb7: {  	_ =	swait.ge [sflag:s21], $0x2C00  }
0xb8: {  	s17 =	rddreg [dreg:$0x6];
	[sflag:s21] =	ssyncset.done $0x0  }
0xb9: {  	[sflag:s21] =	ssyncadd.s32 $0xFFFFD400;
	s26 =	sadd.s32 s25, s17  }
0xba: {  	[tilespmem:s30], [sflag:$0x7] =	stream.linear.gather [hbm4b:s26+s4], $0x58, $0x38;
	[tilespmem:$0x1F400] =	vst v63  }
0xbb: {  	_ =	swait.ge [sflag:s16], $0x58  }
0xbc: {  	[sflag:s16] =	ssyncset.done $0x0  }
0xbd: {  	[sflag:s16] =	ssyncadd.s32 $0xFFFFFFA8  }
0xbe: {  	[tilespmem:s9], [sflag:$0xB] =	stream.indirect.gather [hbm4b:s5+s1], $0x80, s7, s1, $0xb8;
	[tilespmem:$0x1F400] =	vst v63  }
0xbf: {  	_ =	swait.ge [sflag:s2], $0x2C00  }
0xc0: {  	s9 =	rddreg [dreg:$0x5];
	[sflag:s2] =	ssyncset.done $0x0  }
0xc1: {  	[sflag:s2] =	ssyncadd.s32 $0xFFFFD400;
	s26 =	sadd.s32 s25, s9  }
0xc2: {  	[tilespmem:s0], [sflag:$0x4] =	stream.linear.gather [hbm4b:s26+s4], $0x58, $0x38;
	[tilespmem:$0x1F400] =	vst v63  }
0xc3: {  	_ =	swait.ge [sflag:s6], $0x58  }
0xc4: {  	p0 =	sne.s32 s23, $0x4A4;
	s23 =	sadd.s32 $0x2C, s23;
	[sflag:s6] =	ssyncset.done $0x0  }
0xc5: {  	s31 =	simm.s32 $0x14300;
	s9 =	simm.s32 $0x14380;
	[sflag:s6] =	ssyncadd.s32 $0xFFFFFFA8  }
0xc6: {  	[spmem:s3] =	stream.indirect.scatter.add.f32 [tilespmem:s19], [sflag:$0x10], $0x80, s9, s1, $0xb8;
	[tilespmem:$0x1F400] =	vst v63  }
0xc7: {  	s24 =	sadd.s32 $0x160, s24;
	s13 =	simm.s32 $0x14400;
	_ =	swait.ge [sflag:s22], $0x2C00  }
0xc8: {  	s28 =	smov.u32 s29;
	s19 =	rddreg [dreg:$0x4];
	[sflag:s22] =	ssyncset.done $0x0  }
.Ltmp0:
0xc9: {  	[sflag:s22] =	ssyncadd.s32 $0xFFFFD400;
	s25 =	sadd.s32 s25, s19;
	(pc) =	sbr.rel @p0 .LBB2_2-.Ltmp0, $4  }
0xca: {  	[tilespmem:s9], [sflag:$0x8] =	stream.linear.gather [hbm4b:s25+s4], $0x58, $0x38;
	[tilespmem:$0x1F400] =	vst v63  }
0xcb: {  	s29 =	simm.s32 $0x14200;
	s12 =	simm.s32 $0x14280;
	_ =	swait.ge [sflag:s18], $0x58  }
0xcc: {  	s15 =	simm.s32 $0x17000;
	s17 =	simm.s32 $0x19C00;
	[sflag:s18] =	ssyncset.done $0x0  }
0xcd: {  	s30 =	simm.s32 $0x14180;
	s0 =	simm.s32 $0x14380;
	[sflag:s18] =	ssyncadd.s32 $0xFFFFFFA8  }
0xce: {  	s9 =	simm.s32 $0x1C800;
	s8 =	simm.s32 $0x9  }
0xcf: {  	[tilespmem:s9], [sflag:$0xC] =	stream.indirect.gather [hbm4b:s5+s1], $0x80, s30, s1, $0xb8;
	[tilespmem:$0x1F400] =	vst v63  }
0xd0: {  	_ =	swait.ge [sflag:s8], $0x2C00  }
0xd1: {  	[sflag:s8] =	ssyncset.done $0x0  }
0xd2: {  	s14 =	simm.s32 $0x5;
	[sflag:s8] =	ssyncadd.s32 $0xFFFFD400  }
0xd3: {  	_ =	swait.ge [sflag:s14], $0x58  }
0xd4: {  	[sflag:s14] =	ssyncset.done $0x0  }
0xd5: {  	s16 =	simm.s32 $0xA;
	[sflag:s14] =	ssyncadd.s32 $0xFFFFFFA8  }
0xd6: {  	[spmem:s3] =	stream.indirect.scatter.add.f32 [tilespmem:s13], [sflag:$0xD], $0x80, s29, s1, $0xb8;
	[tilespmem:$0x1F400] =	vst v63  }
0xd7: {  	_ =	swait.ge [sflag:s16], $0x2C00  }
0xd8: {  	[sflag:s16] =	ssyncset.done $0x0  }
0xd9: {  	s18 =	simm.s32 $0x6;
	[sflag:s16] =	ssyncadd.s32 $0xFFFFD400  }
0xda: {  	_ =	swait.ge [sflag:s18], $0x58  }
0xdb: {  	[sflag:s18] =	ssyncset.done $0x0  }
0xdc: {  	s19 =	simm.s32 $0xB;
	[sflag:s18] =	ssyncadd.s32 $0xFFFFFFA8  }
0xdd: {  	[spmem:s3] =	stream.indirect.scatter.add.f32 [tilespmem:s15], [sflag:$0xE], $0x80, s12, s1, $0xb8;
	[tilespmem:$0x1F400] =	vst v63  }
0xde: {  	_ =	swait.ge [sflag:s19], $0x2C00  }
0xdf: {  	[sflag:s19] =	ssyncset.done $0x0  }
0xe0: {  	[sflag:s19] =	ssyncadd.s32 $0xFFFFD400  }
0xe1: {  	_ =	swait.ge [sflag:s20], $0x58  }
0xe2: {  	[sflag:s20] =	ssyncset.done $0x0  }
0xe3: {  	[sflag:s20] =	ssyncadd.s32 $0xFFFFFFA8  }
0xe4: {  	[spmem:s3] =	stream.indirect.scatter.add.f32 [tilespmem:s17], [sflag:$0xF], $0x80, s31, s1, $0xb8;
	[tilespmem:$0x1F400] =	vst v63  }
0xe5: {  	_ =	swait.ge [sflag:s2], $0x2C00  }
0xe6: {  	[sflag:s2] =	ssyncset.done $0x0  }
0xe7: {  	[sflag:s2] =	ssyncadd.s32 $0xFFFFD400  }
0xe8: {  	_ =	swait.ge [sflag:s6], $0x58  }
0xe9: {  	[sflag:s6] =	ssyncset.done $0x0  }
0xea: {  	s23 =	simm.s32 $0xD;
	[sflag:s6] =	ssyncadd.s32 $0xFFFFFFA8  }
0xeb: {  	[spmem:s3] =	stream.indirect.scatter.add.f32 [tilespmem:s9], [sflag:$0x10], $0x80, s0, s1, $0xb8;
	[tilespmem:$0x1F400] =	vst v63  }
0xec: {  	_ =	swait.ge [sflag:s23], $0x2C00  }
0xed: {  	[sflag:s23] =	ssyncset.done $0x0  }
0xee: {  	s24 =	simm.s32 $0xE;
	[sflag:s23] =	ssyncadd.s32 $0xFFFFD400  }
0xef: {  	_ =	swait.ge [sflag:s24], $0x2C00  }
0xf0: {  	[sflag:s24] =	ssyncset.done $0x0  }
0xf1: {  	[sflag:s24] =	ssyncadd.s32 $0xFFFFD400  }
0xf2: {  	_ =	swait.ge [sflag:s21], $0x2C00  }
0xf3: {  	[sflag:s21] =	ssyncset.done $0x0  }
0xf4: {  	[sflag:s21] =	ssyncadd.s32 $0xFFFFD400  }
0xf5: {  	_ =	swait.ge [sflag:s22], $0x2C00  }
0xf6: {  	[sflag:s22] =	ssyncset.done $0x0  }
0xf7: {  	[sflag:s22] =	ssyncadd.s32 $0xFFFFD400  }
0xf8: {  	[bflag:$0x0] =	sbarrier.arrive $0xFFFF  }
0xf9: {  	s23 =	rddreg [dreg:$0xb]  }
0xfa: {  	s24 =	rddreg [dreg:$0x17]  }
0xfb: {  	s26 =	simm.s32 $0x11;
	s25 =	rddreg [dreg:$0x1b];
	s23 =	sor.u32 $0x1C11, s23  }
0xfc: {  	[hbm:s24], [sflag:s23] =	dma.local [spmem:s25], $0x2800  }
0xfd: {  	_ =	swait.ge [sflag:s26], $0x2800  }
0xfe: {  	s29 =	rddreg [dreg:$0x1a]  }
0xff: {  	s30 =	rddreg [dreg:$0x18];
	s9 =	sadd.s32 $0x1, s29  }
0x100: {  	p0 =	sne.s32 s9, s30  }
.Ltmp1:
0x101: {  	_ = 	snop;
	(pc) =	sbr.rel @p0 .LBB2_1-.Ltmp1, $4  }
0x102: {  	_ = 	snop  }
0x103: {  	s11 =	simm.s32 $0x1;
	s8 =	simm.s32 $0x14000  }
0x104: {  	s14 =	simm.s32 $0x2;
	s16 =	simm.s32 $0x3;
	[sflag:s26] =	ssyncset.done $0x0  }
0x105: {  	s18 =	simm.s32 $0x4;
	s31 =	rddreg [dreg:$0xa];
	[sflag:s26] =	ssyncadd.s32 $0xFFFFD800  }
0x106: {  	_ =	sfence.sel $0x180000  }
0x107: {  	[bflag:$0x0] =	sbarrier.arrive $0xFFFF  }
0x108: {  	_ =	strace $0x9000004D  }
0x109: {  	s0 =	stileid.u32;
	[bflag:$0x2] =	sbarrier.arrive $0xFFFF  }
0x10a: {  	p0 =	sne.s32 s0, $0x0;
	s0 =	rddreg [dreg:$0x3]  }
0x10b: {  	s0 =	sadd.s32 @!p0 $0x100000, s0  }
0x10c: {  	[sflag:s0] =	ssyncadd.tile.s32 @!p0 $0x1;
	_ =	shalt  }
.Lfunc_end2:
_tile_overlayer_lowered:
.L_overlay_start_2:
0x10d: {  	(tag) =	ssettag $0x2  }
0x10e: {  	s0 =	rddreg [dreg:$0x0];
	s2 =	stileid.u32  }
0x10f: {  	s1 =	rddreg [dreg:$0x1];
	p0 =	sne.s32 s2, $0x0  }
0x110: {  	s3 =	rddreg [dreg:$0x2];
	[bflag:$0x3] =	sbarrier.arrive $0xFFFF;
	s2 =	simm.s32 @!p0 $0x1C11  }
0x111: {  	[timem:s3], [sflag:s2] =	dma.local @!p0 [hbm:s0], s1  }
0x112: {  	s0 =	simm.s32 @!p0 $0x11  }
0x113: {  	_ =	swait.ge @!p0 [sflag:s0], s1  }
0x114: {  	s1 =	ssub.s32 @!p0 $0x0, s1;
	[sflag:s0] =	ssyncset.done @!p0 $0x0  }
0x115: {  	[sflag:s0] =	ssyncadd.s32 @!p0 s1  }
0x116: {  	[bflag:$0x3] =	sbarrier.arrive $0xFFFF  }
0x117: {  	_ =	shalt  }

// kernel: kernel.20.cloned.1.call-start
scs
__scs_entry_jumppad:
0x0: {  	(pc) =	sbr.rel $0x88, $3  }
0x1: {  	(tag) =	ssettag $0x0;
	lr =	simm.s32 $0x1  }
0x2: {  	[smem:$0x3F98] =	sst lr;
	_ =	strace $0xD0000000  }
0x3: {  	_ = 	snop  }
0x4: {  	_ = 	snop  }
0x5: {  	_ = 	snop  }
0x6: {  	_ = 	snop  }
0x7: {  	_ = 	snop  }
__scs_overlays_trampoline_lowered:
0x8: {  	[smem:$0x3FA7] =	sst s0  }
0x9: {  	[smem:$0x3FA8] =	sst s1  }
0xa: {  	[smem:$0x3FA9] =	sst s2  }
0xb: {  	[smem:$0x3FAA] =	sst s3  }
0xc: {  	[smem:$0x3FAB] =	sst s4  }
0xd: {  	[smem:$0x3FAC] =	sst s5  }
0xe: {  	[smem:$0x3FAD] =	sst s6  }
0xf: {  	[smem:$0x3FAE] =	sst s7  }
0x10: {  	[smem:$0x3FAF] =	sst s8  }
0x11: {  	[smem:$0x3FB0] =	sst s9;
	s0 =	simm.s32 @!p0 $0x0  }
0x12: {  	s1 =	sld [smem:$0x3F96];
	s0 =	simm.s32 @p0 $0x1  }
0x13: {  	[smem:$0x3FB1] =	sst s0;
	s0 =	simm.s32 @!p1 $0x0  }
0x14: {  	s2 =	sld [smem:$0x3F95];
	s0 =	simm.s32 @p1 $0x1  }
0x15: {  	[smem:$0x3FB2] =	sst s0;
	s0 =	simm.s32 @!p2 $0x0  }
0x16: {  	s3 =	sld [smem:$0x3FDB];
	s0 =	simm.s32 @p2 $0x1  }
0x17: {  	s4 =	simm.s32 $0x1BF5;
	[smem:$0x3FB4] =	sst s0  }
0x18: {  	s0 =	sld [smem:$0x3F97];
	_ =	swait.ge [sflag:s4], $0x0  }
0x19: {  	s7 =	sld [smem:$0x3F98]  }
0x1a: {  	s8 =	sadd.s32 $0xFFFFE003, lr  }
0x1b: {  	s9 =	sadd.s32 $0xFFFFFEF7, lr;
	s5 =	simm.s32 $0xFFFFFFFF;
	p2 =	slt.u32 s8, $0xFFFFF086  }
0x1c: {  	p1 =	slt.u32 s9, $0xF7A;
	s5 =	simm.s32 @!p2 $0x0  }
0x1d: {  	s5 =	simm.s32 @p1 $0x1;
	p0 =	seq.s32 s7, s2  }
0x1e: {  	s7 =	smul.u32 @!p0 $0xF7A, s2;
	p2 =	seq.s32 @!p0 s5, $0x0  }
0x1f: {  	s9 =	smul.u32 $0xF7A, s1;
	s8 =	simm.s32 @!p0 $0x1BF5;
	p2 =	por !p2, p0  }
0x20: {  	[sflag:s8] =	ssyncset.s32 @!p0 $0xFFFFF086;
	s6 =	sadd.s32 @!p0 s3, s7;
	s7 =	simm.s32 @!p0 $0x108  }
0x21: {  	s3 =	sadd.s32 s3, s9;
	s6 =	sadd.s32 @!p0 $0x88, s6;
	s7 =	simm.s32 @p2 $0x1082  }
0x22: {  	[simem:s7], [sflag:s8] =	dma.local @!p0 [hbm:s6], $0xF7A  }
0x23: {  	s9 =	sor.u32 $0xD0000000, s2;
	s6 =	simm.s32 $0x108;
	_ =	swait.ge @!p0 [sflag:s8], $0x0  }
0x24: {  	s3 =	sadd.s32 $0x88, s3;
	s6 =	simm.s32 @!p1 $0x1082;
	[sflag:s4] =	ssyncset.s32 $0xFFFFF086  }
0x25: {  	[simem:s6], [sflag:s4] =	dma.local [hbm:s3], $0xF7A  }
0x26: {  	[smem:$0x3F98] =	sst s1;
	(tag) =	ssettag s2;
	_ =	strace s9  }
0x27: {  	s1 =	sld [smem:$0x3FA8]  }
0x28: {  	s2 =	sld [smem:$0x3FA9]  }
0x29: {  	s4 =	sld [smem:$0x3FAB]  }
0x2a: {  	p0 =	seq.s32 s5, $0x0;
	s5 =	sld [smem:$0x3FAC]  }
0x2b: {  	s6 =	sld [smem:$0x3FAD]  }
0x2c: {  	s7 =	sld [smem:$0x3FAE]  }
0x2d: {  	s3 =	simm.s32 $0x108;
	s8 =	sld [smem:$0x3FAF]  }
0x2e: {  	s3 =	simm.s32 @!p0 $0x1082;
	s9 =	sld [smem:$0x3FB0]  }
0x2f: {  	lr =	sadd.s32 s0, s3;
	s0 =	sld [smem:$0x3FA7]  }
0x30: {  	s3 =	sld [smem:$0x3FAA]  }
0x31: {  	[smem:$0x3FB3] =	sst s10  }
0x32: {  	s10 =	sld [smem:$0x3FB1];
	_ =	sdelay $0x3  }
0x33: {  	p0 =	seq.s32 s10, $0x1;
	s10 =	sld [smem:$0x3FB3];
	_ =	sdelay $0x3  }
0x34: {  	[smem:$0x3FB3] =	sst s10  }
0x35: {  	s10 =	sld [smem:$0x3FB2];
	_ =	sdelay $0x3  }
0x36: {  	p1 =	seq.s32 s10, $0x1;
	s10 =	sld [smem:$0x3FB3];
	_ =	sdelay $0x3  }
0x37: {  	[smem:$0x3FB3] =	sst s10  }
0x38: {  	s10 =	sld [smem:$0x3FB4]  }
0x39: {  	_ = 	snop;
	(pc) =	sbr.ind lr, $3  }
0x3a: {  	_ = 	snop  }
0x3b: {  	_ = 	snop  }
0x3c: {  	p2 =	seq.s32 s10, $0x1;
	s10 =	sld [smem:$0x3FB3]  }
0x3d: {  	_ =	shalt  }
0x3e: {  	_ =	shalt  }
0x3f: {  	_ =	shalt  }
0x40: {  	_ =	shalt  }
0x41: {  	_ =	shalt  }
0x42: {  	_ =	shalt  }
0x43: {  	_ =	shalt  }
0x44: {  	_ =	shalt  }
0x45: {  	_ =	shalt  }
0x46: {  	_ =	shalt  }
0x47: {  	_ =	shalt  }
0x48: {  	_ =	shalt  }
0x49: {  	_ =	shalt  }
0x4a: {  	_ =	shalt  }
0x4b: {  	_ =	shalt  }
0x4c: {  	_ =	shalt  }
0x4d: {  	_ =	shalt  }
0x4e: {  	_ =	shalt  }
0x4f: {  	_ =	shalt  }
0x50: {  	_ =	shalt  }
0x51: {  	_ =	shalt  }
0x52: {  	_ =	shalt  }
0x53: {  	_ =	shalt  }
0x54: {  	_ =	shalt  }
0x55: {  	_ =	shalt  }
0x56: {  	_ =	shalt  }
0x57: {  	_ =	shalt  }
0x58: {  	_ =	shalt  }
0x59: {  	_ =	shalt  }
0x5a: {  	_ =	shalt  }
0x5b: {  	_ =	shalt  }
0x5c: {  	_ =	shalt  }
0x5d: {  	_ =	shalt  }
0x5e: {  	_ =	shalt  }
0x5f: {  	_ =	shalt  }
0x60: {  	_ =	shalt  }
0x61: {  	_ =	shalt  }
0x62: {  	_ =	shalt  }
0x63: {  	_ =	shalt  }
0x64: {  	_ =	shalt  }
0x65: {  	_ =	shalt  }
0x66: {  	_ =	shalt  }
0x67: {  	_ =	shalt  }
0x68: {  	_ =	shalt  }
0x69: {  	_ =	shalt  }
0x6a: {  	_ =	shalt  }
0x6b: {  	_ =	shalt  }
0x6c: {  	_ =	shalt  }
0x6d: {  	_ =	shalt  }
0x6e: {  	_ =	shalt  }
0x6f: {  	_ =	shalt  }
0x70: {  	_ =	shalt  }
0x71: {  	_ =	shalt  }
0x72: {  	_ =	shalt  }
0x73: {  	_ =	shalt  }
0x74: {  	_ =	shalt  }
0x75: {  	_ =	shalt  }
0x76: {  	_ =	shalt  }
0x77: {  	_ =	shalt  }
0x78: {  	_ =	shalt  }
0x79: {  	_ =	shalt  }
0x7a: {  	_ =	shalt  }
0x7b: {  	_ =	shalt  }
0x7c: {  	_ =	shalt  }
0x7d: {  	_ =	shalt  }
0x7e: {  	_ =	shalt  }
0x7f: {  	_ =	shalt  }
0x80: {  	_ =	shalt  }
0x81: {  	_ =	shalt  }
0x82: {  	_ =	shalt  }
0x83: {  	_ =	shalt  }
0x84: {  	_ =	shalt  }
0x85: {  	_ =	shalt  }
0x86: {  	_ =	shalt  }
0x87: {  	_ =	shalt  }
.Lfunc_end0:
.L_simem_size_0:
called_computation.3_lowered:
.L_overlay_start_0:
0x88: {  	s2 =	sld [smem:$0x3FD9]  }
0x89: {  	s3 =	sld [smem:$0x3FFE];
	_ =	sdelay $0x1  }
0x8a: {  	s1 =	srdreg.scid  }
0x8b: {  	s0 =	sand.u32 $0x1, s1  }
0x8c: {  	s17 =	sshll.u32 s0, $0xA;
	s2 =	sadd.s32 s3, s2  }
0x8d: {  	s2 =	sadd.s32 s2, s17  }
0x8e: {  	[smem:$0x3FBF] =	sst s2  }
0x8f: {  	_ = 	snop  }
0x90: {  	s2 =	sld [smem:$0x3FD0];
	(tm) =	ssettm $0x1  }
0x91: {  	s18 =	sld [smem:$0x3FFB];
	_ =	sdelay $0x3  }
0x92: {  	_ =	strace s18  }
0x93: {  	s3 =	sld [smem:$0x3FFC];
	_ =	sdelay $0x3  }
0x94: {  	_ =	strace s3  }
0x95: {  	s3 =	sld [smem:$0x3FFD];
	_ =	sdelay $0x3  }
0x96: {  	_ =	strace s3  }
0x97: {  	_ =	strace $0x8FFFFFFF  }
0x98: {  	s19 =	sld [smem:$0x3FDB];
	_ =	sdelay $0x1  }
0x99: {  	s4 =	simm.s32 $_scs_section_size  }
0x9a: {  	s5 =	simm.s32 $_size__tile_overlayer_lowered;
	s6 =	simm.s32 $_tile_overlayer_lowered  }
0x9b: {  	s22 =	simm.s32 $0x1BFF;
	s21 =	sshll.u32 s6, $0x1;
	s3 =	sadd.s32 s4, s19  }
0x9c: {  	s7 =	simm.s32 $0x0;
	s20 =	sshll.u32 s5, $0x1;
	s5 =	sadd.s32 s21, s3  }
0x9d: {  	[timem:s7], [sflag:s22] =	dma.local [hbm:s5], s20  }
0x9e: {  	_ =	swait.ge [sflag:s22], s20  }
0x9f: {  	s4 =	ssub.s32 $0x0, s20;
	[sflag:s22] =	ssyncset.done $0x0  }
0xa0: {  	[sflag:s22] =	ssyncadd.s32 s4;
	_ =	sdelay $0x1  }
0xa1: {  	s23 =	simm.s32 $0x1B8B  }
0xa2: {  	_ =	swait.ge [sflag:s23], $0x1  }
0xa3: {  	[sflag:s23] =	ssyncset.done $0x0  }
0xa4: {  	s25 =	simm.s32 $0x1B8E;
	s24 =	sld [smem:$0x3FFE];
	[sflag:s23] =	ssyncadd.s32 $0xFFFFFFFF  }
0xa5: {  	s26 =	simm.s32 $execute0_lowered;
	[smem:$0x3FD2] =	sst s25  }
0xa6: {  	s5 =	sshll.u32 s26, $0x1;
	_ =	strace $0x8000004F;
	[dreg:$0x1] =	wrdreg $0xFFFFFFFF  }
0xa7: {  	s28 =	simm.s32 $_size_execute0_lowered;
	s3 =	sadd.s32 s3, s5;
	[dreg:$0x0] =	wrdreg $0x0  }
0xa8: {  	s5 =	sshll.u32 s28, $0x1;
	[dreg:$0x2] =	wrdreg s3  }
0xa9: {  	[dreg:$0x3] =	wrdreg s5  }
0xaa: {  	[dreg:$0x4] =	wrdreg $0xC0  }
0xab: {  	_ =	task [dreg:s7], $0x5FFFF  }
0xac: {  	[dreg:$0x1] =	wrdreg $0xFFFFFFFF  }
0xad: {  	[dreg:$0x0] =	wrdreg $0x60  }
0xae: {  	[dreg:$0x2] =	wrdreg s24  }
0xaf: {  	[dreg:$0x3] =	wrdreg s2  }
0xb0: {  	[dreg:$0x4] =	wrdreg $0x0  }
0xb1: {  	[dreg:$0x5] =	wrdreg $0x9  }
0xb2: {  	_ =	task.clear_ibuf [dreg:s7], $0x6FFFF;
	_ =	strace $0x9000004F  }
0xb3: {  	s29 =	simm.s32 $0x9;
	_ =	strace $0x80000051  }
0xb4: {  	_ =	swait.ge [sflag:s29], $0x1  }
0xb5: {  	[sflag:s29] =	ssyncadd.s32 $0xFFFFFFFF  }
0xb6: {  	_ =	strace $0x90000051  }
0xb7: {  	_ =	sfence  }
0xb8: {  	s30 =	sld [smem:$0x0];
	_ =	sdelay $0x2  }
0xb9: {  	s31 =	sshll.u32 s1, $0xD;
	s1 =	sshrl.u32 s1, $0x2  }
0xba: {  	s3 =	sand.u32 $0x4000, s31;
	s1 =	sadd.s32 s1, s30  }
0xbb: {  	s0 =	sor.u32 s3, s0;
	s1 =	sshll.u32 s1, $0x11  }
0xbc: {  	s0 =	sor.u32 s1, s0  }
0xbd: {  	s0 =	sadd.s32 $0x8F2B, s0  }
0xbe: {  	[sflag:s0] =	ssyncadd.remote.s32 $0x1  }
0xbf: {  	_ =	sfence.sel $0xFFFF  }
0xc0: {  	[dreg:$0x0] =	wrdreg $0xFFFFFFFF;
	(pc) =	sbr.abs _section_cstart, $3  }
0xc1: {  	[dreg:$0x1] =	wrdreg $0xFFFFFFFF  }
0xc2: {  	_ =	task.clear_ibuf [dreg:s7], $0x2FFFF;
	_ =	strace $0x9FFFFFFF  }
0xc3: {  	(tm) =	ssettm $0x7FFFFFFF  }
tec
execute0_lowered:
.L_overlay_start_1:
0x0: {  	(tag) =	ssettag $0x1  }
0x1: {  	s0 =	rddreg [dreg:$0x0]  }
0x2: {  	s28 =	rddreg [dreg:$0x1]  }
0x3: {  	s3 =	rddreg [dreg:$0x2]  }
0x4: {  	s11 =	stileid.u32;
	s1 =	srdreg.scid  }
0x5: {  	s4 =	simm.s32 $0x0;
	s31 =	simm.s32 $0x14300;
	s2 =	smul.u32 $0x2800, s11  }
0x6: {  	s1 =	sand.u32 $0x1, s1;
	[smem:$0x7FF] =	sst s4;
	s9 =	smul.u32 $0x50000, s11  }
0x7: {  	s5 =	sadd.s32 $0xD800, s0;
	s29 =	sadd.s32 $0x3800, s0;
	s26 =	smul.u32 $0x4FC0, s11  }
0x8: {  	s10 =	sshll.u32 s11, $0x1;
	s22 =	sshll.u32 s11, $0x6;
	s6 =	smul.u32 $0x28000, s1  }
0x9: {  	_ =	strace $0x80000050;
	s19 =	ssub.s32 $0x2, s1;
	s20 =	sor.u32 s1, s10  }
0xa: {  	[dreg:$0xa] =	wrdreg s22;
	s23 =	sor.u32 $0x1C09, s22;
	s1 =	smul.u32 $0x27E0, s1  }
0xb: {  	s10 =	simm.s32 $0x14080;
	s7 =	sadd.s32 s2, s0;
	s8 =	sshrl.u32 s19, $0x1  }
0xc: {  	s21 =	sshrl.u32 s9, $0x2;
	[dreg:$0xd] =	wrdreg s23;
	s9 =	simm.s32 $0x0  }
0xd: {  	s2 =	sadd.s32 s2, s6;
	s6 =	smul.u32 $0x27E0, s20;
	s7 =	sadd.s32 $0x35800, s7  }
0xe: {  	s1 =	sadd.s32 s1, s26;
	s0 =	sadd.s32 s2, s0;
	s2 =	ssub.s32 s19, s8  }
0xf: {  	s8 =	sadd.s32 s21, s3;
	[dreg:$0xc] =	wrdreg s7;
	s14 =	sadd.s32 $0x268, s1  }
0x10: {  	s18 =	sadd.s32 $0x210, s1;
	[dreg:$0xb] =	wrdreg s8;
	s0 =	sadd.s32 $0x5D800, s0  }
0x11: {  	s24 =	sshrl.u32 s6, $0x3;
	s2 =	smax.u32 s2, $0x1;
	[dreg:$0x16] =	wrdreg s0  }
0x12: {  	s22 =	sadd.s32 $0x1B8, s1;
	s30 =	sadd.s32 s28, s24;
	[dreg:$0x17] =	wrdreg s2  }
0x13: {  	s16 =	sshrl.u32 s14, $0x3;
	s11 =	sadd.s32 s29, s24;
	[dreg:$0xe] =	wrdreg s30  }
0x14: {  	s25 =	sadd.s32 $0x58, s6;
	s17 =	sadd.s32 s16, s29;
	[dreg:$0xf] =	wrdreg s11  }
0x15: {  	s20 =	sshrl.u32 s18, $0x3;
	s19 =	sadd.s32 s16, s28;
	[dreg:$0x4] =	wrdreg s17  }
0x16: {  	s6 =	sadd.s32 $0x108, s6;
	s21 =	sadd.s32 s20, s29;
	[dreg:$0x5] =	wrdreg s19  }
0x17: {  	s8 =	sshrl.u32 s25, $0x3;
	s23 =	sadd.s32 s20, s28;
	[dreg:$0x6] =	wrdreg s21  }
0x18: {  	s7 =	sadd.s32 $0x16, s24;
	s12 =	sadd.s32 s28, s8;
	[dreg:$0x7] =	wrdreg s23  }
0x19: {  	s6 =	sshrl.u32 s6, $0x3;
	s8 =	sadd.s32 s29, s8;
	[dreg:$0x10] =	wrdreg s12  }
0x1a: {  	s24 =	sshrl.u32 s22, $0x3;
	s13 =	sadd.s32 s28, s7;
	[dreg:$0x11] =	wrdreg s8  }
0x1b: {  	s2 =	simm.s32 $0xC;
	s7 =	sadd.s32 s29, s7;
	[dreg:$0x12] =	wrdreg s13  }
0x1c: {  	s22 =	simm.s32 $0x10;
	s15 =	sadd.s32 s28, s6;
	[dreg:$0x13] =	wrdreg s7  }
0x1d: {  	s6 =	sadd.s32 s29, s6;
	s25 =	sadd.s32 s24, s29;
	[dreg:$0x14] =	wrdreg s15  }
0x1e: {  	s26 =	sadd.s32 s24, s28;
	s30 =	sadd.s32 $0x160, s1;
	[dreg:$0x15] =	wrdreg s6  }
0x1f: {  	s1 =	simm.s32 $0x58;
	s17 =	simm.s32 $0x3;
	[dreg:$0x8] =	wrdreg s25  }
0x20: {  	s19 =	simm.s32 $0x4;
	s21 =	simm.s32 $0xF;
	[dreg:$0x9] =	wrdreg s26  }
0x21: {  	[dreg:$0x18] =	wrdreg s30;
	s8 =	simm.s32 $0x14000;
	s7 =	simm.s32 $0x14100  }
0x22: {  	s13 =	simm.s32 $0x1;
	s15 =	simm.s32 $0x2;
	s6 =	simm.s32 $0x8  }
.LBB2_1:
0x23: {  	[dreg:$0x19] =	wrdreg s9  }
0x24: {  	s23 =	rddreg [dreg:$0xb]  }
0x25: {  	s11 =	rddreg [dreg:$0xc]  }
0x26: {  	s24 =	rddreg [dreg:$0xd];
	s0 =	sshrl.u32 s23, $0x3  }
0x27: {  	[dreg:$0x1a] =	wrdreg s0  }
0x28: {  	[spmem:s0], [sflag:s24] =	dma.local [hbm:s11], $0x2800  }
0x29: {  	s23 =	rddreg [dreg:$0xe]  }
0x2a: {  	[tilespmem:s8], [sflag:$0x1] =	stream.linear.gather [hbm4b:s23+s4], $0x58, $0x38;
	[tilespmem:$0x1F400] =	vst v63  }
0x2b: {  	s26 =	simm.s32 $0x14200;
	s12 =	rddreg [dreg:$0xf]  }
0x2c: {  	[tilespmem:s26], [sflag:$0x5] =	stream.linear.gather [hbm4b:s12+s4], $0x58, $0x38;
	[tilespmem:$0x1F400] =	vst v63  }
0x2d: {  	s14 =	rddreg [dreg:$0x10]  }
0x2e: {  	[tilespmem:s10], [sflag:$0x2] =	stream.linear.gather [hbm4b:s14+s4], $0x58, $0x38;
	[tilespmem:$0x1F400] =	vst v63  }
0x2f: {  	s16 =	rddreg [dreg:$0x11];
	s12 =	simm.s32 $0x14280  }
0x30: {  	[tilespmem:s12], [sflag:$0x6] =	stream.linear.gather [hbm4b:s16+s4], $0x58, $0x38;
	[tilespmem:$0x1F400] =	vst v63  }
0x31: {  	s18 =	rddreg [dreg:$0x12]  }
0x32: {  	[tilespmem:s7], [sflag:$0x3] =	stream.linear.gather [hbm4b:s18+s4], $0x58, $0x38;
	[tilespmem:$0x1F400] =	vst v63  }
0x33: {  	s30 =	simm.s32 $0x14300;
	s20 =	rddreg [dreg:$0x13]  }
0x34: {  	[tilespmem:s30], [sflag:$0x7] =	stream.linear.gather [hbm4b:s20+s4], $0x58, $0x38;
	[tilespmem:$0x1F400] =	vst v63  }
0x35: {  	s0 =	simm.s32 $0x14180;
	s24 =	rddreg [dreg:$0x14]  }
0x36: {  	[tilespmem:s0], [sflag:$0x4] =	stream.linear.gather [hbm4b:s24+s4], $0x58, $0x38;
	[tilespmem:$0x1F400] =	vst v63  }
0x37: {  	s9 =	simm.s32 $0x14380;
	s11 =	simm.s32 $0x9;
	s25 =	rddreg [dreg:$0x15]  }
0x38: {  	[tilespmem:s9], [sflag:$0x8] =	stream.linear.gather [hbm4b:s25+s4], $0x58, $0x38;
	[tilespmem:$0x1F400] =	vst v63  }
0x39: {  	_ =	swait.ge [sflag:s11], $0x2800  }
0x3a: {  	[sflag:s11] =	ssyncset.done $0x0  }
0x3b: {  	[sflag:s11] =	ssyncadd.s32 $0xFFFFD800  }
0x3c: {  	[bflag:$0x0] =	sbarrier.arrive $0xFFFF  }
0x3d: {  	_ =	swait.ge [sflag:s13], $0x58  }
0x3e: {  	[sflag:s13] =	ssyncset.done $0x0  }
0x3f: {  	s14 =	simm.s32 $0x14400;
	[sflag:s13] =	ssyncadd.s32 $0xFFFFFFA8  }
0x40: {  	[tilespmem:s14], [sflag:$0x9] =	stream.indirect.gather [hbm4b:s5+s1], $0x80, s8, s1, $0xb8;
	[tilespmem:$0x1F400] =	vst v63  }
0x41: {  	_ =	swait.ge [sflag:s15], $0x58  }
0x42: {  	[sflag:s15] =	ssyncset.done $0x0  }
0x43: {  	s16 =	simm.s32 $0x17000;
	[sflag:s15] =	ssyncadd.s32 $0xFFFFFFA8  }
0x44: {  	[tilespmem:s16], [sflag:$0xA] =	stream.indirect.gather [hbm4b:s5+s1], $0x80, s10, s1, $0xb8;
	[tilespmem:$0x1F400] =	vst v63  }
0x45: {  	_ =	swait.ge [sflag:s17], $0x58  }
0x46: {  	[sflag:s17] =	ssyncset.done $0x0  }
0x47: {  	s18 =	simm.s32 $0x19C00;
	[sflag:s17] =	ssyncadd.s32 $0xFFFFFFA8  }
0x48: {  	[tilespmem:s18], [sflag:$0xB] =	stream.indirect.gather [hbm4b:s5+s1], $0x80, s7, s1, $0xb8;
	[tilespmem:$0x1F400] =	vst v63  }
0x49: {  	_ =	swait.ge [sflag:s19], $0x58  }
0x4a: {  	[sflag:s19] =	ssyncset.done $0x0  }
0x4b: {  	s20 =	simm.s32 $0x1C800;
	[sflag:s19] =	ssyncadd.s32 $0xFFFFFFA8  }
0x4c: {  	[tilespmem:s20], [sflag:$0xC] =	stream.indirect.gather [hbm4b:s5+s1], $0x80, s0, s1, $0xb8;
	[tilespmem:$0x1F400] =	vst v63  }
0x4d: {  	_ =	swait.ge [sflag:s11], $0x2C00  }
0x4e: {  	s25 =	rddreg [dreg:$0x18]  }
0x4f: {  	[sflag:s11] =	ssyncset.done $0x0;
	s23 =	sshrl.u32 s25, $0x3  }
0x50: {  	s24 =	simm.s32 $0x5;
	[sflag:s11] =	ssyncadd.s32 $0xFFFFD400;
	s11 =	sadd.s32 s28, s23  }
0x51: {  	[tilespmem:s8], [sflag:$0x1] =	stream.linear.gather [hbm4b:s11+s4], $0x58, $0x38;
	[tilespmem:$0x1F400] =	vst v63  }
0x52: {  	_ =	swait.ge [sflag:s24], $0x58  }
0x53: {  	[sflag:s24] =	ssyncset.done $0x0  }
0x54: {  	[sflag:s24] =	ssyncadd.s32 $0xFFFFFFA8;
	s24 =	simm.s32 $0xD  }
0x55: {  	[spmem:s3] =	stream.indirect.scatter.add.f32 [tilespmem:s14], [sflag:$0xD], $0x80, s26, s1, $0xb8;
	[tilespmem:$0x1F400] =	vst v63  }
0x56: {  	_ =	swait.ge [sflag:s24], $0x2C00  }
0x57: {  	[sflag:s24] =	ssyncset.done $0x0  }
0x58: {  	s23 =	sadd.s32 s29, s23;
	[sflag:s24] =	ssyncadd.s32 $0xFFFFD400  }
0x59: {  	[tilespmem:s26], [sflag:$0x5] =	stream.linear.gather [hbm4b:s23+s4], $0x58, $0x38;
	[tilespmem:$0x1F400] =	vst v63  }
0x5a: {  	_ =	swait.ge [sflag:s13], $0x58  }
0x5b: {  	[sflag:s13] =	ssyncset.done $0x0  }
0x5c: {  	s24 =	simm.s32 $0xA;
	[sflag:s13] =	ssyncadd.s32 $0xFFFFFFA8  }
0x5d: {  	[tilespmem:s14], [sflag:$0x9] =	stream.indirect.gather [hbm4b:s5+s1], $0x80, s8, s1, $0xb8;
	[tilespmem:$0x1F400] =	vst v63  }
0x5e: {  	_ =	swait.ge [sflag:s24], $0x2C00  }
0x5f: {  	s26 =	rddreg [dreg:$0x9];
	[sflag:s24] =	ssyncset.done $0x0  }
0x60: {  	s11 =	simm.s32 $0x6;
	[sflag:s24] =	ssyncadd.s32 $0xFFFFD400;
	s23 =	sadd.s32 $0x0, s26  }
0x61: {  	[tilespmem:s10], [sflag:$0x2] =	stream.linear.gather [hbm4b:s23+s4], $0x58, $0x38;
	[tilespmem:$0x1F400] =	vst v63  }
0x62: {  	_ =	swait.ge [sflag:s11], $0x58  }
0x63: {  	[sflag:s11] =	ssyncset.done $0x0  }
0x64: {  	s13 =	simm.s32 $0xE;
	[sflag:s11] =	ssyncadd.s32 $0xFFFFFFA8  }
0x65: {  	[spmem:s3] =	stream.indirect.scatter.add.f32 [tilespmem:s16], [sflag:$0xE], $0x80, s12, s1, $0xb8;
	[tilespmem:$0x1F400] =	vst v63  }
0x66: {  	_ =	swait.ge [sflag:s13], $0x2C00  }
0x67: {  	s14 =	rddreg [dreg:$0x8];
	[sflag:s13] =	ssyncset.done $0x0  }
0x68: {  	[sflag:s13] =	ssyncadd.s32 $0xFFFFD400;
	s23 =	sadd.s32 $0x0, s14  }
0x69: {  	[tilespmem:s12], [sflag:$0x6] =	stream.linear.gather [hbm4b:s23+s4], $0x58, $0x38;
	[tilespmem:$0x1F400] =	vst v63  }
0x6a: {  	_ =	swait.ge [sflag:s15], $0x58  }
0x6b: {  	[sflag:s15] =	ssyncset.done $0x0  }
0x6c: {  	[sflag:s15] =	ssyncadd.s32 $0xFFFFFFA8;
	s15 =	simm.s32 $0xB  }
0x6d: {  	[tilespmem:s16], [sflag:$0xA] =	stream.indirect.gather [hbm4b:s5+s1], $0x80, s10, s1, $0xb8;
	[tilespmem:$0x1F400] =	vst v63  }
0x6e: {  	_ =	swait.ge [sflag:s15], $0x2C00  }
0x6f: {  	s16 =	rddreg [dreg:$0x7];
	[sflag:s15] =	ssyncset.done $0x0  }
0x70: {  	[sflag:s15] =	ssyncadd.s32 $0xFFFFD400;
	s23 =	sadd.s32 $0x0, s16  }
0x71: {  	[tilespmem:s7], [sflag:$0x3] =	stream.linear.gather [hbm4b:s23+s4], $0x58, $0x38;
	[tilespmem:$0x1F400] =	vst v63  }
0x72: {  	s23 =	simm.s32 $0x7  }
0x73: {  	_ =	swait.ge [sflag:s23], $0x58  }
0x74: {  	[sflag:s23] =	ssyncset.done $0x0  }
0x75: {  	[sflag:s23] =	ssyncadd.s32 $0xFFFFFFA8  }
0x76: {  	[spmem:s3] =	stream.indirect.scatter.add.f32 [tilespmem:s18], [sflag:$0xF], $0x80, s30, s1, $0xb8;
	[tilespmem:$0x1F400] =	vst v63  }
0x77: {  	_ =	swait.ge [sflag:s21], $0x2C00  }
0x78: {  	s24 =	rddreg [dreg:$0x6];
	[sflag:s21] =	ssyncset.done $0x0  }
0x79: {  	[sflag:s21] =	ssyncadd.s32 $0xFFFFD400;
	s23 =	sadd.s32 $0x0, s24  }
0x7a: {  	[tilespmem:s30], [sflag:$0x7] =	stream.linear.gather [hbm4b:s23+s4], $0x58, $0x38;
	[tilespmem:$0x1F400] =	vst v63  }
0x7b: {  	_ =	swait.ge [sflag:s17], $0x58  }
0x7c: {  	[sflag:s17] =	ssyncset.done $0x0  }
0x7d: {  	[sflag:s17] =	ssyncadd.s32 $0xFFFFFFA8  }
0x7e: {  	[tilespmem:s18], [sflag:$0xB] =	stream.indirect.gather [hbm4b:s5+s1], $0x80, s7, s1, $0xb8;
	[tilespmem:$0x1F400] =	vst v63  }
0x7f: {  	_ =	swait.ge [sflag:s2], $0x2C00  }
0x80: {  	s26 =	rddreg [dreg:$0x5];
	[sflag:s2] =	ssyncset.done $0x0  }
0x81: {  	[sflag:s2] =	ssyncadd.s32 $0xFFFFD400;
	s23 =	sadd.s32 $0x0, s26  }
0x82: {  	[tilespmem:s0], [sflag:$0x4] =	stream.linear.gather [hbm4b:s23+s4], $0x58, $0x38;
	[tilespmem:$0x1F400] =	vst v63  }
0x83: {  	_ =	swait.ge [sflag:s6], $0x58  }
0x84: {  	[sflag:s6] =	ssyncset.done $0x0  }
0x85: {  	[sflag:s6] =	ssyncadd.s32 $0xFFFFFFA8  }
0x86: {  	[spmem:s3] =	stream.indirect.scatter.add.f32 [tilespmem:s20], [sflag:$0x10], $0x80, s9, s1, $0xb8;
	[tilespmem:$0x1F400] =	vst v63  }
0x87: {  	_ =	swait.ge [sflag:s22], $0x2C00  }
0x88: {  	s30 =	rddreg [dreg:$0x4];
	[sflag:s22] =	ssyncset.done $0x0  }
0x89: {  	s8 =	simm.s32 $0x14000;
	[sflag:s22] =	ssyncadd.s32 $0xFFFFD400;
	s23 =	sadd.s32 $0x0, s30  }
0x8a: {  	[tilespmem:s9], [sflag:$0x8] =	stream.linear.gather [hbm4b:s23+s4], $0x58, $0x38;
	[tilespmem:$0x1F400] =	vst v63  }
0x8b: {  	s13 =	simm.s32 $0x1;
	s15 =	simm.s32 $0x2;
	_ =	swait.ge [sflag:s19], $0x58  }
0x8c: {  	s24 =	sadd.s32 $0x160, s25;
	s17 =	simm.s32 $0x3;
	[sflag:s19] =	ssyncset.done $0x0  }
0x8d: {  	s23 =	simm.s32 $0x2C;
	[sflag:s19] =	ssyncadd.s32 $0xFFFFFFA8;
	s19 =	simm.s32 $0x4  }
.LBB2_2:
0x8e: {  	s9 =	simm.s32 $0x14180;
	s20 =	simm.s32 $0x1C800;
	s0 =	simm.s32 $0x9  }
0x8f: {  	[tilespmem:s20], [sflag:$0xC] =	stream.indirect.gather [hbm4b:s5+s1], $0x80, s9, s1, $0xb8;
	[tilespmem:$0x1F400] =	vst v63  }
0x90: {  	_ =	swait.ge [sflag:s0], $0x2C00  }
0x91: {  	s26 =	sshrl.u32 s24, $0x3;
	s30 =	smov.u32 s29;
	[sflag:s0] =	ssyncset.done $0x0  }
0x92: {  	s16 =	simm.s32 $0x5;
	s29 =	sadd.s32 s28, s26;
	[sflag:s0] =	ssyncadd.s32 $0xFFFFD400  }
0x93: {  	[tilespmem:s8], [sflag:$0x1] =	stream.linear.gather [hbm4b:s29+s4], $0x58, $0x38;
	[tilespmem:$0x1F400] =	vst v63  }
0x94: {  	_ =	swait.ge [sflag:s16], $0x58  }
0x95: {  	s10 =	simm.s32 $0x14200;
	[sflag:s16] =	ssyncset.done $0x0  }
0x96: {  	s18 =	simm.s32 $0x14400;
	s7 =	simm.s32 $0xD;
	[sflag:s16] =	ssyncadd.s32 $0xFFFFFFA8  }
0x97: {  	[spmem:s3] =	stream.indirect.scatter.add.f32 [tilespmem:s18], [sflag:$0xD], $0x80, s10, s1, $0xb8;
	[tilespmem:$0x1F400] =	vst v63  }
0x98: {  	_ =	swait.ge [sflag:s7], $0x2C00  }
0x99: {  	[sflag:s7] =	ssyncset.done $0x0  }
0x9a: {  	s26 =	sadd.s32 s30, s26;
	[sflag:s7] =	ssyncadd.s32 $0xFFFFD400  }
0x9b: {  	[tilespmem:s10], [sflag:$0x5] =	stream.linear.gather [hbm4b:s26+s4], $0x58, $0x38;
	[tilespmem:$0x1F400] =	vst v63  }
0x9c: {  	_ =	swait.ge [sflag:s13], $0x58  }
0x9d: {  	[sflag:s13] =	ssyncset.done $0x0  }
0x9e: {  	s7 =	simm.s32 $0xA;
	[sflag:s13] =	ssyncadd.s32 $0xFFFFFFA8  }
0x9f: {  	[tilespmem:s18], [sflag:$0x9] =	stream.indirect.gather [hbm4b:s5+s1], $0x80, s8, s1, $0xb8;
	[tilespmem:$0x1F400] =	vst v63  }
0xa0: {  	s25 =	smov.u32 s23;
	_ =	swait.ge [sflag:s7], $0x2C00  }
0xa1: {  	s12 =	simm.s32 $0x6;
	s11 =	rddreg [dreg:$0x9];
	[sflag:s7] =	ssyncset.done $0x0  }
0xa2: {  	s10 =	simm.s32 $0x14080;
	[sflag:s7] =	ssyncadd.s32 $0xFFFFD400;
	s26 =	sadd.s32 s25, s11  }
0xa3: {  	[tilespmem:s10], [sflag:$0x2] =	stream.linear.gather [hbm4b:s26+s4], $0x58, $0x38;
	[tilespmem:$0x1F400] =	vst v63  }
0xa4: {  	_ =	swait.ge [sflag:s12], $0x58  }
0xa5: {  	s0 =	simm.s32 $0x17000;
	[sflag:s12] =	ssyncset.done $0x0  }
0xa6: {  	s16 =	simm.s32 $0x14280;
	s11 =	simm.s32 $0xE;
	[sflag:s12] =	ssyncadd.s32 $0xFFFFFFA8  }
0xa7: {  	[spmem:s3] =	stream.indirect.scatter.add.f32 [tilespmem:s0], [sflag:$0xE], $0x80, s16, s1, $0xb8;
	[tilespmem:$0x1F400] =	vst v63  }
0xa8: {  	_ =	swait.ge [sflag:s11], $0x2C00  }
0xa9: {  	s18 =	rddreg [dreg:$0x8];
	[sflag:s11] =	ssyncset.done $0x0  }
0xaa: {  	[sflag:s11] =	ssyncadd.s32 $0xFFFFD400;
	s26 =	sadd.s32 s25, s18  }
0xab: {  	[tilespmem:s16], [sflag:$0x6] =	stream.linear.gather [hbm4b:s26+s4], $0x58, $0x38;
	[tilespmem:$0x1F400] =	vst v63  }
0xac: {  	_ =	swait.ge [sflag:s15], $0x58  }
0xad: {  	[sflag:s15] =	ssyncset.done $0x0  }
0xae: {  	s11 =	simm.s32 $0xB;
	[sflag:s15] =	ssyncadd.s32 $0xFFFFFFA8  }
0xaf: {  	[tilespmem:s0], [sflag:$0xA] =	stream.indirect.gather [hbm4b:s5+s1], $0x80, s10, s1, $0xb8;
	[tilespmem:$0x1F400] =	vst v63  }
0xb0: {  	_ =	swait.ge [sflag:s11], $0x2C00  }
0xb1: {  	s7 =	simm.s32 $0x14100;
	s18 =	rddreg [dreg:$0x7];
	[sflag:s11] =	ssyncset.done $0x0  }
0xb2: {  	[sflag:s11] =	ssyncadd.s32 $0xFFFFD400;
	s26 =	sadd.s32 s25, s18;
	s11 =	simm.s32 $0x7  }
0xb3: {  	[tilespmem:s7], [sflag:$0x3] =	stream.linear.gather [hbm4b:s26+s4], $0x58, $0x38;
	[tilespmem:$0x1F400] =	vst v63  }
0xb4: {  	_ =	swait.ge [sflag:s11], $0x58  }
0xb5: {  	[sflag:s11] =	ssyncset.done $0x0  }
0xb6: {  	s0 =	simm.s32 $0x14300;
	[sflag:s11] =	ssyncadd.s32 $0xFFFFFFA8;
	s11 =	simm.s32 $0x19C00  }
0xb7: {  	[spmem:s3] =	stream.indirect.scatter.add.f32 [tilespmem:s11], [sflag:$0xF], $0x80, s0, s1, $0xb8;
	[tilespmem:$0x1F400] =	vst v63  }
0xb8: {  	_ =	swait.ge [sflag:s21], $0x2C00  }
0xb9: {  	s18 =	rddreg [dreg:$0x6];
	[sflag:s21] =	ssyncset.done $0x0  }
0xba: {  	[sflag:s21] =	ssyncadd.s32 $0xFFFFD400;
	s26 =	sadd.s32 s25, s18  }
0xbb: {  	[tilespmem:s0], [sflag:$0x7] =	stream.linear.gather [hbm4b:s26+s4], $0x58, $0x38;
	[tilespmem:$0x1F400] =	vst v63  }
0xbc: {  	_ =	swait.ge [sflag:s17], $0x58  }
0xbd: {  	[sflag:s17] =	ssyncset.done $0x0  }
0xbe: {  	[sflag:s17] =	ssyncadd.s32 $0xFFFFFFA8  }
0xbf: {  	[tilespmem:s11], [sflag:$0xB] =	stream.indirect.gather [hbm4b:s5+s1], $0x80, s7, s1, $0xb8;
	[tilespmem:$0x1F400] =	vst v63  }
0xc0: {  	_ =	swait.ge [sflag:s2], $0x2C00  }
0xc1: {  	s11 =	rddreg [dreg:$0x5];
	[sflag:s2] =	ssyncset.done $0x0  }
0xc2: {  	[sflag:s2] =	ssyncadd.s32 $0xFFFFD400;
	s26 =	sadd.s32 s25, s11  }
0xc3: {  	[tilespmem:s9], [sflag:$0x4] =	stream.linear.gather [hbm4b:s26+s4], $0x58, $0x38;
	[tilespmem:$0x1F400] =	vst v63  }
0xc4: {  	_ =	swait.ge [sflag:s6], $0x58  }
0xc5: {  	p0 =	sne.s32 s23, $0x4A4;
	[sflag:s6] =	ssyncset.done $0x0  }
0xc6: {  	s23 =	sadd.s32 $0x2C, s23;
	s11 =	simm.s32 $0x14380;
	[sflag:s6] =	ssyncadd.s32 $0xFFFFFFA8  }
0xc7: {  	[spmem:s3] =	stream.indirect.scatter.add.f32 [tilespmem:s20], [sflag:$0x10], $0x80, s11, s1, $0xb8;
	[tilespmem:$0x1F400] =	vst v63  }
0xc8: {  	s14 =	simm.s32 $0x14400;
	s24 =	sadd.s32 $0x160, s24;
	_ =	swait.ge [sflag:s22], $0x2C00  }
0xc9: {  	s29 =	smov.u32 s30;
	s20 =	rddreg [dreg:$0x4];
	[sflag:s22] =	ssyncset.done $0x0  }
.Ltmp0:
0xca: {  	[sflag:s22] =	ssyncadd.s32 $0xFFFFD400;
	s25 =	sadd.s32 s25, s20;
	(pc) =	sbr.rel @p0 .LBB2_2-.Ltmp0, $4  }
0xcb: {  	[tilespmem:s11], [sflag:$0x8] =	stream.linear.gather [hbm4b:s25+s4], $0x58, $0x38;
	[tilespmem:$0x1F400] =	vst v63  }
0xcc: {  	s30 =	simm.s32 $0x14200;
	s12 =	simm.s32 $0x14280;
	_ =	swait.ge [sflag:s19], $0x58  }
0xcd: {  	s16 =	simm.s32 $0x17000;
	s18 =	simm.s32 $0x19C00;
	[sflag:s19] =	ssyncset.done $0x0  }
0xce: {  	s0 =	simm.s32 $0x14180;
	s9 =	simm.s32 $0x14380;
	[sflag:s19] =	ssyncadd.s32 $0xFFFFFFA8  }
0xcf: {  	s8 =	simm.s32 $0x1C800;
	s11 =	simm.s32 $0x9  }
0xd0: {  	[tilespmem:s8], [sflag:$0xC] =	stream.indirect.gather [hbm4b:s5+s1], $0x80, s0, s1, $0xb8;
	[tilespmem:$0x1F400] =	vst v63  }
0xd1: {  	_ =	swait.ge [sflag:s11], $0x2C00  }
0xd2: {  	[sflag:s11] =	ssyncset.done $0x0  }
0xd3: {  	s13 =	simm.s32 $0x5;
	[sflag:s11] =	ssyncadd.s32 $0xFFFFD400  }
0xd4: {  	_ =	swait.ge [sflag:s13], $0x58  }
0xd5: {  	[sflag:s13] =	ssyncset.done $0x0  }
0xd6: {  	[sflag:s13] =	ssyncadd.s32 $0xFFFFFFA8  }
0xd7: {  	[spmem:s3] =	stream.indirect.scatter.add.f32 [tilespmem:s14], [sflag:$0xD], $0x80, s30, s1, $0xb8;
	[tilespmem:$0x1F400] =	vst v63  }
0xd8: {  	s14 =	simm.s32 $0xA  }
0xd9: {  	_ =	swait.ge [sflag:s14], $0x2C00  }
0xda: {  	[sflag:s14] =	ssyncset.done $0x0  }
0xdb: {  	s15 =	simm.s32 $0x6;
	[sflag:s14] =	ssyncadd.s32 $0xFFFFD400  }
0xdc: {  	_ =	swait.ge [sflag:s15], $0x58  }
0xdd: {  	[sflag:s15] =	ssyncset.done $0x0  }
0xde: {  	[sflag:s15] =	ssyncadd.s32 $0xFFFFFFA8  }
0xdf: {  	[spmem:s3] =	stream.indirect.scatter.add.f32 [tilespmem:s16], [sflag:$0xE], $0x80, s12, s1, $0xb8;
	[tilespmem:$0x1F400] =	vst v63  }
0xe0: {  	s16 =	simm.s32 $0xB  }
0xe1: {  	_ =	swait.ge [sflag:s16], $0x2C00  }
0xe2: {  	[sflag:s16] =	ssyncset.done $0x0  }
0xe3: {  	s17 =	simm.s32 $0x7;
	[sflag:s16] =	ssyncadd.s32 $0xFFFFD400  }
0xe4: {  	_ =	swait.ge [sflag:s17], $0x58  }
0xe5: {  	[sflag:s17] =	ssyncset.done $0x0  }
0xe6: {  	[sflag:s17] =	ssyncadd.s32 $0xFFFFFFA8  }
0xe7: {  	[spmem:s3] =	stream.indirect.scatter.add.f32 [tilespmem:s18], [sflag:$0xF], $0x80, s31, s1, $0xb8;
	[tilespmem:$0x1F400] =	vst v63  }
0xe8: {  	_ =	swait.ge [sflag:s2], $0x2C00  }
0xe9: {  	[sflag:s2] =	ssyncset.done $0x0  }
0xea: {  	[sflag:s2] =	ssyncadd.s32 $0xFFFFD400  }
0xeb: {  	_ =	swait.ge [sflag:s6], $0x58  }
0xec: {  	[sflag:s6] =	ssyncset.done $0x0  }
0xed: {  	s18 =	simm.s32 $0xD;
	[sflag:s6] =	ssyncadd.s32 $0xFFFFFFA8  }
0xee: {  	[spmem:s3] =	stream.indirect.scatter.add.f32 [tilespmem:s8], [sflag:$0x10], $0x80, s9, s1, $0xb8;
	[tilespmem:$0x1F400] =	vst v63  }
0xef: {  	_ =	swait.ge [sflag:s18], $0x2C00  }
0xf0: {  	[sflag:s18] =	ssyncset.done $0x0  }
0xf1: {  	s19 =	simm.s32 $0xE;
	[sflag:s18] =	ssyncadd.s32 $0xFFFFD400  }
0xf2: {  	_ =	swait.ge [sflag:s19], $0x2C00  }
0xf3: {  	[sflag:s19] =	ssyncset.done $0x0  }
0xf4: {  	[sflag:s19] =	ssyncadd.s32 $0xFFFFD400  }
0xf5: {  	_ =	swait.ge [sflag:s21], $0x2C00  }
0xf6: {  	[sflag:s21] =	ssyncset.done $0x0  }
0xf7: {  	[sflag:s21] =	ssyncadd.s32 $0xFFFFD400  }
0xf8: {  	_ =	swait.ge [sflag:s22], $0x2C00  }
0xf9: {  	[sflag:s22] =	ssyncset.done $0x0  }
0xfa: {  	[sflag:s22] =	ssyncadd.s32 $0xFFFFD400  }
0xfb: {  	[bflag:$0x0] =	sbarrier.arrive $0xFFFF  }
0xfc: {  	s23 =	rddreg [dreg:$0xa]  }
0xfd: {  	s24 =	rddreg [dreg:$0x16]  }
0xfe: {  	s25 =	simm.s32 $0x11;
	s20 =	rddreg [dreg:$0x1a];
	s23 =	sor.u32 $0x1C11, s23  }
0xff: {  	[hbm:s24], [sflag:s23] =	dma.local [spmem:s20], $0x2800  }
0x100: {  	_ =	swait.ge [sflag:s25], $0x2800  }
0x101: {  	s26 =	rddreg [dreg:$0x19]  }
0x102: {  	s30 =	rddreg [dreg:$0x17];
	s9 =	sadd.s32 $0x1, s26  }
0x103: {  	p0 =	sne.s32 s9, s30  }
.Ltmp1:
0x104: {  	_ = 	snop;
	(pc) =	sbr.rel @p0 .LBB2_1-.Ltmp1, $4  }
0x105: {  	_ = 	snop  }
0x106: {  	s13 =	simm.s32 $0x1  }
0x107: {  	s15 =	simm.s32 $0x2;
	s17 =	simm.s32 $0x3;
	[sflag:s25] =	ssyncset.done $0x0  }
0x108: {  	s8 =	simm.s32 $0x14000;
	s19 =	simm.s32 $0x4;
	[sflag:s25] =	ssyncadd.s32 $0xFFFFD800  }
0x109: {  	_ =	sfence.sel $0x180000  }
0x10a: {  	[bflag:$0x0] =	sbarrier.arrive $0xFFFF  }
0x10b: {  	_ =	strace $0x90000050  }
0x10c: {  	s0 =	stileid.u32;
	[bflag:$0x2] =	sbarrier.arrive $0xFFFF  }
0x10d: {  	p0 =	sne.s32 s0, $0x0;
	s0 =	rddreg [dreg:$0x3]  }
0x10e: {  	s0 =	sadd.s32 @!p0 $0x100000, s0  }
0x10f: {  	[sflag:s0] =	ssyncadd.tile.s32 @!p0 $0x1;
	_ =	shalt  }
.Lfunc_end2:
_tile_overlayer_lowered:
.L_overlay_start_2:
0x110: {  	(tag) =	ssettag $0x2  }
0x111: {  	s0 =	rddreg [dreg:$0x0];
	s2 =	stileid.u32  }
0x112: {  	s1 =	rddreg [dreg:$0x1];
	p0 =	sne.s32 s2, $0x0  }
0x113: {  	s3 =	rddreg [dreg:$0x2];
	[bflag:$0x3] =	sbarrier.arrive $0xFFFF;
	s2 =	simm.s32 @!p0 $0x1C11  }
0x114: {  	[timem:s3], [sflag:s2] =	dma.local @!p0 [hbm:s0], s1  }
0x115: {  	s0 =	simm.s32 @!p0 $0x11  }
0x116: {  	_ =	swait.ge @!p0 [sflag:s0], s1  }
0x117: {  	s1 =	ssub.s32 @!p0 $0x0, s1;
	[sflag:s0] =	ssyncset.done @!p0 $0x0  }
0x118: {  	[sflag:s0] =	ssyncadd.s32 @!p0 s1  }
0x119: {  	[bflag:$0x3] =	sbarrier.arrive $0xFFFF  }
0x11a: {  	_ =	shalt  }

</sc_bundles>
